<compile_context>
chip_gen: v7x
topology: tpu7x:2x2x1
jax: 0.10.2.dev20260603
libtpu: 0.0.44.dev20260713+nightly
codegen_flags: <defaults>
</compile_context>

<pallas_src>
import functools

import jax
import jax.numpy as jnp
from jax import lax
from jax.experimental import pallas as pl
from jax.experimental.pallas import tpu as pltpu
from jax.experimental.pallas import tpu_sc as plsc

_NS = 16
_L = 16
_CHUNK = 128


@functools.lru_cache(maxsize=None)
def _build(n: int, c: int):
  assert n % (_NS * _CHUNK) == 0 and c % 128 == 0, (n, c)
  b_per_w = n // _NS
  nchunk = b_per_w // _CHUNK

  mesh = plsc.VectorSubcoreMesh(
      core_axis_name="c", subcore_axis_name="s", num_cores=1)

  @functools.partial(
      pl.kernel,
      mesh=mesh,
      out_type=(jax.ShapeDtypeStruct((1,), jnp.float32),
                jax.ShapeDtypeStruct((_NS * _L,), jnp.float32)),
      scratch_types=[
          pltpu.VMEM((b_per_w,), jnp.int32),
          pltpu.VMEM((nchunk, _CHUNK), jnp.int32),
          pltpu.VMEM((nchunk, _CHUNK), jnp.float32),
          pltpu.VMEM((_L,), jnp.float32),
          pltpu.VMEM((_NS * _L,), jnp.float32),
          pltpu.SMEM((1,), jnp.int32),
          pltpu.SemaphoreType.DMA((nchunk,)),
      ],
  )
  def ppd(flat_hbm, tgt_hbm, out_hbm, part_hbm, tgt_v, idx_v, val_v, acc_v,
          red_v, cnt_ref, sems):
    sid = lax.axis_index("s")

    @pl.when(sid == 0)
    def _():
      cnt_ref[0] = 0

    base = sid * b_per_w
    pltpu.sync_copy(tgt_hbm.at[pl.ds(base, b_per_w)], tgt_v)
    ctiles = c // 128
    iota = lax.iota(jnp.int32, _L)
    kvec = (iota >> 3) * (ctiles * 1024) + (iota & 7) * 128
    copies = []
    for ch in range(nchunk):
      for i in range(_CHUNK // _L):
        j0 = ch * _CHUNK + i * _L
        t = tgt_v[pl.ds(j0, _L)]
        s = ((base + j0) >> 3) * (ctiles * 1024)
        fi = s + kvec + (t >> 7) * 1024 + (t & 127)
        idx_v[ch, pl.ds(i * _L, _L)] = fi
      copies.append(
          pltpu.async_copy(flat_hbm.at[idx_v.at[ch]], val_v.at[ch], sems.at[ch])
      )
    accs = [jnp.zeros((_L,), jnp.float32)] * (_CHUNK // _L)
    for ch in range(nchunk):
      copies[ch].wait()
      for i in range(_CHUNK // _L):
        v = val_v[ch, pl.ds(i * _L, _L)]
        d = 1.0 - v
        accs[i] = accs[i] + d * d
    while len(accs) > 1:
      accs = [a + b for a, b in zip(accs[::2], accs[1::2])]
    acc_v[...] = accs[0]
    pltpu.sync_copy(acc_v, part_hbm.at[pl.ds(sid * _L, _L)])
    cnt = plsc.fetch_and_add(cnt_ref.at[0], 1, subcore_id=0)

    @pl.when(cnt == _NS - 1)
    def _():
      plsc.fetch_and_add(cnt_ref.at[0], -_NS, subcore_id=0)
      pltpu.sync_copy(part_hbm, red_v)
      tot = red_v[pl.ds(0, _L)]
      for w in range(1, _NS):
        tot = tot + red_v[pl.ds(w * _L, _L)]
      scaled = tot * (1.0 / n)
      s = scaled[0]
      for i in range(1, _L):
        s = s + scaled[i]
      acc_v[...] = jnp.full((_L,), s, jnp.float32)
      pltpu.sync_copy(acc_v.at[pl.ds(0, 1)], out_hbm)

  return ppd


def kernel(contrast_logits, contrast_target):
  n, c = contrast_logits.shape
  flat = (
      contrast_logits.reshape(n // 8, 8, c // 128, 128)
      .transpose(0, 2, 1, 3)
      .reshape(-1)
  )
  tgt = contrast_target.astype(jnp.int32)
  res, _ = _build(n, c)(flat, tgt)
  return res.reshape(())

# --- scband reference (transcript-rebuilt; emitter-appended) ---
"""Pipeline reference for scband-ppd-85590108274874 (READ-ONLY COPY).

The authoritative reference and input builder live on the scoring server;
editing this copy changes nothing except your own understanding.
"""

import jax, jax.numpy as jnp
import numpy as np


def setup_inputs(seed: int = 0) -> dict:
    key = jax.random.key(seed)
    k1, k2 = jax.random.split(key)
    contrast_logits = jax.random.normal(k1, (32768, 2048), dtype=jnp.float32)
    contrast_target = jax.random.randint(k2, (32768,), 0, 2048, dtype=jnp.int64)
    return {"contrast_logits": contrast_logits, "contrast_target": contrast_target}


def reference(contrast_logits, contrast_target):
    C = contrast_logits.shape[-1]
    flat = contrast_logits.reshape(-1, C)
    idx = contrast_target[:, None].astype(jnp.int64)
    logits = jnp.take_along_axis(flat, idx, axis=1)
    loss_ppd = jnp.mean((1.0 - logits) ** 2)
    return loss_ppd

if __name__ == "__main__":
    import jax
    _d = setup_inputs()
    print(jax.jit(kernel)(*tuple(_d.values())))

</pallas_src>

<mosaic_0001>
#map = affine_map<(d0, d1) -> (0)>
module attributes {stable_mosaic.version = 14 : i64} {
  func.func @ppd(%arg0: i32, %arg1: i32, %arg2: memref<67108864xf32, #tpu.memory_space<hbm>>, %arg3: memref<32768xi32, #tpu.memory_space<hbm>>, %arg4: memref<1xf32, #tpu.memory_space<hbm>>, %arg5: memref<256xf32, #tpu.memory_space<hbm>>, %arg6: memref<2048xi32, #tpu.memory_space<vmem>>, %arg7: memref<16x128xi32, #tpu.memory_space<vmem>>, %arg8: memref<16x128xf32, #tpu.memory_space<vmem>>, %arg9: memref<16xf32, #tpu.memory_space<vmem>>, %arg10: memref<256xf32, #tpu.memory_space<vmem>>, %arg11: memref<1xi32, #tpu.memory_space<smem>>, %arg12: memref<16x!tpu.dma_semaphore, #tpu.memory_space<semaphore_mem>>) attributes {dimension_semantics = [#tpu.dimension_semantics<core_parallel>, #tpu.dimension_semantics<subcore_parallel>], iteration_bounds = array<i64: 1, 16>, scalar_prefetch = 0 : i64, scratch_operands = 7 : i64, tpu.core_type = #tpu.core_type<sc_vector_subcore>, window_params = [{transform_indices = #map}, {transform_indices = #map}, {transform_indices = #map}, {transform_indices = #map}]} {
    %eq3A = arith.constant 0 : i32
    %eq3A_0 = arith.cmpi eq, %arg1, %eq3A : i32
    %convert_element_type3A = arith.extui %eq3A_0 : i1 to i32
    %cond3A = arith.constant 0 : i32
    %cond3A_1 = arith.cmpi ne, %convert_element_type3A, %cond3A : i32
    scf.if %cond3A_1 {
      %swap3A_5310 = arith.constant 0 : i32
      %swap3A_5311 = arith.constant 0 : i32
      %swap3A_5312 = arith.index_cast %swap3A_5311 : i32 to index
      %swap3A_5313 = memref.load %arg11[%swap3A_5312] : memref<1xi32, #tpu.memory_space<smem>>
      memref.store %swap3A_5310, %arg11[%swap3A_5312] : memref<1xi32, #tpu.memory_space<smem>>
    } else {
    }
    %mul3A = arith.constant 2048 : i32
    %mul3A_2 = arith.muli %arg1, %mul3A : i32
    "tpu.region"() ({
      %run_scoped3A = tpu.sem_alloc : memref<!tpu.dma_semaphore, #tpu.memory_space<semaphore_mem>>
      %dma_start3A_5310 = tpu.memref_slice %arg3[%mul3A_2] : memref<32768xi32, #tpu.memory_space<hbm>> -> memref<2048xi32, #tpu.memory_space<hbm>>
      %dma_start3A_5311 = tpu.memref_slice %arg3[%mul3A_2] : memref<32768xi32, #tpu.memory_space<hbm>> -> memref<2048xi32, #tpu.memory_space<hbm>>
      tpu.enqueue_dma source(%dma_start3A_5311 : memref<2048xi32, #tpu.memory_space<hbm>>) target(%arg6 : memref<2048xi32, #tpu.memory_space<vmem>>) target_semaphore(%run_scoped3A : memref<!tpu.dma_semaphore, #tpu.memory_space<semaphore_mem>>)
      %dma_wait3A_5312 = tpu.memref_slice %arg3[%mul3A_2] : memref<32768xi32, #tpu.memory_space<hbm>> -> memref<2048xi32, #tpu.memory_space<hbm>>
      %dma_wait3A_5313 = tpu.memref_slice %arg3[%mul3A_2] : memref<32768xi32, #tpu.memory_space<hbm>> -> memref<2048xi32, #tpu.memory_space<hbm>>
      tpu.wait_dma2 semaphore(%run_scoped3A : memref<!tpu.dma_semaphore, #tpu.memory_space<semaphore_mem>>) src(%dma_wait3A_5313 : memref<2048xi32, #tpu.memory_space<hbm>>) dst(%arg6 : memref<2048xi32, #tpu.memory_space<vmem>>)
      tpu.yield
    }) : () -> ()
    %iota3A = tpu.iota {dimensions = array<i32: 0>} : vector<16xi32>
    %shift_right_arithmetic3A = arith.constant 3 : i32
    %shift_right_arithmetic3A_3 = vector.broadcast %shift_right_arithmetic3A : i32 to vector<16xi32>
    %shift_right_arithmetic3A_4 = arith.shrsi %iota3A, %shift_right_arithmetic3A_3 : vector<16xi32>
    %mul3A_5 = arith.constant 16384 : i32
    %mul3A_6 = vector.broadcast %mul3A_5 : i32 to vector<16xi32>
    %mul3A_7 = arith.muli %shift_right_arithmetic3A_4, %mul3A_6 : vector<16xi32>
    %and3A = arith.constant 7 : i32
    %and3A_8 = vector.broadcast %and3A : i32 to vector<16xi32>
    %and3A_9 = arith.andi %iota3A, %and3A_8 : vector<16xi32>
    %mul3A_10 = arith.constant 128 : i32
    %mul3A_11 = vector.broadcast %mul3A_10 : i32 to vector<16xi32>
    %mul3A_12 = arith.muli %and3A_9, %mul3A_11 : vector<16xi32>
    %add3A = arith.addi %mul3A_7, %mul3A_12 : vector<16xi32>
    %get3A = arith.constant 0 : index
    %get3A_13 = tpu.vector_load %arg6[%get3A] {strides = array<i32>} : memref<2048xi32, #tpu.memory_space<vmem>>, vector<16xi32>,
    %get3A_14 = vector.shape_cast %get3A_13 : vector<16xi32> to vector<16xi32>
    %add3A_15 = arith.constant 0 : i32
    %add3A_16 = arith.addi %mul3A_2, %add3A_15 : i32
    %shift_right_arithmetic3A_17 = arith.constant 3 : i32
    %shift_right_arithmetic3A_18 = arith.shrsi %add3A_16, %shift_right_arithmetic3A_17 : i32
    %mul3A_19 = arith.constant 16384 : i32
    %mul3A_20 = arith.muli %shift_right_arithmetic3A_18, %mul3A_19 : i32
    %add3A_21 = vector.broadcast %mul3A_20 : i32 to vector<16xi32>
    %add3A_22 = arith.addi %add3A_21, %add3A : vector<16xi32>
    %shift_right_arithmetic3A_23 = arith.constant 7 : i32
    %shift_right_arithmetic3A_24 = vector.broadcast %shift_right_arithmetic3A_23 : i32 to vector<16xi32>
    %shift_right_arithmetic3A_25 = arith.shrsi %get3A_14, %shift_right_arithmetic3A_24 : vector<16xi32>
    %mul3A_26 = arith.constant 1024 : i32
    %mul3A_27 = vector.broadcast %mul3A_26 : i32 to vector<16xi32>
    %mul3A_28 = arith.muli %shift_right_arithmetic3A_25, %mul3A_27 : vector<16xi32>
    %add3A_29 = arith.addi %add3A_22, %mul3A_28 : vector<16xi32>
    %and3A_30 = arith.constant 127 : i32
    %and3A_31 = vector.broadcast %and3A_30 : i32 to vector<16xi32>
    %and3A_32 = arith.andi %get3A_14, %and3A_31 : vector<16xi32>
    %add3A_33 = arith.addi %add3A_29, %and3A_32 : vector<16xi32>
    %swap3A = arith.constant 0 : i32
    %swap3A_34 = arith.index_cast %swap3A : i32 to index
    %swap3A_35 = arith.constant 0 : index
    %swap3A_36 = tpu.vector_load %arg7[%swap3A_34, %swap3A_35] {strides = array<i32>} : memref<16x128xi32, #tpu.memory_space<vmem>>, vector<1x16xi32>,
    %swap3A_37 = vector.shape_cast %swap3A_36 : vector<1x16xi32> to vector<16xi32>
    %swap3A_38 = vector.shape_cast %add3A_33 : vector<16xi32> to vector<1x16xi32>
    tpu.vector_store %arg7[%swap3A_34, %swap3A_35], %swap3A_38 {strides = array<i32>} : memref<16x128xi32, #tpu.memory_space<vmem>>, vector<1x16xi32>,
    %get3A_39 = arith.constant 16 : index
    %get3A_40 = tpu.vector_load %arg6[%get3A_39] {strides = array<i32>} : memref<2048xi32, #tpu.memory_space<vmem>>, vector<16xi32>,
    %get3A_41 = vector.shape_cast %get3A_40 : vector<16xi32> to vector<16xi32>
    %add3A_42 = arith.constant 16 : i32
    %add3A_43 = arith.addi %mul3A_2, %add3A_42 : i32
    %shift_right_arithmetic3A_44 = arith.constant 3 : i32
    %shift_right_arithmetic3A_45 = arith.shrsi %add3A_43, %shift_right_arithmetic3A_44 : i32
    %mul3A_46 = arith.constant 16384 : i32
    %mul3A_47 = arith.muli %shift_right_arithmetic3A_45, %mul3A_46 : i32
    %add3A_48 = vector.broadcast %mul3A_47 : i32 to vector<16xi32>
    %add3A_49 = arith.addi %add3A_48, %add3A : vector<16xi32>
    %shift_right_arithmetic3A_50 = arith.constant 7 : i32
    %shift_right_arithmetic3A_51 = vector.broadcast %shift_right_arithmetic3A_50 : i32 to vector<16xi32>
    %shift_right_arithmetic3A_52 = arith.shrsi %get3A_41, %shift_right_arithmetic3A_51 : vector<16xi32>
    %mul3A_53 = arith.constant 1024 : i32
    %mul3A_54 = vector.broadcast %mul3A_53 : i32 to vector<16xi32>
    %mul3A_55 = arith.muli %shift_right_arithmetic3A_52, %mul3A_54 : vector<16xi32>
    %add3A_56 = arith.addi %add3A_49, %mul3A_55 : vector<16xi32>
    %and3A_57 = arith.constant 127 : i32
    %and3A_58 = vector.broadcast %and3A_57 : i32 to vector<16xi32>
    %and3A_59 = arith.andi %get3A_41, %and3A_58 : vector<16xi32>
    %add3A_60 = arith.addi %add3A_56, %and3A_59 : vector<16xi32>
    %swap3A_61 = arith.constant 0 : i32
    %swap3A_62 = arith.index_cast %swap3A_61 : i32 to index
    %swap3A_63 = arith.constant 16 : index
    %swap3A_64 = tpu.vector_load %arg7[%swap3A_62, %swap3A_63] {strides = array<i32>} : memref<16x128xi32, #tpu.memory_space<vmem>>, vector<1x16xi32>,
    %swap3A_65 = vector.shape_cast %swap3A_64 : vector<1x16xi32> to vector<16xi32>
    %swap3A_66 = vector.shape_cast %add3A_60 : vector<16xi32> to vector<1x16xi32>
    tpu.vector_store %arg7[%swap3A_62, %swap3A_63], %swap3A_66 {strides = array<i32>} : memref<16x128xi32, #tpu.memory_space<vmem>>, vector<1x16xi32>,
    %get3A_67 = arith.constant 32 : index
    %get3A_68 = tpu.vector_load %arg6[%get3A_67] {strides = array<i32>} : memref<2048xi32, #tpu.memory_space<vmem>>, vector<16xi32>,
    %get3A_69 = vector.shape_cast %get3A_68 : vector<16xi32> to vector<16xi32>
    %add3A_70 = arith.constant 32 : i32
    %add3A_71 = arith.addi %mul3A_2, %add3A_70 : i32
    %shift_right_arithmetic3A_72 = arith.constant 3 : i32
    %shift_right_arithmetic3A_73 = arith.shrsi %add3A_71, %shift_right_arithmetic3A_72 : i32
    %mul3A_74 = arith.constant 16384 : i32
    %mul3A_75 = arith.muli %shift_right_arithmetic3A_73, %mul3A_74 : i32
    %add3A_76 = vector.broadcast %mul3A_75 : i32 to vector<16xi32>
    %add3A_77 = arith.addi %add3A_76, %add3A : vector<16xi32>
    %shift_right_arithmetic3A_78 = arith.constant 7 : i32
    %shift_right_arithmetic3A_79 = vector.broadcast %shift_right_arithmetic3A_78 : i32 to vector<16xi32>
    %shift_right_arithmetic3A_80 = arith.shrsi %get3A_69, %shift_right_arithmetic3A_79 : vector<16xi32>
    %mul3A_81 = arith.constant 1024 : i32
    %mul3A_82 = vector.broadcast %mul3A_81 : i32 to vector<16xi32>
    %mul3A_83 = arith.muli %shift_right_arithmetic3A_80, %mul3A_82 : vector<16xi32>
    %add3A_84 = arith.addi %add3A_77, %mul3A_83 : vector<16xi32>
    %and3A_85 = arith.constant 127 : i32
    %and3A_86 = vector.broadcast %and3A_85 : i32 to vector<16xi32>
    %and3A_87 = arith.andi %get3A_69, %and3A_86 : vector<16xi32>
    %add3A_88 = arith.addi %add3A_84, %and3A_87 : vector<16xi32>
    %swap3A_89 = arith.constant 0 : i32
    %swap3A_90 = arith.index_cast %swap3A_89 : i32 to index
    %swap3A_91 = arith.constant 32 : index
    %swap3A_92 = tpu.vector_load %arg7[%swap3A_90, %swap3A_91] {strides = array<i32>} : memref<16x128xi32, #tpu.memory_space<vmem>>, vector<1x16xi32>,
    %swap3A_93 = vector.shape_cast %swap3A_92 : vector<1x16xi32> to vector<16xi32>
    %swap3A_94 = vector.shape_cast %add3A_88 : vector<16xi32> to vector<1x16xi32>
    tpu.vector_store %arg7[%swap3A_90, %swap3A_91], %swap3A_94 {strides = array<i32>} : memref<16x128xi32, #tpu.memory_space<vmem>>, vector<1x16xi32>,
    %get3A_95 = arith.constant 48 : index
    %get3A_96 = tpu.vector_load %arg6[%get3A_95] {strides = array<i32>} : memref<2048xi32, #tpu.memory_space<vmem>>, vector<16xi32>,
    %get3A_97 = vector.shape_cast %get3A_96 : vector<16xi32> to vector<16xi32>
    %add3A_98 = arith.constant 48 : i32
    %add3A_99 = arith.addi %mul3A_2, %add3A_98 : i32
    %shift_right_arithmetic3A_100 = arith.constant 3 : i32
    %shift_right_arithmetic3A_101 = arith.shrsi %add3A_99, %shift_right_arithmetic3A_100 : i32
    %mul3A_102 = arith.constant 16384 : i32
    %mul3A_103 = arith.muli %shift_right_arithmetic3A_101, %mul3A_102 : i32
    %add3A_104 = vector.broadcast %mul3A_103 : i32 to vector<16xi32>
    %add3A_105 = arith.addi %add3A_104, %add3A : vector<16xi32>
    %shift_right_arithmetic3A_106 = arith.constant 7 : i32
    %shift_right_arithmetic3A_107 = vector.broadcast %shift_right_arithmetic3A_106 : i32 to vector<16xi32>
    %shift_right_arithmetic3A_108 = arith.shrsi %get3A_97, %shift_right_arithmetic3A_107 : vector<16xi32>
    %mul3A_109 = arith.constant 1024 : i32
    %mul3A_110 = vector.broadcast %mul3A_109 : i32 to vector<16xi32>
    %mul3A_111 = arith.muli %shift_right_arithmetic3A_108, %mul3A_110 : vector<16xi32>
    %add3A_112 = arith.addi %add3A_105, %mul3A_111 : vector<16xi32>
    %and3A_113 = arith.constant 127 : i32
    %and3A_114 = vector.broadcast %and3A_113 : i32 to vector<16xi32>
    %and3A_115 = arith.andi %get3A_97, %and3A_114 : vector<16xi32>
    %add3A_116 = arith.addi %add3A_112, %and3A_115 : vector<16xi32>
    %swap3A_117 = arith.constant 0 : i32
    %swap3A_118 = arith.index_cast %swap3A_117 : i32 to index
    %swap3A_119 = arith.constant 48 : index
    %swap3A_120 = tpu.vector_load %arg7[%swap3A_118, %swap3A_119] {strides = array<i32>} : memref<16x128xi32, #tpu.memory_space<vmem>>, vector<1x16xi32>,
    %swap3A_121 = vector.shape_cast %swap3A_120 : vector<1x16xi32> to vector<16xi32>
    %swap3A_122 = vector.shape_cast %add3A_116 : vector<16xi32> to vector<1x16xi32>
    tpu.vector_store %arg7[%swap3A_118, %swap3A_119], %swap3A_122 {strides = array<i32>} : memref<16x128xi32, #tpu.memory_space<vmem>>, vector<1x16xi32>,
    %get3A_123 = arith.constant 64 : index
    %get3A_124 = tpu.vector_load %arg6[%get3A_123] {strides = array<i32>} : memref<2048xi32, #tpu.memory_space<vmem>>, vector<16xi32>,
    %get3A_125 = vector.shape_cast %get3A_124 : vector<16xi32> to vector<16xi32>
    %add3A_126 = arith.constant 64 : i32
    %add3A_127 = arith.addi %mul3A_2, %add3A_126 : i32
    %shift_right_arithmetic3A_128 = arith.constant 3 : i32
    %shift_right_arithmetic3A_129 = arith.shrsi %add3A_127, %shift_right_arithmetic3A_128 : i32
    %mul3A_130 = arith.constant 16384 : i32
    %mul3A_131 = arith.muli %shift_right_arithmetic3A_129, %mul3A_130 : i32
    %add3A_132 = vector.broadcast %mul3A_131 : i32 to vector<16xi32>
    %add3A_133 = arith.addi %add3A_132, %add3A : vector<16xi32>
    %shift_right_arithmetic3A_134 = arith.constant 7 : i32
    %shift_right_arithmetic3A_135 = vector.broadcast %shift_right_arithmetic3A_134 : i32 to vector<16xi32>
    %shift_right_arithmetic3A_136 = arith.shrsi %get3A_125, %shift_right_arithmetic3A_135 : vector<16xi32>
    %mul3A_137 = arith.constant 1024 : i32
    %mul3A_138 = vector.broadcast %mul3A_137 : i32 to vector<16xi32>
    %mul3A_139 = arith.muli %shift_right_arithmetic3A_136, %mul3A_138 : vector<16xi32>
    %add3A_140 = arith.addi %add3A_133, %mul3A_139 : vector<16xi32>
    %and3A_141 = arith.constant 127 : i32
    %and3A_142 = vector.broadcast %and3A_141 : i32 to vector<16xi32>
    %and3A_143 = arith.andi %get3A_125, %and3A_142 : vector<16xi32>
    %add3A_144 = arith.addi %add3A_140, %and3A_143 : vector<16xi32>
    %swap3A_145 = arith.constant 0 : i32
    %swap3A_146 = arith.index_cast %swap3A_145 : i32 to index
    %swap3A_147 = arith.constant 64 : index
    %swap3A_148 = tpu.vector_load %arg7[%swap3A_146, %swap3A_147] {strides = array<i32>} : memref<16x128xi32, #tpu.memory_space<vmem>>, vector<1x16xi32>,
    %swap3A_149 = vector.shape_cast %swap3A_148 : vector<1x16xi32> to vector<16xi32>
    %swap3A_150 = vector.shape_cast %add3A_144 : vector<16xi32> to vector<1x16xi32>
    tpu.vector_store %arg7[%swap3A_146, %swap3A_147], %swap3A_150 {strides = array<i32>} : memref<16x128xi32, #tpu.memory_space<vmem>>, vector<1x16xi32>,
    %get3A_151 = arith.constant 80 : index
    %get3A_152 = tpu.vector_load %arg6[%get3A_151] {strides = array<i32>} : memref<2048xi32, #tpu.memory_space<vmem>>, vector<16xi32>,
    %get3A_153 = vector.shape_cast %get3A_152 : vector<16xi32> to vector<16xi32>
    %add3A_154 = arith.constant 80 : i32
    %add3A_155 = arith.addi %mul3A_2, %add3A_154 : i32
    %shift_right_arithmetic3A_156 = arith.constant 3 : i32
    %shift_right_arithmetic3A_157 = arith.shrsi %add3A_155, %shift_right_arithmetic3A_156 : i32
    %mul3A_158 = arith.constant 16384 : i32
    %mul3A_159 = arith.muli %shift_right_arithmetic3A_157, %mul3A_158 : i32
    %add3A_160 = vector.broadcast %mul3A_159 : i32 to vector<16xi32>
    %add3A_161 = arith.addi %add3A_160, %add3A : vector<16xi32>
    %shift_right_arithmetic3A_162 = arith.constant 7 : i32
    %shift_right_arithmetic3A_163 = vector.broadcast %shift_right_arithmetic3A_162 : i32 to vector<16xi32>
    %shift_right_arithmetic3A_164 = arith.shrsi %get3A_153, %shift_right_arithmetic3A_163 : vector<16xi32>
    %mul3A_165 = arith.constant 1024 : i32
    %mul3A_166 = vector.broadcast %mul3A_165 : i32 to vector<16xi32>
    %mul3A_167 = arith.muli %shift_right_arithmetic3A_164, %mul3A_166 : vector<16xi32>
    %add3A_168 = arith.addi %add3A_161, %mul3A_167 : vector<16xi32>
    %and3A_169 = arith.constant 127 : i32
    %and3A_170 = vector.broadcast %and3A_169 : i32 to vector<16xi32>
    %and3A_171 = arith.andi %get3A_153, %and3A_170 : vector<16xi32>
    %add3A_172 = arith.addi %add3A_168, %and3A_171 : vector<16xi32>
    %swap3A_173 = arith.constant 0 : i32
    %swap3A_174 = arith.index_cast %swap3A_173 : i32 to index
    %swap3A_175 = arith.constant 80 : index
    %swap3A_176 = tpu.vector_load %arg7[%swap3A_174, %swap3A_175] {strides = array<i32>} : memref<16x128xi32, #tpu.memory_space<vmem>>, vector<1x16xi32>,
    %swap3A_177 = vector.shape_cast %swap3A_176 : vector<1x16xi32> to vector<16xi32>
    %swap3A_178 = vector.shape_cast %add3A_172 : vector<16xi32> to vector<1x16xi32>
    tpu.vector_store %arg7[%swap3A_174, %swap3A_175], %swap3A_178 {strides = array<i32>} : memref<16x128xi32, #tpu.memory_space<vmem>>, vector<1x16xi32>,
    %get3A_179 = arith.constant 96 : index
    %get3A_180 = tpu.vector_load %arg6[%get3A_179] {strides = array<i32>} : memref<2048xi32, #tpu.memory_space<vmem>>, vector<16xi32>,
    %get3A_181 = vector.shape_cast %get3A_180 : vector<16xi32> to vector<16xi32>
    %add3A_182 = arith.constant 96 : i32
    %add3A_183 = arith.addi %mul3A_2, %add3A_182 : i32
    %shift_right_arithmetic3A_184 = arith.constant 3 : i32
    %shift_right_arithmetic3A_185 = arith.shrsi %add3A_183, %shift_right_arithmetic3A_184 : i32
    %mul3A_186 = arith.constant 16384 : i32
    %mul3A_187 = arith.muli %shift_right_arithmetic3A_185, %mul3A_186 : i32
    %add3A_188 = vector.broadcast %mul3A_187 : i32 to vector<16xi32>
    %add3A_189 = arith.addi %add3A_188, %add3A : vector<16xi32>
    %shift_right_arithmetic3A_190 = arith.constant 7 : i32
    %shift_right_arithmetic3A_191 = vector.broadcast %shift_right_arithmetic3A_190 : i32 to vector<16xi32>
    %shift_right_arithmetic3A_192 = arith.shrsi %get3A_181, %shift_right_arithmetic3A_191 : vector<16xi32>
    %mul3A_193 = arith.constant 1024 : i32
    %mul3A_194 = vector.broadcast %mul3A_193 : i32 to vector<16xi32>
    %mul3A_195 = arith.muli %shift_right_arithmetic3A_192, %mul3A_194 : vector<16xi32>
    %add3A_196 = arith.addi %add3A_189, %mul3A_195 : vector<16xi32>
    %and3A_197 = arith.constant 127 : i32
    %and3A_198 = vector.broadcast %and3A_197 : i32 to vector<16xi32>
    %and3A_199 = arith.andi %get3A_181, %and3A_198 : vector<16xi32>
    %add3A_200 = arith.addi %add3A_196, %and3A_199 : vector<16xi32>
    %swap3A_201 = arith.constant 0 : i32
    %swap3A_202 = arith.index_cast %swap3A_201 : i32 to index
    %swap3A_203 = arith.constant 96 : index
    %swap3A_204 = tpu.vector_load %arg7[%swap3A_202, %swap3A_203] {strides = array<i32>} : memref<16x128xi32, #tpu.memory_space<vmem>>, vector<1x16xi32>,
    %swap3A_205 = vector.shape_cast %swap3A_204 : vector<1x16xi32> to vector<16xi32>
    %swap3A_206 = vector.shape_cast %add3A_200 : vector<16xi32> to vector<1x16xi32>
    tpu.vector_store %arg7[%swap3A_202, %swap3A_203], %swap3A_206 {strides = array<i32>} : memref<16x128xi32, #tpu.memory_space<vmem>>, vector<1x16xi32>,
    %get3A_207 = arith.constant 112 : index
    %get3A_208 = tpu.vector_load %arg6[%get3A_207] {strides = array<i32>} : memref<2048xi32, #tpu.memory_space<vmem>>, vector<16xi32>,
    %get3A_209 = vector.shape_cast %get3A_208 : vector<16xi32> to vector<16xi32>
    %add3A_210 = arith.constant 112 : i32
    %add3A_211 = arith.addi %mul3A_2, %add3A_210 : i32
    %shift_right_arithmetic3A_212 = arith.constant 3 : i32
    %shift_right_arithmetic3A_213 = arith.shrsi %add3A_211, %shift_right_arithmetic3A_212 : i32
    %mul3A_214 = arith.constant 16384 : i32
    %mul3A_215 = arith.muli %shift_right_arithmetic3A_213, %mul3A_214 : i32
    %add3A_216 = vector.broadcast %mul3A_215 : i32 to vector<16xi32>
    %add3A_217 = arith.addi %add3A_216, %add3A : vector<16xi32>
    %shift_right_arithmetic3A_218 = arith.constant 7 : i32
    %shift_right_arithmetic3A_219 = vector.broadcast %shift_right_arithmetic3A_218 : i32 to vector<16xi32>
    %shift_right_arithmetic3A_220 = arith.shrsi %get3A_209, %shift_right_arithmetic3A_219 : vector<16xi32>
    %mul3A_221 = arith.constant 1024 : i32
    %mul3A_222 = vector.broadcast %mul3A_221 : i32 to vector<16xi32>
    %mul3A_223 = arith.muli %shift_right_arithmetic3A_220, %mul3A_222 : vector<16xi32>
    %add3A_224 = arith.addi %add3A_217, %mul3A_223 : vector<16xi32>
    %and3A_225 = arith.constant 127 : i32
    %and3A_226 = vector.broadcast %and3A_225 : i32 to vector<16xi32>
    %and3A_227 = arith.andi %get3A_209, %and3A_226 : vector<16xi32>
    %add3A_228 = arith.addi %add3A_224, %and3A_227 : vector<16xi32>
    %swap3A_229 = arith.constant 0 : i32
    %swap3A_230 = arith.index_cast %swap3A_229 : i32 to index
    %swap3A_231 = arith.constant 112 : index
    %swap3A_232 = tpu.vector_load %arg7[%swap3A_230, %swap3A_231] {strides = array<i32>} : memref<16x128xi32, #tpu.memory_space<vmem>>, vector<1x16xi32>,
    %swap3A_233 = vector.shape_cast %swap3A_232 : vector<1x16xi32> to vector<16xi32>
    %swap3A_234 = vector.shape_cast %add3A_228 : vector<16xi32> to vector<1x16xi32>
    tpu.vector_store %arg7[%swap3A_230, %swap3A_231], %swap3A_234 {strides = array<i32>} : memref<16x128xi32, #tpu.memory_space<vmem>>, vector<1x16xi32>,
    %dma_start3A = arith.constant 0 : i32
    %dma_start3A_235 = arith.constant 0 : i32
    %dma_start3A_236 = arith.constant 0 : i32
    %dma_start3A_237 = arith.constant 0 : i32
    %dma_start3A_238 = tpu.memref_slice %arg8[%dma_start3A_235, %dma_start3A_237] : memref<16x128xf32, #tpu.memory_space<vmem>> -> memref<1x128xf32, #tpu.memory_space<vmem>>
    %dma_start3A_239 = tpu.memref_squeeze %dma_start3A_238 : memref<1x128xf32, #tpu.memory_space<vmem>> -> memref<128xf32, #tpu.memory_space<vmem>>
    %dma_start3A_240 = arith.constant 0 : i32
    %dma_start3A_241 = tpu.memref_slice %arg7[%dma_start3A, %dma_start3A_240] : memref<16x128xi32, #tpu.memory_space<vmem>> -> memref<1x128xi32, #tpu.memory_space<vmem>>
    %dma_start3A_242 = tpu.memref_squeeze %dma_start3A_241 : memref<1x128xi32, #tpu.memory_space<vmem>> -> memref<128xi32, #tpu.memory_space<vmem>>
    %dma_start3A_243 = arith.constant 0 : i32
    %dma_start3A_244 = tpu.memref_slice %arg2[%dma_start3A_243] : memref<67108864xf32, #tpu.memory_space<hbm>> -> memref<67108864xf32, #tpu.memory_space<hbm>>
    %dma_start3A_245 = tpu.memref_slice %arg12[%dma_start3A_236] : memref<16x!tpu.dma_semaphore, #tpu.memory_space<semaphore_mem>> -> memref<1x!tpu.dma_semaphore, #tpu.memory_space<semaphore_mem>>
    %dma_start3A_246 = tpu.memref_squeeze %dma_start3A_245 : memref<1x!tpu.dma_semaphore, #tpu.memory_space<semaphore_mem>> -> memref<!tpu.dma_semaphore, #tpu.memory_space<semaphore_mem>>
    tpu.enqueue_indirect_dma source(%dma_start3A_244 : memref<67108864xf32, #tpu.memory_space<hbm>>) target(%dma_start3A_239 : memref<128xf32, #tpu.memory_space<vmem>>) offsets(%dma_start3A_242 : memref<128xi32, #tpu.memory_space<vmem>>) semaphore(%dma_start3A_246 : memref<!tpu.dma_semaphore, #tpu.memory_space<semaphore_mem>>)
    %get3A_247 = arith.constant 128 : index
    %get3A_248 = tpu.vector_load %arg6[%get3A_247] {strides = array<i32>} : memref<2048xi32, #tpu.memory_space<vmem>>, vector<16xi32>,
    %get3A_249 = vector.shape_cast %get3A_248 : vector<16xi32> to vector<16xi32>
    %add3A_250 = arith.constant 128 : i32
    %add3A_251 = arith.addi %mul3A_2, %add3A_250 : i32
    %shift_right_arithmetic3A_252 = arith.constant 3 : i32
    %shift_right_arithmetic3A_253 = arith.shrsi %add3A_251, %shift_right_arithmetic3A_252 : i32
    %mul3A_254 = arith.constant 16384 : i32
    %mul3A_255 = arith.muli %shift_right_arithmetic3A_253, %mul3A_254 : i32
    %add3A_256 = vector.broadcast %mul3A_255 : i32 to vector<16xi32>
    %add3A_257 = arith.addi %add3A_256, %add3A : vector<16xi32>
    %shift_right_arithmetic3A_258 = arith.constant 7 : i32
    %shift_right_arithmetic3A_259 = vector.broadcast %shift_right_arithmetic3A_258 : i32 to vector<16xi32>
    %shift_right_arithmetic3A_260 = arith.shrsi %get3A_249, %shift_right_arithmetic3A_259 : vector<16xi32>
    %mul3A_261 = arith.constant 1024 : i32
    %mul3A_262 = vector.broadcast %mul3A_261 : i32 to vector<16xi32>
    %mul3A_263 = arith.muli %shift_right_arithmetic3A_260, %mul3A_262 : vector<16xi32>
    %add3A_264 = arith.addi %add3A_257, %mul3A_263 : vector<16xi32>
    %and3A_265 = arith.constant 127 : i32
    %and3A_266 = vector.broadcast %and3A_265 : i32 to vector<16xi32>
    %and3A_267 = arith.andi %get3A_249, %and3A_266 : vector<16xi32>
    %add3A_268 = arith.addi %add3A_264, %and3A_267 : vector<16xi32>
    %swap3A_269 = arith.constant 1 : i32
    %swap3A_270 = arith.index_cast %swap3A_269 : i32 to index
    %swap3A_271 = arith.constant 0 : index
    %swap3A_272 = tpu.vector_load %arg7[%swap3A_270, %swap3A_271] {strides = array<i32>} : memref<16x128xi32, #tpu.memory_space<vmem>>, vector<1x16xi32>,
    %swap3A_273 = vector.shape_cast %swap3A_272 : vector<1x16xi32> to vector<16xi32>
    %swap3A_274 = vector.shape_cast %add3A_268 : vector<16xi32> to vector<1x16xi32>
    tpu.vector_store %arg7[%swap3A_270, %swap3A_271], %swap3A_274 {strides = array<i32>} : memref<16x128xi32, #tpu.memory_space<vmem>>, vector<1x16xi32>,
    %get3A_275 = arith.constant 144 : index
    %get3A_276 = tpu.vector_load %arg6[%get3A_275] {strides = array<i32>} : memref<2048xi32, #tpu.memory_space<vmem>>, vector<16xi32>,
    %get3A_277 = vector.shape_cast %get3A_276 : vector<16xi32> to vector<16xi32>
    %add3A_278 = arith.constant 144 : i32
    %add3A_279 = arith.addi %mul3A_2, %add3A_278 : i32
    %shift_right_arithmetic3A_280 = arith.constant 3 : i32
    %shift_right_arithmetic3A_281 = arith.shrsi %add3A_279, %shift_right_arithmetic3A_280 : i32
    %mul3A_282 = arith.constant 16384 : i32
    %mul3A_283 = arith.muli %shift_right_arithmetic3A_281, %mul3A_282 : i32
    %add3A_284 = vector.broadcast %mul3A_283 : i32 to vector<16xi32>
    %add3A_285 = arith.addi %add3A_284, %add3A : vector<16xi32>
    %shift_right_arithmetic3A_286 = arith.constant 7 : i32
    %shift_right_arithmetic3A_287 = vector.broadcast %shift_right_arithmetic3A_286 : i32 to vector<16xi32>
    %shift_right_arithmetic3A_288 = arith.shrsi %get3A_277, %shift_right_arithmetic3A_287 : vector<16xi32>
    %mul3A_289 = arith.constant 1024 : i32
    %mul3A_290 = vector.broadcast %mul3A_289 : i32 to vector<16xi32>
    %mul3A_291 = arith.muli %shift_right_arithmetic3A_288, %mul3A_290 : vector<16xi32>
    %add3A_292 = arith.addi %add3A_285, %mul3A_291 : vector<16xi32>
    %and3A_293 = arith.constant 127 : i32
    %and3A_294 = vector.broadcast %and3A_293 : i32 to vector<16xi32>
    %and3A_295 = arith.andi %get3A_277, %and3A_294 : vector<16xi32>
    %add3A_296 = arith.addi %add3A_292, %and3A_295 : vector<16xi32>
    %swap3A_297 = arith.constant 1 : i32
    %swap3A_298 = arith.index_cast %swap3A_297 : i32 to index
    %swap3A_299 = arith.constant 16 : index
    %swap3A_300 = tpu.vector_load %arg7[%swap3A_298, %swap3A_299] {strides = array<i32>} : memref<16x128xi32, #tpu.memory_space<vmem>>, vector<1x16xi32>,
    %swap3A_301 = vector.shape_cast %swap3A_300 : vector<1x16xi32> to vector<16xi32>
    %swap3A_302 = vector.shape_cast %add3A_296 : vector<16xi32> to vector<1x16xi32>
    tpu.vector_store %arg7[%swap3A_298, %swap3A_299], %swap3A_302 {strides = array<i32>} : memref<16x128xi32, #tpu.memory_space<vmem>>, vector<1x16xi32>,
    %get3A_303 = arith.constant 160 : index
    %get3A_304 = tpu.vector_load %arg6[%get3A_303] {strides = array<i32>} : memref<2048xi32, #tpu.memory_space<vmem>>, vector<16xi32>,
    %get3A_305 = vector.shape_cast %get3A_304 : vector<16xi32> to vector<16xi32>
    %add3A_306 = arith.constant 160 : i32
    %add3A_307 = arith.addi %mul3A_2, %add3A_306 : i32
    %shift_right_arithmetic3A_308 = arith.constant 3 : i32
    %shift_right_arithmetic3A_309 = arith.shrsi %add3A_307, %shift_right_arithmetic3A_308 : i32
    %mul3A_310 = arith.constant 16384 : i32
    %mul3A_311 = arith.muli %shift_right_arithmetic3A_309, %mul3A_310 : i32
    %add3A_312 = vector.broadcast %mul3A_311 : i32 to vector<16xi32>
    %add3A_313 = arith.addi %add3A_312, %add3A : vector<16xi32>
    %shift_right_arithmetic3A_314 = arith.constant 7 : i32
    %shift_right_arithmetic3A_315 = vector.broadcast %shift_right_arithmetic3A_314 : i32 to vector<16xi32>
    %shift_right_arithmetic3A_316 = arith.shrsi %get3A_305, %shift_right_arithmetic3A_315 : vector<16xi32>
    %mul3A_317 = arith.constant 1024 : i32
    %mul3A_318 = vector.broadcast %mul3A_317 : i32 to vector<16xi32>
    %mul3A_319 = arith.muli %shift_right_arithmetic3A_316, %mul3A_318 : vector<16xi32>
    %add3A_320 = arith.addi %add3A_313, %mul3A_319 : vector<16xi32>
    %and3A_321 = arith.constant 127 : i32
    %and3A_322 = vector.broadcast %and3A_321 : i32 to vector<16xi32>
    %and3A_323 = arith.andi %get3A_305, %and3A_322 : vector<16xi32>
    %add3A_324 = arith.addi %add3A_320, %and3A_323 : vector<16xi32>
    %swap3A_325 = arith.constant 1 : i32
    %swap3A_326 = arith.index_cast %swap3A_325 : i32 to index
    %swap3A_327 = arith.constant 32 : index
    %swap3A_328 = tpu.vector_load %arg7[%swap3A_326, %swap3A_327] {strides = array<i32>} : memref<16x128xi32, #tpu.memory_space<vmem>>, vector<1x16xi32>,
    %swap3A_329 = vector.shape_cast %swap3A_328 : vector<1x16xi32> to vector<16xi32>
    %swap3A_330 = vector.shape_cast %add3A_324 : vector<16xi32> to vector<1x16xi32>
    tpu.vector_store %arg7[%swap3A_326, %swap3A_327], %swap3A_330 {strides = array<i32>} : memref<16x128xi32, #tpu.memory_space<vmem>>, vector<1x16xi32>,
    %get3A_331 = arith.constant 176 : index
    %get3A_332 = tpu.vector_load %arg6[%get3A_331] {strides = array<i32>} : memref<2048xi32, #tpu.memory_space<vmem>>, vector<16xi32>,
    %get3A_333 = vector.shape_cast %get3A_332 : vector<16xi32> to vector<16xi32>
    %add3A_334 = arith.constant 176 : i32
    %add3A_335 = arith.addi %mul3A_2, %add3A_334 : i32
    %shift_right_arithmetic3A_336 = arith.constant 3 : i32
    %shift_right_arithmetic3A_337 = arith.shrsi %add3A_335, %shift_right_arithmetic3A_336 : i32
    %mul3A_338 = arith.constant 16384 : i32
    %mul3A_339 = arith.muli %shift_right_arithmetic3A_337, %mul3A_338 : i32
    %add3A_340 = vector.broadcast %mul3A_339 : i32 to vector<16xi32>
    %add3A_341 = arith.addi %add3A_340, %add3A : vector<16xi32>
    %shift_right_arithmetic3A_342 = arith.constant 7 : i32
    %shift_right_arithmetic3A_343 = vector.broadcast %shift_right_arithmetic3A_342 : i32 to vector<16xi32>
    %shift_right_arithmetic3A_344 = arith.shrsi %get3A_333, %shift_right_arithmetic3A_343 : vector<16xi32>
    %mul3A_345 = arith.constant 1024 : i32
    %mul3A_346 = vector.broadcast %mul3A_345 : i32 to vector<16xi32>
    %mul3A_347 = arith.muli %shift_right_arithmetic3A_344, %mul3A_346 : vector<16xi32>
    %add3A_348 = arith.addi %add3A_341, %mul3A_347 : vector<16xi32>
    %and3A_349 = arith.constant 127 : i32
    %and3A_350 = vector.broadcast %and3A_349 : i32 to vector<16xi32>
    %and3A_351 = arith.andi %get3A_333, %and3A_350 : vector<16xi32>
    %add3A_352 = arith.addi %add3A_348, %and3A_351 : vector<16xi32>
    %swap3A_353 = arith.constant 1 : i32
    %swap3A_354 = arith.index_cast %swap3A_353 : i32 to index
    %swap3A_355 = arith.constant 48 : index
    %swap3A_356 = tpu.vector_load %arg7[%swap3A_354, %swap3A_355] {strides = array<i32>} : memref<16x128xi32, #tpu.memory_space<vmem>>, vector<1x16xi32>,
    %swap3A_357 = vector.shape_cast %swap3A_356 : vector<1x16xi32> to vector<16xi32>
    %swap3A_358 = vector.shape_cast %add3A_352 : vector<16xi32> to vector<1x16xi32>
    tpu.vector_store %arg7[%swap3A_354, %swap3A_355], %swap3A_358 {strides = array<i32>} : memref<16x128xi32, #tpu.memory_space<vmem>>, vector<1x16xi32>,
    %get3A_359 = arith.constant 192 : index
    %get3A_360 = tpu.vector_load %arg6[%get3A_359] {strides = array<i32>} : memref<2048xi32, #tpu.memory_space<vmem>>, vector<16xi32>,
    %get3A_361 = vector.shape_cast %get3A_360 : vector<16xi32> to vector<16xi32>
    %add3A_362 = arith.constant 192 : i32
    %add3A_363 = arith.addi %mul3A_2, %add3A_362 : i32
    %shift_right_arithmetic3A_364 = arith.constant 3 : i32
    %shift_right_arithmetic3A_365 = arith.shrsi %add3A_363, %shift_right_arithmetic3A_364 : i32
    %mul3A_366 = arith.constant 16384 : i32
    %mul3A_367 = arith.muli %shift_right_arithmetic3A_365, %mul3A_366 : i32
    %add3A_368 = vector.broadcast %mul3A_367 : i32 to vector<16xi32>
    %add3A_369 = arith.addi %add3A_368, %add3A : vector<16xi32>
    %shift_right_arithmetic3A_370 = arith.constant 7 : i32
    %shift_right_arithmetic3A_371 = vector.broadcast %shift_right_arithmetic3A_370 : i32 to vector<16xi32>
    %shift_right_arithmetic3A_372 = arith.shrsi %get3A_361, %shift_right_arithmetic3A_371 : vector<16xi32>
    %mul3A_373 = arith.constant 1024 : i32
    %mul3A_374 = vector.broadcast %mul3A_373 : i32 to vector<16xi32>
    %mul3A_375 = arith.muli %shift_right_arithmetic3A_372, %mul3A_374 : vector<16xi32>
    %add3A_376 = arith.addi %add3A_369, %mul3A_375 : vector<16xi32>
    %and3A_377 = arith.constant 127 : i32
    %and3A_378 = vector.broadcast %and3A_377 : i32 to vector<16xi32>
    %and3A_379 = arith.andi %get3A_361, %and3A_378 : vector<16xi32>
    %add3A_380 = arith.addi %add3A_376, %and3A_379 : vector<16xi32>
    %swap3A_381 = arith.constant 1 : i32
    %swap3A_382 = arith.index_cast %swap3A_381 : i32 to index
    %swap3A_383 = arith.constant 64 : index
    %swap3A_384 = tpu.vector_load %arg7[%swap3A_382, %swap3A_383] {strides = array<i32>} : memref<16x128xi32, #tpu.memory_space<vmem>>, vector<1x16xi32>,
    %swap3A_385 = vector.shape_cast %swap3A_384 : vector<1x16xi32> to vector<16xi32>
    %swap3A_386 = vector.shape_cast %add3A_380 : vector<16xi32> to vector<1x16xi32>
    tpu.vector_store %arg7[%swap3A_382, %swap3A_383], %swap3A_386 {strides = array<i32>} : memref<16x128xi32, #tpu.memory_space<vmem>>, vector<1x16xi32>,
    %get3A_387 = arith.constant 208 : index
    %get3A_388 = tpu.vector_load %arg6[%get3A_387] {strides = array<i32>} : memref<2048xi32, #tpu.memory_space<vmem>>, vector<16xi32>,
    %get3A_389 = vector.shape_cast %get3A_388 : vector<16xi32> to vector<16xi32>
    %add3A_390 = arith.constant 208 : i32
    %add3A_391 = arith.addi %mul3A_2, %add3A_390 : i32
    %shift_right_arithmetic3A_392 = arith.constant 3 : i32
    %shift_right_arithmetic3A_393 = arith.shrsi %add3A_391, %shift_right_arithmetic3A_392 : i32
    %mul3A_394 = arith.constant 16384 : i32
    %mul3A_395 = arith.muli %shift_right_arithmetic3A_393, %mul3A_394 : i32
    %add3A_396 = vector.broadcast %mul3A_395 : i32 to vector<16xi32>
    %add3A_397 = arith.addi %add3A_396, %add3A : vector<16xi32>
    %shift_right_arithmetic3A_398 = arith.constant 7 : i32
    %shift_right_arithmetic3A_399 = vector.broadcast %shift_right_arithmetic3A_398 : i32 to vector<16xi32>
    %shift_right_arithmetic3A_400 = arith.shrsi %get3A_389, %shift_right_arithmetic3A_399 : vector<16xi32>
    %mul3A_401 = arith.constant 1024 : i32
    %mul3A_402 = vector.broadcast %mul3A_401 : i32 to vector<16xi32>
    %mul3A_403 = arith.muli %shift_right_arithmetic3A_400, %mul3A_402 : vector<16xi32>
    %add3A_404 = arith.addi %add3A_397, %mul3A_403 : vector<16xi32>
    %and3A_405 = arith.constant 127 : i32
    %and3A_406 = vector.broadcast %and3A_405 : i32 to vector<16xi32>
    %and3A_407 = arith.andi %get3A_389, %and3A_406 : vector<16xi32>
    %add3A_408 = arith.addi %add3A_404, %and3A_407 : vector<16xi32>
    %swap3A_409 = arith.constant 1 : i32
    %swap3A_410 = arith.index_cast %swap3A_409 : i32 to index
    %swap3A_411 = arith.constant 80 : index
    %swap3A_412 = tpu.vector_load %arg7[%swap3A_410, %swap3A_411] {strides = array<i32>} : memref<16x128xi32, #tpu.memory_space<vmem>>, vector<1x16xi32>,
    %swap3A_413 = vector.shape_cast %swap3A_412 : vector<1x16xi32> to vector<16xi32>
    %swap3A_414 = vector.shape_cast %add3A_408 : vector<16xi32> to vector<1x16xi32>
    tpu.vector_store %arg7[%swap3A_410, %swap3A_411], %swap3A_414 {strides = array<i32>} : memref<16x128xi32, #tpu.memory_space<vmem>>, vector<1x16xi32>,
    %get3A_415 = arith.constant 224 : index
    %get3A_416 = tpu.vector_load %arg6[%get3A_415] {strides = array<i32>} : memref<2048xi32, #tpu.memory_space<vmem>>, vector<16xi32>,
    %get3A_417 = vector.shape_cast %get3A_416 : vector<16xi32> to vector<16xi32>
    %add3A_418 = arith.constant 224 : i32
    %add3A_419 = arith.addi %mul3A_2, %add3A_418 : i32
    %shift_right_arithmetic3A_420 = arith.constant 3 : i32
    %shift_right_arithmetic3A_421 = arith.shrsi %add3A_419, %shift_right_arithmetic3A_420 : i32
    %mul3A_422 = arith.constant 16384 : i32
    %mul3A_423 = arith.muli %shift_right_arithmetic3A_421, %mul3A_422 : i32
    %add3A_424 = vector.broadcast %mul3A_423 : i32 to vector<16xi32>
    %add3A_425 = arith.addi %add3A_424, %add3A : vector<16xi32>
    %shift_right_arithmetic3A_426 = arith.constant 7 : i32
    %shift_right_arithmetic3A_427 = vector.broadcast %shift_right_arithmetic3A_426 : i32 to vector<16xi32>
    %shift_right_arithmetic3A_428 = arith.shrsi %get3A_417, %shift_right_arithmetic3A_427 : vector<16xi32>
    %mul3A_429 = arith.constant 1024 : i32
    %mul3A_430 = vector.broadcast %mul3A_429 : i32 to vector<16xi32>
    %mul3A_431 = arith.muli %shift_right_arithmetic3A_428, %mul3A_430 : vector<16xi32>
    %add3A_432 = arith.addi %add3A_425, %mul3A_431 : vector<16xi32>
    %and3A_433 = arith.constant 127 : i32
    %and3A_434 = vector.broadcast %and3A_433 : i32 to vector<16xi32>
    %and3A_435 = arith.andi %get3A_417, %and3A_434 : vector<16xi32>
    %add3A_436 = arith.addi %add3A_432, %and3A_435 : vector<16xi32>
    %swap3A_437 = arith.constant 1 : i32
    %swap3A_438 = arith.index_cast %swap3A_437 : i32 to index
    %swap3A_439 = arith.constant 96 : index
    %swap3A_440 = tpu.vector_load %arg7[%swap3A_438, %swap3A_439] {strides = array<i32>} : memref<16x128xi32, #tpu.memory_space<vmem>>, vector<1x16xi32>,
    %swap3A_441 = vector.shape_cast %swap3A_440 : vector<1x16xi32> to vector<16xi32>
    %swap3A_442 = vector.shape_cast %add3A_436 : vector<16xi32> to vector<1x16xi32>
    tpu.vector_store %arg7[%swap3A_438, %swap3A_439], %swap3A_442 {strides = array<i32>} : memref<16x128xi32, #tpu.memory_space<vmem>>, vector<1x16xi32>,
    %get3A_443 = arith.constant 240 : index
    %get3A_444 = tpu.vector_load %arg6[%get3A_443] {strides = array<i32>} : memref<2048xi32, #tpu.memory_space<vmem>>, vector<16xi32>,
    %get3A_445 = vector.shape_cast %get3A_444 : vector<16xi32> to vector<16xi32>
    %add3A_446 = arith.constant 240 : i32
    %add3A_447 = arith.addi %mul3A_2, %add3A_446 : i32
    %shift_right_arithmetic3A_448 = arith.constant 3 : i32
    %shift_right_arithmetic3A_449 = arith.shrsi %add3A_447, %shift_right_arithmetic3A_448 : i32
    %mul3A_450 = arith.constant 16384 : i32
    %mul3A_451 = arith.muli %shift_right_arithmetic3A_449, %mul3A_450 : i32
    %add3A_452 = vector.broadcast %mul3A_451 : i32 to vector<16xi32>
    %add3A_453 = arith.addi %add3A_452, %add3A : vector<16xi32>
    %shift_right_arithmetic3A_454 = arith.constant 7 : i32
    %shift_right_arithmetic3A_455 = vector.broadcast %shift_right_arithmetic3A_454 : i32 to vector<16xi32>
    %shift_right_arithmetic3A_456 = arith.shrsi %get3A_445, %shift_right_arithmetic3A_455 : vector<16xi32>
    %mul3A_457 = arith.constant 1024 : i32
    %mul3A_458 = vector.broadcast %mul3A_457 : i32 to vector<16xi32>
    %mul3A_459 = arith.muli %shift_right_arithmetic3A_456, %mul3A_458 : vector<16xi32>
    %add3A_460 = arith.addi %add3A_453, %mul3A_459 : vector<16xi32>
    %and3A_461 = arith.constant 127 : i32
    %and3A_462 = vector.broadcast %and3A_461 : i32 to vector<16xi32>
    %and3A_463 = arith.andi %get3A_445, %and3A_462 : vector<16xi32>
    %add3A_464 = arith.addi %add3A_460, %and3A_463 : vector<16xi32>
    %swap3A_465 = arith.constant 1 : i32
    %swap3A_466 = arith.index_cast %swap3A_465 : i32 to index
    %swap3A_467 = arith.constant 112 : index
    %swap3A_468 = tpu.vector_load %arg7[%swap3A_466, %swap3A_467] {strides = array<i32>} : memref<16x128xi32, #tpu.memory_space<vmem>>, vector<1x16xi32>,
    %swap3A_469 = vector.shape_cast %swap3A_468 : vector<1x16xi32> to vector<16xi32>
    %swap3A_470 = vector.shape_cast %add3A_464 : vector<16xi32> to vector<1x16xi32>
    tpu.vector_store %arg7[%swap3A_466, %swap3A_467], %swap3A_470 {strides = array<i32>} : memref<16x128xi32, #tpu.memory_space<vmem>>, vector<1x16xi32>,
    %dma_start3A_471 = arith.constant 1 : i32
    %dma_start3A_472 = arith.constant 1 : i32
    %dma_start3A_473 = arith.constant 1 : i32
    %dma_start3A_474 = arith.constant 0 : i32
    %dma_start3A_475 = tpu.memref_slice %arg8[%dma_start3A_472, %dma_start3A_474] : memref<16x128xf32, #tpu.memory_space<vmem>> -> memref<1x128xf32, #tpu.memory_space<vmem>>
    %dma_start3A_476 = tpu.memref_squeeze %dma_start3A_475 : memref<1x128xf32, #tpu.memory_space<vmem>> -> memref<128xf32, #tpu.memory_space<vmem>>
    %dma_start3A_477 = arith.constant 0 : i32
    %dma_start3A_478 = tpu.memref_slice %arg7[%dma_start3A_471, %dma_start3A_477] : memref<16x128xi32, #tpu.memory_space<vmem>> -> memref<1x128xi32, #tpu.memory_space<vmem>>
    %dma_start3A_479 = tpu.memref_squeeze %dma_start3A_478 : memref<1x128xi32, #tpu.memory_space<vmem>> -> memref<128xi32, #tpu.memory_space<vmem>>
    %dma_start3A_480 = arith.constant 0 : i32
    %dma_start3A_481 = tpu.memref_slice %arg2[%dma_start3A_480] : memref<67108864xf32, #tpu.memory_space<hbm>> -> memref<67108864xf32, #tpu.memory_space<hbm>>
    %dma_start3A_482 = tpu.memref_slice %arg12[%dma_start3A_473] : memref<16x!tpu.dma_semaphore, #tpu.memory_space<semaphore_mem>> -> memref<1x!tpu.dma_semaphore, #tpu.memory_space<semaphore_mem>>
    %dma_start3A_483 = tpu.memref_squeeze %dma_start3A_482 : memref<1x!tpu.dma_semaphore, #tpu.memory_space<semaphore_mem>> -> memref<!tpu.dma_semaphore, #tpu.memory_space<semaphore_mem>>
    tpu.enqueue_indirect_dma source(%dma_start3A_481 : memref<67108864xf32, #tpu.memory_space<hbm>>) target(%dma_start3A_476 : memref<128xf32, #tpu.memory_space<vmem>>) offsets(%dma_start3A_479 : memref<128xi32, #tpu.memory_space<vmem>>) semaphore(%dma_start3A_483 : memref<!tpu.dma_semaphore, #tpu.memory_space<semaphore_mem>>)
    %get3A_484 = arith.constant 256 : index
    %get3A_485 = tpu.vector_load %arg6[%get3A_484] {strides = array<i32>} : memref<2048xi32, #tpu.memory_space<vmem>>, vector<16xi32>,
    %get3A_486 = vector.shape_cast %get3A_485 : vector<16xi32> to vector<16xi32>
    %add3A_487 = arith.constant 256 : i32
    %add3A_488 = arith.addi %mul3A_2, %add3A_487 : i32
    %shift_right_arithmetic3A_489 = arith.constant 3 : i32
    %shift_right_arithmetic3A_490 = arith.shrsi %add3A_488, %shift_right_arithmetic3A_489 : i32
    %mul3A_491 = arith.constant 16384 : i32
    %mul3A_492 = arith.muli %shift_right_arithmetic3A_490, %mul3A_491 : i32
    %add3A_493 = vector.broadcast %mul3A_492 : i32 to vector<16xi32>
    %add3A_494 = arith.addi %add3A_493, %add3A : vector<16xi32>
    %shift_right_arithmetic3A_495 = arith.constant 7 : i32
    %shift_right_arithmetic3A_496 = vector.broadcast %shift_right_arithmetic3A_495 : i32 to vector<16xi32>
    %shift_right_arithmetic3A_497 = arith.shrsi %get3A_486, %shift_right_arithmetic3A_496 : vector<16xi32>
    %mul3A_498 = arith.constant 1024 : i32
    %mul3A_499 = vector.broadcast %mul3A_498 : i32 to vector<16xi32>
    %mul3A_500 = arith.muli %shift_right_arithmetic3A_497, %mul3A_499 : vector<16xi32>
    %add3A_501 = arith.addi %add3A_494, %mul3A_500 : vector<16xi32>
    %and3A_502 = arith.constant 127 : i32
    %and3A_503 = vector.broadcast %and3A_502 : i32 to vector<16xi32>
    %and3A_504 = arith.andi %get3A_486, %and3A_503 : vector<16xi32>
    %add3A_505 = arith.addi %add3A_501, %and3A_504 : vector<16xi32>
    %swap3A_506 = arith.constant 2 : i32
    %swap3A_507 = arith.index_cast %swap3A_506 : i32 to index
    %swap3A_508 = arith.constant 0 : index
    %swap3A_509 = tpu.vector_load %arg7[%swap3A_507, %swap3A_508] {strides = array<i32>} : memref<16x128xi32, #tpu.memory_space<vmem>>, vector<1x16xi32>,
    %swap3A_510 = vector.shape_cast %swap3A_509 : vector<1x16xi32> to vector<16xi32>
    %swap3A_511 = vector.shape_cast %add3A_505 : vector<16xi32> to vector<1x16xi32>
    tpu.vector_store %arg7[%swap3A_507, %swap3A_508], %swap3A_511 {strides = array<i32>} : memref<16x128xi32, #tpu.memory_space<vmem>>, vector<1x16xi32>,
    %get3A_512 = arith.constant 272 : index
    %get3A_513 = tpu.vector_load %arg6[%get3A_512] {strides = array<i32>} : memref<2048xi32, #tpu.memory_space<vmem>>, vector<16xi32>,
    %get3A_514 = vector.shape_cast %get3A_513 : vector<16xi32> to vector<16xi32>
    %add3A_515 = arith.constant 272 : i32
    %add3A_516 = arith.addi %mul3A_2, %add3A_515 : i32
    %shift_right_arithmetic3A_517 = arith.constant 3 : i32
    %shift_right_arithmetic3A_518 = arith.shrsi %add3A_516, %shift_right_arithmetic3A_517 : i32
    %mul3A_519 = arith.constant 16384 : i32
    %mul3A_520 = arith.muli %shift_right_arithmetic3A_518, %mul3A_519 : i32
    %add3A_521 = vector.broadcast %mul3A_520 : i32 to vector<16xi32>
    %add3A_522 = arith.addi %add3A_521, %add3A : vector<16xi32>
    %shift_right_arithmetic3A_523 = arith.constant 7 : i32
    %shift_right_arithmetic3A_524 = vector.broadcast %shift_right_arithmetic3A_523 : i32 to vector<16xi32>
    %shift_right_arithmetic3A_525 = arith.shrsi %get3A_514, %shift_right_arithmetic3A_524 : vector<16xi32>
    %mul3A_526 = arith.constant 1024 : i32
    %mul3A_527 = vector.broadcast %mul3A_526 : i32 to vector<16xi32>
    %mul3A_528 = arith.muli %shift_right_arithmetic3A_525, %mul3A_527 : vector<16xi32>
    %add3A_529 = arith.addi %add3A_522, %mul3A_528 : vector<16xi32>
    %and3A_530 = arith.constant 127 : i32
    %and3A_531 = vector.broadcast %and3A_530 : i32 to vector<16xi32>
    %and3A_532 = arith.andi %get3A_514, %and3A_531 : vector<16xi32>
    %add3A_533 = arith.addi %add3A_529, %and3A_532 : vector<16xi32>
    %swap3A_534 = arith.constant 2 : i32
    %swap3A_535 = arith.index_cast %swap3A_534 : i32 to index
    %swap3A_536 = arith.constant 16 : index
    %swap3A_537 = tpu.vector_load %arg7[%swap3A_535, %swap3A_536] {strides = array<i32>} : memref<16x128xi32, #tpu.memory_space<vmem>>, vector<1x16xi32>,
    %swap3A_538 = vector.shape_cast %swap3A_537 : vector<1x16xi32> to vector<16xi32>
    %swap3A_539 = vector.shape_cast %add3A_533 : vector<16xi32> to vector<1x16xi32>
    tpu.vector_store %arg7[%swap3A_535, %swap3A_536], %swap3A_539 {strides = array<i32>} : memref<16x128xi32, #tpu.memory_space<vmem>>, vector<1x16xi32>,
    %get3A_540 = arith.constant 288 : index
    %get3A_541 = tpu.vector_load %arg6[%get3A_540] {strides = array<i32>} : memref<2048xi32, #tpu.memory_space<vmem>>, vector<16xi32>,
    %get3A_542 = vector.shape_cast %get3A_541 : vector<16xi32> to vector<16xi32>
    %add3A_543 = arith.constant 288 : i32
    %add3A_544 = arith.addi %mul3A_2, %add3A_543 : i32
    %shift_right_arithmetic3A_545 = arith.constant 3 : i32
    %shift_right_arithmetic3A_546 = arith.shrsi %add3A_544, %shift_right_arithmetic3A_545 : i32
    %mul3A_547 = arith.constant 16384 : i32
    %mul3A_548 = arith.muli %shift_right_arithmetic3A_546, %mul3A_547 : i32
    %add3A_549 = vector.broadcast %mul3A_548 : i32 to vector<16xi32>
    %add3A_550 = arith.addi %add3A_549, %add3A : vector<16xi32>
    %shift_right_arithmetic3A_551 = arith.constant 7 : i32
    %shift_right_arithmetic3A_552 = vector.broadcast %shift_right_arithmetic3A_551 : i32 to vector<16xi32>
    %shift_right_arithmetic3A_553 = arith.shrsi %get3A_542, %shift_right_arithmetic3A_552 : vector<16xi32>
    %mul3A_554 = arith.constant 1024 : i32
    %mul3A_555 = vector.broadcast %mul3A_554 : i32 to vector<16xi32>
    %mul3A_556 = arith.muli %shift_right_arithmetic3A_553, %mul3A_555 : vector<16xi32>
    %add3A_557 = arith.addi %add3A_550, %mul3A_556 : vector<16xi32>
    %and3A_558 = arith.constant 127 : i32
    %and3A_559 = vector.broadcast %and3A_558 : i32 to vector<16xi32>
    %and3A_560 = arith.andi %get3A_542, %and3A_559 : vector<16xi32>
    %add3A_561 = arith.addi %add3A_557, %and3A_560 : vector<16xi32>
    %swap3A_562 = arith.constant 2 : i32
    %swap3A_563 = arith.index_cast %swap3A_562 : i32 to index
    %swap3A_564 = arith.constant 32 : index
    %swap3A_565 = tpu.vector_load %arg7[%swap3A_563, %swap3A_564] {strides = array<i32>} : memref<16x128xi32, #tpu.memory_space<vmem>>, vector<1x16xi32>,
    %swap3A_566 = vector.shape_cast %swap3A_565 : vector<1x16xi32> to vector<16xi32>
    %swap3A_567 = vector.shape_cast %add3A_561 : vector<16xi32> to vector<1x16xi32>
    tpu.vector_store %arg7[%swap3A_563, %swap3A_564], %swap3A_567 {strides = array<i32>} : memref<16x128xi32, #tpu.memory_space<vmem>>, vector<1x16xi32>,
    %get3A_568 = arith.constant 304 : index
    %get3A_569 = tpu.vector_load %arg6[%get3A_568] {strides = array<i32>} : memref<2048xi32, #tpu.memory_space<vmem>>, vector<16xi32>,
    %get3A_570 = vector.shape_cast %get3A_569 : vector<16xi32> to vector<16xi32>
    %add3A_571 = arith.constant 304 : i32
    %add3A_572 = arith.addi %mul3A_2, %add3A_571 : i32
    %shift_right_arithmetic3A_573 = arith.constant 3 : i32
    %shift_right_arithmetic3A_574 = arith.shrsi %add3A_572, %shift_right_arithmetic3A_573 : i32
    %mul3A_575 = arith.constant 16384 : i32
    %mul3A_576 = arith.muli %shift_right_arithmetic3A_574, %mul3A_575 : i32
    %add3A_577 = vector.broadcast %mul3A_576 : i32 to vector<16xi32>
    %add3A_578 = arith.addi %add3A_577, %add3A : vector<16xi32>
    %shift_right_arithmetic3A_579 = arith.constant 7 : i32
    %shift_right_arithmetic3A_580 = vector.broadcast %shift_right_arithmetic3A_579 : i32 to vector<16xi32>
    %shift_right_arithmetic3A_581 = arith.shrsi %get3A_570, %shift_right_arithmetic3A_580 : vector<16xi32>
    %mul3A_582 = arith.constant 1024 : i32
    %mul3A_583 = vector.broadcast %mul3A_582 : i32 to vector<16xi32>
    %mul3A_584 = arith.muli %shift_right_arithmetic3A_581, %mul3A_583 : vector<16xi32>
    %add3A_585 = arith.addi %add3A_578, %mul3A_584 : vector<16xi32>
    %and3A_586 = arith.constant 127 : i32
    %and3A_587 = vector.broadcast %and3A_586 : i32 to vector<16xi32>
    %and3A_588 = arith.andi %get3A_570, %and3A_587 : vector<16xi32>
    %add3A_589 = arith.addi %add3A_585, %and3A_588 : vector<16xi32>
    %swap3A_590 = arith.constant 2 : i32
    %swap3A_591 = arith.index_cast %swap3A_590 : i32 to index
    %swap3A_592 = arith.constant 48 : index
    %swap3A_593 = tpu.vector_load %arg7[%swap3A_591, %swap3A_592] {strides = array<i32>} : memref<16x128xi32, #tpu.memory_space<vmem>>, vector<1x16xi32>,
    %swap3A_594 = vector.shape_cast %swap3A_593 : vector<1x16xi32> to vector<16xi32>
    %swap3A_595 = vector.shape_cast %add3A_589 : vector<16xi32> to vector<1x16xi32>
    tpu.vector_store %arg7[%swap3A_591, %swap3A_592], %swap3A_595 {strides = array<i32>} : memref<16x128xi32, #tpu.memory_space<vmem>>, vector<1x16xi32>,
    %get3A_596 = arith.constant 320 : index
    %get3A_597 = tpu.vector_load %arg6[%get3A_596] {strides = array<i32>} : memref<2048xi32, #tpu.memory_space<vmem>>, vector<16xi32>,
    %get3A_598 = vector.shape_cast %get3A_597 : vector<16xi32> to vector<16xi32>
    %add3A_599 = arith.constant 320 : i32
    %add3A_600 = arith.addi %mul3A_2, %add3A_599 : i32
    %shift_right_arithmetic3A_601 = arith.constant 3 : i32
    %shift_right_arithmetic3A_602 = arith.shrsi %add3A_600, %shift_right_arithmetic3A_601 : i32
    %mul3A_603 = arith.constant 16384 : i32
    %mul3A_604 = arith.muli %shift_right_arithmetic3A_602, %mul3A_603 : i32
    %add3A_605 = vector.broadcast %mul3A_604 : i32 to vector<16xi32>
    %add3A_606 = arith.addi %add3A_605, %add3A : vector<16xi32>
    %shift_right_arithmetic3A_607 = arith.constant 7 : i32
    %shift_right_arithmetic3A_608 = vector.broadcast %shift_right_arithmetic3A_607 : i32 to vector<16xi32>
    %shift_right_arithmetic3A_609 = arith.shrsi %get3A_598, %shift_right_arithmetic3A_608 : vector<16xi32>
    %mul3A_610 = arith.constant 1024 : i32
    %mul3A_611 = vector.broadcast %mul3A_610 : i32 to vector<16xi32>
    %mul3A_612 = arith.muli %shift_right_arithmetic3A_609, %mul3A_611 : vector<16xi32>
    %add3A_613 = arith.addi %add3A_606, %mul3A_612 : vector<16xi32>
    %and3A_614 = arith.constant 127 : i32
    %and3A_615 = vector.broadcast %and3A_614 : i32 to vector<16xi32>
    %and3A_616 = arith.andi %get3A_598, %and3A_615 : vector<16xi32>
    %add3A_617 = arith.addi %add3A_613, %and3A_616 : vector<16xi32>
    %swap3A_618 = arith.constant 2 : i32
    %swap3A_619 = arith.index_cast %swap3A_618 : i32 to index
    %swap3A_620 = arith.constant 64 : index
    %swap3A_621 = tpu.vector_load %arg7[%swap3A_619, %swap3A_620] {strides = array<i32>} : memref<16x128xi32, #tpu.memory_space<vmem>>, vector<1x16xi32>,
    %swap3A_622 = vector.shape_cast %swap3A_621 : vector<1x16xi32> to vector<16xi32>
    %swap3A_623 = vector.shape_cast %add3A_617 : vector<16xi32> to vector<1x16xi32>
    tpu.vector_store %arg7[%swap3A_619, %swap3A_620], %swap3A_623 {strides = array<i32>} : memref<16x128xi32, #tpu.memory_space<vmem>>, vector<1x16xi32>,
    %get3A_624 = arith.constant 336 : index
    %get3A_625 = tpu.vector_load %arg6[%get3A_624] {strides = array<i32>} : memref<2048xi32, #tpu.memory_space<vmem>>, vector<16xi32>,
    %get3A_626 = vector.shape_cast %get3A_625 : vector<16xi32> to vector<16xi32>
    %add3A_627 = arith.constant 336 : i32
    %add3A_628 = arith.addi %mul3A_2, %add3A_627 : i32
    %shift_right_arithmetic3A_629 = arith.constant 3 : i32
    %shift_right_arithmetic3A_630 = arith.shrsi %add3A_628, %shift_right_arithmetic3A_629 : i32
    %mul3A_631 = arith.constant 16384 : i32
    %mul3A_632 = arith.muli %shift_right_arithmetic3A_630, %mul3A_631 : i32
    %add3A_633 = vector.broadcast %mul3A_632 : i32 to vector<16xi32>
    %add3A_634 = arith.addi %add3A_633, %add3A : vector<16xi32>
    %shift_right_arithmetic3A_635 = arith.constant 7 : i32
    %shift_right_arithmetic3A_636 = vector.broadcast %shift_right_arithmetic3A_635 : i32 to vector<16xi32>
    %shift_right_arithmetic3A_637 = arith.shrsi %get3A_626, %shift_right_arithmetic3A_636 : vector<16xi32>
    %mul3A_638 = arith.constant 1024 : i32
    %mul3A_639 = vector.broadcast %mul3A_638 : i32 to vector<16xi32>
    %mul3A_640 = arith.muli %shift_right_arithmetic3A_637, %mul3A_639 : vector<16xi32>
    %add3A_641 = arith.addi %add3A_634, %mul3A_640 : vector<16xi32>
    %and3A_642 = arith.constant 127 : i32
    %and3A_643 = vector.broadcast %and3A_642 : i32 to vector<16xi32>
    %and3A_644 = arith.andi %get3A_626, %and3A_643 : vector<16xi32>
    %add3A_645 = arith.addi %add3A_641, %and3A_644 : vector<16xi32>
    %swap3A_646 = arith.constant 2 : i32
    %swap3A_647 = arith.index_cast %swap3A_646 : i32 to index
    %swap3A_648 = arith.constant 80 : index
    %swap3A_649 = tpu.vector_load %arg7[%swap3A_647, %swap3A_648] {strides = array<i32>} : memref<16x128xi32, #tpu.memory_space<vmem>>, vector<1x16xi32>,
    %swap3A_650 = vector.shape_cast %swap3A_649 : vector<1x16xi32> to vector<16xi32>
    %swap3A_651 = vector.shape_cast %add3A_645 : vector<16xi32> to vector<1x16xi32>
    tpu.vector_store %arg7[%swap3A_647, %swap3A_648], %swap3A_651 {strides = array<i32>} : memref<16x128xi32, #tpu.memory_space<vmem>>, vector<1x16xi32>,
    %get3A_652 = arith.constant 352 : index
    %get3A_653 = tpu.vector_load %arg6[%get3A_652] {strides = array<i32>} : memref<2048xi32, #tpu.memory_space<vmem>>, vector<16xi32>,
    %get3A_654 = vector.shape_cast %get3A_653 : vector<16xi32> to vector<16xi32>
    %add3A_655 = arith.constant 352 : i32
    %add3A_656 = arith.addi %mul3A_2, %add3A_655 : i32
    %shift_right_arithmetic3A_657 = arith.constant 3 : i32
    %shift_right_arithmetic3A_658 = arith.shrsi %add3A_656, %shift_right_arithmetic3A_657 : i32
    %mul3A_659 = arith.constant 16384 : i32
    %mul3A_660 = arith.muli %shift_right_arithmetic3A_658, %mul3A_659 : i32
    %add3A_661 = vector.broadcast %mul3A_660 : i32 to vector<16xi32>
    %add3A_662 = arith.addi %add3A_661, %add3A : vector<16xi32>
    %shift_right_arithmetic3A_663 = arith.constant 7 : i32
    %shift_right_arithmetic3A_664 = vector.broadcast %shift_right_arithmetic3A_663 : i32 to vector<16xi32>
    %shift_right_arithmetic3A_665 = arith.shrsi %get3A_654, %shift_right_arithmetic3A_664 : vector<16xi32>
    %mul3A_666 = arith.constant 1024 : i32
    %mul3A_667 = vector.broadcast %mul3A_666 : i32 to vector<16xi32>
    %mul3A_668 = arith.muli %shift_right_arithmetic3A_665, %mul3A_667 : vector<16xi32>
    %add3A_669 = arith.addi %add3A_662, %mul3A_668 : vector<16xi32>
    %and3A_670 = arith.constant 127 : i32
    %and3A_671 = vector.broadcast %and3A_670 : i32 to vector<16xi32>
    %and3A_672 = arith.andi %get3A_654, %and3A_671 : vector<16xi32>
    %add3A_673 = arith.addi %add3A_669, %and3A_672 : vector<16xi32>
    %swap3A_674 = arith.constant 2 : i32
    %swap3A_675 = arith.index_cast %swap3A_674 : i32 to index
    %swap3A_676 = arith.constant 96 : index
    %swap3A_677 = tpu.vector_load %arg7[%swap3A_675, %swap3A_676] {strides = array<i32>} : memref<16x128xi32, #tpu.memory_space<vmem>>, vector<1x16xi32>,
    %swap3A_678 = vector.shape_cast %swap3A_677 : vector<1x16xi32> to vector<16xi32>
    %swap3A_679 = vector.shape_cast %add3A_673 : vector<16xi32> to vector<1x16xi32>
    tpu.vector_store %arg7[%swap3A_675, %swap3A_676], %swap3A_679 {strides = array<i32>} : memref<16x128xi32, #tpu.memory_space<vmem>>, vector<1x16xi32>,
    %get3A_680 = arith.constant 368 : index
    %get3A_681 = tpu.vector_load %arg6[%get3A_680] {strides = array<i32>} : memref<2048xi32, #tpu.memory_space<vmem>>, vector<16xi32>,
    %get3A_682 = vector.shape_cast %get3A_681 : vector<16xi32> to vector<16xi32>
    %add3A_683 = arith.constant 368 : i32
    %add3A_684 = arith.addi %mul3A_2, %add3A_683 : i32
    %shift_right_arithmetic3A_685 = arith.constant 3 : i32
    %shift_right_arithmetic3A_686 = arith.shrsi %add3A_684, %shift_right_arithmetic3A_685 : i32
    %mul3A_687 = arith.constant 16384 : i32
    %mul3A_688 = arith.muli %shift_right_arithmetic3A_686, %mul3A_687 : i32
    %add3A_689 = vector.broadcast %mul3A_688 : i32 to vector<16xi32>
    %add3A_690 = arith.addi %add3A_689, %add3A : vector<16xi32>
    %shift_right_arithmetic3A_691 = arith.constant 7 : i32
    %shift_right_arithmetic3A_692 = vector.broadcast %shift_right_arithmetic3A_691 : i32 to vector<16xi32>
    %shift_right_arithmetic3A_693 = arith.shrsi %get3A_682, %shift_right_arithmetic3A_692 : vector<16xi32>
    %mul3A_694 = arith.constant 1024 : i32
    %mul3A_695 = vector.broadcast %mul3A_694 : i32 to vector<16xi32>
    %mul3A_696 = arith.muli %shift_right_arithmetic3A_693, %mul3A_695 : vector<16xi32>
    %add3A_697 = arith.addi %add3A_690, %mul3A_696 : vector<16xi32>
    %and3A_698 = arith.constant 127 : i32
    %and3A_699 = vector.broadcast %and3A_698 : i32 to vector<16xi32>
    %and3A_700 = arith.andi %get3A_682, %and3A_699 : vector<16xi32>
    %add3A_701 = arith.addi %add3A_697, %and3A_700 : vector<16xi32>
    %swap3A_702 = arith.constant 2 : i32
    %swap3A_703 = arith.index_cast %swap3A_702 : i32 to index
    %swap3A_704 = arith.constant 112 : index
    %swap3A_705 = tpu.vector_load %arg7[%swap3A_703, %swap3A_704] {strides = array<i32>} : memref<16x128xi32, #tpu.memory_space<vmem>>, vector<1x16xi32>,
    %swap3A_706 = vector.shape_cast %swap3A_705 : vector<1x16xi32> to vector<16xi32>
    %swap3A_707 = vector.shape_cast %add3A_701 : vector<16xi32> to vector<1x16xi32>
    tpu.vector_store %arg7[%swap3A_703, %swap3A_704], %swap3A_707 {strides = array<i32>} : memref<16x128xi32, #tpu.memory_space<vmem>>, vector<1x16xi32>,
    %dma_start3A_708 = arith.constant 2 : i32
    %dma_start3A_709 = arith.constant 2 : i32
    %dma_start3A_710 = arith.constant 2 : i32
    %dma_start3A_711 = arith.constant 0 : i32
    %dma_start3A_712 = tpu.memref_slice %arg8[%dma_start3A_709, %dma_start3A_711] : memref<16x128xf32, #tpu.memory_space<vmem>> -> memref<1x128xf32, #tpu.memory_space<vmem>>
    %dma_start3A_713 = tpu.memref_squeeze %dma_start3A_712 : memref<1x128xf32, #tpu.memory_space<vmem>> -> memref<128xf32, #tpu.memory_space<vmem>>
    %dma_start3A_714 = arith.constant 0 : i32
    %dma_start3A_715 = tpu.memref_slice %arg7[%dma_start3A_708, %dma_start3A_714] : memref<16x128xi32, #tpu.memory_space<vmem>> -> memref<1x128xi32, #tpu.memory_space<vmem>>
    %dma_start3A_716 = tpu.memref_squeeze %dma_start3A_715 : memref<1x128xi32, #tpu.memory_space<vmem>> -> memref<128xi32, #tpu.memory_space<vmem>>
    %dma_start3A_717 = arith.constant 0 : i32
    %dma_start3A_718 = tpu.memref_slice %arg2[%dma_start3A_717] : memref<67108864xf32, #tpu.memory_space<hbm>> -> memref<67108864xf32, #tpu.memory_space<hbm>>
    %dma_start3A_719 = tpu.memref_slice %arg12[%dma_start3A_710] : memref<16x!tpu.dma_semaphore, #tpu.memory_space<semaphore_mem>> -> memref<1x!tpu.dma_semaphore, #tpu.memory_space<semaphore_mem>>
    %dma_start3A_720 = tpu.memref_squeeze %dma_start3A_719 : memref<1x!tpu.dma_semaphore, #tpu.memory_space<semaphore_mem>> -> memref<!tpu.dma_semaphore, #tpu.memory_space<semaphore_mem>>
    tpu.enqueue_indirect_dma source(%dma_start3A_718 : memref<67108864xf32, #tpu.memory_space<hbm>>) target(%dma_start3A_713 : memref<128xf32, #tpu.memory_space<vmem>>) offsets(%dma_start3A_716 : memref<128xi32, #tpu.memory_space<vmem>>) semaphore(%dma_start3A_720 : memref<!tpu.dma_semaphore, #tpu.memory_space<semaphore_mem>>)
    %get3A_721 = arith.constant 384 : index
    %get3A_722 = tpu.vector_load %arg6[%get3A_721] {strides = array<i32>} : memref<2048xi32, #tpu.memory_space<vmem>>, vector<16xi32>,
    %get3A_723 = vector.shape_cast %get3A_722 : vector<16xi32> to vector<16xi32>
    %add3A_724 = arith.constant 384 : i32
    %add3A_725 = arith.addi %mul3A_2, %add3A_724 : i32
    %shift_right_arithmetic3A_726 = arith.constant 3 : i32
    %shift_right_arithmetic3A_727 = arith.shrsi %add3A_725, %shift_right_arithmetic3A_726 : i32
    %mul3A_728 = arith.constant 16384 : i32
    %mul3A_729 = arith.muli %shift_right_arithmetic3A_727, %mul3A_728 : i32
    %add3A_730 = vector.broadcast %mul3A_729 : i32 to vector<16xi32>
    %add3A_731 = arith.addi %add3A_730, %add3A : vector<16xi32>
    %shift_right_arithmetic3A_732 = arith.constant 7 : i32
    %shift_right_arithmetic3A_733 = vector.broadcast %shift_right_arithmetic3A_732 : i32 to vector<16xi32>
    %shift_right_arithmetic3A_734 = arith.shrsi %get3A_723, %shift_right_arithmetic3A_733 : vector<16xi32>
    %mul3A_735 = arith.constant 1024 : i32
    %mul3A_736 = vector.broadcast %mul3A_735 : i32 to vector<16xi32>
    %mul3A_737 = arith.muli %shift_right_arithmetic3A_734, %mul3A_736 : vector<16xi32>
    %add3A_738 = arith.addi %add3A_731, %mul3A_737 : vector<16xi32>
    %and3A_739 = arith.constant 127 : i32
    %and3A_740 = vector.broadcast %and3A_739 : i32 to vector<16xi32>
    %and3A_741 = arith.andi %get3A_723, %and3A_740 : vector<16xi32>
    %add3A_742 = arith.addi %add3A_738, %and3A_741 : vector<16xi32>
    %swap3A_743 = arith.constant 3 : i32
    %swap3A_744 = arith.index_cast %swap3A_743 : i32 to index
    %swap3A_745 = arith.constant 0 : index
    %swap3A_746 = tpu.vector_load %arg7[%swap3A_744, %swap3A_745] {strides = array<i32>} : memref<16x128xi32, #tpu.memory_space<vmem>>, vector<1x16xi32>,
    %swap3A_747 = vector.shape_cast %swap3A_746 : vector<1x16xi32> to vector<16xi32>
    %swap3A_748 = vector.shape_cast %add3A_742 : vector<16xi32> to vector<1x16xi32>
    tpu.vector_store %arg7[%swap3A_744, %swap3A_745], %swap3A_748 {strides = array<i32>} : memref<16x128xi32, #tpu.memory_space<vmem>>, vector<1x16xi32>,
    %get3A_749 = arith.constant 400 : index
    %get3A_750 = tpu.vector_load %arg6[%get3A_749] {strides = array<i32>} : memref<2048xi32, #tpu.memory_space<vmem>>, vector<16xi32>,
    %get3A_751 = vector.shape_cast %get3A_750 : vector<16xi32> to vector<16xi32>
    %add3A_752 = arith.constant 400 : i32
    %add3A_753 = arith.addi %mul3A_2, %add3A_752 : i32
    %shift_right_arithmetic3A_754 = arith.constant 3 : i32
    %shift_right_arithmetic3A_755 = arith.shrsi %add3A_753, %shift_right_arithmetic3A_754 : i32
    %mul3A_756 = arith.constant 16384 : i32
    %mul3A_757 = arith.muli %shift_right_arithmetic3A_755, %mul3A_756 : i32
    %add3A_758 = vector.broadcast %mul3A_757 : i32 to vector<16xi32>
    %add3A_759 = arith.addi %add3A_758, %add3A : vector<16xi32>
    %shift_right_arithmetic3A_760 = arith.constant 7 : i32
    %shift_right_arithmetic3A_761 = vector.broadcast %shift_right_arithmetic3A_760 : i32 to vector<16xi32>
    %shift_right_arithmetic3A_762 = arith.shrsi %get3A_751, %shift_right_arithmetic3A_761 : vector<16xi32>
    %mul3A_763 = arith.constant 1024 : i32
    %mul3A_764 = vector.broadcast %mul3A_763 : i32 to vector<16xi32>
    %mul3A_765 = arith.muli %shift_right_arithmetic3A_762, %mul3A_764 : vector<16xi32>
    %add3A_766 = arith.addi %add3A_759, %mul3A_765 : vector<16xi32>
    %and3A_767 = arith.constant 127 : i32
    %and3A_768 = vector.broadcast %and3A_767 : i32 to vector<16xi32>
    %and3A_769 = arith.andi %get3A_751, %and3A_768 : vector<16xi32>
    %add3A_770 = arith.addi %add3A_766, %and3A_769 : vector<16xi32>
    %swap3A_771 = arith.constant 3 : i32
    %swap3A_772 = arith.index_cast %swap3A_771 : i32 to index
    %swap3A_773 = arith.constant 16 : index
    %swap3A_774 = tpu.vector_load %arg7[%swap3A_772, %swap3A_773] {strides = array<i32>} : memref<16x128xi32, #tpu.memory_space<vmem>>, vector<1x16xi32>,
    %swap3A_775 = vector.shape_cast %swap3A_774 : vector<1x16xi32> to vector<16xi32>
    %swap3A_776 = vector.shape_cast %add3A_770 : vector<16xi32> to vector<1x16xi32>
    tpu.vector_store %arg7[%swap3A_772, %swap3A_773], %swap3A_776 {strides = array<i32>} : memref<16x128xi32, #tpu.memory_space<vmem>>, vector<1x16xi32>,
    %get3A_777 = arith.constant 416 : index
    %get3A_778 = tpu.vector_load %arg6[%get3A_777] {strides = array<i32>} : memref<2048xi32, #tpu.memory_space<vmem>>, vector<16xi32>,
    %get3A_779 = vector.shape_cast %get3A_778 : vector<16xi32> to vector<16xi32>
    %add3A_780 = arith.constant 416 : i32
    %add3A_781 = arith.addi %mul3A_2, %add3A_780 : i32
    %shift_right_arithmetic3A_782 = arith.constant 3 : i32
    %shift_right_arithmetic3A_783 = arith.shrsi %add3A_781, %shift_right_arithmetic3A_782 : i32
    %mul3A_784 = arith.constant 16384 : i32
    %mul3A_785 = arith.muli %shift_right_arithmetic3A_783, %mul3A_784 : i32
    %add3A_786 = vector.broadcast %mul3A_785 : i32 to vector<16xi32>
    %add3A_787 = arith.addi %add3A_786, %add3A : vector<16xi32>
    %shift_right_arithmetic3A_788 = arith.constant 7 : i32
    %shift_right_arithmetic3A_789 = vector.broadcast %shift_right_arithmetic3A_788 : i32 to vector<16xi32>
    %shift_right_arithmetic3A_790 = arith.shrsi %get3A_779, %shift_right_arithmetic3A_789 : vector<16xi32>
    %mul3A_791 = arith.constant 1024 : i32
    %mul3A_792 = vector.broadcast %mul3A_791 : i32 to vector<16xi32>
    %mul3A_793 = arith.muli %shift_right_arithmetic3A_790, %mul3A_792 : vector<16xi32>
    %add3A_794 = arith.addi %add3A_787, %mul3A_793 : vector<16xi32>
    %and3A_795 = arith.constant 127 : i32
    %and3A_796 = vector.broadcast %and3A_795 : i32 to vector<16xi32>
    %and3A_797 = arith.andi %get3A_779, %and3A_796 : vector<16xi32>
    %add3A_798 = arith.addi %add3A_794, %and3A_797 : vector<16xi32>
    %swap3A_799 = arith.constant 3 : i32
    %swap3A_800 = arith.index_cast %swap3A_799 : i32 to index
    %swap3A_801 = arith.constant 32 : index
    %swap3A_802 = tpu.vector_load %arg7[%swap3A_800, %swap3A_801] {strides = array<i32>} : memref<16x128xi32, #tpu.memory_space<vmem>>, vector<1x16xi32>,
    %swap3A_803 = vector.shape_cast %swap3A_802 : vector<1x16xi32> to vector<16xi32>
    %swap3A_804 = vector.shape_cast %add3A_798 : vector<16xi32> to vector<1x16xi32>
    tpu.vector_store %arg7[%swap3A_800, %swap3A_801], %swap3A_804 {strides = array<i32>} : memref<16x128xi32, #tpu.memory_space<vmem>>, vector<1x16xi32>,
    %get3A_805 = arith.constant 432 : index
    %get3A_806 = tpu.vector_load %arg6[%get3A_805] {strides = array<i32>} : memref<2048xi32, #tpu.memory_space<vmem>>, vector<16xi32>,
    %get3A_807 = vector.shape_cast %get3A_806 : vector<16xi32> to vector<16xi32>
    %add3A_808 = arith.constant 432 : i32
    %add3A_809 = arith.addi %mul3A_2, %add3A_808 : i32
    %shift_right_arithmetic3A_810 = arith.constant 3 : i32
    %shift_right_arithmetic3A_811 = arith.shrsi %add3A_809, %shift_right_arithmetic3A_810 : i32
    %mul3A_812 = arith.constant 16384 : i32
    %mul3A_813 = arith.muli %shift_right_arithmetic3A_811, %mul3A_812 : i32
    %add3A_814 = vector.broadcast %mul3A_813 : i32 to vector<16xi32>
    %add3A_815 = arith.addi %add3A_814, %add3A : vector<16xi32>
    %shift_right_arithmetic3A_816 = arith.constant 7 : i32
    %shift_right_arithmetic3A_817 = vector.broadcast %shift_right_arithmetic3A_816 : i32 to vector<16xi32>
    %shift_right_arithmetic3A_818 = arith.shrsi %get3A_807, %shift_right_arithmetic3A_817 : vector<16xi32>
    %mul3A_819 = arith.constant 1024 : i32
    %mul3A_820 = vector.broadcast %mul3A_819 : i32 to vector<16xi32>
    %mul3A_821 = arith.muli %shift_right_arithmetic3A_818, %mul3A_820 : vector<16xi32>
    %add3A_822 = arith.addi %add3A_815, %mul3A_821 : vector<16xi32>
    %and3A_823 = arith.constant 127 : i32
    %and3A_824 = vector.broadcast %and3A_823 : i32 to vector<16xi32>
    %and3A_825 = arith.andi %get3A_807, %and3A_824 : vector<16xi32>
    %add3A_826 = arith.addi %add3A_822, %and3A_825 : vector<16xi32>
    %swap3A_827 = arith.constant 3 : i32
    %swap3A_828 = arith.index_cast %swap3A_827 : i32 to index
    %swap3A_829 = arith.constant 48 : index
    %swap3A_830 = tpu.vector_load %arg7[%swap3A_828, %swap3A_829] {strides = array<i32>} : memref<16x128xi32, #tpu.memory_space<vmem>>, vector<1x16xi32>,
    %swap3A_831 = vector.shape_cast %swap3A_830 : vector<1x16xi32> to vector<16xi32>
    %swap3A_832 = vector.shape_cast %add3A_826 : vector<16xi32> to vector<1x16xi32>
    tpu.vector_store %arg7[%swap3A_828, %swap3A_829], %swap3A_832 {strides = array<i32>} : memref<16x128xi32, #tpu.memory_space<vmem>>, vector<1x16xi32>,
    %get3A_833 = arith.constant 448 : index
    %get3A_834 = tpu.vector_load %arg6[%get3A_833] {strides = array<i32>} : memref<2048xi32, #tpu.memory_space<vmem>>, vector<16xi32>,
    %get3A_835 = vector.shape_cast %get3A_834 : vector<16xi32> to vector<16xi32>
    %add3A_836 = arith.constant 448 : i32
    %add3A_837 = arith.addi %mul3A_2, %add3A_836 : i32
    %shift_right_arithmetic3A_838 = arith.constant 3 : i32
    %shift_right_arithmetic3A_839 = arith.shrsi %add3A_837, %shift_right_arithmetic3A_838 : i32
    %mul3A_840 = arith.constant 16384 : i32
    %mul3A_841 = arith.muli %shift_right_arithmetic3A_839, %mul3A_840 : i32
    %add3A_842 = vector.broadcast %mul3A_841 : i32 to vector<16xi32>
    %add3A_843 = arith.addi %add3A_842, %add3A : vector<16xi32>
    %shift_right_arithmetic3A_844 = arith.constant 7 : i32
    %shift_right_arithmetic3A_845 = vector.broadcast %shift_right_arithmetic3A_844 : i32 to vector<16xi32>
    %shift_right_arithmetic3A_846 = arith.shrsi %get3A_835, %shift_right_arithmetic3A_845 : vector<16xi32>
    %mul3A_847 = arith.constant 1024 : i32
    %mul3A_848 = vector.broadcast %mul3A_847 : i32 to vector<16xi32>
    %mul3A_849 = arith.muli %shift_right_arithmetic3A_846, %mul3A_848 : vector<16xi32>
    %add3A_850 = arith.addi %add3A_843, %mul3A_849 : vector<16xi32>
    %and3A_851 = arith.constant 127 : i32
    %and3A_852 = vector.broadcast %and3A_851 : i32 to vector<16xi32>
    %and3A_853 = arith.andi %get3A_835, %and3A_852 : vector<16xi32>
    %add3A_854 = arith.addi %add3A_850, %and3A_853 : vector<16xi32>
    %swap3A_855 = arith.constant 3 : i32
    %swap3A_856 = arith.index_cast %swap3A_855 : i32 to index
    %swap3A_857 = arith.constant 64 : index
    %swap3A_858 = tpu.vector_load %arg7[%swap3A_856, %swap3A_857] {strides = array<i32>} : memref<16x128xi32, #tpu.memory_space<vmem>>, vector<1x16xi32>,
    %swap3A_859 = vector.shape_cast %swap3A_858 : vector<1x16xi32> to vector<16xi32>
    %swap3A_860 = vector.shape_cast %add3A_854 : vector<16xi32> to vector<1x16xi32>
    tpu.vector_store %arg7[%swap3A_856, %swap3A_857], %swap3A_860 {strides = array<i32>} : memref<16x128xi32, #tpu.memory_space<vmem>>, vector<1x16xi32>,
    %get3A_861 = arith.constant 464 : index
    %get3A_862 = tpu.vector_load %arg6[%get3A_861] {strides = array<i32>} : memref<2048xi32, #tpu.memory_space<vmem>>, vector<16xi32>,
    %get3A_863 = vector.shape_cast %get3A_862 : vector<16xi32> to vector<16xi32>
    %add3A_864 = arith.constant 464 : i32
    %add3A_865 = arith.addi %mul3A_2, %add3A_864 : i32
    %shift_right_arithmetic3A_866 = arith.constant 3 : i32
    %shift_right_arithmetic3A_867 = arith.shrsi %add3A_865, %shift_right_arithmetic3A_866 : i32
    %mul3A_868 = arith.constant 16384 : i32
    %mul3A_869 = arith.muli %shift_right_arithmetic3A_867, %mul3A_868 : i32
    %add3A_870 = vector.broadcast %mul3A_869 : i32 to vector<16xi32>
    %add3A_871 = arith.addi %add3A_870, %add3A : vector<16xi32>
    %shift_right_arithmetic3A_872 = arith.constant 7 : i32
    %shift_right_arithmetic3A_873 = vector.broadcast %shift_right_arithmetic3A_872 : i32 to vector<16xi32>
    %shift_right_arithmetic3A_874 = arith.shrsi %get3A_863, %shift_right_arithmetic3A_873 : vector<16xi32>
    %mul3A_875 = arith.constant 1024 : i32
    %mul3A_876 = vector.broadcast %mul3A_875 : i32 to vector<16xi32>
    %mul3A_877 = arith.muli %shift_right_arithmetic3A_874, %mul3A_876 : vector<16xi32>
    %add3A_878 = arith.addi %add3A_871, %mul3A_877 : vector<16xi32>
    %and3A_879 = arith.constant 127 : i32
    %and3A_880 = vector.broadcast %and3A_879 : i32 to vector<16xi32>
    %and3A_881 = arith.andi %get3A_863, %and3A_880 : vector<16xi32>
    %add3A_882 = arith.addi %add3A_878, %and3A_881 : vector<16xi32>
    %swap3A_883 = arith.constant 3 : i32
    %swap3A_884 = arith.index_cast %swap3A_883 : i32 to index
    %swap3A_885 = arith.constant 80 : index
    %swap3A_886 = tpu.vector_load %arg7[%swap3A_884, %swap3A_885] {strides = array<i32>} : memref<16x128xi32, #tpu.memory_space<vmem>>, vector<1x16xi32>,
    %swap3A_887 = vector.shape_cast %swap3A_886 : vector<1x16xi32> to vector<16xi32>
    %swap3A_888 = vector.shape_cast %add3A_882 : vector<16xi32> to vector<1x16xi32>
    tpu.vector_store %arg7[%swap3A_884, %swap3A_885], %swap3A_888 {strides = array<i32>} : memref<16x128xi32, #tpu.memory_space<vmem>>, vector<1x16xi32>,
    %get3A_889 = arith.constant 480 : index
    %get3A_890 = tpu.vector_load %arg6[%get3A_889] {strides = array<i32>} : memref<2048xi32, #tpu.memory_space<vmem>>, vector<16xi32>,
    %get3A_891 = vector.shape_cast %get3A_890 : vector<16xi32> to vector<16xi32>
    %add3A_892 = arith.constant 480 : i32
    %add3A_893 = arith.addi %mul3A_2, %add3A_892 : i32
    %shift_right_arithmetic3A_894 = arith.constant 3 : i32
    %shift_right_arithmetic3A_895 = arith.shrsi %add3A_893, %shift_right_arithmetic3A_894 : i32
    %mul3A_896 = arith.constant 16384 : i32
    %mul3A_897 = arith.muli %shift_right_arithmetic3A_895, %mul3A_896 : i32
    %add3A_898 = vector.broadcast %mul3A_897 : i32 to vector<16xi32>
    %add3A_899 = arith.addi %add3A_898, %add3A : vector<16xi32>
    %shift_right_arithmetic3A_900 = arith.constant 7 : i32
    %shift_right_arithmetic3A_901 = vector.broadcast %shift_right_arithmetic3A_900 : i32 to vector<16xi32>
    %shift_right_arithmetic3A_902 = arith.shrsi %get3A_891, %shift_right_arithmetic3A_901 : vector<16xi32>
    %mul3A_903 = arith.constant 1024 : i32
    %mul3A_904 = vector.broadcast %mul3A_903 : i32 to vector<16xi32>
    %mul3A_905 = arith.muli %shift_right_arithmetic3A_902, %mul3A_904 : vector<16xi32>
    %add3A_906 = arith.addi %add3A_899, %mul3A_905 : vector<16xi32>
    %and3A_907 = arith.constant 127 : i32
    %and3A_908 = vector.broadcast %and3A_907 : i32 to vector<16xi32>
    %and3A_909 = arith.andi %get3A_891, %and3A_908 : vector<16xi32>
    %add3A_910 = arith.addi %add3A_906, %and3A_909 : vector<16xi32>
    %swap3A_911 = arith.constant 3 : i32
    %swap3A_912 = arith.index_cast %swap3A_911 : i32 to index
    %swap3A_913 = arith.constant 96 : index
    %swap3A_914 = tpu.vector_load %arg7[%swap3A_912, %swap3A_913] {strides = array<i32>} : memref<16x128xi32, #tpu.memory_space<vmem>>, vector<1x16xi32>,
    %swap3A_915 = vector.shape_cast %swap3A_914 : vector<1x16xi32> to vector<16xi32>
    %swap3A_916 = vector.shape_cast %add3A_910 : vector<16xi32> to vector<1x16xi32>
    tpu.vector_store %arg7[%swap3A_912, %swap3A_913], %swap3A_916 {strides = array<i32>} : memref<16x128xi32, #tpu.memory_space<vmem>>, vector<1x16xi32>,
    %get3A_917 = arith.constant 496 : index
    %get3A_918 = tpu.vector_load %arg6[%get3A_917] {strides = array<i32>} : memref<2048xi32, #tpu.memory_space<vmem>>, vector<16xi32>,
    %get3A_919 = vector.shape_cast %get3A_918 : vector<16xi32> to vector<16xi32>
    %add3A_920 = arith.constant 496 : i32
    %add3A_921 = arith.addi %mul3A_2, %add3A_920 : i32
    %shift_right_arithmetic3A_922 = arith.constant 3 : i32
    %shift_right_arithmetic3A_923 = arith.shrsi %add3A_921, %shift_right_arithmetic3A_922 : i32
    %mul3A_924 = arith.constant 16384 : i32
    %mul3A_925 = arith.muli %shift_right_arithmetic3A_923, %mul3A_924 : i32
    %add3A_926 = vector.broadcast %mul3A_925 : i32 to vector<16xi32>
    %add3A_927 = arith.addi %add3A_926, %add3A : vector<16xi32>
    %shift_right_arithmetic3A_928 = arith.constant 7 : i32
    %shift_right_arithmetic3A_929 = vector.broadcast %shift_right_arithmetic3A_928 : i32 to vector<16xi32>
    %shift_right_arithmetic3A_930 = arith.shrsi %get3A_919, %shift_right_arithmetic3A_929 : vector<16xi32>
    %mul3A_931 = arith.constant 1024 : i32
    %mul3A_932 = vector.broadcast %mul3A_931 : i32 to vector<16xi32>
    %mul3A_933 = arith.muli %shift_right_arithmetic3A_930, %mul3A_932 : vector<16xi32>
    %add3A_934 = arith.addi %add3A_927, %mul3A_933 : vector<16xi32>
    %and3A_935 = arith.constant 127 : i32
    %and3A_936 = vector.broadcast %and3A_935 : i32 to vector<16xi32>
    %and3A_937 = arith.andi %get3A_919, %and3A_936 : vector<16xi32>
    %add3A_938 = arith.addi %add3A_934, %and3A_937 : vector<16xi32>
    %swap3A_939 = arith.constant 3 : i32
    %swap3A_940 = arith.index_cast %swap3A_939 : i32 to index
    %swap3A_941 = arith.constant 112 : index
    %swap3A_942 = tpu.vector_load %arg7[%swap3A_940, %swap3A_941] {strides = array<i32>} : memref<16x128xi32, #tpu.memory_space<vmem>>, vector<1x16xi32>,
    %swap3A_943 = vector.shape_cast %swap3A_942 : vector<1x16xi32> to vector<16xi32>
    %swap3A_944 = vector.shape_cast %add3A_938 : vector<16xi32> to vector<1x16xi32>
    tpu.vector_store %arg7[%swap3A_940, %swap3A_941], %swap3A_944 {strides = array<i32>} : memref<16x128xi32, #tpu.memory_space<vmem>>, vector<1x16xi32>,
    %dma_start3A_945 = arith.constant 3 : i32
    %dma_start3A_946 = arith.constant 3 : i32
    %dma_start3A_947 = arith.constant 3 : i32
    %dma_start3A_948 = arith.constant 0 : i32
    %dma_start3A_949 = tpu.memref_slice %arg8[%dma_start3A_946, %dma_start3A_948] : memref<16x128xf32, #tpu.memory_space<vmem>> -> memref<1x128xf32, #tpu.memory_space<vmem>>
    %dma_start3A_950 = tpu.memref_squeeze %dma_start3A_949 : memref<1x128xf32, #tpu.memory_space<vmem>> -> memref<128xf32, #tpu.memory_space<vmem>>
    %dma_start3A_951 = arith.constant 0 : i32
    %dma_start3A_952 = tpu.memref_slice %arg7[%dma_start3A_945, %dma_start3A_951] : memref<16x128xi32, #tpu.memory_space<vmem>> -> memref<1x128xi32, #tpu.memory_space<vmem>>
    %dma_start3A_953 = tpu.memref_squeeze %dma_start3A_952 : memref<1x128xi32, #tpu.memory_space<vmem>> -> memref<128xi32, #tpu.memory_space<vmem>>
    %dma_start3A_954 = arith.constant 0 : i32
    %dma_start3A_955 = tpu.memref_slice %arg2[%dma_start3A_954] : memref<67108864xf32, #tpu.memory_space<hbm>> -> memref<67108864xf32, #tpu.memory_space<hbm>>
    %dma_start3A_956 = tpu.memref_slice %arg12[%dma_start3A_947] : memref<16x!tpu.dma_semaphore, #tpu.memory_space<semaphore_mem>> -> memref<1x!tpu.dma_semaphore, #tpu.memory_space<semaphore_mem>>
    %dma_start3A_957 = tpu.memref_squeeze %dma_start3A_956 : memref<1x!tpu.dma_semaphore, #tpu.memory_space<semaphore_mem>> -> memref<!tpu.dma_semaphore, #tpu.memory_space<semaphore_mem>>
    tpu.enqueue_indirect_dma source(%dma_start3A_955 : memref<67108864xf32, #tpu.memory_space<hbm>>) target(%dma_start3A_950 : memref<128xf32, #tpu.memory_space<vmem>>) offsets(%dma_start3A_953 : memref<128xi32, #tpu.memory_space<vmem>>) semaphore(%dma_start3A_957 : memref<!tpu.dma_semaphore, #tpu.memory_space<semaphore_mem>>)
    %get3A_958 = arith.constant 512 : index
    %get3A_959 = tpu.vector_load %arg6[%get3A_958] {strides = array<i32>} : memref<2048xi32, #tpu.memory_space<vmem>>, vector<16xi32>,
    %get3A_960 = vector.shape_cast %get3A_959 : vector<16xi32> to vector<16xi32>
    %add3A_961 = arith.constant 512 : i32
    %add3A_962 = arith.addi %mul3A_2, %add3A_961 : i32
    %shift_right_arithmetic3A_963 = arith.constant 3 : i32
    %shift_right_arithmetic3A_964 = arith.shrsi %add3A_962, %shift_right_arithmetic3A_963 : i32
    %mul3A_965 = arith.constant 16384 : i32
    %mul3A_966 = arith.muli %shift_right_arithmetic3A_964, %mul3A_965 : i32
    %add3A_967 = vector.broadcast %mul3A_966 : i32 to vector<16xi32>
    %add3A_968 = arith.addi %add3A_967, %add3A : vector<16xi32>
    %shift_right_arithmetic3A_969 = arith.constant 7 : i32
    %shift_right_arithmetic3A_970 = vector.broadcast %shift_right_arithmetic3A_969 : i32 to vector<16xi32>
    %shift_right_arithmetic3A_971 = arith.shrsi %get3A_960, %shift_right_arithmetic3A_970 : vector<16xi32>
    %mul3A_972 = arith.constant 1024 : i32
    %mul3A_973 = vector.broadcast %mul3A_972 : i32 to vector<16xi32>
    %mul3A_974 = arith.muli %shift_right_arithmetic3A_971, %mul3A_973 : vector<16xi32>
    %add3A_975 = arith.addi %add3A_968, %mul3A_974 : vector<16xi32>
    %and3A_976 = arith.constant 127 : i32
    %and3A_977 = vector.broadcast %and3A_976 : i32 to vector<16xi32>
    %and3A_978 = arith.andi %get3A_960, %and3A_977 : vector<16xi32>
    %add3A_979 = arith.addi %add3A_975, %and3A_978 : vector<16xi32>
    %swap3A_980 = arith.constant 4 : i32
    %swap3A_981 = arith.index_cast %swap3A_980 : i32 to index
    %swap3A_982 = arith.constant 0 : index
    %swap3A_983 = tpu.vector_load %arg7[%swap3A_981, %swap3A_982] {strides = array<i32>} : memref<16x128xi32, #tpu.memory_space<vmem>>, vector<1x16xi32>,
    %swap3A_984 = vector.shape_cast %swap3A_983 : vector<1x16xi32> to vector<16xi32>
    %swap3A_985 = vector.shape_cast %add3A_979 : vector<16xi32> to vector<1x16xi32>
    tpu.vector_store %arg7[%swap3A_981, %swap3A_982], %swap3A_985 {strides = array<i32>} : memref<16x128xi32, #tpu.memory_space<vmem>>, vector<1x16xi32>,
    %get3A_986 = arith.constant 528 : index
    %get3A_987 = tpu.vector_load %arg6[%get3A_986] {strides = array<i32>} : memref<2048xi32, #tpu.memory_space<vmem>>, vector<16xi32>,
    %get3A_988 = vector.shape_cast %get3A_987 : vector<16xi32> to vector<16xi32>
    %add3A_989 = arith.constant 528 : i32
    %add3A_990 = arith.addi %mul3A_2, %add3A_989 : i32
    %shift_right_arithmetic3A_991 = arith.constant 3 : i32
    %shift_right_arithmetic3A_992 = arith.shrsi %add3A_990, %shift_right_arithmetic3A_991 : i32
    %mul3A_993 = arith.constant 16384 : i32
    %mul3A_994 = arith.muli %shift_right_arithmetic3A_992, %mul3A_993 : i32
    %add3A_995 = vector.broadcast %mul3A_994 : i32 to vector<16xi32>
    %add3A_996 = arith.addi %add3A_995, %add3A : vector<16xi32>
    %shift_right_arithmetic3A_997 = arith.constant 7 : i32
    %shift_right_arithmetic3A_998 = vector.broadcast %shift_right_arithmetic3A_997 : i32 to vector<16xi32>
    %shift_right_arithmetic3A_999 = arith.shrsi %get3A_988, %shift_right_arithmetic3A_998 : vector<16xi32>
    %mul3A_1000 = arith.constant 1024 : i32
    %mul3A_1001 = vector.broadcast %mul3A_1000 : i32 to vector<16xi32>
    %mul3A_1002 = arith.muli %shift_right_arithmetic3A_999, %mul3A_1001 : vector<16xi32>
    %add3A_1003 = arith.addi %add3A_996, %mul3A_1002 : vector<16xi32>
    %and3A_1004 = arith.constant 127 : i32
    %and3A_1005 = vector.broadcast %and3A_1004 : i32 to vector<16xi32>
    %and3A_1006 = arith.andi %get3A_988, %and3A_1005 : vector<16xi32>
    %add3A_1007 = arith.addi %add3A_1003, %and3A_1006 : vector<16xi32>
    %swap3A_1008 = arith.constant 4 : i32
    %swap3A_1009 = arith.index_cast %swap3A_1008 : i32 to index
    %swap3A_1010 = arith.constant 16 : index
    %swap3A_1011 = tpu.vector_load %arg7[%swap3A_1009, %swap3A_1010] {strides = array<i32>} : memref<16x128xi32, #tpu.memory_space<vmem>>, vector<1x16xi32>,
    %swap3A_1012 = vector.shape_cast %swap3A_1011 : vector<1x16xi32> to vector<16xi32>
    %swap3A_1013 = vector.shape_cast %add3A_1007 : vector<16xi32> to vector<1x16xi32>
    tpu.vector_store %arg7[%swap3A_1009, %swap3A_1010], %swap3A_1013 {strides = array<i32>} : memref<16x128xi32, #tpu.memory_space<vmem>>, vector<1x16xi32>,
    %get3A_1014 = arith.constant 544 : index
    %get3A_1015 = tpu.vector_load %arg6[%get3A_1014] {strides = array<i32>} : memref<2048xi32, #tpu.memory_space<vmem>>, vector<16xi32>,
    %get3A_1016 = vector.shape_cast %get3A_1015 : vector<16xi32> to vector<16xi32>
    %add3A_1017 = arith.constant 544 : i32
    %add3A_1018 = arith.addi %mul3A_2, %add3A_1017 : i32
    %shift_right_arithmetic3A_1019 = arith.constant 3 : i32
    %shift_right_arithmetic3A_1020 = arith.shrsi %add3A_1018, %shift_right_arithmetic3A_1019 : i32
    %mul3A_1021 = arith.constant 16384 : i32
    %mul3A_1022 = arith.muli %shift_right_arithmetic3A_1020, %mul3A_1021 : i32
    %add3A_1023 = vector.broadcast %mul3A_1022 : i32 to vector<16xi32>
    %add3A_1024 = arith.addi %add3A_1023, %add3A : vector<16xi32>
    %shift_right_arithmetic3A_1025 = arith.constant 7 : i32
    %shift_right_arithmetic3A_1026 = vector.broadcast %shift_right_arithmetic3A_1025 : i32 to vector<16xi32>
    %shift_right_arithmetic3A_1027 = arith.shrsi %get3A_1016, %shift_right_arithmetic3A_1026 : vector<16xi32>
    %mul3A_1028 = arith.constant 1024 : i32
    %mul3A_1029 = vector.broadcast %mul3A_1028 : i32 to vector<16xi32>
    %mul3A_1030 = arith.muli %shift_right_arithmetic3A_1027, %mul3A_1029 : vector<16xi32>
    %add3A_1031 = arith.addi %add3A_1024, %mul3A_1030 : vector<16xi32>
    %and3A_1032 = arith.constant 127 : i32
    %and3A_1033 = vector.broadcast %and3A_1032 : i32 to vector<16xi32>
    %and3A_1034 = arith.andi %get3A_1016, %and3A_1033 : vector<16xi32>
    %add3A_1035 = arith.addi %add3A_1031, %and3A_1034 : vector<16xi32>
    %swap3A_1036 = arith.constant 4 : i32
    %swap3A_1037 = arith.index_cast %swap3A_1036 : i32 to index
    %swap3A_1038 = arith.constant 32 : index
    %swap3A_1039 = tpu.vector_load %arg7[%swap3A_1037, %swap3A_1038] {strides = array<i32>} : memref<16x128xi32, #tpu.memory_space<vmem>>, vector<1x16xi32>,
    %swap3A_1040 = vector.shape_cast %swap3A_1039 : vector<1x16xi32> to vector<16xi32>
    %swap3A_1041 = vector.shape_cast %add3A_1035 : vector<16xi32> to vector<1x16xi32>
    tpu.vector_store %arg7[%swap3A_1037, %swap3A_1038], %swap3A_1041 {strides = array<i32>} : memref<16x128xi32, #tpu.memory_space<vmem>>, vector<1x16xi32>,
    %get3A_1042 = arith.constant 560 : index
    %get3A_1043 = tpu.vector_load %arg6[%get3A_1042] {strides = array<i32>} : memref<2048xi32, #tpu.memory_space<vmem>>, vector<16xi32>,
    %get3A_1044 = vector.shape_cast %get3A_1043 : vector<16xi32> to vector<16xi32>
    %add3A_1045 = arith.constant 560 : i32
    %add3A_1046 = arith.addi %mul3A_2, %add3A_1045 : i32
    %shift_right_arithmetic3A_1047 = arith.constant 3 : i32
    %shift_right_arithmetic3A_1048 = arith.shrsi %add3A_1046, %shift_right_arithmetic3A_1047 : i32
    %mul3A_1049 = arith.constant 16384 : i32
    %mul3A_1050 = arith.muli %shift_right_arithmetic3A_1048, %mul3A_1049 : i32
    %add3A_1051 = vector.broadcast %mul3A_1050 : i32 to vector<16xi32>
    %add3A_1052 = arith.addi %add3A_1051, %add3A : vector<16xi32>
    %shift_right_arithmetic3A_1053 = arith.constant 7 : i32
    %shift_right_arithmetic3A_1054 = vector.broadcast %shift_right_arithmetic3A_1053 : i32 to vector<16xi32>
    %shift_right_arithmetic3A_1055 = arith.shrsi %get3A_1044, %shift_right_arithmetic3A_1054 : vector<16xi32>
    %mul3A_1056 = arith.constant 1024 : i32
    %mul3A_1057 = vector.broadcast %mul3A_1056 : i32 to vector<16xi32>
    %mul3A_1058 = arith.muli %shift_right_arithmetic3A_1055, %mul3A_1057 : vector<16xi32>
    %add3A_1059 = arith.addi %add3A_1052, %mul3A_1058 : vector<16xi32>
    %and3A_1060 = arith.constant 127 : i32
    %and3A_1061 = vector.broadcast %and3A_1060 : i32 to vector<16xi32>
    %and3A_1062 = arith.andi %get3A_1044, %and3A_1061 : vector<16xi32>
    %add3A_1063 = arith.addi %add3A_1059, %and3A_1062 : vector<16xi32>
    %swap3A_1064 = arith.constant 4 : i32
    %swap3A_1065 = arith.index_cast %swap3A_1064 : i32 to index
    %swap3A_1066 = arith.constant 48 : index
    %swap3A_1067 = tpu.vector_load %arg7[%swap3A_1065, %swap3A_1066] {strides = array<i32>} : memref<16x128xi32, #tpu.memory_space<vmem>>, vector<1x16xi32>,
    %swap3A_1068 = vector.shape_cast %swap3A_1067 : vector<1x16xi32> to vector<16xi32>
    %swap3A_1069 = vector.shape_cast %add3A_1063 : vector<16xi32> to vector<1x16xi32>
    tpu.vector_store %arg7[%swap3A_1065, %swap3A_1066], %swap3A_1069 {strides = array<i32>} : memref<16x128xi32, #tpu.memory_space<vmem>>, vector<1x16xi32>,
    %get3A_1070 = arith.constant 576 : index
    %get3A_1071 = tpu.vector_load %arg6[%get3A_1070] {strides = array<i32>} : memref<2048xi32, #tpu.memory_space<vmem>>, vector<16xi32>,
    %get3A_1072 = vector.shape_cast %get3A_1071 : vector<16xi32> to vector<16xi32>
    %add3A_1073 = arith.constant 576 : i32
    %add3A_1074 = arith.addi %mul3A_2, %add3A_1073 : i32
    %shift_right_arithmetic3A_1075 = arith.constant 3 : i32
    %shift_right_arithmetic3A_1076 = arith.shrsi %add3A_1074, %shift_right_arithmetic3A_1075 : i32
    %mul3A_1077 = arith.constant 16384 : i32
    %mul3A_1078 = arith.muli %shift_right_arithmetic3A_1076, %mul3A_1077 : i32
    %add3A_1079 = vector.broadcast %mul3A_1078 : i32 to vector<16xi32>
    %add3A_1080 = arith.addi %add3A_1079, %add3A : vector<16xi32>
    %shift_right_arithmetic3A_1081 = arith.constant 7 : i32
    %shift_right_arithmetic3A_1082 = vector.broadcast %shift_right_arithmetic3A_1081 : i32 to vector<16xi32>
    %shift_right_arithmetic3A_1083 = arith.shrsi %get3A_1072, %shift_right_arithmetic3A_1082 : vector<16xi32>
    %mul3A_1084 = arith.constant 1024 : i32
    %mul3A_1085 = vector.broadcast %mul3A_1084 : i32 to vector<16xi32>
    %mul3A_1086 = arith.muli %shift_right_arithmetic3A_1083, %mul3A_1085 : vector<16xi32>
    %add3A_1087 = arith.addi %add3A_1080, %mul3A_1086 : vector<16xi32>
    %and3A_1088 = arith.constant 127 : i32
    %and3A_1089 = vector.broadcast %and3A_1088 : i32 to vector<16xi32>
    %and3A_1090 = arith.andi %get3A_1072, %and3A_1089 : vector<16xi32>
    %add3A_1091 = arith.addi %add3A_1087, %and3A_1090 : vector<16xi32>
    %swap3A_1092 = arith.constant 4 : i32
    %swap3A_1093 = arith.index_cast %swap3A_1092 : i32 to index
    %swap3A_1094 = arith.constant 64 : index
    %swap3A_1095 = tpu.vector_load %arg7[%swap3A_1093, %swap3A_1094] {strides = array<i32>} : memref<16x128xi32, #tpu.memory_space<vmem>>, vector<1x16xi32>,
    %swap3A_1096 = vector.shape_cast %swap3A_1095 : vector<1x16xi32> to vector<16xi32>
    %swap3A_1097 = vector.shape_cast %add3A_1091 : vector<16xi32> to vector<1x16xi32>
    tpu.vector_store %arg7[%swap3A_1093, %swap3A_1094], %swap3A_1097 {strides = array<i32>} : memref<16x128xi32, #tpu.memory_space<vmem>>, vector<1x16xi32>,
    %get3A_1098 = arith.constant 592 : index
    %get3A_1099 = tpu.vector_load %arg6[%get3A_1098] {strides = array<i32>} : memref<2048xi32, #tpu.memory_space<vmem>>, vector<16xi32>,
    %get3A_1100 = vector.shape_cast %get3A_1099 : vector<16xi32> to vector<16xi32>
    %add3A_1101 = arith.constant 592 : i32
    %add3A_1102 = arith.addi %mul3A_2, %add3A_1101 : i32
    %shift_right_arithmetic3A_1103 = arith.constant 3 : i32
    %shift_right_arithmetic3A_1104 = arith.shrsi %add3A_1102, %shift_right_arithmetic3A_1103 : i32
    %mul3A_1105 = arith.constant 16384 : i32
    %mul3A_1106 = arith.muli %shift_right_arithmetic3A_1104, %mul3A_1105 : i32
    %add3A_1107 = vector.broadcast %mul3A_1106 : i32 to vector<16xi32>
    %add3A_1108 = arith.addi %add3A_1107, %add3A : vector<16xi32>
    %shift_right_arithmetic3A_1109 = arith.constant 7 : i32
    %shift_right_arithmetic3A_1110 = vector.broadcast %shift_right_arithmetic3A_1109 : i32 to vector<16xi32>
    %shift_right_arithmetic3A_1111 = arith.shrsi %get3A_1100, %shift_right_arithmetic3A_1110 : vector<16xi32>
    %mul3A_1112 = arith.constant 1024 : i32
    %mul3A_1113 = vector.broadcast %mul3A_1112 : i32 to vector<16xi32>
    %mul3A_1114 = arith.muli %shift_right_arithmetic3A_1111, %mul3A_1113 : vector<16xi32>
    %add3A_1115 = arith.addi %add3A_1108, %mul3A_1114 : vector<16xi32>
    %and3A_1116 = arith.constant 127 : i32
    %and3A_1117 = vector.broadcast %and3A_1116 : i32 to vector<16xi32>
    %and3A_1118 = arith.andi %get3A_1100, %and3A_1117 : vector<16xi32>
    %add3A_1119 = arith.addi %add3A_1115, %and3A_1118 : vector<16xi32>
    %swap3A_1120 = arith.constant 4 : i32
    %swap3A_1121 = arith.index_cast %swap3A_1120 : i32 to index
    %swap3A_1122 = arith.constant 80 : index
    %swap3A_1123 = tpu.vector_load %arg7[%swap3A_1121, %swap3A_1122] {strides = array<i32>} : memref<16x128xi32, #tpu.memory_space<vmem>>, vector<1x16xi32>,
    %swap3A_1124 = vector.shape_cast %swap3A_1123 : vector<1x16xi32> to vector<16xi32>
    %swap3A_1125 = vector.shape_cast %add3A_1119 : vector<16xi32> to vector<1x16xi32>
    tpu.vector_store %arg7[%swap3A_1121, %swap3A_1122], %swap3A_1125 {strides = array<i32>} : memref<16x128xi32, #tpu.memory_space<vmem>>, vector<1x16xi32>,
    %get3A_1126 = arith.constant 608 : index
    %get3A_1127 = tpu.vector_load %arg6[%get3A_1126] {strides = array<i32>} : memref<2048xi32, #tpu.memory_space<vmem>>, vector<16xi32>,
    %get3A_1128 = vector.shape_cast %get3A_1127 : vector<16xi32> to vector<16xi32>
    %add3A_1129 = arith.constant 608 : i32
    %add3A_1130 = arith.addi %mul3A_2, %add3A_1129 : i32
    %shift_right_arithmetic3A_1131 = arith.constant 3 : i32
    %shift_right_arithmetic3A_1132 = arith.shrsi %add3A_1130, %shift_right_arithmetic3A_1131 : i32
    %mul3A_1133 = arith.constant 16384 : i32
    %mul3A_1134 = arith.muli %shift_right_arithmetic3A_1132, %mul3A_1133 : i32
    %add3A_1135 = vector.broadcast %mul3A_1134 : i32 to vector<16xi32>
    %add3A_1136 = arith.addi %add3A_1135, %add3A : vector<16xi32>
    %shift_right_arithmetic3A_1137 = arith.constant 7 : i32
    %shift_right_arithmetic3A_1138 = vector.broadcast %shift_right_arithmetic3A_1137 : i32 to vector<16xi32>
    %shift_right_arithmetic3A_1139 = arith.shrsi %get3A_1128, %shift_right_arithmetic3A_1138 : vector<16xi32>
    %mul3A_1140 = arith.constant 1024 : i32
    %mul3A_1141 = vector.broadcast %mul3A_1140 : i32 to vector<16xi32>
    %mul3A_1142 = arith.muli %shift_right_arithmetic3A_1139, %mul3A_1141 : vector<16xi32>
    %add3A_1143 = arith.addi %add3A_1136, %mul3A_1142 : vector<16xi32>
    %and3A_1144 = arith.constant 127 : i32
    %and3A_1145 = vector.broadcast %and3A_1144 : i32 to vector<16xi32>
    %and3A_1146 = arith.andi %get3A_1128, %and3A_1145 : vector<16xi32>
    %add3A_1147 = arith.addi %add3A_1143, %and3A_1146 : vector<16xi32>
    %swap3A_1148 = arith.constant 4 : i32
    %swap3A_1149 = arith.index_cast %swap3A_1148 : i32 to index
    %swap3A_1150 = arith.constant 96 : index
    %swap3A_1151 = tpu.vector_load %arg7[%swap3A_1149, %swap3A_1150] {strides = array<i32>} : memref<16x128xi32, #tpu.memory_space<vmem>>, vector<1x16xi32>,
    %swap3A_1152 = vector.shape_cast %swap3A_1151 : vector<1x16xi32> to vector<16xi32>
    %swap3A_1153 = vector.shape_cast %add3A_1147 : vector<16xi32> to vector<1x16xi32>
    tpu.vector_store %arg7[%swap3A_1149, %swap3A_1150], %swap3A_1153 {strides = array<i32>} : memref<16x128xi32, #tpu.memory_space<vmem>>, vector<1x16xi32>,
    %get3A_1154 = arith.constant 624 : index
    %get3A_1155 = tpu.vector_load %arg6[%get3A_1154] {strides = array<i32>} : memref<2048xi32, #tpu.memory_space<vmem>>, vector<16xi32>,
    %get3A_1156 = vector.shape_cast %get3A_1155 : vector<16xi32> to vector<16xi32>
    %add3A_1157 = arith.constant 624 : i32
    %add3A_1158 = arith.addi %mul3A_2, %add3A_1157 : i32
    %shift_right_arithmetic3A_1159 = arith.constant 3 : i32
    %shift_right_arithmetic3A_1160 = arith.shrsi %add3A_1158, %shift_right_arithmetic3A_1159 : i32
    %mul3A_1161 = arith.constant 16384 : i32
    %mul3A_1162 = arith.muli %shift_right_arithmetic3A_1160, %mul3A_1161 : i32
    %add3A_1163 = vector.broadcast %mul3A_1162 : i32 to vector<16xi32>
    %add3A_1164 = arith.addi %add3A_1163, %add3A : vector<16xi32>
    %shift_right_arithmetic3A_1165 = arith.constant 7 : i32
    %shift_right_arithmetic3A_1166 = vector.broadcast %shift_right_arithmetic3A_1165 : i32 to vector<16xi32>
    %shift_right_arithmetic3A_1167 = arith.shrsi %get3A_1156, %shift_right_arithmetic3A_1166 : vector<16xi32>
    %mul3A_1168 = arith.constant 1024 : i32
    %mul3A_1169 = vector.broadcast %mul3A_1168 : i32 to vector<16xi32>
    %mul3A_1170 = arith.muli %shift_right_arithmetic3A_1167, %mul3A_1169 : vector<16xi32>
    %add3A_1171 = arith.addi %add3A_1164, %mul3A_1170 : vector<16xi32>
    %and3A_1172 = arith.constant 127 : i32
    %and3A_1173 = vector.broadcast %and3A_1172 : i32 to vector<16xi32>
    %and3A_1174 = arith.andi %get3A_1156, %and3A_1173 : vector<16xi32>
    %add3A_1175 = arith.addi %add3A_1171, %and3A_1174 : vector<16xi32>
    %swap3A_1176 = arith.constant 4 : i32
    %swap3A_1177 = arith.index_cast %swap3A_1176 : i32 to index
    %swap3A_1178 = arith.constant 112 : index
    %swap3A_1179 = tpu.vector_load %arg7[%swap3A_1177, %swap3A_1178] {strides = array<i32>} : memref<16x128xi32, #tpu.memory_space<vmem>>, vector<1x16xi32>,
    %swap3A_1180 = vector.shape_cast %swap3A_1179 : vector<1x16xi32> to vector<16xi32>
    %swap3A_1181 = vector.shape_cast %add3A_1175 : vector<16xi32> to vector<1x16xi32>
    tpu.vector_store %arg7[%swap3A_1177, %swap3A_1178], %swap3A_1181 {strides = array<i32>} : memref<16x128xi32, #tpu.memory_space<vmem>>, vector<1x16xi32>,
    %dma_start3A_1182 = arith.constant 4 : i32
    %dma_start3A_1183 = arith.constant 4 : i32
    %dma_start3A_1184 = arith.constant 4 : i32
    %dma_start3A_1185 = arith.constant 0 : i32
    %dma_start3A_1186 = tpu.memref_slice %arg8[%dma_start3A_1183, %dma_start3A_1185] : memref<16x128xf32, #tpu.memory_space<vmem>> -> memref<1x128xf32, #tpu.memory_space<vmem>>
    %dma_start3A_1187 = tpu.memref_squeeze %dma_start3A_1186 : memref<1x128xf32, #tpu.memory_space<vmem>> -> memref<128xf32, #tpu.memory_space<vmem>>
    %dma_start3A_1188 = arith.constant 0 : i32
    %dma_start3A_1189 = tpu.memref_slice %arg7[%dma_start3A_1182, %dma_start3A_1188] : memref<16x128xi32, #tpu.memory_space<vmem>> -> memref<1x128xi32, #tpu.memory_space<vmem>>
    %dma_start3A_1190 = tpu.memref_squeeze %dma_start3A_1189 : memref<1x128xi32, #tpu.memory_space<vmem>> -> memref<128xi32, #tpu.memory_space<vmem>>
    %dma_start3A_1191 = arith.constant 0 : i32
    %dma_start3A_1192 = tpu.memref_slice %arg2[%dma_start3A_1191] : memref<67108864xf32, #tpu.memory_space<hbm>> -> memref<67108864xf32, #tpu.memory_space<hbm>>
    %dma_start3A_1193 = tpu.memref_slice %arg12[%dma_start3A_1184] : memref<16x!tpu.dma_semaphore, #tpu.memory_space<semaphore_mem>> -> memref<1x!tpu.dma_semaphore, #tpu.memory_space<semaphore_mem>>
    %dma_start3A_1194 = tpu.memref_squeeze %dma_start3A_1193 : memref<1x!tpu.dma_semaphore, #tpu.memory_space<semaphore_mem>> -> memref<!tpu.dma_semaphore, #tpu.memory_space<semaphore_mem>>
    tpu.enqueue_indirect_dma source(%dma_start3A_1192 : memref<67108864xf32, #tpu.memory_space<hbm>>) target(%dma_start3A_1187 : memref<128xf32, #tpu.memory_space<vmem>>) offsets(%dma_start3A_1190 : memref<128xi32, #tpu.memory_space<vmem>>) semaphore(%dma_start3A_1194 : memref<!tpu.dma_semaphore, #tpu.memory_space<semaphore_mem>>)
    %get3A_1195 = arith.constant 640 : index
    %get3A_1196 = tpu.vector_load %arg6[%get3A_1195] {strides = array<i32>} : memref<2048xi32, #tpu.memory_space<vmem>>, vector<16xi32>,
    %get3A_1197 = vector.shape_cast %get3A_1196 : vector<16xi32> to vector<16xi32>
    %add3A_1198 = arith.constant 640 : i32
    %add3A_1199 = arith.addi %mul3A_2, %add3A_1198 : i32
    %shift_right_arithmetic3A_1200 = arith.constant 3 : i32
    %shift_right_arithmetic3A_1201 = arith.shrsi %add3A_1199, %shift_right_arithmetic3A_1200 : i32
    %mul3A_1202 = arith.constant 16384 : i32
    %mul3A_1203 = arith.muli %shift_right_arithmetic3A_1201, %mul3A_1202 : i32
    %add3A_1204 = vector.broadcast %mul3A_1203 : i32 to vector<16xi32>
    %add3A_1205 = arith.addi %add3A_1204, %add3A : vector<16xi32>
    %shift_right_arithmetic3A_1206 = arith.constant 7 : i32
    %shift_right_arithmetic3A_1207 = vector.broadcast %shift_right_arithmetic3A_1206 : i32 to vector<16xi32>
    %shift_right_arithmetic3A_1208 = arith.shrsi %get3A_1197, %shift_right_arithmetic3A_1207 : vector<16xi32>
    %mul3A_1209 = arith.constant 1024 : i32
    %mul3A_1210 = vector.broadcast %mul3A_1209 : i32 to vector<16xi32>
    %mul3A_1211 = arith.muli %shift_right_arithmetic3A_1208, %mul3A_1210 : vector<16xi32>
    %add3A_1212 = arith.addi %add3A_1205, %mul3A_1211 : vector<16xi32>
    %and3A_1213 = arith.constant 127 : i32
    %and3A_1214 = vector.broadcast %and3A_1213 : i32 to vector<16xi32>
    %and3A_1215 = arith.andi %get3A_1197, %and3A_1214 : vector<16xi32>
    %add3A_1216 = arith.addi %add3A_1212, %and3A_1215 : vector<16xi32>
    %swap3A_1217 = arith.constant 5 : i32
    %swap3A_1218 = arith.index_cast %swap3A_1217 : i32 to index
    %swap3A_1219 = arith.constant 0 : index
    %swap3A_1220 = tpu.vector_load %arg7[%swap3A_1218, %swap3A_1219] {strides = array<i32>} : memref<16x128xi32, #tpu.memory_space<vmem>>, vector<1x16xi32>,
    %swap3A_1221 = vector.shape_cast %swap3A_1220 : vector<1x16xi32> to vector<16xi32>
    %swap3A_1222 = vector.shape_cast %add3A_1216 : vector<16xi32> to vector<1x16xi32>
    tpu.vector_store %arg7[%swap3A_1218, %swap3A_1219], %swap3A_1222 {strides = array<i32>} : memref<16x128xi32, #tpu.memory_space<vmem>>, vector<1x16xi32>,
    %get3A_1223 = arith.constant 656 : index
    %get3A_1224 = tpu.vector_load %arg6[%get3A_1223] {strides = array<i32>} : memref<2048xi32, #tpu.memory_space<vmem>>, vector<16xi32>,
    %get3A_1225 = vector.shape_cast %get3A_1224 : vector<16xi32> to vector<16xi32>
    %add3A_1226 = arith.constant 656 : i32
    %add3A_1227 = arith.addi %mul3A_2, %add3A_1226 : i32
    %shift_right_arithmetic3A_1228 = arith.constant 3 : i32
    %shift_right_arithmetic3A_1229 = arith.shrsi %add3A_1227, %shift_right_arithmetic3A_1228 : i32
    %mul3A_1230 = arith.constant 16384 : i32
    %mul3A_1231 = arith.muli %shift_right_arithmetic3A_1229, %mul3A_1230 : i32
    %add3A_1232 = vector.broadcast %mul3A_1231 : i32 to vector<16xi32>
    %add3A_1233 = arith.addi %add3A_1232, %add3A : vector<16xi32>
    %shift_right_arithmetic3A_1234 = arith.constant 7 : i32
    %shift_right_arithmetic3A_1235 = vector.broadcast %shift_right_arithmetic3A_1234 : i32 to vector<16xi32>
    %shift_right_arithmetic3A_1236 = arith.shrsi %get3A_1225, %shift_right_arithmetic3A_1235 : vector<16xi32>
    %mul3A_1237 = arith.constant 1024 : i32
    %mul3A_1238 = vector.broadcast %mul3A_1237 : i32 to vector<16xi32>
    %mul3A_1239 = arith.muli %shift_right_arithmetic3A_1236, %mul3A_1238 : vector<16xi32>
    %add3A_1240 = arith.addi %add3A_1233, %mul3A_1239 : vector<16xi32>
    %and3A_1241 = arith.constant 127 : i32
    %and3A_1242 = vector.broadcast %and3A_1241 : i32 to vector<16xi32>
    %and3A_1243 = arith.andi %get3A_1225, %and3A_1242 : vector<16xi32>
    %add3A_1244 = arith.addi %add3A_1240, %and3A_1243 : vector<16xi32>
    %swap3A_1245 = arith.constant 5 : i32
    %swap3A_1246 = arith.index_cast %swap3A_1245 : i32 to index
    %swap3A_1247 = arith.constant 16 : index
    %swap3A_1248 = tpu.vector_load %arg7[%swap3A_1246, %swap3A_1247] {strides = array<i32>} : memref<16x128xi32, #tpu.memory_space<vmem>>, vector<1x16xi32>,
    %swap3A_1249 = vector.shape_cast %swap3A_1248 : vector<1x16xi32> to vector<16xi32>
    %swap3A_1250 = vector.shape_cast %add3A_1244 : vector<16xi32> to vector<1x16xi32>
    tpu.vector_store %arg7[%swap3A_1246, %swap3A_1247], %swap3A_1250 {strides = array<i32>} : memref<16x128xi32, #tpu.memory_space<vmem>>, vector<1x16xi32>,
    %get3A_1251 = arith.constant 672 : index
    %get3A_1252 = tpu.vector_load %arg6[%get3A_1251] {strides = array<i32>} : memref<2048xi32, #tpu.memory_space<vmem>>, vector<16xi32>,
    %get3A_1253 = vector.shape_cast %get3A_1252 : vector<16xi32> to vector<16xi32>
    %add3A_1254 = arith.constant 672 : i32
    %add3A_1255 = arith.addi %mul3A_2, %add3A_1254 : i32
    %shift_right_arithmetic3A_1256 = arith.constant 3 : i32
    %shift_right_arithmetic3A_1257 = arith.shrsi %add3A_1255, %shift_right_arithmetic3A_1256 : i32
    %mul3A_1258 = arith.constant 16384 : i32
    %mul3A_1259 = arith.muli %shift_right_arithmetic3A_1257, %mul3A_1258 : i32
    %add3A_1260 = vector.broadcast %mul3A_1259 : i32 to vector<16xi32>
    %add3A_1261 = arith.addi %add3A_1260, %add3A : vector<16xi32>
    %shift_right_arithmetic3A_1262 = arith.constant 7 : i32
    %shift_right_arithmetic3A_1263 = vector.broadcast %shift_right_arithmetic3A_1262 : i32 to vector<16xi32>
    %shift_right_arithmetic3A_1264 = arith.shrsi %get3A_1253, %shift_right_arithmetic3A_1263 : vector<16xi32>
    %mul3A_1265 = arith.constant 1024 : i32
    %mul3A_1266 = vector.broadcast %mul3A_1265 : i32 to vector<16xi32>
    %mul3A_1267 = arith.muli %shift_right_arithmetic3A_1264, %mul3A_1266 : vector<16xi32>
    %add3A_1268 = arith.addi %add3A_1261, %mul3A_1267 : vector<16xi32>
    %and3A_1269 = arith.constant 127 : i32
    %and3A_1270 = vector.broadcast %and3A_1269 : i32 to vector<16xi32>
    %and3A_1271 = arith.andi %get3A_1253, %and3A_1270 : vector<16xi32>
    %add3A_1272 = arith.addi %add3A_1268, %and3A_1271 : vector<16xi32>
    %swap3A_1273 = arith.constant 5 : i32
    %swap3A_1274 = arith.index_cast %swap3A_1273 : i32 to index
    %swap3A_1275 = arith.constant 32 : index
    %swap3A_1276 = tpu.vector_load %arg7[%swap3A_1274, %swap3A_1275] {strides = array<i32>} : memref<16x128xi32, #tpu.memory_space<vmem>>, vector<1x16xi32>,
    %swap3A_1277 = vector.shape_cast %swap3A_1276 : vector<1x16xi32> to vector<16xi32>
    %swap3A_1278 = vector.shape_cast %add3A_1272 : vector<16xi32> to vector<1x16xi32>
    tpu.vector_store %arg7[%swap3A_1274, %swap3A_1275], %swap3A_1278 {strides = array<i32>} : memref<16x128xi32, #tpu.memory_space<vmem>>, vector<1x16xi32>,
    %get3A_1279 = arith.constant 688 : index
    %get3A_1280 = tpu.vector_load %arg6[%get3A_1279] {strides = array<i32>} : memref<2048xi32, #tpu.memory_space<vmem>>, vector<16xi32>,
    %get3A_1281 = vector.shape_cast %get3A_1280 : vector<16xi32> to vector<16xi32>
    %add3A_1282 = arith.constant 688 : i32
    %add3A_1283 = arith.addi %mul3A_2, %add3A_1282 : i32
    %shift_right_arithmetic3A_1284 = arith.constant 3 : i32
    %shift_right_arithmetic3A_1285 = arith.shrsi %add3A_1283, %shift_right_arithmetic3A_1284 : i32
    %mul3A_1286 = arith.constant 16384 : i32
    %mul3A_1287 = arith.muli %shift_right_arithmetic3A_1285, %mul3A_1286 : i32
    %add3A_1288 = vector.broadcast %mul3A_1287 : i32 to vector<16xi32>
    %add3A_1289 = arith.addi %add3A_1288, %add3A : vector<16xi32>
    %shift_right_arithmetic3A_1290 = arith.constant 7 : i32
    %shift_right_arithmetic3A_1291 = vector.broadcast %shift_right_arithmetic3A_1290 : i32 to vector<16xi32>
    %shift_right_arithmetic3A_1292 = arith.shrsi %get3A_1281, %shift_right_arithmetic3A_1291 : vector<16xi32>
    %mul3A_1293 = arith.constant 1024 : i32
    %mul3A_1294 = vector.broadcast %mul3A_1293 : i32 to vector<16xi32>
    %mul3A_1295 = arith.muli %shift_right_arithmetic3A_1292, %mul3A_1294 : vector<16xi32>
    %add3A_1296 = arith.addi %add3A_1289, %mul3A_1295 : vector<16xi32>
    %and3A_1297 = arith.constant 127 : i32
    %and3A_1298 = vector.broadcast %and3A_1297 : i32 to vector<16xi32>
    %and3A_1299 = arith.andi %get3A_1281, %and3A_1298 : vector<16xi32>
    %add3A_1300 = arith.addi %add3A_1296, %and3A_1299 : vector<16xi32>
    %swap3A_1301 = arith.constant 5 : i32
    %swap3A_1302 = arith.index_cast %swap3A_1301 : i32 to index
    %swap3A_1303 = arith.constant 48 : index
    %swap3A_1304 = tpu.vector_load %arg7[%swap3A_1302, %swap3A_1303] {strides = array<i32>} : memref<16x128xi32, #tpu.memory_space<vmem>>, vector<1x16xi32>,
    %swap3A_1305 = vector.shape_cast %swap3A_1304 : vector<1x16xi32> to vector<16xi32>
    %swap3A_1306 = vector.shape_cast %add3A_1300 : vector<16xi32> to vector<1x16xi32>
    tpu.vector_store %arg7[%swap3A_1302, %swap3A_1303], %swap3A_1306 {strides = array<i32>} : memref<16x128xi32, #tpu.memory_space<vmem>>, vector<1x16xi32>,
    %get3A_1307 = arith.constant 704 : index
    %get3A_1308 = tpu.vector_load %arg6[%get3A_1307] {strides = array<i32>} : memref<2048xi32, #tpu.memory_space<vmem>>, vector<16xi32>,
    %get3A_1309 = vector.shape_cast %get3A_1308 : vector<16xi32> to vector<16xi32>
    %add3A_1310 = arith.constant 704 : i32
    %add3A_1311 = arith.addi %mul3A_2, %add3A_1310 : i32
    %shift_right_arithmetic3A_1312 = arith.constant 3 : i32
    %shift_right_arithmetic3A_1313 = arith.shrsi %add3A_1311, %shift_right_arithmetic3A_1312 : i32
    %mul3A_1314 = arith.constant 16384 : i32
    %mul3A_1315 = arith.muli %shift_right_arithmetic3A_1313, %mul3A_1314 : i32
    %add3A_1316 = vector.broadcast %mul3A_1315 : i32 to vector<16xi32>
    %add3A_1317 = arith.addi %add3A_1316, %add3A : vector<16xi32>
    %shift_right_arithmetic3A_1318 = arith.constant 7 : i32
    %shift_right_arithmetic3A_1319 = vector.broadcast %shift_right_arithmetic3A_1318 : i32 to vector<16xi32>
    %shift_right_arithmetic3A_1320 = arith.shrsi %get3A_1309, %shift_right_arithmetic3A_1319 : vector<16xi32>
    %mul3A_1321 = arith.constant 1024 : i32
    %mul3A_1322 = vector.broadcast %mul3A_1321 : i32 to vector<16xi32>
    %mul3A_1323 = arith.muli %shift_right_arithmetic3A_1320, %mul3A_1322 : vector<16xi32>
    %add3A_1324 = arith.addi %add3A_1317, %mul3A_1323 : vector<16xi32>
    %and3A_1325 = arith.constant 127 : i32
    %and3A_1326 = vector.broadcast %and3A_1325 : i32 to vector<16xi32>
    %and3A_1327 = arith.andi %get3A_1309, %and3A_1326 : vector<16xi32>
    %add3A_1328 = arith.addi %add3A_1324, %and3A_1327 : vector<16xi32>
    %swap3A_1329 = arith.constant 5 : i32
    %swap3A_1330 = arith.index_cast %swap3A_1329 : i32 to index
    %swap3A_1331 = arith.constant 64 : index
    %swap3A_1332 = tpu.vector_load %arg7[%swap3A_1330, %swap3A_1331] {strides = array<i32>} : memref<16x128xi32, #tpu.memory_space<vmem>>, vector<1x16xi32>,
    %swap3A_1333 = vector.shape_cast %swap3A_1332 : vector<1x16xi32> to vector<16xi32>
    %swap3A_1334 = vector.shape_cast %add3A_1328 : vector<16xi32> to vector<1x16xi32>
    tpu.vector_store %arg7[%swap3A_1330, %swap3A_1331], %swap3A_1334 {strides = array<i32>} : memref<16x128xi32, #tpu.memory_space<vmem>>, vector<1x16xi32>,
    %get3A_1335 = arith.constant 720 : index
    %get3A_1336 = tpu.vector_load %arg6[%get3A_1335] {strides = array<i32>} : memref<2048xi32, #tpu.memory_space<vmem>>, vector<16xi32>,
    %get3A_1337 = vector.shape_cast %get3A_1336 : vector<16xi32> to vector<16xi32>
    %add3A_1338 = arith.constant 720 : i32
    %add3A_1339 = arith.addi %mul3A_2, %add3A_1338 : i32
    %shift_right_arithmetic3A_1340 = arith.constant 3 : i32
    %shift_right_arithmetic3A_1341 = arith.shrsi %add3A_1339, %shift_right_arithmetic3A_1340 : i32
    %mul3A_1342 = arith.constant 16384 : i32
    %mul3A_1343 = arith.muli %shift_right_arithmetic3A_1341, %mul3A_1342 : i32
    %add3A_1344 = vector.broadcast %mul3A_1343 : i32 to vector<16xi32>
    %add3A_1345 = arith.addi %add3A_1344, %add3A : vector<16xi32>
    %shift_right_arithmetic3A_1346 = arith.constant 7 : i32
    %shift_right_arithmetic3A_1347 = vector.broadcast %shift_right_arithmetic3A_1346 : i32 to vector<16xi32>
    %shift_right_arithmetic3A_1348 = arith.shrsi %get3A_1337, %shift_right_arithmetic3A_1347 : vector<16xi32>
    %mul3A_1349 = arith.constant 1024 : i32
    %mul3A_1350 = vector.broadcast %mul3A_1349 : i32 to vector<16xi32>
    %mul3A_1351 = arith.muli %shift_right_arithmetic3A_1348, %mul3A_1350 : vector<16xi32>
    %add3A_1352 = arith.addi %add3A_1345, %mul3A_1351 : vector<16xi32>
    %and3A_1353 = arith.constant 127 : i32
    %and3A_1354 = vector.broadcast %and3A_1353 : i32 to vector<16xi32>
    %and3A_1355 = arith.andi %get3A_1337, %and3A_1354 : vector<16xi32>
    %add3A_1356 = arith.addi %add3A_1352, %and3A_1355 : vector<16xi32>
    %swap3A_1357 = arith.constant 5 : i32
    %swap3A_1358 = arith.index_cast %swap3A_1357 : i32 to index
    %swap3A_1359 = arith.constant 80 : index
    %swap3A_1360 = tpu.vector_load %arg7[%swap3A_1358, %swap3A_1359] {strides = array<i32>} : memref<16x128xi32, #tpu.memory_space<vmem>>, vector<1x16xi32>,
    %swap3A_1361 = vector.shape_cast %swap3A_1360 : vector<1x16xi32> to vector<16xi32>
    %swap3A_1362 = vector.shape_cast %add3A_1356 : vector<16xi32> to vector<1x16xi32>
    tpu.vector_store %arg7[%swap3A_1358, %swap3A_1359], %swap3A_1362 {strides = array<i32>} : memref<16x128xi32, #tpu.memory_space<vmem>>, vector<1x16xi32>,
    %get3A_1363 = arith.constant 736 : index
    %get3A_1364 = tpu.vector_load %arg6[%get3A_1363] {strides = array<i32>} : memref<2048xi32, #tpu.memory_space<vmem>>, vector<16xi32>,
    %get3A_1365 = vector.shape_cast %get3A_1364 : vector<16xi32> to vector<16xi32>
    %add3A_1366 = arith.constant 736 : i32
    %add3A_1367 = arith.addi %mul3A_2, %add3A_1366 : i32
    %shift_right_arithmetic3A_1368 = arith.constant 3 : i32
    %shift_right_arithmetic3A_1369 = arith.shrsi %add3A_1367, %shift_right_arithmetic3A_1368 : i32
    %mul3A_1370 = arith.constant 16384 : i32
    %mul3A_1371 = arith.muli %shift_right_arithmetic3A_1369, %mul3A_1370 : i32
    %add3A_1372 = vector.broadcast %mul3A_1371 : i32 to vector<16xi32>
    %add3A_1373 = arith.addi %add3A_1372, %add3A : vector<16xi32>
    %shift_right_arithmetic3A_1374 = arith.constant 7 : i32
    %shift_right_arithmetic3A_1375 = vector.broadcast %shift_right_arithmetic3A_1374 : i32 to vector<16xi32>
    %shift_right_arithmetic3A_1376 = arith.shrsi %get3A_1365, %shift_right_arithmetic3A_1375 : vector<16xi32>
    %mul3A_1377 = arith.constant 1024 : i32
    %mul3A_1378 = vector.broadcast %mul3A_1377 : i32 to vector<16xi32>
    %mul3A_1379 = arith.muli %shift_right_arithmetic3A_1376, %mul3A_1378 : vector<16xi32>
    %add3A_1380 = arith.addi %add3A_1373, %mul3A_1379 : vector<16xi32>
    %and3A_1381 = arith.constant 127 : i32
    %and3A_1382 = vector.broadcast %and3A_1381 : i32 to vector<16xi32>
    %and3A_1383 = arith.andi %get3A_1365, %and3A_1382 : vector<16xi32>
    %add3A_1384 = arith.addi %add3A_1380, %and3A_1383 : vector<16xi32>
    %swap3A_1385 = arith.constant 5 : i32
    %swap3A_1386 = arith.index_cast %swap3A_1385 : i32 to index
    %swap3A_1387 = arith.constant 96 : index
    %swap3A_1388 = tpu.vector_load %arg7[%swap3A_1386, %swap3A_1387] {strides = array<i32>} : memref<16x128xi32, #tpu.memory_space<vmem>>, vector<1x16xi32>,
    %swap3A_1389 = vector.shape_cast %swap3A_1388 : vector<1x16xi32> to vector<16xi32>
    %swap3A_1390 = vector.shape_cast %add3A_1384 : vector<16xi32> to vector<1x16xi32>
    tpu.vector_store %arg7[%swap3A_1386, %swap3A_1387], %swap3A_1390 {strides = array<i32>} : memref<16x128xi32, #tpu.memory_space<vmem>>, vector<1x16xi32>,
    %get3A_1391 = arith.constant 752 : index
    %get3A_1392 = tpu.vector_load %arg6[%get3A_1391] {strides = array<i32>} : memref<2048xi32, #tpu.memory_space<vmem>>, vector<16xi32>,
    %get3A_1393 = vector.shape_cast %get3A_1392 : vector<16xi32> to vector<16xi32>
    %add3A_1394 = arith.constant 752 : i32
    %add3A_1395 = arith.addi %mul3A_2, %add3A_1394 : i32
    %shift_right_arithmetic3A_1396 = arith.constant 3 : i32
    %shift_right_arithmetic3A_1397 = arith.shrsi %add3A_1395, %shift_right_arithmetic3A_1396 : i32
    %mul3A_1398 = arith.constant 16384 : i32
    %mul3A_1399 = arith.muli %shift_right_arithmetic3A_1397, %mul3A_1398 : i32
    %add3A_1400 = vector.broadcast %mul3A_1399 : i32 to vector<16xi32>
    %add3A_1401 = arith.addi %add3A_1400, %add3A : vector<16xi32>
    %shift_right_arithmetic3A_1402 = arith.constant 7 : i32
    %shift_right_arithmetic3A_1403 = vector.broadcast %shift_right_arithmetic3A_1402 : i32 to vector<16xi32>
    %shift_right_arithmetic3A_1404 = arith.shrsi %get3A_1393, %shift_right_arithmetic3A_1403 : vector<16xi32>
    %mul3A_1405 = arith.constant 1024 : i32
    %mul3A_1406 = vector.broadcast %mul3A_1405 : i32 to vector<16xi32>
    %mul3A_1407 = arith.muli %shift_right_arithmetic3A_1404, %mul3A_1406 : vector<16xi32>
    %add3A_1408 = arith.addi %add3A_1401, %mul3A_1407 : vector<16xi32>
    %and3A_1409 = arith.constant 127 : i32
    %and3A_1410 = vector.broadcast %and3A_1409 : i32 to vector<16xi32>
    %and3A_1411 = arith.andi %get3A_1393, %and3A_1410 : vector<16xi32>
    %add3A_1412 = arith.addi %add3A_1408, %and3A_1411 : vector<16xi32>
    %swap3A_1413 = arith.constant 5 : i32
    %swap3A_1414 = arith.index_cast %swap3A_1413 : i32 to index
    %swap3A_1415 = arith.constant 112 : index
    %swap3A_1416 = tpu.vector_load %arg7[%swap3A_1414, %swap3A_1415] {strides = array<i32>} : memref<16x128xi32, #tpu.memory_space<vmem>>, vector<1x16xi32>,
    %swap3A_1417 = vector.shape_cast %swap3A_1416 : vector<1x16xi32> to vector<16xi32>
    %swap3A_1418 = vector.shape_cast %add3A_1412 : vector<16xi32> to vector<1x16xi32>
    tpu.vector_store %arg7[%swap3A_1414, %swap3A_1415], %swap3A_1418 {strides = array<i32>} : memref<16x128xi32, #tpu.memory_space<vmem>>, vector<1x16xi32>,
    %dma_start3A_1419 = arith.constant 5 : i32
    %dma_start3A_1420 = arith.constant 5 : i32
    %dma_start3A_1421 = arith.constant 5 : i32
    %dma_start3A_1422 = arith.constant 0 : i32
    %dma_start3A_1423 = tpu.memref_slice %arg8[%dma_start3A_1420, %dma_start3A_1422] : memref<16x128xf32, #tpu.memory_space<vmem>> -> memref<1x128xf32, #tpu.memory_space<vmem>>
    %dma_start3A_1424 = tpu.memref_squeeze %dma_start3A_1423 : memref<1x128xf32, #tpu.memory_space<vmem>> -> memref<128xf32, #tpu.memory_space<vmem>>
    %dma_start3A_1425 = arith.constant 0 : i32
    %dma_start3A_1426 = tpu.memref_slice %arg7[%dma_start3A_1419, %dma_start3A_1425] : memref<16x128xi32, #tpu.memory_space<vmem>> -> memref<1x128xi32, #tpu.memory_space<vmem>>
    %dma_start3A_1427 = tpu.memref_squeeze %dma_start3A_1426 : memref<1x128xi32, #tpu.memory_space<vmem>> -> memref<128xi32, #tpu.memory_space<vmem>>
    %dma_start3A_1428 = arith.constant 0 : i32
    %dma_start3A_1429 = tpu.memref_slice %arg2[%dma_start3A_1428] : memref<67108864xf32, #tpu.memory_space<hbm>> -> memref<67108864xf32, #tpu.memory_space<hbm>>
    %dma_start3A_1430 = tpu.memref_slice %arg12[%dma_start3A_1421] : memref<16x!tpu.dma_semaphore, #tpu.memory_space<semaphore_mem>> -> memref<1x!tpu.dma_semaphore, #tpu.memory_space<semaphore_mem>>
    %dma_start3A_1431 = tpu.memref_squeeze %dma_start3A_1430 : memref<1x!tpu.dma_semaphore, #tpu.memory_space<semaphore_mem>> -> memref<!tpu.dma_semaphore, #tpu.memory_space<semaphore_mem>>
    tpu.enqueue_indirect_dma source(%dma_start3A_1429 : memref<67108864xf32, #tpu.memory_space<hbm>>) target(%dma_start3A_1424 : memref<128xf32, #tpu.memory_space<vmem>>) offsets(%dma_start3A_1427 : memref<128xi32, #tpu.memory_space<vmem>>) semaphore(%dma_start3A_1431 : memref<!tpu.dma_semaphore, #tpu.memory_space<semaphore_mem>>)
    %get3A_1432 = arith.constant 768 : index
    %get3A_1433 = tpu.vector_load %arg6[%get3A_1432] {strides = array<i32>} : memref<2048xi32, #tpu.memory_space<vmem>>, vector<16xi32>,
    %get3A_1434 = vector.shape_cast %get3A_1433 : vector<16xi32> to vector<16xi32>
    %add3A_1435 = arith.constant 768 : i32
    %add3A_1436 = arith.addi %mul3A_2, %add3A_1435 : i32
    %shift_right_arithmetic3A_1437 = arith.constant 3 : i32
    %shift_right_arithmetic3A_1438 = arith.shrsi %add3A_1436, %shift_right_arithmetic3A_1437 : i32
    %mul3A_1439 = arith.constant 16384 : i32
    %mul3A_1440 = arith.muli %shift_right_arithmetic3A_1438, %mul3A_1439 : i32
    %add3A_1441 = vector.broadcast %mul3A_1440 : i32 to vector<16xi32>
    %add3A_1442 = arith.addi %add3A_1441, %add3A : vector<16xi32>
    %shift_right_arithmetic3A_1443 = arith.constant 7 : i32
    %shift_right_arithmetic3A_1444 = vector.broadcast %shift_right_arithmetic3A_1443 : i32 to vector<16xi32>
    %shift_right_arithmetic3A_1445 = arith.shrsi %get3A_1434, %shift_right_arithmetic3A_1444 : vector<16xi32>
    %mul3A_1446 = arith.constant 1024 : i32
    %mul3A_1447 = vector.broadcast %mul3A_1446 : i32 to vector<16xi32>
    %mul3A_1448 = arith.muli %shift_right_arithmetic3A_1445, %mul3A_1447 : vector<16xi32>
    %add3A_1449 = arith.addi %add3A_1442, %mul3A_1448 : vector<16xi32>
    %and3A_1450 = arith.constant 127 : i32
    %and3A_1451 = vector.broadcast %and3A_1450 : i32 to vector<16xi32>
    %and3A_1452 = arith.andi %get3A_1434, %and3A_1451 : vector<16xi32>
    %add3A_1453 = arith.addi %add3A_1449, %and3A_1452 : vector<16xi32>
    %swap3A_1454 = arith.constant 6 : i32
    %swap3A_1455 = arith.index_cast %swap3A_1454 : i32 to index
    %swap3A_1456 = arith.constant 0 : index
    %swap3A_1457 = tpu.vector_load %arg7[%swap3A_1455, %swap3A_1456] {strides = array<i32>} : memref<16x128xi32, #tpu.memory_space<vmem>>, vector<1x16xi32>,
    %swap3A_1458 = vector.shape_cast %swap3A_1457 : vector<1x16xi32> to vector<16xi32>
    %swap3A_1459 = vector.shape_cast %add3A_1453 : vector<16xi32> to vector<1x16xi32>
    tpu.vector_store %arg7[%swap3A_1455, %swap3A_1456], %swap3A_1459 {strides = array<i32>} : memref<16x128xi32, #tpu.memory_space<vmem>>, vector<1x16xi32>,
    %get3A_1460 = arith.constant 784 : index
    %get3A_1461 = tpu.vector_load %arg6[%get3A_1460] {strides = array<i32>} : memref<2048xi32, #tpu.memory_space<vmem>>, vector<16xi32>,
    %get3A_1462 = vector.shape_cast %get3A_1461 : vector<16xi32> to vector<16xi32>
    %add3A_1463 = arith.constant 784 : i32
    %add3A_1464 = arith.addi %mul3A_2, %add3A_1463 : i32
    %shift_right_arithmetic3A_1465 = arith.constant 3 : i32
    %shift_right_arithmetic3A_1466 = arith.shrsi %add3A_1464, %shift_right_arithmetic3A_1465 : i32
    %mul3A_1467 = arith.constant 16384 : i32
    %mul3A_1468 = arith.muli %shift_right_arithmetic3A_1466, %mul3A_1467 : i32
    %add3A_1469 = vector.broadcast %mul3A_1468 : i32 to vector<16xi32>
    %add3A_1470 = arith.addi %add3A_1469, %add3A : vector<16xi32>
    %shift_right_arithmetic3A_1471 = arith.constant 7 : i32
    %shift_right_arithmetic3A_1472 = vector.broadcast %shift_right_arithmetic3A_1471 : i32 to vector<16xi32>
    %shift_right_arithmetic3A_1473 = arith.shrsi %get3A_1462, %shift_right_arithmetic3A_1472 : vector<16xi32>
    %mul3A_1474 = arith.constant 1024 : i32
    %mul3A_1475 = vector.broadcast %mul3A_1474 : i32 to vector<16xi32>
    %mul3A_1476 = arith.muli %shift_right_arithmetic3A_1473, %mul3A_1475 : vector<16xi32>
    %add3A_1477 = arith.addi %add3A_1470, %mul3A_1476 : vector<16xi32>
    %and3A_1478 = arith.constant 127 : i32
    %and3A_1479 = vector.broadcast %and3A_1478 : i32 to vector<16xi32>
    %and3A_1480 = arith.andi %get3A_1462, %and3A_1479 : vector<16xi32>
    %add3A_1481 = arith.addi %add3A_1477, %and3A_1480 : vector<16xi32>
    %swap3A_1482 = arith.constant 6 : i32
    %swap3A_1483 = arith.index_cast %swap3A_1482 : i32 to index
    %swap3A_1484 = arith.constant 16 : index
    %swap3A_1485 = tpu.vector_load %arg7[%swap3A_1483, %swap3A_1484] {strides = array<i32>} : memref<16x128xi32, #tpu.memory_space<vmem>>, vector<1x16xi32>,
    %swap3A_1486 = vector.shape_cast %swap3A_1485 : vector<1x16xi32> to vector<16xi32>
    %swap3A_1487 = vector.shape_cast %add3A_1481 : vector<16xi32> to vector<1x16xi32>
    tpu.vector_store %arg7[%swap3A_1483, %swap3A_1484], %swap3A_1487 {strides = array<i32>} : memref<16x128xi32, #tpu.memory_space<vmem>>, vector<1x16xi32>,
    %get3A_1488 = arith.constant 800 : index
    %get3A_1489 = tpu.vector_load %arg6[%get3A_1488] {strides = array<i32>} : memref<2048xi32, #tpu.memory_space<vmem>>, vector<16xi32>,
    %get3A_1490 = vector.shape_cast %get3A_1489 : vector<16xi32> to vector<16xi32>
    %add3A_1491 = arith.constant 800 : i32
    %add3A_1492 = arith.addi %mul3A_2, %add3A_1491 : i32
    %shift_right_arithmetic3A_1493 = arith.constant 3 : i32
    %shift_right_arithmetic3A_1494 = arith.shrsi %add3A_1492, %shift_right_arithmetic3A_1493 : i32
    %mul3A_1495 = arith.constant 16384 : i32
    %mul3A_1496 = arith.muli %shift_right_arithmetic3A_1494, %mul3A_1495 : i32
    %add3A_1497 = vector.broadcast %mul3A_1496 : i32 to vector<16xi32>
    %add3A_1498 = arith.addi %add3A_1497, %add3A : vector<16xi32>
    %shift_right_arithmetic3A_1499 = arith.constant 7 : i32
    %shift_right_arithmetic3A_1500 = vector.broadcast %shift_right_arithmetic3A_1499 : i32 to vector<16xi32>
    %shift_right_arithmetic3A_1501 = arith.shrsi %get3A_1490, %shift_right_arithmetic3A_1500 : vector<16xi32>
    %mul3A_1502 = arith.constant 1024 : i32
    %mul3A_1503 = vector.broadcast %mul3A_1502 : i32 to vector<16xi32>
    %mul3A_1504 = arith.muli %shift_right_arithmetic3A_1501, %mul3A_1503 : vector<16xi32>
    %add3A_1505 = arith.addi %add3A_1498, %mul3A_1504 : vector<16xi32>
    %and3A_1506 = arith.constant 127 : i32
    %and3A_1507 = vector.broadcast %and3A_1506 : i32 to vector<16xi32>
    %and3A_1508 = arith.andi %get3A_1490, %and3A_1507 : vector<16xi32>
    %add3A_1509 = arith.addi %add3A_1505, %and3A_1508 : vector<16xi32>
    %swap3A_1510 = arith.constant 6 : i32
    %swap3A_1511 = arith.index_cast %swap3A_1510 : i32 to index
    %swap3A_1512 = arith.constant 32 : index
    %swap3A_1513 = tpu.vector_load %arg7[%swap3A_1511, %swap3A_1512] {strides = array<i32>} : memref<16x128xi32, #tpu.memory_space<vmem>>, vector<1x16xi32>,
    %swap3A_1514 = vector.shape_cast %swap3A_1513 : vector<1x16xi32> to vector<16xi32>
    %swap3A_1515 = vector.shape_cast %add3A_1509 : vector<16xi32> to vector<1x16xi32>
    tpu.vector_store %arg7[%swap3A_1511, %swap3A_1512], %swap3A_1515 {strides = array<i32>} : memref<16x128xi32, #tpu.memory_space<vmem>>, vector<1x16xi32>,
    %get3A_1516 = arith.constant 816 : index
    %get3A_1517 = tpu.vector_load %arg6[%get3A_1516] {strides = array<i32>} : memref<2048xi32, #tpu.memory_space<vmem>>, vector<16xi32>,
    %get3A_1518 = vector.shape_cast %get3A_1517 : vector<16xi32> to vector<16xi32>
    %add3A_1519 = arith.constant 816 : i32
    %add3A_1520 = arith.addi %mul3A_2, %add3A_1519 : i32
    %shift_right_arithmetic3A_1521 = arith.constant 3 : i32
    %shift_right_arithmetic3A_1522 = arith.shrsi %add3A_1520, %shift_right_arithmetic3A_1521 : i32
    %mul3A_1523 = arith.constant 16384 : i32
    %mul3A_1524 = arith.muli %shift_right_arithmetic3A_1522, %mul3A_1523 : i32
    %add3A_1525 = vector.broadcast %mul3A_1524 : i32 to vector<16xi32>
    %add3A_1526 = arith.addi %add3A_1525, %add3A : vector<16xi32>
    %shift_right_arithmetic3A_1527 = arith.constant 7 : i32
    %shift_right_arithmetic3A_1528 = vector.broadcast %shift_right_arithmetic3A_1527 : i32 to vector<16xi32>
    %shift_right_arithmetic3A_1529 = arith.shrsi %get3A_1518, %shift_right_arithmetic3A_1528 : vector<16xi32>
    %mul3A_1530 = arith.constant 1024 : i32
    %mul3A_1531 = vector.broadcast %mul3A_1530 : i32 to vector<16xi32>
    %mul3A_1532 = arith.muli %shift_right_arithmetic3A_1529, %mul3A_1531 : vector<16xi32>
    %add3A_1533 = arith.addi %add3A_1526, %mul3A_1532 : vector<16xi32>
    %and3A_1534 = arith.constant 127 : i32
    %and3A_1535 = vector.broadcast %and3A_1534 : i32 to vector<16xi32>
    %and3A_1536 = arith.andi %get3A_1518, %and3A_1535 : vector<16xi32>
    %add3A_1537 = arith.addi %add3A_1533, %and3A_1536 : vector<16xi32>
    %swap3A_1538 = arith.constant 6 : i32
    %swap3A_1539 = arith.index_cast %swap3A_1538 : i32 to index
    %swap3A_1540 = arith.constant 48 : index
    %swap3A_1541 = tpu.vector_load %arg7[%swap3A_1539, %swap3A_1540] {strides = array<i32>} : memref<16x128xi32, #tpu.memory_space<vmem>>, vector<1x16xi32>,
    %swap3A_1542 = vector.shape_cast %swap3A_1541 : vector<1x16xi32> to vector<16xi32>
    %swap3A_1543 = vector.shape_cast %add3A_1537 : vector<16xi32> to vector<1x16xi32>
    tpu.vector_store %arg7[%swap3A_1539, %swap3A_1540], %swap3A_1543 {strides = array<i32>} : memref<16x128xi32, #tpu.memory_space<vmem>>, vector<1x16xi32>,
    %get3A_1544 = arith.constant 832 : index
    %get3A_1545 = tpu.vector_load %arg6[%get3A_1544] {strides = array<i32>} : memref<2048xi32, #tpu.memory_space<vmem>>, vector<16xi32>,
    %get3A_1546 = vector.shape_cast %get3A_1545 : vector<16xi32> to vector<16xi32>
    %add3A_1547 = arith.constant 832 : i32
    %add3A_1548 = arith.addi %mul3A_2, %add3A_1547 : i32
    %shift_right_arithmetic3A_1549 = arith.constant 3 : i32
    %shift_right_arithmetic3A_1550 = arith.shrsi %add3A_1548, %shift_right_arithmetic3A_1549 : i32
    %mul3A_1551 = arith.constant 16384 : i32
    %mul3A_1552 = arith.muli %shift_right_arithmetic3A_1550, %mul3A_1551 : i32
    %add3A_1553 = vector.broadcast %mul3A_1552 : i32 to vector<16xi32>
    %add3A_1554 = arith.addi %add3A_1553, %add3A : vector<16xi32>
    %shift_right_arithmetic3A_1555 = arith.constant 7 : i32
    %shift_right_arithmetic3A_1556 = vector.broadcast %shift_right_arithmetic3A_1555 : i32 to vector<16xi32>
    %shift_right_arithmetic3A_1557 = arith.shrsi %get3A_1546, %shift_right_arithmetic3A_1556 : vector<16xi32>
    %mul3A_1558 = arith.constant 1024 : i32
    %mul3A_1559 = vector.broadcast %mul3A_1558 : i32 to vector<16xi32>
    %mul3A_1560 = arith.muli %shift_right_arithmetic3A_1557, %mul3A_1559 : vector<16xi32>
    %add3A_1561 = arith.addi %add3A_1554, %mul3A_1560 : vector<16xi32>
    %and3A_1562 = arith.constant 127 : i32
    %and3A_1563 = vector.broadcast %and3A_1562 : i32 to vector<16xi32>
    %and3A_1564 = arith.andi %get3A_1546, %and3A_1563 : vector<16xi32>
    %add3A_1565 = arith.addi %add3A_1561, %and3A_1564 : vector<16xi32>
    %swap3A_1566 = arith.constant 6 : i32
    %swap3A_1567 = arith.index_cast %swap3A_1566 : i32 to index
    %swap3A_1568 = arith.constant 64 : index
    %swap3A_1569 = tpu.vector_load %arg7[%swap3A_1567, %swap3A_1568] {strides = array<i32>} : memref<16x128xi32, #tpu.memory_space<vmem>>, vector<1x16xi32>,
    %swap3A_1570 = vector.shape_cast %swap3A_1569 : vector<1x16xi32> to vector<16xi32>
    %swap3A_1571 = vector.shape_cast %add3A_1565 : vector<16xi32> to vector<1x16xi32>
    tpu.vector_store %arg7[%swap3A_1567, %swap3A_1568], %swap3A_1571 {strides = array<i32>} : memref<16x128xi32, #tpu.memory_space<vmem>>, vector<1x16xi32>,
    %get3A_1572 = arith.constant 848 : index
    %get3A_1573 = tpu.vector_load %arg6[%get3A_1572] {strides = array<i32>} : memref<2048xi32, #tpu.memory_space<vmem>>, vector<16xi32>,
    %get3A_1574 = vector.shape_cast %get3A_1573 : vector<16xi32> to vector<16xi32>
    %add3A_1575 = arith.constant 848 : i32
    %add3A_1576 = arith.addi %mul3A_2, %add3A_1575 : i32
    %shift_right_arithmetic3A_1577 = arith.constant 3 : i32
    %shift_right_arithmetic3A_1578 = arith.shrsi %add3A_1576, %shift_right_arithmetic3A_1577 : i32
    %mul3A_1579 = arith.constant 16384 : i32
    %mul3A_1580 = arith.muli %shift_right_arithmetic3A_1578, %mul3A_1579 : i32
    %add3A_1581 = vector.broadcast %mul3A_1580 : i32 to vector<16xi32>
    %add3A_1582 = arith.addi %add3A_1581, %add3A : vector<16xi32>
    %shift_right_arithmetic3A_1583 = arith.constant 7 : i32
    %shift_right_arithmetic3A_1584 = vector.broadcast %shift_right_arithmetic3A_1583 : i32 to vector<16xi32>
    %shift_right_arithmetic3A_1585 = arith.shrsi %get3A_1574, %shift_right_arithmetic3A_1584 : vector<16xi32>
    %mul3A_1586 = arith.constant 1024 : i32
    %mul3A_1587 = vector.broadcast %mul3A_1586 : i32 to vector<16xi32>
    %mul3A_1588 = arith.muli %shift_right_arithmetic3A_1585, %mul3A_1587 : vector<16xi32>
    %add3A_1589 = arith.addi %add3A_1582, %mul3A_1588 : vector<16xi32>
    %and3A_1590 = arith.constant 127 : i32
    %and3A_1591 = vector.broadcast %and3A_1590 : i32 to vector<16xi32>
    %and3A_1592 = arith.andi %get3A_1574, %and3A_1591 : vector<16xi32>
    %add3A_1593 = arith.addi %add3A_1589, %and3A_1592 : vector<16xi32>
    %swap3A_1594 = arith.constant 6 : i32
    %swap3A_1595 = arith.index_cast %swap3A_1594 : i32 to index
    %swap3A_1596 = arith.constant 80 : index
    %swap3A_1597 = tpu.vector_load %arg7[%swap3A_1595, %swap3A_1596] {strides = array<i32>} : memref<16x128xi32, #tpu.memory_space<vmem>>, vector<1x16xi32>,
    %swap3A_1598 = vector.shape_cast %swap3A_1597 : vector<1x16xi32> to vector<16xi32>
    %swap3A_1599 = vector.shape_cast %add3A_1593 : vector<16xi32> to vector<1x16xi32>
    tpu.vector_store %arg7[%swap3A_1595, %swap3A_1596], %swap3A_1599 {strides = array<i32>} : memref<16x128xi32, #tpu.memory_space<vmem>>, vector<1x16xi32>,
    %get3A_1600 = arith.constant 864 : index
    %get3A_1601 = tpu.vector_load %arg6[%get3A_1600] {strides = array<i32>} : memref<2048xi32, #tpu.memory_space<vmem>>, vector<16xi32>,
    %get3A_1602 = vector.shape_cast %get3A_1601 : vector<16xi32> to vector<16xi32>
    %add3A_1603 = arith.constant 864 : i32
    %add3A_1604 = arith.addi %mul3A_2, %add3A_1603 : i32
    %shift_right_arithmetic3A_1605 = arith.constant 3 : i32
    %shift_right_arithmetic3A_1606 = arith.shrsi %add3A_1604, %shift_right_arithmetic3A_1605 : i32
    %mul3A_1607 = arith.constant 16384 : i32
    %mul3A_1608 = arith.muli %shift_right_arithmetic3A_1606, %mul3A_1607 : i32
    %add3A_1609 = vector.broadcast %mul3A_1608 : i32 to vector<16xi32>
    %add3A_1610 = arith.addi %add3A_1609, %add3A : vector<16xi32>
    %shift_right_arithmetic3A_1611 = arith.constant 7 : i32
    %shift_right_arithmetic3A_1612 = vector.broadcast %shift_right_arithmetic3A_1611 : i32 to vector<16xi32>
    %shift_right_arithmetic3A_1613 = arith.shrsi %get3A_1602, %shift_right_arithmetic3A_1612 : vector<16xi32>
    %mul3A_1614 = arith.constant 1024 : i32
    %mul3A_1615 = vector.broadcast %mul3A_1614 : i32 to vector<16xi32>
    %mul3A_1616 = arith.muli %shift_right_arithmetic3A_1613, %mul3A_1615 : vector<16xi32>
    %add3A_1617 = arith.addi %add3A_1610, %mul3A_1616 : vector<16xi32>
    %and3A_1618 = arith.constant 127 : i32
    %and3A_1619 = vector.broadcast %and3A_1618 : i32 to vector<16xi32>
    %and3A_1620 = arith.andi %get3A_1602, %and3A_1619 : vector<16xi32>
    %add3A_1621 = arith.addi %add3A_1617, %and3A_1620 : vector<16xi32>
    %swap3A_1622 = arith.constant 6 : i32
    %swap3A_1623 = arith.index_cast %swap3A_1622 : i32 to index
    %swap3A_1624 = arith.constant 96 : index
    %swap3A_1625 = tpu.vector_load %arg7[%swap3A_1623, %swap3A_1624] {strides = array<i32>} : memref<16x128xi32, #tpu.memory_space<vmem>>, vector<1x16xi32>,
    %swap3A_1626 = vector.shape_cast %swap3A_1625 : vector<1x16xi32> to vector<16xi32>
    %swap3A_1627 = vector.shape_cast %add3A_1621 : vector<16xi32> to vector<1x16xi32>
    tpu.vector_store %arg7[%swap3A_1623, %swap3A_1624], %swap3A_1627 {strides = array<i32>} : memref<16x128xi32, #tpu.memory_space<vmem>>, vector<1x16xi32>,
    %get3A_1628 = arith.constant 880 : index
    %get3A_1629 = tpu.vector_load %arg6[%get3A_1628] {strides = array<i32>} : memref<2048xi32, #tpu.memory_space<vmem>>, vector<16xi32>,
    %get3A_1630 = vector.shape_cast %get3A_1629 : vector<16xi32> to vector<16xi32>
    %add3A_1631 = arith.constant 880 : i32
    %add3A_1632 = arith.addi %mul3A_2, %add3A_1631 : i32
    %shift_right_arithmetic3A_1633 = arith.constant 3 : i32
    %shift_right_arithmetic3A_1634 = arith.shrsi %add3A_1632, %shift_right_arithmetic3A_1633 : i32
    %mul3A_1635 = arith.constant 16384 : i32
    %mul3A_1636 = arith.muli %shift_right_arithmetic3A_1634, %mul3A_1635 : i32
    %add3A_1637 = vector.broadcast %mul3A_1636 : i32 to vector<16xi32>
    %add3A_1638 = arith.addi %add3A_1637, %add3A : vector<16xi32>
    %shift_right_arithmetic3A_1639 = arith.constant 7 : i32
    %shift_right_arithmetic3A_1640 = vector.broadcast %shift_right_arithmetic3A_1639 : i32 to vector<16xi32>
    %shift_right_arithmetic3A_1641 = arith.shrsi %get3A_1630, %shift_right_arithmetic3A_1640 : vector<16xi32>
    %mul3A_1642 = arith.constant 1024 : i32
    %mul3A_1643 = vector.broadcast %mul3A_1642 : i32 to vector<16xi32>
    %mul3A_1644 = arith.muli %shift_right_arithmetic3A_1641, %mul3A_1643 : vector<16xi32>
    %add3A_1645 = arith.addi %add3A_1638, %mul3A_1644 : vector<16xi32>
    %and3A_1646 = arith.constant 127 : i32
    %and3A_1647 = vector.broadcast %and3A_1646 : i32 to vector<16xi32>
    %and3A_1648 = arith.andi %get3A_1630, %and3A_1647 : vector<16xi32>
    %add3A_1649 = arith.addi %add3A_1645, %and3A_1648 : vector<16xi32>
    %swap3A_1650 = arith.constant 6 : i32
    %swap3A_1651 = arith.index_cast %swap3A_1650 : i32 to index
    %swap3A_1652 = arith.constant 112 : index
    %swap3A_1653 = tpu.vector_load %arg7[%swap3A_1651, %swap3A_1652] {strides = array<i32>} : memref<16x128xi32, #tpu.memory_space<vmem>>, vector<1x16xi32>,
    %swap3A_1654 = vector.shape_cast %swap3A_1653 : vector<1x16xi32> to vector<16xi32>
    %swap3A_1655 = vector.shape_cast %add3A_1649 : vector<16xi32> to vector<1x16xi32>
    tpu.vector_store %arg7[%swap3A_1651, %swap3A_1652], %swap3A_1655 {strides = array<i32>} : memref<16x128xi32, #tpu.memory_space<vmem>>, vector<1x16xi32>,
    %dma_start3A_1656 = arith.constant 6 : i32
    %dma_start3A_1657 = arith.constant 6 : i32
    %dma_start3A_1658 = arith.constant 6 : i32
    %dma_start3A_1659 = arith.constant 0 : i32
    %dma_start3A_1660 = tpu.memref_slice %arg8[%dma_start3A_1657, %dma_start3A_1659] : memref<16x128xf32, #tpu.memory_space<vmem>> -> memref<1x128xf32, #tpu.memory_space<vmem>>
    %dma_start3A_1661 = tpu.memref_squeeze %dma_start3A_1660 : memref<1x128xf32, #tpu.memory_space<vmem>> -> memref<128xf32, #tpu.memory_space<vmem>>
    %dma_start3A_1662 = arith.constant 0 : i32
    %dma_start3A_1663 = tpu.memref_slice %arg7[%dma_start3A_1656, %dma_start3A_1662] : memref<16x128xi32, #tpu.memory_space<vmem>> -> memref<1x128xi32, #tpu.memory_space<vmem>>
    %dma_start3A_1664 = tpu.memref_squeeze %dma_start3A_1663 : memref<1x128xi32, #tpu.memory_space<vmem>> -> memref<128xi32, #tpu.memory_space<vmem>>
    %dma_start3A_1665 = arith.constant 0 : i32
    %dma_start3A_1666 = tpu.memref_slice %arg2[%dma_start3A_1665] : memref<67108864xf32, #tpu.memory_space<hbm>> -> memref<67108864xf32, #tpu.memory_space<hbm>>
    %dma_start3A_1667 = tpu.memref_slice %arg12[%dma_start3A_1658] : memref<16x!tpu.dma_semaphore, #tpu.memory_space<semaphore_mem>> -> memref<1x!tpu.dma_semaphore, #tpu.memory_space<semaphore_mem>>
    %dma_start3A_1668 = tpu.memref_squeeze %dma_start3A_1667 : memref<1x!tpu.dma_semaphore, #tpu.memory_space<semaphore_mem>> -> memref<!tpu.dma_semaphore, #tpu.memory_space<semaphore_mem>>
    tpu.enqueue_indirect_dma source(%dma_start3A_1666 : memref<67108864xf32, #tpu.memory_space<hbm>>) target(%dma_start3A_1661 : memref<128xf32, #tpu.memory_space<vmem>>) offsets(%dma_start3A_1664 : memref<128xi32, #tpu.memory_space<vmem>>) semaphore(%dma_start3A_1668 : memref<!tpu.dma_semaphore, #tpu.memory_space<semaphore_mem>>)
    %get3A_1669 = arith.constant 896 : index
    %get3A_1670 = tpu.vector_load %arg6[%get3A_1669] {strides = array<i32>} : memref<2048xi32, #tpu.memory_space<vmem>>, vector<16xi32>,
    %get3A_1671 = vector.shape_cast %get3A_1670 : vector<16xi32> to vector<16xi32>
    %add3A_1672 = arith.constant 896 : i32
    %add3A_1673 = arith.addi %mul3A_2, %add3A_1672 : i32
    %shift_right_arithmetic3A_1674 = arith.constant 3 : i32
    %shift_right_arithmetic3A_1675 = arith.shrsi %add3A_1673, %shift_right_arithmetic3A_1674 : i32
    %mul3A_1676 = arith.constant 16384 : i32
    %mul3A_1677 = arith.muli %shift_right_arithmetic3A_1675, %mul3A_1676 : i32
    %add3A_1678 = vector.broadcast %mul3A_1677 : i32 to vector<16xi32>
    %add3A_1679 = arith.addi %add3A_1678, %add3A : vector<16xi32>
    %shift_right_arithmetic3A_1680 = arith.constant 7 : i32
    %shift_right_arithmetic3A_1681 = vector.broadcast %shift_right_arithmetic3A_1680 : i32 to vector<16xi32>
    %shift_right_arithmetic3A_1682 = arith.shrsi %get3A_1671, %shift_right_arithmetic3A_1681 : vector<16xi32>
    %mul3A_1683 = arith.constant 1024 : i32
    %mul3A_1684 = vector.broadcast %mul3A_1683 : i32 to vector<16xi32>
    %mul3A_1685 = arith.muli %shift_right_arithmetic3A_1682, %mul3A_1684 : vector<16xi32>
    %add3A_1686 = arith.addi %add3A_1679, %mul3A_1685 : vector<16xi32>
    %and3A_1687 = arith.constant 127 : i32
    %and3A_1688 = vector.broadcast %and3A_1687 : i32 to vector<16xi32>
    %and3A_1689 = arith.andi %get3A_1671, %and3A_1688 : vector<16xi32>
    %add3A_1690 = arith.addi %add3A_1686, %and3A_1689 : vector<16xi32>
    %swap3A_1691 = arith.constant 7 : i32
    %swap3A_1692 = arith.index_cast %swap3A_1691 : i32 to index
    %swap3A_1693 = arith.constant 0 : index
    %swap3A_1694 = tpu.vector_load %arg7[%swap3A_1692, %swap3A_1693] {strides = array<i32>} : memref<16x128xi32, #tpu.memory_space<vmem>>, vector<1x16xi32>,
    %swap3A_1695 = vector.shape_cast %swap3A_1694 : vector<1x16xi32> to vector<16xi32>
    %swap3A_1696 = vector.shape_cast %add3A_1690 : vector<16xi32> to vector<1x16xi32>
    tpu.vector_store %arg7[%swap3A_1692, %swap3A_1693], %swap3A_1696 {strides = array<i32>} : memref<16x128xi32, #tpu.memory_space<vmem>>, vector<1x16xi32>,
    %get3A_1697 = arith.constant 912 : index
    %get3A_1698 = tpu.vector_load %arg6[%get3A_1697] {strides = array<i32>} : memref<2048xi32, #tpu.memory_space<vmem>>, vector<16xi32>,
    %get3A_1699 = vector.shape_cast %get3A_1698 : vector<16xi32> to vector<16xi32>
    %add3A_1700 = arith.constant 912 : i32
    %add3A_1701 = arith.addi %mul3A_2, %add3A_1700 : i32
    %shift_right_arithmetic3A_1702 = arith.constant 3 : i32
    %shift_right_arithmetic3A_1703 = arith.shrsi %add3A_1701, %shift_right_arithmetic3A_1702 : i32
    %mul3A_1704 = arith.constant 16384 : i32
    %mul3A_1705 = arith.muli %shift_right_arithmetic3A_1703, %mul3A_1704 : i32
    %add3A_1706 = vector.broadcast %mul3A_1705 : i32 to vector<16xi32>
    %add3A_1707 = arith.addi %add3A_1706, %add3A : vector<16xi32>
    %shift_right_arithmetic3A_1708 = arith.constant 7 : i32
    %shift_right_arithmetic3A_1709 = vector.broadcast %shift_right_arithmetic3A_1708 : i32 to vector<16xi32>
    %shift_right_arithmetic3A_1710 = arith.shrsi %get3A_1699, %shift_right_arithmetic3A_1709 : vector<16xi32>
    %mul3A_1711 = arith.constant 1024 : i32
    %mul3A_1712 = vector.broadcast %mul3A_1711 : i32 to vector<16xi32>
    %mul3A_1713 = arith.muli %shift_right_arithmetic3A_1710, %mul3A_1712 : vector<16xi32>
    %add3A_1714 = arith.addi %add3A_1707, %mul3A_1713 : vector<16xi32>
    %and3A_1715 = arith.constant 127 : i32
    %and3A_1716 = vector.broadcast %and3A_1715 : i32 to vector<16xi32>
    %and3A_1717 = arith.andi %get3A_1699, %and3A_1716 : vector<16xi32>
    %add3A_1718 = arith.addi %add3A_1714, %and3A_1717 : vector<16xi32>
    %swap3A_1719 = arith.constant 7 : i32
    %swap3A_1720 = arith.index_cast %swap3A_1719 : i32 to index
    %swap3A_1721 = arith.constant 16 : index
    %swap3A_1722 = tpu.vector_load %arg7[%swap3A_1720, %swap3A_1721] {strides = array<i32>} : memref<16x128xi32, #tpu.memory_space<vmem>>, vector<1x16xi32>,
    %swap3A_1723 = vector.shape_cast %swap3A_1722 : vector<1x16xi32> to vector<16xi32>
    %swap3A_1724 = vector.shape_cast %add3A_1718 : vector<16xi32> to vector<1x16xi32>
    tpu.vector_store %arg7[%swap3A_1720, %swap3A_1721], %swap3A_1724 {strides = array<i32>} : memref<16x128xi32, #tpu.memory_space<vmem>>, vector<1x16xi32>,
    %get3A_1725 = arith.constant 928 : index
    %get3A_1726 = tpu.vector_load %arg6[%get3A_1725] {strides = array<i32>} : memref<2048xi32, #tpu.memory_space<vmem>>, vector<16xi32>,
    %get3A_1727 = vector.shape_cast %get3A_1726 : vector<16xi32> to vector<16xi32>
    %add3A_1728 = arith.constant 928 : i32
    %add3A_1729 = arith.addi %mul3A_2, %add3A_1728 : i32
    %shift_right_arithmetic3A_1730 = arith.constant 3 : i32
    %shift_right_arithmetic3A_1731 = arith.shrsi %add3A_1729, %shift_right_arithmetic3A_1730 : i32
    %mul3A_1732 = arith.constant 16384 : i32
    %mul3A_1733 = arith.muli %shift_right_arithmetic3A_1731, %mul3A_1732 : i32
    %add3A_1734 = vector.broadcast %mul3A_1733 : i32 to vector<16xi32>
    %add3A_1735 = arith.addi %add3A_1734, %add3A : vector<16xi32>
    %shift_right_arithmetic3A_1736 = arith.constant 7 : i32
    %shift_right_arithmetic3A_1737 = vector.broadcast %shift_right_arithmetic3A_1736 : i32 to vector<16xi32>
    %shift_right_arithmetic3A_1738 = arith.shrsi %get3A_1727, %shift_right_arithmetic3A_1737 : vector<16xi32>
    %mul3A_1739 = arith.constant 1024 : i32
    %mul3A_1740 = vector.broadcast %mul3A_1739 : i32 to vector<16xi32>
    %mul3A_1741 = arith.muli %shift_right_arithmetic3A_1738, %mul3A_1740 : vector<16xi32>
    %add3A_1742 = arith.addi %add3A_1735, %mul3A_1741 : vector<16xi32>
    %and3A_1743 = arith.constant 127 : i32
    %and3A_1744 = vector.broadcast %and3A_1743 : i32 to vector<16xi32>
    %and3A_1745 = arith.andi %get3A_1727, %and3A_1744 : vector<16xi32>
    %add3A_1746 = arith.addi %add3A_1742, %and3A_1745 : vector<16xi32>
    %swap3A_1747 = arith.constant 7 : i32
    %swap3A_1748 = arith.index_cast %swap3A_1747 : i32 to index
    %swap3A_1749 = arith.constant 32 : index
    %swap3A_1750 = tpu.vector_load %arg7[%swap3A_1748, %swap3A_1749] {strides = array<i32>} : memref<16x128xi32, #tpu.memory_space<vmem>>, vector<1x16xi32>,
    %swap3A_1751 = vector.shape_cast %swap3A_1750 : vector<1x16xi32> to vector<16xi32>
    %swap3A_1752 = vector.shape_cast %add3A_1746 : vector<16xi32> to vector<1x16xi32>
    tpu.vector_store %arg7[%swap3A_1748, %swap3A_1749], %swap3A_1752 {strides = array<i32>} : memref<16x128xi32, #tpu.memory_space<vmem>>, vector<1x16xi32>,
    %get3A_1753 = arith.constant 944 : index
    %get3A_1754 = tpu.vector_load %arg6[%get3A_1753] {strides = array<i32>} : memref<2048xi32, #tpu.memory_space<vmem>>, vector<16xi32>,
    %get3A_1755 = vector.shape_cast %get3A_1754 : vector<16xi32> to vector<16xi32>
    %add3A_1756 = arith.constant 944 : i32
    %add3A_1757 = arith.addi %mul3A_2, %add3A_1756 : i32
    %shift_right_arithmetic3A_1758 = arith.constant 3 : i32
    %shift_right_arithmetic3A_1759 = arith.shrsi %add3A_1757, %shift_right_arithmetic3A_1758 : i32
    %mul3A_1760 = arith.constant 16384 : i32
    %mul3A_1761 = arith.muli %shift_right_arithmetic3A_1759, %mul3A_1760 : i32
    %add3A_1762 = vector.broadcast %mul3A_1761 : i32 to vector<16xi32>
    %add3A_1763 = arith.addi %add3A_1762, %add3A : vector<16xi32>
    %shift_right_arithmetic3A_1764 = arith.constant 7 : i32
    %shift_right_arithmetic3A_1765 = vector.broadcast %shift_right_arithmetic3A_1764 : i32 to vector<16xi32>
    %shift_right_arithmetic3A_1766 = arith.shrsi %get3A_1755, %shift_right_arithmetic3A_1765 : vector<16xi32>
    %mul3A_1767 = arith.constant 1024 : i32
    %mul3A_1768 = vector.broadcast %mul3A_1767 : i32 to vector<16xi32>
    %mul3A_1769 = arith.muli %shift_right_arithmetic3A_1766, %mul3A_1768 : vector<16xi32>
    %add3A_1770 = arith.addi %add3A_1763, %mul3A_1769 : vector<16xi32>
    %and3A_1771 = arith.constant 127 : i32
    %and3A_1772 = vector.broadcast %and3A_1771 : i32 to vector<16xi32>
    %and3A_1773 = arith.andi %get3A_1755, %and3A_1772 : vector<16xi32>
    %add3A_1774 = arith.addi %add3A_1770, %and3A_1773 : vector<16xi32>
    %swap3A_1775 = arith.constant 7 : i32
    %swap3A_1776 = arith.index_cast %swap3A_1775 : i32 to index
    %swap3A_1777 = arith.constant 48 : index
    %swap3A_1778 = tpu.vector_load %arg7[%swap3A_1776, %swap3A_1777] {strides = array<i32>} : memref<16x128xi32, #tpu.memory_space<vmem>>, vector<1x16xi32>,
    %swap3A_1779 = vector.shape_cast %swap3A_1778 : vector<1x16xi32> to vector<16xi32>
    %swap3A_1780 = vector.shape_cast %add3A_1774 : vector<16xi32> to vector<1x16xi32>
    tpu.vector_store %arg7[%swap3A_1776, %swap3A_1777], %swap3A_1780 {strides = array<i32>} : memref<16x128xi32, #tpu.memory_space<vmem>>, vector<1x16xi32>,
    %get3A_1781 = arith.constant 960 : index
    %get3A_1782 = tpu.vector_load %arg6[%get3A_1781] {strides = array<i32>} : memref<2048xi32, #tpu.memory_space<vmem>>, vector<16xi32>,
    %get3A_1783 = vector.shape_cast %get3A_1782 : vector<16xi32> to vector<16xi32>
    %add3A_1784 = arith.constant 960 : i32
    %add3A_1785 = arith.addi %mul3A_2, %add3A_1784 : i32
    %shift_right_arithmetic3A_1786 = arith.constant 3 : i32
    %shift_right_arithmetic3A_1787 = arith.shrsi %add3A_1785, %shift_right_arithmetic3A_1786 : i32
    %mul3A_1788 = arith.constant 16384 : i32
    %mul3A_1789 = arith.muli %shift_right_arithmetic3A_1787, %mul3A_1788 : i32
    %add3A_1790 = vector.broadcast %mul3A_1789 : i32 to vector<16xi32>
    %add3A_1791 = arith.addi %add3A_1790, %add3A : vector<16xi32>
    %shift_right_arithmetic3A_1792 = arith.constant 7 : i32
    %shift_right_arithmetic3A_1793 = vector.broadcast %shift_right_arithmetic3A_1792 : i32 to vector<16xi32>
    %shift_right_arithmetic3A_1794 = arith.shrsi %get3A_1783, %shift_right_arithmetic3A_1793 : vector<16xi32>
    %mul3A_1795 = arith.constant 1024 : i32
    %mul3A_1796 = vector.broadcast %mul3A_1795 : i32 to vector<16xi32>
    %mul3A_1797 = arith.muli %shift_right_arithmetic3A_1794, %mul3A_1796 : vector<16xi32>
    %add3A_1798 = arith.addi %add3A_1791, %mul3A_1797 : vector<16xi32>
    %and3A_1799 = arith.constant 127 : i32
    %and3A_1800 = vector.broadcast %and3A_1799 : i32 to vector<16xi32>
    %and3A_1801 = arith.andi %get3A_1783, %and3A_1800 : vector<16xi32>
    %add3A_1802 = arith.addi %add3A_1798, %and3A_1801 : vector<16xi32>
    %swap3A_1803 = arith.constant 7 : i32
    %swap3A_1804 = arith.index_cast %swap3A_1803 : i32 to index
    %swap3A_1805 = arith.constant 64 : index
    %swap3A_1806 = tpu.vector_load %arg7[%swap3A_1804, %swap3A_1805] {strides = array<i32>} : memref<16x128xi32, #tpu.memory_space<vmem>>, vector<1x16xi32>,
    %swap3A_1807 = vector.shape_cast %swap3A_1806 : vector<1x16xi32> to vector<16xi32>
    %swap3A_1808 = vector.shape_cast %add3A_1802 : vector<16xi32> to vector<1x16xi32>
    tpu.vector_store %arg7[%swap3A_1804, %swap3A_1805], %swap3A_1808 {strides = array<i32>} : memref<16x128xi32, #tpu.memory_space<vmem>>, vector<1x16xi32>,
    %get3A_1809 = arith.constant 976 : index
    %get3A_1810 = tpu.vector_load %arg6[%get3A_1809] {strides = array<i32>} : memref<2048xi32, #tpu.memory_space<vmem>>, vector<16xi32>,
    %get3A_1811 = vector.shape_cast %get3A_1810 : vector<16xi32> to vector<16xi32>
    %add3A_1812 = arith.constant 976 : i32
    %add3A_1813 = arith.addi %mul3A_2, %add3A_1812 : i32
    %shift_right_arithmetic3A_1814 = arith.constant 3 : i32
    %shift_right_arithmetic3A_1815 = arith.shrsi %add3A_1813, %shift_right_arithmetic3A_1814 : i32
    %mul3A_1816 = arith.constant 16384 : i32
    %mul3A_1817 = arith.muli %shift_right_arithmetic3A_1815, %mul3A_1816 : i32
    %add3A_1818 = vector.broadcast %mul3A_1817 : i32 to vector<16xi32>
    %add3A_1819 = arith.addi %add3A_1818, %add3A : vector<16xi32>
    %shift_right_arithmetic3A_1820 = arith.constant 7 : i32
    %shift_right_arithmetic3A_1821 = vector.broadcast %shift_right_arithmetic3A_1820 : i32 to vector<16xi32>
    %shift_right_arithmetic3A_1822 = arith.shrsi %get3A_1811, %shift_right_arithmetic3A_1821 : vector<16xi32>
    %mul3A_1823 = arith.constant 1024 : i32
    %mul3A_1824 = vector.broadcast %mul3A_1823 : i32 to vector<16xi32>
    %mul3A_1825 = arith.muli %shift_right_arithmetic3A_1822, %mul3A_1824 : vector<16xi32>
    %add3A_1826 = arith.addi %add3A_1819, %mul3A_1825 : vector<16xi32>
    %and3A_1827 = arith.constant 127 : i32
    %and3A_1828 = vector.broadcast %and3A_1827 : i32 to vector<16xi32>
    %and3A_1829 = arith.andi %get3A_1811, %and3A_1828 : vector<16xi32>
    %add3A_1830 = arith.addi %add3A_1826, %and3A_1829 : vector<16xi32>
    %swap3A_1831 = arith.constant 7 : i32
    %swap3A_1832 = arith.index_cast %swap3A_1831 : i32 to index
    %swap3A_1833 = arith.constant 80 : index
    %swap3A_1834 = tpu.vector_load %arg7[%swap3A_1832, %swap3A_1833] {strides = array<i32>} : memref<16x128xi32, #tpu.memory_space<vmem>>, vector<1x16xi32>,
    %swap3A_1835 = vector.shape_cast %swap3A_1834 : vector<1x16xi32> to vector<16xi32>
    %swap3A_1836 = vector.shape_cast %add3A_1830 : vector<16xi32> to vector<1x16xi32>
    tpu.vector_store %arg7[%swap3A_1832, %swap3A_1833], %swap3A_1836 {strides = array<i32>} : memref<16x128xi32, #tpu.memory_space<vmem>>, vector<1x16xi32>,
    %get3A_1837 = arith.constant 992 : index
    %get3A_1838 = tpu.vector_load %arg6[%get3A_1837] {strides = array<i32>} : memref<2048xi32, #tpu.memory_space<vmem>>, vector<16xi32>,
    %get3A_1839 = vector.shape_cast %get3A_1838 : vector<16xi32> to vector<16xi32>
    %add3A_1840 = arith.constant 992 : i32
    %add3A_1841 = arith.addi %mul3A_2, %add3A_1840 : i32
    %shift_right_arithmetic3A_1842 = arith.constant 3 : i32
    %shift_right_arithmetic3A_1843 = arith.shrsi %add3A_1841, %shift_right_arithmetic3A_1842 : i32
    %mul3A_1844 = arith.constant 16384 : i32
    %mul3A_1845 = arith.muli %shift_right_arithmetic3A_1843, %mul3A_1844 : i32
    %add3A_1846 = vector.broadcast %mul3A_1845 : i32 to vector<16xi32>
    %add3A_1847 = arith.addi %add3A_1846, %add3A : vector<16xi32>
    %shift_right_arithmetic3A_1848 = arith.constant 7 : i32
    %shift_right_arithmetic3A_1849 = vector.broadcast %shift_right_arithmetic3A_1848 : i32 to vector<16xi32>
    %shift_right_arithmetic3A_1850 = arith.shrsi %get3A_1839, %shift_right_arithmetic3A_1849 : vector<16xi32>
    %mul3A_1851 = arith.constant 1024 : i32
    %mul3A_1852 = vector.broadcast %mul3A_1851 : i32 to vector<16xi32>
    %mul3A_1853 = arith.muli %shift_right_arithmetic3A_1850, %mul3A_1852 : vector<16xi32>
    %add3A_1854 = arith.addi %add3A_1847, %mul3A_1853 : vector<16xi32>
    %and3A_1855 = arith.constant 127 : i32
    %and3A_1856 = vector.broadcast %and3A_1855 : i32 to vector<16xi32>
    %and3A_1857 = arith.andi %get3A_1839, %and3A_1856 : vector<16xi32>
    %add3A_1858 = arith.addi %add3A_1854, %and3A_1857 : vector<16xi32>
    %swap3A_1859 = arith.constant 7 : i32
    %swap3A_1860 = arith.index_cast %swap3A_1859 : i32 to index
    %swap3A_1861 = arith.constant 96 : index
    %swap3A_1862 = tpu.vector_load %arg7[%swap3A_1860, %swap3A_1861] {strides = array<i32>} : memref<16x128xi32, #tpu.memory_space<vmem>>, vector<1x16xi32>,
    %swap3A_1863 = vector.shape_cast %swap3A_1862 : vector<1x16xi32> to vector<16xi32>
    %swap3A_1864 = vector.shape_cast %add3A_1858 : vector<16xi32> to vector<1x16xi32>
    tpu.vector_store %arg7[%swap3A_1860, %swap3A_1861], %swap3A_1864 {strides = array<i32>} : memref<16x128xi32, #tpu.memory_space<vmem>>, vector<1x16xi32>,
    %get3A_1865 = arith.constant 1008 : index
    %get3A_1866 = tpu.vector_load %arg6[%get3A_1865] {strides = array<i32>} : memref<2048xi32, #tpu.memory_space<vmem>>, vector<16xi32>,
    %get3A_1867 = vector.shape_cast %get3A_1866 : vector<16xi32> to vector<16xi32>
    %add3A_1868 = arith.constant 1008 : i32
    %add3A_1869 = arith.addi %mul3A_2, %add3A_1868 : i32
    %shift_right_arithmetic3A_1870 = arith.constant 3 : i32
    %shift_right_arithmetic3A_1871 = arith.shrsi %add3A_1869, %shift_right_arithmetic3A_1870 : i32
    %mul3A_1872 = arith.constant 16384 : i32
    %mul3A_1873 = arith.muli %shift_right_arithmetic3A_1871, %mul3A_1872 : i32
    %add3A_1874 = vector.broadcast %mul3A_1873 : i32 to vector<16xi32>
    %add3A_1875 = arith.addi %add3A_1874, %add3A : vector<16xi32>
    %shift_right_arithmetic3A_1876 = arith.constant 7 : i32
    %shift_right_arithmetic3A_1877 = vector.broadcast %shift_right_arithmetic3A_1876 : i32 to vector<16xi32>
    %shift_right_arithmetic3A_1878 = arith.shrsi %get3A_1867, %shift_right_arithmetic3A_1877 : vector<16xi32>
    %mul3A_1879 = arith.constant 1024 : i32
    %mul3A_1880 = vector.broadcast %mul3A_1879 : i32 to vector<16xi32>
    %mul3A_1881 = arith.muli %shift_right_arithmetic3A_1878, %mul3A_1880 : vector<16xi32>
    %add3A_1882 = arith.addi %add3A_1875, %mul3A_1881 : vector<16xi32>
    %and3A_1883 = arith.constant 127 : i32
    %and3A_1884 = vector.broadcast %and3A_1883 : i32 to vector<16xi32>
    %and3A_1885 = arith.andi %get3A_1867, %and3A_1884 : vector<16xi32>
    %add3A_1886 = arith.addi %add3A_1882, %and3A_1885 : vector<16xi32>
    %swap3A_1887 = arith.constant 7 : i32
    %swap3A_1888 = arith.index_cast %swap3A_1887 : i32 to index
    %swap3A_1889 = arith.constant 112 : index
    %swap3A_1890 = tpu.vector_load %arg7[%swap3A_1888, %swap3A_1889] {strides = array<i32>} : memref<16x128xi32, #tpu.memory_space<vmem>>, vector<1x16xi32>,
    %swap3A_1891 = vector.shape_cast %swap3A_1890 : vector<1x16xi32> to vector<16xi32>
    %swap3A_1892 = vector.shape_cast %add3A_1886 : vector<16xi32> to vector<1x16xi32>
    tpu.vector_store %arg7[%swap3A_1888, %swap3A_1889], %swap3A_1892 {strides = array<i32>} : memref<16x128xi32, #tpu.memory_space<vmem>>, vector<1x16xi32>,
    %dma_start3A_1893 = arith.constant 7 : i32
    %dma_start3A_1894 = arith.constant 7 : i32
    %dma_start3A_1895 = arith.constant 7 : i32
    %dma_start3A_1896 = arith.constant 0 : i32
    %dma_start3A_1897 = tpu.memref_slice %arg8[%dma_start3A_1894, %dma_start3A_1896] : memref<16x128xf32, #tpu.memory_space<vmem>> -> memref<1x128xf32, #tpu.memory_space<vmem>>
    %dma_start3A_1898 = tpu.memref_squeeze %dma_start3A_1897 : memref<1x128xf32, #tpu.memory_space<vmem>> -> memref<128xf32, #tpu.memory_space<vmem>>
    %dma_start3A_1899 = arith.constant 0 : i32
    %dma_start3A_1900 = tpu.memref_slice %arg7[%dma_start3A_1893, %dma_start3A_1899] : memref<16x128xi32, #tpu.memory_space<vmem>> -> memref<1x128xi32, #tpu.memory_space<vmem>>
    %dma_start3A_1901 = tpu.memref_squeeze %dma_start3A_1900 : memref<1x128xi32, #tpu.memory_space<vmem>> -> memref<128xi32, #tpu.memory_space<vmem>>
    %dma_start3A_1902 = arith.constant 0 : i32
    %dma_start3A_1903 = tpu.memref_slice %arg2[%dma_start3A_1902] : memref<67108864xf32, #tpu.memory_space<hbm>> -> memref<67108864xf32, #tpu.memory_space<hbm>>
    %dma_start3A_1904 = tpu.memref_slice %arg12[%dma_start3A_1895] : memref<16x!tpu.dma_semaphore, #tpu.memory_space<semaphore_mem>> -> memref<1x!tpu.dma_semaphore, #tpu.memory_space<semaphore_mem>>
    %dma_start3A_1905 = tpu.memref_squeeze %dma_start3A_1904 : memref<1x!tpu.dma_semaphore, #tpu.memory_space<semaphore_mem>> -> memref<!tpu.dma_semaphore, #tpu.memory_space<semaphore_mem>>
    tpu.enqueue_indirect_dma source(%dma_start3A_1903 : memref<67108864xf32, #tpu.memory_space<hbm>>) target(%dma_start3A_1898 : memref<128xf32, #tpu.memory_space<vmem>>) offsets(%dma_start3A_1901 : memref<128xi32, #tpu.memory_space<vmem>>) semaphore(%dma_start3A_1905 : memref<!tpu.dma_semaphore, #tpu.memory_space<semaphore_mem>>)
    %get3A_1906 = arith.constant 1024 : index
    %get3A_1907 = tpu.vector_load %arg6[%get3A_1906] {strides = array<i32>} : memref<2048xi32, #tpu.memory_space<vmem>>, vector<16xi32>,
    %get3A_1908 = vector.shape_cast %get3A_1907 : vector<16xi32> to vector<16xi32>
    %add3A_1909 = arith.constant 1024 : i32
    %add3A_1910 = arith.addi %mul3A_2, %add3A_1909 : i32
    %shift_right_arithmetic3A_1911 = arith.constant 3 : i32
    %shift_right_arithmetic3A_1912 = arith.shrsi %add3A_1910, %shift_right_arithmetic3A_1911 : i32
    %mul3A_1913 = arith.constant 16384 : i32
    %mul3A_1914 = arith.muli %shift_right_arithmetic3A_1912, %mul3A_1913 : i32
    %add3A_1915 = vector.broadcast %mul3A_1914 : i32 to vector<16xi32>
    %add3A_1916 = arith.addi %add3A_1915, %add3A : vector<16xi32>
    %shift_right_arithmetic3A_1917 = arith.constant 7 : i32
    %shift_right_arithmetic3A_1918 = vector.broadcast %shift_right_arithmetic3A_1917 : i32 to vector<16xi32>
    %shift_right_arithmetic3A_1919 = arith.shrsi %get3A_1908, %shift_right_arithmetic3A_1918 : vector<16xi32>
    %mul3A_1920 = arith.constant 1024 : i32
    %mul3A_1921 = vector.broadcast %mul3A_1920 : i32 to vector<16xi32>
    %mul3A_1922 = arith.muli %shift_right_arithmetic3A_1919, %mul3A_1921 : vector<16xi32>
    %add3A_1923 = arith.addi %add3A_1916, %mul3A_1922 : vector<16xi32>
    %and3A_1924 = arith.constant 127 : i32
    %and3A_1925 = vector.broadcast %and3A_1924 : i32 to vector<16xi32>
    %and3A_1926 = arith.andi %get3A_1908, %and3A_1925 : vector<16xi32>
    %add3A_1927 = arith.addi %add3A_1923, %and3A_1926 : vector<16xi32>
    %swap3A_1928 = arith.constant 8 : i32
    %swap3A_1929 = arith.index_cast %swap3A_1928 : i32 to index
    %swap3A_1930 = arith.constant 0 : index
    %swap3A_1931 = tpu.vector_load %arg7[%swap3A_1929, %swap3A_1930] {strides = array<i32>} : memref<16x128xi32, #tpu.memory_space<vmem>>, vector<1x16xi32>,
    %swap3A_1932 = vector.shape_cast %swap3A_1931 : vector<1x16xi32> to vector<16xi32>
    %swap3A_1933 = vector.shape_cast %add3A_1927 : vector<16xi32> to vector<1x16xi32>
    tpu.vector_store %arg7[%swap3A_1929, %swap3A_1930], %swap3A_1933 {strides = array<i32>} : memref<16x128xi32, #tpu.memory_space<vmem>>, vector<1x16xi32>,
    %get3A_1934 = arith.constant 1040 : index
    %get3A_1935 = tpu.vector_load %arg6[%get3A_1934] {strides = array<i32>} : memref<2048xi32, #tpu.memory_space<vmem>>, vector<16xi32>,
    %get3A_1936 = vector.shape_cast %get3A_1935 : vector<16xi32> to vector<16xi32>
    %add3A_1937 = arith.constant 1040 : i32
    %add3A_1938 = arith.addi %mul3A_2, %add3A_1937 : i32
    %shift_right_arithmetic3A_1939 = arith.constant 3 : i32
    %shift_right_arithmetic3A_1940 = arith.shrsi %add3A_1938, %shift_right_arithmetic3A_1939 : i32
    %mul3A_1941 = arith.constant 16384 : i32
    %mul3A_1942 = arith.muli %shift_right_arithmetic3A_1940, %mul3A_1941 : i32
    %add3A_1943 = vector.broadcast %mul3A_1942 : i32 to vector<16xi32>
    %add3A_1944 = arith.addi %add3A_1943, %add3A : vector<16xi32>
    %shift_right_arithmetic3A_1945 = arith.constant 7 : i32
    %shift_right_arithmetic3A_1946 = vector.broadcast %shift_right_arithmetic3A_1945 : i32 to vector<16xi32>
    %shift_right_arithmetic3A_1947 = arith.shrsi %get3A_1936, %shift_right_arithmetic3A_1946 : vector<16xi32>
    %mul3A_1948 = arith.constant 1024 : i32
    %mul3A_1949 = vector.broadcast %mul3A_1948 : i32 to vector<16xi32>
    %mul3A_1950 = arith.muli %shift_right_arithmetic3A_1947, %mul3A_1949 : vector<16xi32>
    %add3A_1951 = arith.addi %add3A_1944, %mul3A_1950 : vector<16xi32>
    %and3A_1952 = arith.constant 127 : i32
    %and3A_1953 = vector.broadcast %and3A_1952 : i32 to vector<16xi32>
    %and3A_1954 = arith.andi %get3A_1936, %and3A_1953 : vector<16xi32>
    %add3A_1955 = arith.addi %add3A_1951, %and3A_1954 : vector<16xi32>
    %swap3A_1956 = arith.constant 8 : i32
    %swap3A_1957 = arith.index_cast %swap3A_1956 : i32 to index
    %swap3A_1958 = arith.constant 16 : index
    %swap3A_1959 = tpu.vector_load %arg7[%swap3A_1957, %swap3A_1958] {strides = array<i32>} : memref<16x128xi32, #tpu.memory_space<vmem>>, vector<1x16xi32>,
    %swap3A_1960 = vector.shape_cast %swap3A_1959 : vector<1x16xi32> to vector<16xi32>
    %swap3A_1961 = vector.shape_cast %add3A_1955 : vector<16xi32> to vector<1x16xi32>
    tpu.vector_store %arg7[%swap3A_1957, %swap3A_1958], %swap3A_1961 {strides = array<i32>} : memref<16x128xi32, #tpu.memory_space<vmem>>, vector<1x16xi32>,
    %get3A_1962 = arith.constant 1056 : index
    %get3A_1963 = tpu.vector_load %arg6[%get3A_1962] {strides = array<i32>} : memref<2048xi32, #tpu.memory_space<vmem>>, vector<16xi32>,
    %get3A_1964 = vector.shape_cast %get3A_1963 : vector<16xi32> to vector<16xi32>
    %add3A_1965 = arith.constant 1056 : i32
    %add3A_1966 = arith.addi %mul3A_2, %add3A_1965 : i32
    %shift_right_arithmetic3A_1967 = arith.constant 3 : i32
    %shift_right_arithmetic3A_1968 = arith.shrsi %add3A_1966, %shift_right_arithmetic3A_1967 : i32
    %mul3A_1969 = arith.constant 16384 : i32
    %mul3A_1970 = arith.muli %shift_right_arithmetic3A_1968, %mul3A_1969 : i32
    %add3A_1971 = vector.broadcast %mul3A_1970 : i32 to vector<16xi32>
    %add3A_1972 = arith.addi %add3A_1971, %add3A : vector<16xi32>
    %shift_right_arithmetic3A_1973 = arith.constant 7 : i32
    %shift_right_arithmetic3A_1974 = vector.broadcast %shift_right_arithmetic3A_1973 : i32 to vector<16xi32>
    %shift_right_arithmetic3A_1975 = arith.shrsi %get3A_1964, %shift_right_arithmetic3A_1974 : vector<16xi32>
    %mul3A_1976 = arith.constant 1024 : i32
    %mul3A_1977 = vector.broadcast %mul3A_1976 : i32 to vector<16xi32>
    %mul3A_1978 = arith.muli %shift_right_arithmetic3A_1975, %mul3A_1977 : vector<16xi32>
    %add3A_1979 = arith.addi %add3A_1972, %mul3A_1978 : vector<16xi32>
    %and3A_1980 = arith.constant 127 : i32
    %and3A_1981 = vector.broadcast %and3A_1980 : i32 to vector<16xi32>
    %and3A_1982 = arith.andi %get3A_1964, %and3A_1981 : vector<16xi32>
    %add3A_1983 = arith.addi %add3A_1979, %and3A_1982 : vector<16xi32>
    %swap3A_1984 = arith.constant 8 : i32
    %swap3A_1985 = arith.index_cast %swap3A_1984 : i32 to index
    %swap3A_1986 = arith.constant 32 : index
    %swap3A_1987 = tpu.vector_load %arg7[%swap3A_1985, %swap3A_1986] {strides = array<i32>} : memref<16x128xi32, #tpu.memory_space<vmem>>, vector<1x16xi32>,
    %swap3A_1988 = vector.shape_cast %swap3A_1987 : vector<1x16xi32> to vector<16xi32>
    %swap3A_1989 = vector.shape_cast %add3A_1983 : vector<16xi32> to vector<1x16xi32>
    tpu.vector_store %arg7[%swap3A_1985, %swap3A_1986], %swap3A_1989 {strides = array<i32>} : memref<16x128xi32, #tpu.memory_space<vmem>>, vector<1x16xi32>,
    %get3A_1990 = arith.constant 1072 : index
    %get3A_1991 = tpu.vector_load %arg6[%get3A_1990] {strides = array<i32>} : memref<2048xi32, #tpu.memory_space<vmem>>, vector<16xi32>,
    %get3A_1992 = vector.shape_cast %get3A_1991 : vector<16xi32> to vector<16xi32>
    %add3A_1993 = arith.constant 1072 : i32
    %add3A_1994 = arith.addi %mul3A_2, %add3A_1993 : i32
    %shift_right_arithmetic3A_1995 = arith.constant 3 : i32
    %shift_right_arithmetic3A_1996 = arith.shrsi %add3A_1994, %shift_right_arithmetic3A_1995 : i32
    %mul3A_1997 = arith.constant 16384 : i32
    %mul3A_1998 = arith.muli %shift_right_arithmetic3A_1996, %mul3A_1997 : i32
    %add3A_1999 = vector.broadcast %mul3A_1998 : i32 to vector<16xi32>
    %add3A_2000 = arith.addi %add3A_1999, %add3A : vector<16xi32>
    %shift_right_arithmetic3A_2001 = arith.constant 7 : i32
    %shift_right_arithmetic3A_2002 = vector.broadcast %shift_right_arithmetic3A_2001 : i32 to vector<16xi32>
    %shift_right_arithmetic3A_2003 = arith.shrsi %get3A_1992, %shift_right_arithmetic3A_2002 : vector<16xi32>
    %mul3A_2004 = arith.constant 1024 : i32
    %mul3A_2005 = vector.broadcast %mul3A_2004 : i32 to vector<16xi32>
    %mul3A_2006 = arith.muli %shift_right_arithmetic3A_2003, %mul3A_2005 : vector<16xi32>
    %add3A_2007 = arith.addi %add3A_2000, %mul3A_2006 : vector<16xi32>
    %and3A_2008 = arith.constant 127 : i32
    %and3A_2009 = vector.broadcast %and3A_2008 : i32 to vector<16xi32>
    %and3A_2010 = arith.andi %get3A_1992, %and3A_2009 : vector<16xi32>
    %add3A_2011 = arith.addi %add3A_2007, %and3A_2010 : vector<16xi32>
    %swap3A_2012 = arith.constant 8 : i32
    %swap3A_2013 = arith.index_cast %swap3A_2012 : i32 to index
    %swap3A_2014 = arith.constant 48 : index
    %swap3A_2015 = tpu.vector_load %arg7[%swap3A_2013, %swap3A_2014] {strides = array<i32>} : memref<16x128xi32, #tpu.memory_space<vmem>>, vector<1x16xi32>,
    %swap3A_2016 = vector.shape_cast %swap3A_2015 : vector<1x16xi32> to vector<16xi32>
    %swap3A_2017 = vector.shape_cast %add3A_2011 : vector<16xi32> to vector<1x16xi32>
    tpu.vector_store %arg7[%swap3A_2013, %swap3A_2014], %swap3A_2017 {strides = array<i32>} : memref<16x128xi32, #tpu.memory_space<vmem>>, vector<1x16xi32>,
    %get3A_2018 = arith.constant 1088 : index
    %get3A_2019 = tpu.vector_load %arg6[%get3A_2018] {strides = array<i32>} : memref<2048xi32, #tpu.memory_space<vmem>>, vector<16xi32>,
    %get3A_2020 = vector.shape_cast %get3A_2019 : vector<16xi32> to vector<16xi32>
    %add3A_2021 = arith.constant 1088 : i32
    %add3A_2022 = arith.addi %mul3A_2, %add3A_2021 : i32
    %shift_right_arithmetic3A_2023 = arith.constant 3 : i32
    %shift_right_arithmetic3A_2024 = arith.shrsi %add3A_2022, %shift_right_arithmetic3A_2023 : i32
    %mul3A_2025 = arith.constant 16384 : i32
    %mul3A_2026 = arith.muli %shift_right_arithmetic3A_2024, %mul3A_2025 : i32
    %add3A_2027 = vector.broadcast %mul3A_2026 : i32 to vector<16xi32>
    %add3A_2028 = arith.addi %add3A_2027, %add3A : vector<16xi32>
    %shift_right_arithmetic3A_2029 = arith.constant 7 : i32
    %shift_right_arithmetic3A_2030 = vector.broadcast %shift_right_arithmetic3A_2029 : i32 to vector<16xi32>
    %shift_right_arithmetic3A_2031 = arith.shrsi %get3A_2020, %shift_right_arithmetic3A_2030 : vector<16xi32>
    %mul3A_2032 = arith.constant 1024 : i32
    %mul3A_2033 = vector.broadcast %mul3A_2032 : i32 to vector<16xi32>
    %mul3A_2034 = arith.muli %shift_right_arithmetic3A_2031, %mul3A_2033 : vector<16xi32>
    %add3A_2035 = arith.addi %add3A_2028, %mul3A_2034 : vector<16xi32>
    %and3A_2036 = arith.constant 127 : i32
    %and3A_2037 = vector.broadcast %and3A_2036 : i32 to vector<16xi32>
    %and3A_2038 = arith.andi %get3A_2020, %and3A_2037 : vector<16xi32>
    %add3A_2039 = arith.addi %add3A_2035, %and3A_2038 : vector<16xi32>
    %swap3A_2040 = arith.constant 8 : i32
    %swap3A_2041 = arith.index_cast %swap3A_2040 : i32 to index
    %swap3A_2042 = arith.constant 64 : index
    %swap3A_2043 = tpu.vector_load %arg7[%swap3A_2041, %swap3A_2042] {strides = array<i32>} : memref<16x128xi32, #tpu.memory_space<vmem>>, vector<1x16xi32>,
    %swap3A_2044 = vector.shape_cast %swap3A_2043 : vector<1x16xi32> to vector<16xi32>
    %swap3A_2045 = vector.shape_cast %add3A_2039 : vector<16xi32> to vector<1x16xi32>
    tpu.vector_store %arg7[%swap3A_2041, %swap3A_2042], %swap3A_2045 {strides = array<i32>} : memref<16x128xi32, #tpu.memory_space<vmem>>, vector<1x16xi32>,
    %get3A_2046 = arith.constant 1104 : index
    %get3A_2047 = tpu.vector_load %arg6[%get3A_2046] {strides = array<i32>} : memref<2048xi32, #tpu.memory_space<vmem>>, vector<16xi32>,
    %get3A_2048 = vector.shape_cast %get3A_2047 : vector<16xi32> to vector<16xi32>
    %add3A_2049 = arith.constant 1104 : i32
    %add3A_2050 = arith.addi %mul3A_2, %add3A_2049 : i32
    %shift_right_arithmetic3A_2051 = arith.constant 3 : i32
    %shift_right_arithmetic3A_2052 = arith.shrsi %add3A_2050, %shift_right_arithmetic3A_2051 : i32
    %mul3A_2053 = arith.constant 16384 : i32
    %mul3A_2054 = arith.muli %shift_right_arithmetic3A_2052, %mul3A_2053 : i32
    %add3A_2055 = vector.broadcast %mul3A_2054 : i32 to vector<16xi32>
    %add3A_2056 = arith.addi %add3A_2055, %add3A : vector<16xi32>
    %shift_right_arithmetic3A_2057 = arith.constant 7 : i32
    %shift_right_arithmetic3A_2058 = vector.broadcast %shift_right_arithmetic3A_2057 : i32 to vector<16xi32>
    %shift_right_arithmetic3A_2059 = arith.shrsi %get3A_2048, %shift_right_arithmetic3A_2058 : vector<16xi32>
    %mul3A_2060 = arith.constant 1024 : i32
    %mul3A_2061 = vector.broadcast %mul3A_2060 : i32 to vector<16xi32>
    %mul3A_2062 = arith.muli %shift_right_arithmetic3A_2059, %mul3A_2061 : vector<16xi32>
    %add3A_2063 = arith.addi %add3A_2056, %mul3A_2062 : vector<16xi32>
    %and3A_2064 = arith.constant 127 : i32
    %and3A_2065 = vector.broadcast %and3A_2064 : i32 to vector<16xi32>
    %and3A_2066 = arith.andi %get3A_2048, %and3A_2065 : vector<16xi32>
    %add3A_2067 = arith.addi %add3A_2063, %and3A_2066 : vector<16xi32>
    %swap3A_2068 = arith.constant 8 : i32
    %swap3A_2069 = arith.index_cast %swap3A_2068 : i32 to index
    %swap3A_2070 = arith.constant 80 : index
    %swap3A_2071 = tpu.vector_load %arg7[%swap3A_2069, %swap3A_2070] {strides = array<i32>} : memref<16x128xi32, #tpu.memory_space<vmem>>, vector<1x16xi32>,
    %swap3A_2072 = vector.shape_cast %swap3A_2071 : vector<1x16xi32> to vector<16xi32>
    %swap3A_2073 = vector.shape_cast %add3A_2067 : vector<16xi32> to vector<1x16xi32>
    tpu.vector_store %arg7[%swap3A_2069, %swap3A_2070], %swap3A_2073 {strides = array<i32>} : memref<16x128xi32, #tpu.memory_space<vmem>>, vector<1x16xi32>,
    %get3A_2074 = arith.constant 1120 : index
    %get3A_2075 = tpu.vector_load %arg6[%get3A_2074] {strides = array<i32>} : memref<2048xi32, #tpu.memory_space<vmem>>, vector<16xi32>,
    %get3A_2076 = vector.shape_cast %get3A_2075 : vector<16xi32> to vector<16xi32>
    %add3A_2077 = arith.constant 1120 : i32
    %add3A_2078 = arith.addi %mul3A_2, %add3A_2077 : i32
    %shift_right_arithmetic3A_2079 = arith.constant 3 : i32
    %shift_right_arithmetic3A_2080 = arith.shrsi %add3A_2078, %shift_right_arithmetic3A_2079 : i32
    %mul3A_2081 = arith.constant 16384 : i32
    %mul3A_2082 = arith.muli %shift_right_arithmetic3A_2080, %mul3A_2081 : i32
    %add3A_2083 = vector.broadcast %mul3A_2082 : i32 to vector<16xi32>
    %add3A_2084 = arith.addi %add3A_2083, %add3A : vector<16xi32>
    %shift_right_arithmetic3A_2085 = arith.constant 7 : i32
    %shift_right_arithmetic3A_2086 = vector.broadcast %shift_right_arithmetic3A_2085 : i32 to vector<16xi32>
    %shift_right_arithmetic3A_2087 = arith.shrsi %get3A_2076, %shift_right_arithmetic3A_2086 : vector<16xi32>
    %mul3A_2088 = arith.constant 1024 : i32
    %mul3A_2089 = vector.broadcast %mul3A_2088 : i32 to vector<16xi32>
    %mul3A_2090 = arith.muli %shift_right_arithmetic3A_2087, %mul3A_2089 : vector<16xi32>
    %add3A_2091 = arith.addi %add3A_2084, %mul3A_2090 : vector<16xi32>
    %and3A_2092 = arith.constant 127 : i32
    %and3A_2093 = vector.broadcast %and3A_2092 : i32 to vector<16xi32>
    %and3A_2094 = arith.andi %get3A_2076, %and3A_2093 : vector<16xi32>
    %add3A_2095 = arith.addi %add3A_2091, %and3A_2094 : vector<16xi32>
    %swap3A_2096 = arith.constant 8 : i32
    %swap3A_2097 = arith.index_cast %swap3A_2096 : i32 to index
    %swap3A_2098 = arith.constant 96 : index
    %swap3A_2099 = tpu.vector_load %arg7[%swap3A_2097, %swap3A_2098] {strides = array<i32>} : memref<16x128xi32, #tpu.memory_space<vmem>>, vector<1x16xi32>,
    %swap3A_2100 = vector.shape_cast %swap3A_2099 : vector<1x16xi32> to vector<16xi32>
    %swap3A_2101 = vector.shape_cast %add3A_2095 : vector<16xi32> to vector<1x16xi32>
    tpu.vector_store %arg7[%swap3A_2097, %swap3A_2098], %swap3A_2101 {strides = array<i32>} : memref<16x128xi32, #tpu.memory_space<vmem>>, vector<1x16xi32>,
    %get3A_2102 = arith.constant 1136 : index
    %get3A_2103 = tpu.vector_load %arg6[%get3A_2102] {strides = array<i32>} : memref<2048xi32, #tpu.memory_space<vmem>>, vector<16xi32>,
    %get3A_2104 = vector.shape_cast %get3A_2103 : vector<16xi32> to vector<16xi32>
    %add3A_2105 = arith.constant 1136 : i32
    %add3A_2106 = arith.addi %mul3A_2, %add3A_2105 : i32
    %shift_right_arithmetic3A_2107 = arith.constant 3 : i32
    %shift_right_arithmetic3A_2108 = arith.shrsi %add3A_2106, %shift_right_arithmetic3A_2107 : i32
    %mul3A_2109 = arith.constant 16384 : i32
    %mul3A_2110 = arith.muli %shift_right_arithmetic3A_2108, %mul3A_2109 : i32
    %add3A_2111 = vector.broadcast %mul3A_2110 : i32 to vector<16xi32>
    %add3A_2112 = arith.addi %add3A_2111, %add3A : vector<16xi32>
    %shift_right_arithmetic3A_2113 = arith.constant 7 : i32
    %shift_right_arithmetic3A_2114 = vector.broadcast %shift_right_arithmetic3A_2113 : i32 to vector<16xi32>
    %shift_right_arithmetic3A_2115 = arith.shrsi %get3A_2104, %shift_right_arithmetic3A_2114 : vector<16xi32>
    %mul3A_2116 = arith.constant 1024 : i32
    %mul3A_2117 = vector.broadcast %mul3A_2116 : i32 to vector<16xi32>
    %mul3A_2118 = arith.muli %shift_right_arithmetic3A_2115, %mul3A_2117 : vector<16xi32>
    %add3A_2119 = arith.addi %add3A_2112, %mul3A_2118 : vector<16xi32>
    %and3A_2120 = arith.constant 127 : i32
    %and3A_2121 = vector.broadcast %and3A_2120 : i32 to vector<16xi32>
    %and3A_2122 = arith.andi %get3A_2104, %and3A_2121 : vector<16xi32>
    %add3A_2123 = arith.addi %add3A_2119, %and3A_2122 : vector<16xi32>
    %swap3A_2124 = arith.constant 8 : i32
    %swap3A_2125 = arith.index_cast %swap3A_2124 : i32 to index
    %swap3A_2126 = arith.constant 112 : index
    %swap3A_2127 = tpu.vector_load %arg7[%swap3A_2125, %swap3A_2126] {strides = array<i32>} : memref<16x128xi32, #tpu.memory_space<vmem>>, vector<1x16xi32>,
    %swap3A_2128 = vector.shape_cast %swap3A_2127 : vector<1x16xi32> to vector<16xi32>
    %swap3A_2129 = vector.shape_cast %add3A_2123 : vector<16xi32> to vector<1x16xi32>
    tpu.vector_store %arg7[%swap3A_2125, %swap3A_2126], %swap3A_2129 {strides = array<i32>} : memref<16x128xi32, #tpu.memory_space<vmem>>, vector<1x16xi32>,
    %dma_start3A_2130 = arith.constant 8 : i32
    %dma_start3A_2131 = arith.constant 8 : i32
    %dma_start3A_2132 = arith.constant 8 : i32
    %dma_start3A_2133 = arith.constant 0 : i32
    %dma_start3A_2134 = tpu.memref_slice %arg8[%dma_start3A_2131, %dma_start3A_2133] : memref<16x128xf32, #tpu.memory_space<vmem>> -> memref<1x128xf32, #tpu.memory_space<vmem>>
    %dma_start3A_2135 = tpu.memref_squeeze %dma_start3A_2134 : memref<1x128xf32, #tpu.memory_space<vmem>> -> memref<128xf32, #tpu.memory_space<vmem>>
    %dma_start3A_2136 = arith.constant 0 : i32
    %dma_start3A_2137 = tpu.memref_slice %arg7[%dma_start3A_2130, %dma_start3A_2136] : memref<16x128xi32, #tpu.memory_space<vmem>> -> memref<1x128xi32, #tpu.memory_space<vmem>>
    %dma_start3A_2138 = tpu.memref_squeeze %dma_start3A_2137 : memref<1x128xi32, #tpu.memory_space<vmem>> -> memref<128xi32, #tpu.memory_space<vmem>>
    %dma_start3A_2139 = arith.constant 0 : i32
    %dma_start3A_2140 = tpu.memref_slice %arg2[%dma_start3A_2139] : memref<67108864xf32, #tpu.memory_space<hbm>> -> memref<67108864xf32, #tpu.memory_space<hbm>>
    %dma_start3A_2141 = tpu.memref_slice %arg12[%dma_start3A_2132] : memref<16x!tpu.dma_semaphore, #tpu.memory_space<semaphore_mem>> -> memref<1x!tpu.dma_semaphore, #tpu.memory_space<semaphore_mem>>
    %dma_start3A_2142 = tpu.memref_squeeze %dma_start3A_2141 : memref<1x!tpu.dma_semaphore, #tpu.memory_space<semaphore_mem>> -> memref<!tpu.dma_semaphore, #tpu.memory_space<semaphore_mem>>
    tpu.enqueue_indirect_dma source(%dma_start3A_2140 : memref<67108864xf32, #tpu.memory_space<hbm>>) target(%dma_start3A_2135 : memref<128xf32, #tpu.memory_space<vmem>>) offsets(%dma_start3A_2138 : memref<128xi32, #tpu.memory_space<vmem>>) semaphore(%dma_start3A_2142 : memref<!tpu.dma_semaphore, #tpu.memory_space<semaphore_mem>>)
    %get3A_2143 = arith.constant 1152 : index
    %get3A_2144 = tpu.vector_load %arg6[%get3A_2143] {strides = array<i32>} : memref<2048xi32, #tpu.memory_space<vmem>>, vector<16xi32>,
    %get3A_2145 = vector.shape_cast %get3A_2144 : vector<16xi32> to vector<16xi32>
    %add3A_2146 = arith.constant 1152 : i32
    %add3A_2147 = arith.addi %mul3A_2, %add3A_2146 : i32
    %shift_right_arithmetic3A_2148 = arith.constant 3 : i32
    %shift_right_arithmetic3A_2149 = arith.shrsi %add3A_2147, %shift_right_arithmetic3A_2148 : i32
    %mul3A_2150 = arith.constant 16384 : i32
    %mul3A_2151 = arith.muli %shift_right_arithmetic3A_2149, %mul3A_2150 : i32
    %add3A_2152 = vector.broadcast %mul3A_2151 : i32 to vector<16xi32>
    %add3A_2153 = arith.addi %add3A_2152, %add3A : vector<16xi32>
    %shift_right_arithmetic3A_2154 = arith.constant 7 : i32
    %shift_right_arithmetic3A_2155 = vector.broadcast %shift_right_arithmetic3A_2154 : i32 to vector<16xi32>
    %shift_right_arithmetic3A_2156 = arith.shrsi %get3A_2145, %shift_right_arithmetic3A_2155 : vector<16xi32>
    %mul3A_2157 = arith.constant 1024 : i32
    %mul3A_2158 = vector.broadcast %mul3A_2157 : i32 to vector<16xi32>
    %mul3A_2159 = arith.muli %shift_right_arithmetic3A_2156, %mul3A_2158 : vector<16xi32>
    %add3A_2160 = arith.addi %add3A_2153, %mul3A_2159 : vector<16xi32>
    %and3A_2161 = arith.constant 127 : i32
    %and3A_2162 = vector.broadcast %and3A_2161 : i32 to vector<16xi32>
    %and3A_2163 = arith.andi %get3A_2145, %and3A_2162 : vector<16xi32>
    %add3A_2164 = arith.addi %add3A_2160, %and3A_2163 : vector<16xi32>
    %swap3A_2165 = arith.constant 9 : i32
    %swap3A_2166 = arith.index_cast %swap3A_2165 : i32 to index
    %swap3A_2167 = arith.constant 0 : index
    %swap3A_2168 = tpu.vector_load %arg7[%swap3A_2166, %swap3A_2167] {strides = array<i32>} : memref<16x128xi32, #tpu.memory_space<vmem>>, vector<1x16xi32>,
    %swap3A_2169 = vector.shape_cast %swap3A_2168 : vector<1x16xi32> to vector<16xi32>
    %swap3A_2170 = vector.shape_cast %add3A_2164 : vector<16xi32> to vector<1x16xi32>
    tpu.vector_store %arg7[%swap3A_2166, %swap3A_2167], %swap3A_2170 {strides = array<i32>} : memref<16x128xi32, #tpu.memory_space<vmem>>, vector<1x16xi32>,
    %get3A_2171 = arith.constant 1168 : index
    %get3A_2172 = tpu.vector_load %arg6[%get3A_2171] {strides = array<i32>} : memref<2048xi32, #tpu.memory_space<vmem>>, vector<16xi32>,
    %get3A_2173 = vector.shape_cast %get3A_2172 : vector<16xi32> to vector<16xi32>
    %add3A_2174 = arith.constant 1168 : i32
    %add3A_2175 = arith.addi %mul3A_2, %add3A_2174 : i32
    %shift_right_arithmetic3A_2176 = arith.constant 3 : i32
    %shift_right_arithmetic3A_2177 = arith.shrsi %add3A_2175, %shift_right_arithmetic3A_2176 : i32
    %mul3A_2178 = arith.constant 16384 : i32
    %mul3A_2179 = arith.muli %shift_right_arithmetic3A_2177, %mul3A_2178 : i32
    %add3A_2180 = vector.broadcast %mul3A_2179 : i32 to vector<16xi32>
    %add3A_2181 = arith.addi %add3A_2180, %add3A : vector<16xi32>
    %shift_right_arithmetic3A_2182 = arith.constant 7 : i32
    %shift_right_arithmetic3A_2183 = vector.broadcast %shift_right_arithmetic3A_2182 : i32 to vector<16xi32>
    %shift_right_arithmetic3A_2184 = arith.shrsi %get3A_2173, %shift_right_arithmetic3A_2183 : vector<16xi32>
    %mul3A_2185 = arith.constant 1024 : i32
    %mul3A_2186 = vector.broadcast %mul3A_2185 : i32 to vector<16xi32>
    %mul3A_2187 = arith.muli %shift_right_arithmetic3A_2184, %mul3A_2186 : vector<16xi32>
    %add3A_2188 = arith.addi %add3A_2181, %mul3A_2187 : vector<16xi32>
    %and3A_2189 = arith.constant 127 : i32
    %and3A_2190 = vector.broadcast %and3A_2189 : i32 to vector<16xi32>
    %and3A_2191 = arith.andi %get3A_2173, %and3A_2190 : vector<16xi32>
    %add3A_2192 = arith.addi %add3A_2188, %and3A_2191 : vector<16xi32>
    %swap3A_2193 = arith.constant 9 : i32
    %swap3A_2194 = arith.index_cast %swap3A_2193 : i32 to index
    %swap3A_2195 = arith.constant 16 : index
    %swap3A_2196 = tpu.vector_load %arg7[%swap3A_2194, %swap3A_2195] {strides = array<i32>} : memref<16x128xi32, #tpu.memory_space<vmem>>, vector<1x16xi32>,
    %swap3A_2197 = vector.shape_cast %swap3A_2196 : vector<1x16xi32> to vector<16xi32>
    %swap3A_2198 = vector.shape_cast %add3A_2192 : vector<16xi32> to vector<1x16xi32>
    tpu.vector_store %arg7[%swap3A_2194, %swap3A_2195], %swap3A_2198 {strides = array<i32>} : memref<16x128xi32, #tpu.memory_space<vmem>>, vector<1x16xi32>,
    %get3A_2199 = arith.constant 1184 : index
    %get3A_2200 = tpu.vector_load %arg6[%get3A_2199] {strides = array<i32>} : memref<2048xi32, #tpu.memory_space<vmem>>, vector<16xi32>,
    %get3A_2201 = vector.shape_cast %get3A_2200 : vector<16xi32> to vector<16xi32>
    %add3A_2202 = arith.constant 1184 : i32
    %add3A_2203 = arith.addi %mul3A_2, %add3A_2202 : i32
    %shift_right_arithmetic3A_2204 = arith.constant 3 : i32
    %shift_right_arithmetic3A_2205 = arith.shrsi %add3A_2203, %shift_right_arithmetic3A_2204 : i32
    %mul3A_2206 = arith.constant 16384 : i32
    %mul3A_2207 = arith.muli %shift_right_arithmetic3A_2205, %mul3A_2206 : i32
    %add3A_2208 = vector.broadcast %mul3A_2207 : i32 to vector<16xi32>
    %add3A_2209 = arith.addi %add3A_2208, %add3A : vector<16xi32>
    %shift_right_arithmetic3A_2210 = arith.constant 7 : i32
    %shift_right_arithmetic3A_2211 = vector.broadcast %shift_right_arithmetic3A_2210 : i32 to vector<16xi32>
    %shift_right_arithmetic3A_2212 = arith.shrsi %get3A_2201, %shift_right_arithmetic3A_2211 : vector<16xi32>
    %mul3A_2213 = arith.constant 1024 : i32
    %mul3A_2214 = vector.broadcast %mul3A_2213 : i32 to vector<16xi32>
    %mul3A_2215 = arith.muli %shift_right_arithmetic3A_2212, %mul3A_2214 : vector<16xi32>
    %add3A_2216 = arith.addi %add3A_2209, %mul3A_2215 : vector<16xi32>
    %and3A_2217 = arith.constant 127 : i32
    %and3A_2218 = vector.broadcast %and3A_2217 : i32 to vector<16xi32>
    %and3A_2219 = arith.andi %get3A_2201, %and3A_2218 : vector<16xi32>
    %add3A_2220 = arith.addi %add3A_2216, %and3A_2219 : vector<16xi32>
    %swap3A_2221 = arith.constant 9 : i32
    %swap3A_2222 = arith.index_cast %swap3A_2221 : i32 to index
    %swap3A_2223 = arith.constant 32 : index
    %swap3A_2224 = tpu.vector_load %arg7[%swap3A_2222, %swap3A_2223] {strides = array<i32>} : memref<16x128xi32, #tpu.memory_space<vmem>>, vector<1x16xi32>,
    %swap3A_2225 = vector.shape_cast %swap3A_2224 : vector<1x16xi32> to vector<16xi32>
    %swap3A_2226 = vector.shape_cast %add3A_2220 : vector<16xi32> to vector<1x16xi32>
    tpu.vector_store %arg7[%swap3A_2222, %swap3A_2223], %swap3A_2226 {strides = array<i32>} : memref<16x128xi32, #tpu.memory_space<vmem>>, vector<1x16xi32>,
    %get3A_2227 = arith.constant 1200 : index
    %get3A_2228 = tpu.vector_load %arg6[%get3A_2227] {strides = array<i32>} : memref<2048xi32, #tpu.memory_space<vmem>>, vector<16xi32>,
    %get3A_2229 = vector.shape_cast %get3A_2228 : vector<16xi32> to vector<16xi32>
    %add3A_2230 = arith.constant 1200 : i32
    %add3A_2231 = arith.addi %mul3A_2, %add3A_2230 : i32
    %shift_right_arithmetic3A_2232 = arith.constant 3 : i32
    %shift_right_arithmetic3A_2233 = arith.shrsi %add3A_2231, %shift_right_arithmetic3A_2232 : i32
    %mul3A_2234 = arith.constant 16384 : i32
    %mul3A_2235 = arith.muli %shift_right_arithmetic3A_2233, %mul3A_2234 : i32
    %add3A_2236 = vector.broadcast %mul3A_2235 : i32 to vector<16xi32>
    %add3A_2237 = arith.addi %add3A_2236, %add3A : vector<16xi32>
    %shift_right_arithmetic3A_2238 = arith.constant 7 : i32
    %shift_right_arithmetic3A_2239 = vector.broadcast %shift_right_arithmetic3A_2238 : i32 to vector<16xi32>
    %shift_right_arithmetic3A_2240 = arith.shrsi %get3A_2229, %shift_right_arithmetic3A_2239 : vector<16xi32>
    %mul3A_2241 = arith.constant 1024 : i32
    %mul3A_2242 = vector.broadcast %mul3A_2241 : i32 to vector<16xi32>
    %mul3A_2243 = arith.muli %shift_right_arithmetic3A_2240, %mul3A_2242 : vector<16xi32>
    %add3A_2244 = arith.addi %add3A_2237, %mul3A_2243 : vector<16xi32>
    %and3A_2245 = arith.constant 127 : i32
    %and3A_2246 = vector.broadcast %and3A_2245 : i32 to vector<16xi32>
    %and3A_2247 = arith.andi %get3A_2229, %and3A_2246 : vector<16xi32>
    %add3A_2248 = arith.addi %add3A_2244, %and3A_2247 : vector<16xi32>
    %swap3A_2249 = arith.constant 9 : i32
    %swap3A_2250 = arith.index_cast %swap3A_2249 : i32 to index
    %swap3A_2251 = arith.constant 48 : index
    %swap3A_2252 = tpu.vector_load %arg7[%swap3A_2250, %swap3A_2251] {strides = array<i32>} : memref<16x128xi32, #tpu.memory_space<vmem>>, vector<1x16xi32>,
    %swap3A_2253 = vector.shape_cast %swap3A_2252 : vector<1x16xi32> to vector<16xi32>
    %swap3A_2254 = vector.shape_cast %add3A_2248 : vector<16xi32> to vector<1x16xi32>
    tpu.vector_store %arg7[%swap3A_2250, %swap3A_2251], %swap3A_2254 {strides = array<i32>} : memref<16x128xi32, #tpu.memory_space<vmem>>, vector<1x16xi32>,
    %get3A_2255 = arith.constant 1216 : index
    %get3A_2256 = tpu.vector_load %arg6[%get3A_2255] {strides = array<i32>} : memref<2048xi32, #tpu.memory_space<vmem>>, vector<16xi32>,
    %get3A_2257 = vector.shape_cast %get3A_2256 : vector<16xi32> to vector<16xi32>
    %add3A_2258 = arith.constant 1216 : i32
    %add3A_2259 = arith.addi %mul3A_2, %add3A_2258 : i32
    %shift_right_arithmetic3A_2260 = arith.constant 3 : i32
    %shift_right_arithmetic3A_2261 = arith.shrsi %add3A_2259, %shift_right_arithmetic3A_2260 : i32
    %mul3A_2262 = arith.constant 16384 : i32
    %mul3A_2263 = arith.muli %shift_right_arithmetic3A_2261, %mul3A_2262 : i32
    %add3A_2264 = vector.broadcast %mul3A_2263 : i32 to vector<16xi32>
    %add3A_2265 = arith.addi %add3A_2264, %add3A : vector<16xi32>
    %shift_right_arithmetic3A_2266 = arith.constant 7 : i32
    %shift_right_arithmetic3A_2267 = vector.broadcast %shift_right_arithmetic3A_2266 : i32 to vector<16xi32>
    %shift_right_arithmetic3A_2268 = arith.shrsi %get3A_2257, %shift_right_arithmetic3A_2267 : vector<16xi32>
    %mul3A_2269 = arith.constant 1024 : i32
    %mul3A_2270 = vector.broadcast %mul3A_2269 : i32 to vector<16xi32>
    %mul3A_2271 = arith.muli %shift_right_arithmetic3A_2268, %mul3A_2270 : vector<16xi32>
    %add3A_2272 = arith.addi %add3A_2265, %mul3A_2271 : vector<16xi32>
    %and3A_2273 = arith.constant 127 : i32
    %and3A_2274 = vector.broadcast %and3A_2273 : i32 to vector<16xi32>
    %and3A_2275 = arith.andi %get3A_2257, %and3A_2274 : vector<16xi32>
    %add3A_2276 = arith.addi %add3A_2272, %and3A_2275 : vector<16xi32>
    %swap3A_2277 = arith.constant 9 : i32
    %swap3A_2278 = arith.index_cast %swap3A_2277 : i32 to index
    %swap3A_2279 = arith.constant 64 : index
    %swap3A_2280 = tpu.vector_load %arg7[%swap3A_2278, %swap3A_2279] {strides = array<i32>} : memref<16x128xi32, #tpu.memory_space<vmem>>, vector<1x16xi32>,
    %swap3A_2281 = vector.shape_cast %swap3A_2280 : vector<1x16xi32> to vector<16xi32>
    %swap3A_2282 = vector.shape_cast %add3A_2276 : vector<16xi32> to vector<1x16xi32>
    tpu.vector_store %arg7[%swap3A_2278, %swap3A_2279], %swap3A_2282 {strides = array<i32>} : memref<16x128xi32, #tpu.memory_space<vmem>>, vector<1x16xi32>,
    %get3A_2283 = arith.constant 1232 : index
    %get3A_2284 = tpu.vector_load %arg6[%get3A_2283] {strides = array<i32>} : memref<2048xi32, #tpu.memory_space<vmem>>, vector<16xi32>,
    %get3A_2285 = vector.shape_cast %get3A_2284 : vector<16xi32> to vector<16xi32>
    %add3A_2286 = arith.constant 1232 : i32
    %add3A_2287 = arith.addi %mul3A_2, %add3A_2286 : i32
    %shift_right_arithmetic3A_2288 = arith.constant 3 : i32
    %shift_right_arithmetic3A_2289 = arith.shrsi %add3A_2287, %shift_right_arithmetic3A_2288 : i32
    %mul3A_2290 = arith.constant 16384 : i32
    %mul3A_2291 = arith.muli %shift_right_arithmetic3A_2289, %mul3A_2290 : i32
    %add3A_2292 = vector.broadcast %mul3A_2291 : i32 to vector<16xi32>
    %add3A_2293 = arith.addi %add3A_2292, %add3A : vector<16xi32>
    %shift_right_arithmetic3A_2294 = arith.constant 7 : i32
    %shift_right_arithmetic3A_2295 = vector.broadcast %shift_right_arithmetic3A_2294 : i32 to vector<16xi32>
    %shift_right_arithmetic3A_2296 = arith.shrsi %get3A_2285, %shift_right_arithmetic3A_2295 : vector<16xi32>
    %mul3A_2297 = arith.constant 1024 : i32
    %mul3A_2298 = vector.broadcast %mul3A_2297 : i32 to vector<16xi32>
    %mul3A_2299 = arith.muli %shift_right_arithmetic3A_2296, %mul3A_2298 : vector<16xi32>
    %add3A_2300 = arith.addi %add3A_2293, %mul3A_2299 : vector<16xi32>
    %and3A_2301 = arith.constant 127 : i32
    %and3A_2302 = vector.broadcast %and3A_2301 : i32 to vector<16xi32>
    %and3A_2303 = arith.andi %get3A_2285, %and3A_2302 : vector<16xi32>
    %add3A_2304 = arith.addi %add3A_2300, %and3A_2303 : vector<16xi32>
    %swap3A_2305 = arith.constant 9 : i32
    %swap3A_2306 = arith.index_cast %swap3A_2305 : i32 to index
    %swap3A_2307 = arith.constant 80 : index
    %swap3A_2308 = tpu.vector_load %arg7[%swap3A_2306, %swap3A_2307] {strides = array<i32>} : memref<16x128xi32, #tpu.memory_space<vmem>>, vector<1x16xi32>,
    %swap3A_2309 = vector.shape_cast %swap3A_2308 : vector<1x16xi32> to vector<16xi32>
    %swap3A_2310 = vector.shape_cast %add3A_2304 : vector<16xi32> to vector<1x16xi32>
    tpu.vector_store %arg7[%swap3A_2306, %swap3A_2307], %swap3A_2310 {strides = array<i32>} : memref<16x128xi32, #tpu.memory_space<vmem>>, vector<1x16xi32>,
    %get3A_2311 = arith.constant 1248 : index
    %get3A_2312 = tpu.vector_load %arg6[%get3A_2311] {strides = array<i32>} : memref<2048xi32, #tpu.memory_space<vmem>>, vector<16xi32>,
    %get3A_2313 = vector.shape_cast %get3A_2312 : vector<16xi32> to vector<16xi32>
    %add3A_2314 = arith.constant 1248 : i32
    %add3A_2315 = arith.addi %mul3A_2, %add3A_2314 : i32
    %shift_right_arithmetic3A_2316 = arith.constant 3 : i32
    %shift_right_arithmetic3A_2317 = arith.shrsi %add3A_2315, %shift_right_arithmetic3A_2316 : i32
    %mul3A_2318 = arith.constant 16384 : i32
    %mul3A_2319 = arith.muli %shift_right_arithmetic3A_2317, %mul3A_2318 : i32
    %add3A_2320 = vector.broadcast %mul3A_2319 : i32 to vector<16xi32>
    %add3A_2321 = arith.addi %add3A_2320, %add3A : vector<16xi32>
    %shift_right_arithmetic3A_2322 = arith.constant 7 : i32
    %shift_right_arithmetic3A_2323 = vector.broadcast %shift_right_arithmetic3A_2322 : i32 to vector<16xi32>
    %shift_right_arithmetic3A_2324 = arith.shrsi %get3A_2313, %shift_right_arithmetic3A_2323 : vector<16xi32>
    %mul3A_2325 = arith.constant 1024 : i32
    %mul3A_2326 = vector.broadcast %mul3A_2325 : i32 to vector<16xi32>
    %mul3A_2327 = arith.muli %shift_right_arithmetic3A_2324, %mul3A_2326 : vector<16xi32>
    %add3A_2328 = arith.addi %add3A_2321, %mul3A_2327 : vector<16xi32>
    %and3A_2329 = arith.constant 127 : i32
    %and3A_2330 = vector.broadcast %and3A_2329 : i32 to vector<16xi32>
    %and3A_2331 = arith.andi %get3A_2313, %and3A_2330 : vector<16xi32>
    %add3A_2332 = arith.addi %add3A_2328, %and3A_2331 : vector<16xi32>
    %swap3A_2333 = arith.constant 9 : i32
    %swap3A_2334 = arith.index_cast %swap3A_2333 : i32 to index
    %swap3A_2335 = arith.constant 96 : index
    %swap3A_2336 = tpu.vector_load %arg7[%swap3A_2334, %swap3A_2335] {strides = array<i32>} : memref<16x128xi32, #tpu.memory_space<vmem>>, vector<1x16xi32>,
    %swap3A_2337 = vector.shape_cast %swap3A_2336 : vector<1x16xi32> to vector<16xi32>
    %swap3A_2338 = vector.shape_cast %add3A_2332 : vector<16xi32> to vector<1x16xi32>
    tpu.vector_store %arg7[%swap3A_2334, %swap3A_2335], %swap3A_2338 {strides = array<i32>} : memref<16x128xi32, #tpu.memory_space<vmem>>, vector<1x16xi32>,
    %get3A_2339 = arith.constant 1264 : index
    %get3A_2340 = tpu.vector_load %arg6[%get3A_2339] {strides = array<i32>} : memref<2048xi32, #tpu.memory_space<vmem>>, vector<16xi32>,
    %get3A_2341 = vector.shape_cast %get3A_2340 : vector<16xi32> to vector<16xi32>
    %add3A_2342 = arith.constant 1264 : i32
    %add3A_2343 = arith.addi %mul3A_2, %add3A_2342 : i32
    %shift_right_arithmetic3A_2344 = arith.constant 3 : i32
    %shift_right_arithmetic3A_2345 = arith.shrsi %add3A_2343, %shift_right_arithmetic3A_2344 : i32
    %mul3A_2346 = arith.constant 16384 : i32
    %mul3A_2347 = arith.muli %shift_right_arithmetic3A_2345, %mul3A_2346 : i32
    %add3A_2348 = vector.broadcast %mul3A_2347 : i32 to vector<16xi32>
    %add3A_2349 = arith.addi %add3A_2348, %add3A : vector<16xi32>
    %shift_right_arithmetic3A_2350 = arith.constant 7 : i32
    %shift_right_arithmetic3A_2351 = vector.broadcast %shift_right_arithmetic3A_2350 : i32 to vector<16xi32>
    %shift_right_arithmetic3A_2352 = arith.shrsi %get3A_2341, %shift_right_arithmetic3A_2351 : vector<16xi32>
    %mul3A_2353 = arith.constant 1024 : i32
    %mul3A_2354 = vector.broadcast %mul3A_2353 : i32 to vector<16xi32>
    %mul3A_2355 = arith.muli %shift_right_arithmetic3A_2352, %mul3A_2354 : vector<16xi32>
    %add3A_2356 = arith.addi %add3A_2349, %mul3A_2355 : vector<16xi32>
    %and3A_2357 = arith.constant 127 : i32
    %and3A_2358 = vector.broadcast %and3A_2357 : i32 to vector<16xi32>
    %and3A_2359 = arith.andi %get3A_2341, %and3A_2358 : vector<16xi32>
    %add3A_2360 = arith.addi %add3A_2356, %and3A_2359 : vector<16xi32>
    %swap3A_2361 = arith.constant 9 : i32
    %swap3A_2362 = arith.index_cast %swap3A_2361 : i32 to index
    %swap3A_2363 = arith.constant 112 : index
    %swap3A_2364 = tpu.vector_load %arg7[%swap3A_2362, %swap3A_2363] {strides = array<i32>} : memref<16x128xi32, #tpu.memory_space<vmem>>, vector<1x16xi32>,
    %swap3A_2365 = vector.shape_cast %swap3A_2364 : vector<1x16xi32> to vector<16xi32>
    %swap3A_2366 = vector.shape_cast %add3A_2360 : vector<16xi32> to vector<1x16xi32>
    tpu.vector_store %arg7[%swap3A_2362, %swap3A_2363], %swap3A_2366 {strides = array<i32>} : memref<16x128xi32, #tpu.memory_space<vmem>>, vector<1x16xi32>,
    %dma_start3A_2367 = arith.constant 9 : i32
    %dma_start3A_2368 = arith.constant 9 : i32
    %dma_start3A_2369 = arith.constant 9 : i32
    %dma_start3A_2370 = arith.constant 0 : i32
    %dma_start3A_2371 = tpu.memref_slice %arg8[%dma_start3A_2368, %dma_start3A_2370] : memref<16x128xf32, #tpu.memory_space<vmem>> -> memref<1x128xf32, #tpu.memory_space<vmem>>
    %dma_start3A_2372 = tpu.memref_squeeze %dma_start3A_2371 : memref<1x128xf32, #tpu.memory_space<vmem>> -> memref<128xf32, #tpu.memory_space<vmem>>
    %dma_start3A_2373 = arith.constant 0 : i32
    %dma_start3A_2374 = tpu.memref_slice %arg7[%dma_start3A_2367, %dma_start3A_2373] : memref<16x128xi32, #tpu.memory_space<vmem>> -> memref<1x128xi32, #tpu.memory_space<vmem>>
    %dma_start3A_2375 = tpu.memref_squeeze %dma_start3A_2374 : memref<1x128xi32, #tpu.memory_space<vmem>> -> memref<128xi32, #tpu.memory_space<vmem>>
    %dma_start3A_2376 = arith.constant 0 : i32
    %dma_start3A_2377 = tpu.memref_slice %arg2[%dma_start3A_2376] : memref<67108864xf32, #tpu.memory_space<hbm>> -> memref<67108864xf32, #tpu.memory_space<hbm>>
    %dma_start3A_2378 = tpu.memref_slice %arg12[%dma_start3A_2369] : memref<16x!tpu.dma_semaphore, #tpu.memory_space<semaphore_mem>> -> memref<1x!tpu.dma_semaphore, #tpu.memory_space<semaphore_mem>>
    %dma_start3A_2379 = tpu.memref_squeeze %dma_start3A_2378 : memref<1x!tpu.dma_semaphore, #tpu.memory_space<semaphore_mem>> -> memref<!tpu.dma_semaphore, #tpu.memory_space<semaphore_mem>>
    tpu.enqueue_indirect_dma source(%dma_start3A_2377 : memref<67108864xf32, #tpu.memory_space<hbm>>) target(%dma_start3A_2372 : memref<128xf32, #tpu.memory_space<vmem>>) offsets(%dma_start3A_2375 : memref<128xi32, #tpu.memory_space<vmem>>) semaphore(%dma_start3A_2379 : memref<!tpu.dma_semaphore, #tpu.memory_space<semaphore_mem>>)
    %get3A_2380 = arith.constant 1280 : index
    %get3A_2381 = tpu.vector_load %arg6[%get3A_2380] {strides = array<i32>} : memref<2048xi32, #tpu.memory_space<vmem>>, vector<16xi32>,
    %get3A_2382 = vector.shape_cast %get3A_2381 : vector<16xi32> to vector<16xi32>
    %add3A_2383 = arith.constant 1280 : i32
    %add3A_2384 = arith.addi %mul3A_2, %add3A_2383 : i32
    %shift_right_arithmetic3A_2385 = arith.constant 3 : i32
    %shift_right_arithmetic3A_2386 = arith.shrsi %add3A_2384, %shift_right_arithmetic3A_2385 : i32
    %mul3A_2387 = arith.constant 16384 : i32
    %mul3A_2388 = arith.muli %shift_right_arithmetic3A_2386, %mul3A_2387 : i32
    %add3A_2389 = vector.broadcast %mul3A_2388 : i32 to vector<16xi32>
    %add3A_2390 = arith.addi %add3A_2389, %add3A : vector<16xi32>
    %shift_right_arithmetic3A_2391 = arith.constant 7 : i32
    %shift_right_arithmetic3A_2392 = vector.broadcast %shift_right_arithmetic3A_2391 : i32 to vector<16xi32>
    %shift_right_arithmetic3A_2393 = arith.shrsi %get3A_2382, %shift_right_arithmetic3A_2392 : vector<16xi32>
    %mul3A_2394 = arith.constant 1024 : i32
    %mul3A_2395 = vector.broadcast %mul3A_2394 : i32 to vector<16xi32>
    %mul3A_2396 = arith.muli %shift_right_arithmetic3A_2393, %mul3A_2395 : vector<16xi32>
    %add3A_2397 = arith.addi %add3A_2390, %mul3A_2396 : vector<16xi32>
    %and3A_2398 = arith.constant 127 : i32
    %and3A_2399 = vector.broadcast %and3A_2398 : i32 to vector<16xi32>
    %and3A_2400 = arith.andi %get3A_2382, %and3A_2399 : vector<16xi32>
    %add3A_2401 = arith.addi %add3A_2397, %and3A_2400 : vector<16xi32>
    %swap3A_2402 = arith.constant 10 : i32
    %swap3A_2403 = arith.index_cast %swap3A_2402 : i32 to index
    %swap3A_2404 = arith.constant 0 : index
    %swap3A_2405 = tpu.vector_load %arg7[%swap3A_2403, %swap3A_2404] {strides = array<i32>} : memref<16x128xi32, #tpu.memory_space<vmem>>, vector<1x16xi32>,
    %swap3A_2406 = vector.shape_cast %swap3A_2405 : vector<1x16xi32> to vector<16xi32>
    %swap3A_2407 = vector.shape_cast %add3A_2401 : vector<16xi32> to vector<1x16xi32>
    tpu.vector_store %arg7[%swap3A_2403, %swap3A_2404], %swap3A_2407 {strides = array<i32>} : memref<16x128xi32, #tpu.memory_space<vmem>>, vector<1x16xi32>,
    %get3A_2408 = arith.constant 1296 : index
    %get3A_2409 = tpu.vector_load %arg6[%get3A_2408] {strides = array<i32>} : memref<2048xi32, #tpu.memory_space<vmem>>, vector<16xi32>,
    %get3A_2410 = vector.shape_cast %get3A_2409 : vector<16xi32> to vector<16xi32>
    %add3A_2411 = arith.constant 1296 : i32
    %add3A_2412 = arith.addi %mul3A_2, %add3A_2411 : i32
    %shift_right_arithmetic3A_2413 = arith.constant 3 : i32
    %shift_right_arithmetic3A_2414 = arith.shrsi %add3A_2412, %shift_right_arithmetic3A_2413 : i32
    %mul3A_2415 = arith.constant 16384 : i32
    %mul3A_2416 = arith.muli %shift_right_arithmetic3A_2414, %mul3A_2415 : i32
    %add3A_2417 = vector.broadcast %mul3A_2416 : i32 to vector<16xi32>
    %add3A_2418 = arith.addi %add3A_2417, %add3A : vector<16xi32>
    %shift_right_arithmetic3A_2419 = arith.constant 7 : i32
    %shift_right_arithmetic3A_2420 = vector.broadcast %shift_right_arithmetic3A_2419 : i32 to vector<16xi32>
    %shift_right_arithmetic3A_2421 = arith.shrsi %get3A_2410, %shift_right_arithmetic3A_2420 : vector<16xi32>
    %mul3A_2422 = arith.constant 1024 : i32
    %mul3A_2423 = vector.broadcast %mul3A_2422 : i32 to vector<16xi32>
    %mul3A_2424 = arith.muli %shift_right_arithmetic3A_2421, %mul3A_2423 : vector<16xi32>
    %add3A_2425 = arith.addi %add3A_2418, %mul3A_2424 : vector<16xi32>
    %and3A_2426 = arith.constant 127 : i32
    %and3A_2427 = vector.broadcast %and3A_2426 : i32 to vector<16xi32>
    %and3A_2428 = arith.andi %get3A_2410, %and3A_2427 : vector<16xi32>
    %add3A_2429 = arith.addi %add3A_2425, %and3A_2428 : vector<16xi32>
    %swap3A_2430 = arith.constant 10 : i32
    %swap3A_2431 = arith.index_cast %swap3A_2430 : i32 to index
    %swap3A_2432 = arith.constant 16 : index
    %swap3A_2433 = tpu.vector_load %arg7[%swap3A_2431, %swap3A_2432] {strides = array<i32>} : memref<16x128xi32, #tpu.memory_space<vmem>>, vector<1x16xi32>,
    %swap3A_2434 = vector.shape_cast %swap3A_2433 : vector<1x16xi32> to vector<16xi32>
    %swap3A_2435 = vector.shape_cast %add3A_2429 : vector<16xi32> to vector<1x16xi32>
    tpu.vector_store %arg7[%swap3A_2431, %swap3A_2432], %swap3A_2435 {strides = array<i32>} : memref<16x128xi32, #tpu.memory_space<vmem>>, vector<1x16xi32>,
    %get3A_2436 = arith.constant 1312 : index
    %get3A_2437 = tpu.vector_load %arg6[%get3A_2436] {strides = array<i32>} : memref<2048xi32, #tpu.memory_space<vmem>>, vector<16xi32>,
    %get3A_2438 = vector.shape_cast %get3A_2437 : vector<16xi32> to vector<16xi32>
    %add3A_2439 = arith.constant 1312 : i32
    %add3A_2440 = arith.addi %mul3A_2, %add3A_2439 : i32
    %shift_right_arithmetic3A_2441 = arith.constant 3 : i32
    %shift_right_arithmetic3A_2442 = arith.shrsi %add3A_2440, %shift_right_arithmetic3A_2441 : i32
    %mul3A_2443 = arith.constant 16384 : i32
    %mul3A_2444 = arith.muli %shift_right_arithmetic3A_2442, %mul3A_2443 : i32
    %add3A_2445 = vector.broadcast %mul3A_2444 : i32 to vector<16xi32>
    %add3A_2446 = arith.addi %add3A_2445, %add3A : vector<16xi32>
    %shift_right_arithmetic3A_2447 = arith.constant 7 : i32
    %shift_right_arithmetic3A_2448 = vector.broadcast %shift_right_arithmetic3A_2447 : i32 to vector<16xi32>
    %shift_right_arithmetic3A_2449 = arith.shrsi %get3A_2438, %shift_right_arithmetic3A_2448 : vector<16xi32>
    %mul3A_2450 = arith.constant 1024 : i32
    %mul3A_2451 = vector.broadcast %mul3A_2450 : i32 to vector<16xi32>
    %mul3A_2452 = arith.muli %shift_right_arithmetic3A_2449, %mul3A_2451 : vector<16xi32>
    %add3A_2453 = arith.addi %add3A_2446, %mul3A_2452 : vector<16xi32>
    %and3A_2454 = arith.constant 127 : i32
    %and3A_2455 = vector.broadcast %and3A_2454 : i32 to vector<16xi32>
    %and3A_2456 = arith.andi %get3A_2438, %and3A_2455 : vector<16xi32>
    %add3A_2457 = arith.addi %add3A_2453, %and3A_2456 : vector<16xi32>
    %swap3A_2458 = arith.constant 10 : i32
    %swap3A_2459 = arith.index_cast %swap3A_2458 : i32 to index
    %swap3A_2460 = arith.constant 32 : index
    %swap3A_2461 = tpu.vector_load %arg7[%swap3A_2459, %swap3A_2460] {strides = array<i32>} : memref<16x128xi32, #tpu.memory_space<vmem>>, vector<1x16xi32>,
    %swap3A_2462 = vector.shape_cast %swap3A_2461 : vector<1x16xi32> to vector<16xi32>
    %swap3A_2463 = vector.shape_cast %add3A_2457 : vector<16xi32> to vector<1x16xi32>
    tpu.vector_store %arg7[%swap3A_2459, %swap3A_2460], %swap3A_2463 {strides = array<i32>} : memref<16x128xi32, #tpu.memory_space<vmem>>, vector<1x16xi32>,
    %get3A_2464 = arith.constant 1328 : index
    %get3A_2465 = tpu.vector_load %arg6[%get3A_2464] {strides = array<i32>} : memref<2048xi32, #tpu.memory_space<vmem>>, vector<16xi32>,
    %get3A_2466 = vector.shape_cast %get3A_2465 : vector<16xi32> to vector<16xi32>
    %add3A_2467 = arith.constant 1328 : i32
    %add3A_2468 = arith.addi %mul3A_2, %add3A_2467 : i32
    %shift_right_arithmetic3A_2469 = arith.constant 3 : i32
    %shift_right_arithmetic3A_2470 = arith.shrsi %add3A_2468, %shift_right_arithmetic3A_2469 : i32
    %mul3A_2471 = arith.constant 16384 : i32
    %mul3A_2472 = arith.muli %shift_right_arithmetic3A_2470, %mul3A_2471 : i32
    %add3A_2473 = vector.broadcast %mul3A_2472 : i32 to vector<16xi32>
    %add3A_2474 = arith.addi %add3A_2473, %add3A : vector<16xi32>
    %shift_right_arithmetic3A_2475 = arith.constant 7 : i32
    %shift_right_arithmetic3A_2476 = vector.broadcast %shift_right_arithmetic3A_2475 : i32 to vector<16xi32>
    %shift_right_arithmetic3A_2477 = arith.shrsi %get3A_2466, %shift_right_arithmetic3A_2476 : vector<16xi32>
    %mul3A_2478 = arith.constant 1024 : i32
    %mul3A_2479 = vector.broadcast %mul3A_2478 : i32 to vector<16xi32>
    %mul3A_2480 = arith.muli %shift_right_arithmetic3A_2477, %mul3A_2479 : vector<16xi32>
    %add3A_2481 = arith.addi %add3A_2474, %mul3A_2480 : vector<16xi32>
    %and3A_2482 = arith.constant 127 : i32
    %and3A_2483 = vector.broadcast %and3A_2482 : i32 to vector<16xi32>
    %and3A_2484 = arith.andi %get3A_2466, %and3A_2483 : vector<16xi32>
    %add3A_2485 = arith.addi %add3A_2481, %and3A_2484 : vector<16xi32>
    %swap3A_2486 = arith.constant 10 : i32
    %swap3A_2487 = arith.index_cast %swap3A_2486 : i32 to index
    %swap3A_2488 = arith.constant 48 : index
    %swap3A_2489 = tpu.vector_load %arg7[%swap3A_2487, %swap3A_2488] {strides = array<i32>} : memref<16x128xi32, #tpu.memory_space<vmem>>, vector<1x16xi32>,
    %swap3A_2490 = vector.shape_cast %swap3A_2489 : vector<1x16xi32> to vector<16xi32>
    %swap3A_2491 = vector.shape_cast %add3A_2485 : vector<16xi32> to vector<1x16xi32>
    tpu.vector_store %arg7[%swap3A_2487, %swap3A_2488], %swap3A_2491 {strides = array<i32>} : memref<16x128xi32, #tpu.memory_space<vmem>>, vector<1x16xi32>,
    %get3A_2492 = arith.constant 1344 : index
    %get3A_2493 = tpu.vector_load %arg6[%get3A_2492] {strides = array<i32>} : memref<2048xi32, #tpu.memory_space<vmem>>, vector<16xi32>,
    %get3A_2494 = vector.shape_cast %get3A_2493 : vector<16xi32> to vector<16xi32>
    %add3A_2495 = arith.constant 1344 : i32
    %add3A_2496 = arith.addi %mul3A_2, %add3A_2495 : i32
    %shift_right_arithmetic3A_2497 = arith.constant 3 : i32
    %shift_right_arithmetic3A_2498 = arith.shrsi %add3A_2496, %shift_right_arithmetic3A_2497 : i32
    %mul3A_2499 = arith.constant 16384 : i32
    %mul3A_2500 = arith.muli %shift_right_arithmetic3A_2498, %mul3A_2499 : i32
    %add3A_2501 = vector.broadcast %mul3A_2500 : i32 to vector<16xi32>
    %add3A_2502 = arith.addi %add3A_2501, %add3A : vector<16xi32>
    %shift_right_arithmetic3A_2503 = arith.constant 7 : i32
    %shift_right_arithmetic3A_2504 = vector.broadcast %shift_right_arithmetic3A_2503 : i32 to vector<16xi32>
    %shift_right_arithmetic3A_2505 = arith.shrsi %get3A_2494, %shift_right_arithmetic3A_2504 : vector<16xi32>
    %mul3A_2506 = arith.constant 1024 : i32
    %mul3A_2507 = vector.broadcast %mul3A_2506 : i32 to vector<16xi32>
    %mul3A_2508 = arith.muli %shift_right_arithmetic3A_2505, %mul3A_2507 : vector<16xi32>
    %add3A_2509 = arith.addi %add3A_2502, %mul3A_2508 : vector<16xi32>
    %and3A_2510 = arith.constant 127 : i32
    %and3A_2511 = vector.broadcast %and3A_2510 : i32 to vector<16xi32>
    %and3A_2512 = arith.andi %get3A_2494, %and3A_2511 : vector<16xi32>
    %add3A_2513 = arith.addi %add3A_2509, %and3A_2512 : vector<16xi32>
    %swap3A_2514 = arith.constant 10 : i32
    %swap3A_2515 = arith.index_cast %swap3A_2514 : i32 to index
    %swap3A_2516 = arith.constant 64 : index
    %swap3A_2517 = tpu.vector_load %arg7[%swap3A_2515, %swap3A_2516] {strides = array<i32>} : memref<16x128xi32, #tpu.memory_space<vmem>>, vector<1x16xi32>,
    %swap3A_2518 = vector.shape_cast %swap3A_2517 : vector<1x16xi32> to vector<16xi32>
    %swap3A_2519 = vector.shape_cast %add3A_2513 : vector<16xi32> to vector<1x16xi32>
    tpu.vector_store %arg7[%swap3A_2515, %swap3A_2516], %swap3A_2519 {strides = array<i32>} : memref<16x128xi32, #tpu.memory_space<vmem>>, vector<1x16xi32>,
    %get3A_2520 = arith.constant 1360 : index
    %get3A_2521 = tpu.vector_load %arg6[%get3A_2520] {strides = array<i32>} : memref<2048xi32, #tpu.memory_space<vmem>>, vector<16xi32>,
    %get3A_2522 = vector.shape_cast %get3A_2521 : vector<16xi32> to vector<16xi32>
    %add3A_2523 = arith.constant 1360 : i32
    %add3A_2524 = arith.addi %mul3A_2, %add3A_2523 : i32
    %shift_right_arithmetic3A_2525 = arith.constant 3 : i32
    %shift_right_arithmetic3A_2526 = arith.shrsi %add3A_2524, %shift_right_arithmetic3A_2525 : i32
    %mul3A_2527 = arith.constant 16384 : i32
    %mul3A_2528 = arith.muli %shift_right_arithmetic3A_2526, %mul3A_2527 : i32
    %add3A_2529 = vector.broadcast %mul3A_2528 : i32 to vector<16xi32>
    %add3A_2530 = arith.addi %add3A_2529, %add3A : vector<16xi32>
    %shift_right_arithmetic3A_2531 = arith.constant 7 : i32
    %shift_right_arithmetic3A_2532 = vector.broadcast %shift_right_arithmetic3A_2531 : i32 to vector<16xi32>
    %shift_right_arithmetic3A_2533 = arith.shrsi %get3A_2522, %shift_right_arithmetic3A_2532 : vector<16xi32>
    %mul3A_2534 = arith.constant 1024 : i32
    %mul3A_2535 = vector.broadcast %mul3A_2534 : i32 to vector<16xi32>
    %mul3A_2536 = arith.muli %shift_right_arithmetic3A_2533, %mul3A_2535 : vector<16xi32>
    %add3A_2537 = arith.addi %add3A_2530, %mul3A_2536 : vector<16xi32>
    %and3A_2538 = arith.constant 127 : i32
    %and3A_2539 = vector.broadcast %and3A_2538 : i32 to vector<16xi32>
    %and3A_2540 = arith.andi %get3A_2522, %and3A_2539 : vector<16xi32>
    %add3A_2541 = arith.addi %add3A_2537, %and3A_2540 : vector<16xi32>
    %swap3A_2542 = arith.constant 10 : i32
    %swap3A_2543 = arith.index_cast %swap3A_2542 : i32 to index
    %swap3A_2544 = arith.constant 80 : index
    %swap3A_2545 = tpu.vector_load %arg7[%swap3A_2543, %swap3A_2544] {strides = array<i32>} : memref<16x128xi32, #tpu.memory_space<vmem>>, vector<1x16xi32>,
    %swap3A_2546 = vector.shape_cast %swap3A_2545 : vector<1x16xi32> to vector<16xi32>
    %swap3A_2547 = vector.shape_cast %add3A_2541 : vector<16xi32> to vector<1x16xi32>
    tpu.vector_store %arg7[%swap3A_2543, %swap3A_2544], %swap3A_2547 {strides = array<i32>} : memref<16x128xi32, #tpu.memory_space<vmem>>, vector<1x16xi32>,
    %get3A_2548 = arith.constant 1376 : index
    %get3A_2549 = tpu.vector_load %arg6[%get3A_2548] {strides = array<i32>} : memref<2048xi32, #tpu.memory_space<vmem>>, vector<16xi32>,
    %get3A_2550 = vector.shape_cast %get3A_2549 : vector<16xi32> to vector<16xi32>
    %add3A_2551 = arith.constant 1376 : i32
    %add3A_2552 = arith.addi %mul3A_2, %add3A_2551 : i32
    %shift_right_arithmetic3A_2553 = arith.constant 3 : i32
    %shift_right_arithmetic3A_2554 = arith.shrsi %add3A_2552, %shift_right_arithmetic3A_2553 : i32
    %mul3A_2555 = arith.constant 16384 : i32
    %mul3A_2556 = arith.muli %shift_right_arithmetic3A_2554, %mul3A_2555 : i32
    %add3A_2557 = vector.broadcast %mul3A_2556 : i32 to vector<16xi32>
    %add3A_2558 = arith.addi %add3A_2557, %add3A : vector<16xi32>
    %shift_right_arithmetic3A_2559 = arith.constant 7 : i32
    %shift_right_arithmetic3A_2560 = vector.broadcast %shift_right_arithmetic3A_2559 : i32 to vector<16xi32>
    %shift_right_arithmetic3A_2561 = arith.shrsi %get3A_2550, %shift_right_arithmetic3A_2560 : vector<16xi32>
    %mul3A_2562 = arith.constant 1024 : i32
    %mul3A_2563 = vector.broadcast %mul3A_2562 : i32 to vector<16xi32>
    %mul3A_2564 = arith.muli %shift_right_arithmetic3A_2561, %mul3A_2563 : vector<16xi32>
    %add3A_2565 = arith.addi %add3A_2558, %mul3A_2564 : vector<16xi32>
    %and3A_2566 = arith.constant 127 : i32
    %and3A_2567 = vector.broadcast %and3A_2566 : i32 to vector<16xi32>
    %and3A_2568 = arith.andi %get3A_2550, %and3A_2567 : vector<16xi32>
    %add3A_2569 = arith.addi %add3A_2565, %and3A_2568 : vector<16xi32>
    %swap3A_2570 = arith.constant 10 : i32
    %swap3A_2571 = arith.index_cast %swap3A_2570 : i32 to index
    %swap3A_2572 = arith.constant 96 : index
    %swap3A_2573 = tpu.vector_load %arg7[%swap3A_2571, %swap3A_2572] {strides = array<i32>} : memref<16x128xi32, #tpu.memory_space<vmem>>, vector<1x16xi32>,
    %swap3A_2574 = vector.shape_cast %swap3A_2573 : vector<1x16xi32> to vector<16xi32>
    %swap3A_2575 = vector.shape_cast %add3A_2569 : vector<16xi32> to vector<1x16xi32>
    tpu.vector_store %arg7[%swap3A_2571, %swap3A_2572], %swap3A_2575 {strides = array<i32>} : memref<16x128xi32, #tpu.memory_space<vmem>>, vector<1x16xi32>,
    %get3A_2576 = arith.constant 1392 : index
    %get3A_2577 = tpu.vector_load %arg6[%get3A_2576] {strides = array<i32>} : memref<2048xi32, #tpu.memory_space<vmem>>, vector<16xi32>,
    %get3A_2578 = vector.shape_cast %get3A_2577 : vector<16xi32> to vector<16xi32>
    %add3A_2579 = arith.constant 1392 : i32
    %add3A_2580 = arith.addi %mul3A_2, %add3A_2579 : i32
    %shift_right_arithmetic3A_2581 = arith.constant 3 : i32
    %shift_right_arithmetic3A_2582 = arith.shrsi %add3A_2580, %shift_right_arithmetic3A_2581 : i32
    %mul3A_2583 = arith.constant 16384 : i32
    %mul3A_2584 = arith.muli %shift_right_arithmetic3A_2582, %mul3A_2583 : i32
    %add3A_2585 = vector.broadcast %mul3A_2584 : i32 to vector<16xi32>
    %add3A_2586 = arith.addi %add3A_2585, %add3A : vector<16xi32>
    %shift_right_arithmetic3A_2587 = arith.constant 7 : i32
    %shift_right_arithmetic3A_2588 = vector.broadcast %shift_right_arithmetic3A_2587 : i32 to vector<16xi32>
    %shift_right_arithmetic3A_2589 = arith.shrsi %get3A_2578, %shift_right_arithmetic3A_2588 : vector<16xi32>
    %mul3A_2590 = arith.constant 1024 : i32
    %mul3A_2591 = vector.broadcast %mul3A_2590 : i32 to vector<16xi32>
    %mul3A_2592 = arith.muli %shift_right_arithmetic3A_2589, %mul3A_2591 : vector<16xi32>
    %add3A_2593 = arith.addi %add3A_2586, %mul3A_2592 : vector<16xi32>
    %and3A_2594 = arith.constant 127 : i32
    %and3A_2595 = vector.broadcast %and3A_2594 : i32 to vector<16xi32>
    %and3A_2596 = arith.andi %get3A_2578, %and3A_2595 : vector<16xi32>
    %add3A_2597 = arith.addi %add3A_2593, %and3A_2596 : vector<16xi32>
    %swap3A_2598 = arith.constant 10 : i32
    %swap3A_2599 = arith.index_cast %swap3A_2598 : i32 to index
    %swap3A_2600 = arith.constant 112 : index
    %swap3A_2601 = tpu.vector_load %arg7[%swap3A_2599, %swap3A_2600] {strides = array<i32>} : memref<16x128xi32, #tpu.memory_space<vmem>>, vector<1x16xi32>,
    %swap3A_2602 = vector.shape_cast %swap3A_2601 : vector<1x16xi32> to vector<16xi32>
    %swap3A_2603 = vector.shape_cast %add3A_2597 : vector<16xi32> to vector<1x16xi32>
    tpu.vector_store %arg7[%swap3A_2599, %swap3A_2600], %swap3A_2603 {strides = array<i32>} : memref<16x128xi32, #tpu.memory_space<vmem>>, vector<1x16xi32>,
    %dma_start3A_2604 = arith.constant 10 : i32
    %dma_start3A_2605 = arith.constant 10 : i32
    %dma_start3A_2606 = arith.constant 10 : i32
    %dma_start3A_2607 = arith.constant 0 : i32
    %dma_start3A_2608 = tpu.memref_slice %arg8[%dma_start3A_2605, %dma_start3A_2607] : memref<16x128xf32, #tpu.memory_space<vmem>> -> memref<1x128xf32, #tpu.memory_space<vmem>>
    %dma_start3A_2609 = tpu.memref_squeeze %dma_start3A_2608 : memref<1x128xf32, #tpu.memory_space<vmem>> -> memref<128xf32, #tpu.memory_space<vmem>>
    %dma_start3A_2610 = arith.constant 0 : i32
    %dma_start3A_2611 = tpu.memref_slice %arg7[%dma_start3A_2604, %dma_start3A_2610] : memref<16x128xi32, #tpu.memory_space<vmem>> -> memref<1x128xi32, #tpu.memory_space<vmem>>
    %dma_start3A_2612 = tpu.memref_squeeze %dma_start3A_2611 : memref<1x128xi32, #tpu.memory_space<vmem>> -> memref<128xi32, #tpu.memory_space<vmem>>
    %dma_start3A_2613 = arith.constant 0 : i32
    %dma_start3A_2614 = tpu.memref_slice %arg2[%dma_start3A_2613] : memref<67108864xf32, #tpu.memory_space<hbm>> -> memref<67108864xf32, #tpu.memory_space<hbm>>
    %dma_start3A_2615 = tpu.memref_slice %arg12[%dma_start3A_2606] : memref<16x!tpu.dma_semaphore, #tpu.memory_space<semaphore_mem>> -> memref<1x!tpu.dma_semaphore, #tpu.memory_space<semaphore_mem>>
    %dma_start3A_2616 = tpu.memref_squeeze %dma_start3A_2615 : memref<1x!tpu.dma_semaphore, #tpu.memory_space<semaphore_mem>> -> memref<!tpu.dma_semaphore, #tpu.memory_space<semaphore_mem>>
    tpu.enqueue_indirect_dma source(%dma_start3A_2614 : memref<67108864xf32, #tpu.memory_space<hbm>>) target(%dma_start3A_2609 : memref<128xf32, #tpu.memory_space<vmem>>) offsets(%dma_start3A_2612 : memref<128xi32, #tpu.memory_space<vmem>>) semaphore(%dma_start3A_2616 : memref<!tpu.dma_semaphore, #tpu.memory_space<semaphore_mem>>)
    %get3A_2617 = arith.constant 1408 : index
    %get3A_2618 = tpu.vector_load %arg6[%get3A_2617] {strides = array<i32>} : memref<2048xi32, #tpu.memory_space<vmem>>, vector<16xi32>,
    %get3A_2619 = vector.shape_cast %get3A_2618 : vector<16xi32> to vector<16xi32>
    %add3A_2620 = arith.constant 1408 : i32
    %add3A_2621 = arith.addi %mul3A_2, %add3A_2620 : i32
    %shift_right_arithmetic3A_2622 = arith.constant 3 : i32
    %shift_right_arithmetic3A_2623 = arith.shrsi %add3A_2621, %shift_right_arithmetic3A_2622 : i32
    %mul3A_2624 = arith.constant 16384 : i32
    %mul3A_2625 = arith.muli %shift_right_arithmetic3A_2623, %mul3A_2624 : i32
    %add3A_2626 = vector.broadcast %mul3A_2625 : i32 to vector<16xi32>
    %add3A_2627 = arith.addi %add3A_2626, %add3A : vector<16xi32>
    %shift_right_arithmetic3A_2628 = arith.constant 7 : i32
    %shift_right_arithmetic3A_2629 = vector.broadcast %shift_right_arithmetic3A_2628 : i32 to vector<16xi32>
    %shift_right_arithmetic3A_2630 = arith.shrsi %get3A_2619, %shift_right_arithmetic3A_2629 : vector<16xi32>
    %mul3A_2631 = arith.constant 1024 : i32
    %mul3A_2632 = vector.broadcast %mul3A_2631 : i32 to vector<16xi32>
    %mul3A_2633 = arith.muli %shift_right_arithmetic3A_2630, %mul3A_2632 : vector<16xi32>
    %add3A_2634 = arith.addi %add3A_2627, %mul3A_2633 : vector<16xi32>
    %and3A_2635 = arith.constant 127 : i32
    %and3A_2636 = vector.broadcast %and3A_2635 : i32 to vector<16xi32>
    %and3A_2637 = arith.andi %get3A_2619, %and3A_2636 : vector<16xi32>
    %add3A_2638 = arith.addi %add3A_2634, %and3A_2637 : vector<16xi32>
    %swap3A_2639 = arith.constant 11 : i32
    %swap3A_2640 = arith.index_cast %swap3A_2639 : i32 to index
    %swap3A_2641 = arith.constant 0 : index
    %swap3A_2642 = tpu.vector_load %arg7[%swap3A_2640, %swap3A_2641] {strides = array<i32>} : memref<16x128xi32, #tpu.memory_space<vmem>>, vector<1x16xi32>,
    %swap3A_2643 = vector.shape_cast %swap3A_2642 : vector<1x16xi32> to vector<16xi32>
    %swap3A_2644 = vector.shape_cast %add3A_2638 : vector<16xi32> to vector<1x16xi32>
    tpu.vector_store %arg7[%swap3A_2640, %swap3A_2641], %swap3A_2644 {strides = array<i32>} : memref<16x128xi32, #tpu.memory_space<vmem>>, vector<1x16xi32>,
    %get3A_2645 = arith.constant 1424 : index
    %get3A_2646 = tpu.vector_load %arg6[%get3A_2645] {strides = array<i32>} : memref<2048xi32, #tpu.memory_space<vmem>>, vector<16xi32>,
    %get3A_2647 = vector.shape_cast %get3A_2646 : vector<16xi32> to vector<16xi32>
    %add3A_2648 = arith.constant 1424 : i32
    %add3A_2649 = arith.addi %mul3A_2, %add3A_2648 : i32
    %shift_right_arithmetic3A_2650 = arith.constant 3 : i32
    %shift_right_arithmetic3A_2651 = arith.shrsi %add3A_2649, %shift_right_arithmetic3A_2650 : i32
    %mul3A_2652 = arith.constant 16384 : i32
    %mul3A_2653 = arith.muli %shift_right_arithmetic3A_2651, %mul3A_2652 : i32
    %add3A_2654 = vector.broadcast %mul3A_2653 : i32 to vector<16xi32>
    %add3A_2655 = arith.addi %add3A_2654, %add3A : vector<16xi32>
    %shift_right_arithmetic3A_2656 = arith.constant 7 : i32
    %shift_right_arithmetic3A_2657 = vector.broadcast %shift_right_arithmetic3A_2656 : i32 to vector<16xi32>
    %shift_right_arithmetic3A_2658 = arith.shrsi %get3A_2647, %shift_right_arithmetic3A_2657 : vector<16xi32>
    %mul3A_2659 = arith.constant 1024 : i32
    %mul3A_2660 = vector.broadcast %mul3A_2659 : i32 to vector<16xi32>
    %mul3A_2661 = arith.muli %shift_right_arithmetic3A_2658, %mul3A_2660 : vector<16xi32>
    %add3A_2662 = arith.addi %add3A_2655, %mul3A_2661 : vector<16xi32>
    %and3A_2663 = arith.constant 127 : i32
    %and3A_2664 = vector.broadcast %and3A_2663 : i32 to vector<16xi32>
    %and3A_2665 = arith.andi %get3A_2647, %and3A_2664 : vector<16xi32>
    %add3A_2666 = arith.addi %add3A_2662, %and3A_2665 : vector<16xi32>
    %swap3A_2667 = arith.constant 11 : i32
    %swap3A_2668 = arith.index_cast %swap3A_2667 : i32 to index
    %swap3A_2669 = arith.constant 16 : index
    %swap3A_2670 = tpu.vector_load %arg7[%swap3A_2668, %swap3A_2669] {strides = array<i32>} : memref<16x128xi32, #tpu.memory_space<vmem>>, vector<1x16xi32>,
    %swap3A_2671 = vector.shape_cast %swap3A_2670 : vector<1x16xi32> to vector<16xi32>
    %swap3A_2672 = vector.shape_cast %add3A_2666 : vector<16xi32> to vector<1x16xi32>
    tpu.vector_store %arg7[%swap3A_2668, %swap3A_2669], %swap3A_2672 {strides = array<i32>} : memref<16x128xi32, #tpu.memory_space<vmem>>, vector<1x16xi32>,
    %get3A_2673 = arith.constant 1440 : index
    %get3A_2674 = tpu.vector_load %arg6[%get3A_2673] {strides = array<i32>} : memref<2048xi32, #tpu.memory_space<vmem>>, vector<16xi32>,
    %get3A_2675 = vector.shape_cast %get3A_2674 : vector<16xi32> to vector<16xi32>
    %add3A_2676 = arith.constant 1440 : i32
    %add3A_2677 = arith.addi %mul3A_2, %add3A_2676 : i32
    %shift_right_arithmetic3A_2678 = arith.constant 3 : i32
    %shift_right_arithmetic3A_2679 = arith.shrsi %add3A_2677, %shift_right_arithmetic3A_2678 : i32
    %mul3A_2680 = arith.constant 16384 : i32
    %mul3A_2681 = arith.muli %shift_right_arithmetic3A_2679, %mul3A_2680 : i32
    %add3A_2682 = vector.broadcast %mul3A_2681 : i32 to vector<16xi32>
    %add3A_2683 = arith.addi %add3A_2682, %add3A : vector<16xi32>
    %shift_right_arithmetic3A_2684 = arith.constant 7 : i32
    %shift_right_arithmetic3A_2685 = vector.broadcast %shift_right_arithmetic3A_2684 : i32 to vector<16xi32>
    %shift_right_arithmetic3A_2686 = arith.shrsi %get3A_2675, %shift_right_arithmetic3A_2685 : vector<16xi32>
    %mul3A_2687 = arith.constant 1024 : i32
    %mul3A_2688 = vector.broadcast %mul3A_2687 : i32 to vector<16xi32>
    %mul3A_2689 = arith.muli %shift_right_arithmetic3A_2686, %mul3A_2688 : vector<16xi32>
    %add3A_2690 = arith.addi %add3A_2683, %mul3A_2689 : vector<16xi32>
    %and3A_2691 = arith.constant 127 : i32
    %and3A_2692 = vector.broadcast %and3A_2691 : i32 to vector<16xi32>
    %and3A_2693 = arith.andi %get3A_2675, %and3A_2692 : vector<16xi32>
    %add3A_2694 = arith.addi %add3A_2690, %and3A_2693 : vector<16xi32>
    %swap3A_2695 = arith.constant 11 : i32
    %swap3A_2696 = arith.index_cast %swap3A_2695 : i32 to index
    %swap3A_2697 = arith.constant 32 : index
    %swap3A_2698 = tpu.vector_load %arg7[%swap3A_2696, %swap3A_2697] {strides = array<i32>} : memref<16x128xi32, #tpu.memory_space<vmem>>, vector<1x16xi32>,
    %swap3A_2699 = vector.shape_cast %swap3A_2698 : vector<1x16xi32> to vector<16xi32>
    %swap3A_2700 = vector.shape_cast %add3A_2694 : vector<16xi32> to vector<1x16xi32>
    tpu.vector_store %arg7[%swap3A_2696, %swap3A_2697], %swap3A_2700 {strides = array<i32>} : memref<16x128xi32, #tpu.memory_space<vmem>>, vector<1x16xi32>,
    %get3A_2701 = arith.constant 1456 : index
    %get3A_2702 = tpu.vector_load %arg6[%get3A_2701] {strides = array<i32>} : memref<2048xi32, #tpu.memory_space<vmem>>, vector<16xi32>,
    %get3A_2703 = vector.shape_cast %get3A_2702 : vector<16xi32> to vector<16xi32>
    %add3A_2704 = arith.constant 1456 : i32
    %add3A_2705 = arith.addi %mul3A_2, %add3A_2704 : i32
    %shift_right_arithmetic3A_2706 = arith.constant 3 : i32
    %shift_right_arithmetic3A_2707 = arith.shrsi %add3A_2705, %shift_right_arithmetic3A_2706 : i32
    %mul3A_2708 = arith.constant 16384 : i32
    %mul3A_2709 = arith.muli %shift_right_arithmetic3A_2707, %mul3A_2708 : i32
    %add3A_2710 = vector.broadcast %mul3A_2709 : i32 to vector<16xi32>
    %add3A_2711 = arith.addi %add3A_2710, %add3A : vector<16xi32>
    %shift_right_arithmetic3A_2712 = arith.constant 7 : i32
    %shift_right_arithmetic3A_2713 = vector.broadcast %shift_right_arithmetic3A_2712 : i32 to vector<16xi32>
    %shift_right_arithmetic3A_2714 = arith.shrsi %get3A_2703, %shift_right_arithmetic3A_2713 : vector<16xi32>
    %mul3A_2715 = arith.constant 1024 : i32
    %mul3A_2716 = vector.broadcast %mul3A_2715 : i32 to vector<16xi32>
    %mul3A_2717 = arith.muli %shift_right_arithmetic3A_2714, %mul3A_2716 : vector<16xi32>
    %add3A_2718 = arith.addi %add3A_2711, %mul3A_2717 : vector<16xi32>
    %and3A_2719 = arith.constant 127 : i32
    %and3A_2720 = vector.broadcast %and3A_2719 : i32 to vector<16xi32>
    %and3A_2721 = arith.andi %get3A_2703, %and3A_2720 : vector<16xi32>
    %add3A_2722 = arith.addi %add3A_2718, %and3A_2721 : vector<16xi32>
    %swap3A_2723 = arith.constant 11 : i32
    %swap3A_2724 = arith.index_cast %swap3A_2723 : i32 to index
    %swap3A_2725 = arith.constant 48 : index
    %swap3A_2726 = tpu.vector_load %arg7[%swap3A_2724, %swap3A_2725] {strides = array<i32>} : memref<16x128xi32, #tpu.memory_space<vmem>>, vector<1x16xi32>,
    %swap3A_2727 = vector.shape_cast %swap3A_2726 : vector<1x16xi32> to vector<16xi32>
    %swap3A_2728 = vector.shape_cast %add3A_2722 : vector<16xi32> to vector<1x16xi32>
    tpu.vector_store %arg7[%swap3A_2724, %swap3A_2725], %swap3A_2728 {strides = array<i32>} : memref<16x128xi32, #tpu.memory_space<vmem>>, vector<1x16xi32>,
    %get3A_2729 = arith.constant 1472 : index
    %get3A_2730 = tpu.vector_load %arg6[%get3A_2729] {strides = array<i32>} : memref<2048xi32, #tpu.memory_space<vmem>>, vector<16xi32>,
    %get3A_2731 = vector.shape_cast %get3A_2730 : vector<16xi32> to vector<16xi32>
    %add3A_2732 = arith.constant 1472 : i32
    %add3A_2733 = arith.addi %mul3A_2, %add3A_2732 : i32
    %shift_right_arithmetic3A_2734 = arith.constant 3 : i32
    %shift_right_arithmetic3A_2735 = arith.shrsi %add3A_2733, %shift_right_arithmetic3A_2734 : i32
    %mul3A_2736 = arith.constant 16384 : i32
    %mul3A_2737 = arith.muli %shift_right_arithmetic3A_2735, %mul3A_2736 : i32
    %add3A_2738 = vector.broadcast %mul3A_2737 : i32 to vector<16xi32>
    %add3A_2739 = arith.addi %add3A_2738, %add3A : vector<16xi32>
    %shift_right_arithmetic3A_2740 = arith.constant 7 : i32
    %shift_right_arithmetic3A_2741 = vector.broadcast %shift_right_arithmetic3A_2740 : i32 to vector<16xi32>
    %shift_right_arithmetic3A_2742 = arith.shrsi %get3A_2731, %shift_right_arithmetic3A_2741 : vector<16xi32>
    %mul3A_2743 = arith.constant 1024 : i32
    %mul3A_2744 = vector.broadcast %mul3A_2743 : i32 to vector<16xi32>
    %mul3A_2745 = arith.muli %shift_right_arithmetic3A_2742, %mul3A_2744 : vector<16xi32>
    %add3A_2746 = arith.addi %add3A_2739, %mul3A_2745 : vector<16xi32>
    %and3A_2747 = arith.constant 127 : i32
    %and3A_2748 = vector.broadcast %and3A_2747 : i32 to vector<16xi32>
    %and3A_2749 = arith.andi %get3A_2731, %and3A_2748 : vector<16xi32>
    %add3A_2750 = arith.addi %add3A_2746, %and3A_2749 : vector<16xi32>
    %swap3A_2751 = arith.constant 11 : i32
    %swap3A_2752 = arith.index_cast %swap3A_2751 : i32 to index
    %swap3A_2753 = arith.constant 64 : index
    %swap3A_2754 = tpu.vector_load %arg7[%swap3A_2752, %swap3A_2753] {strides = array<i32>} : memref<16x128xi32, #tpu.memory_space<vmem>>, vector<1x16xi32>,
    %swap3A_2755 = vector.shape_cast %swap3A_2754 : vector<1x16xi32> to vector<16xi32>
    %swap3A_2756 = vector.shape_cast %add3A_2750 : vector<16xi32> to vector<1x16xi32>
    tpu.vector_store %arg7[%swap3A_2752, %swap3A_2753], %swap3A_2756 {strides = array<i32>} : memref<16x128xi32, #tpu.memory_space<vmem>>, vector<1x16xi32>,
    %get3A_2757 = arith.constant 1488 : index
    %get3A_2758 = tpu.vector_load %arg6[%get3A_2757] {strides = array<i32>} : memref<2048xi32, #tpu.memory_space<vmem>>, vector<16xi32>,
    %get3A_2759 = vector.shape_cast %get3A_2758 : vector<16xi32> to vector<16xi32>
    %add3A_2760 = arith.constant 1488 : i32
    %add3A_2761 = arith.addi %mul3A_2, %add3A_2760 : i32
    %shift_right_arithmetic3A_2762 = arith.constant 3 : i32
    %shift_right_arithmetic3A_2763 = arith.shrsi %add3A_2761, %shift_right_arithmetic3A_2762 : i32
    %mul3A_2764 = arith.constant 16384 : i32
    %mul3A_2765 = arith.muli %shift_right_arithmetic3A_2763, %mul3A_2764 : i32
    %add3A_2766 = vector.broadcast %mul3A_2765 : i32 to vector<16xi32>
    %add3A_2767 = arith.addi %add3A_2766, %add3A : vector<16xi32>
    %shift_right_arithmetic3A_2768 = arith.constant 7 : i32
    %shift_right_arithmetic3A_2769 = vector.broadcast %shift_right_arithmetic3A_2768 : i32 to vector<16xi32>
    %shift_right_arithmetic3A_2770 = arith.shrsi %get3A_2759, %shift_right_arithmetic3A_2769 : vector<16xi32>
    %mul3A_2771 = arith.constant 1024 : i32
    %mul3A_2772 = vector.broadcast %mul3A_2771 : i32 to vector<16xi32>
    %mul3A_2773 = arith.muli %shift_right_arithmetic3A_2770, %mul3A_2772 : vector<16xi32>
    %add3A_2774 = arith.addi %add3A_2767, %mul3A_2773 : vector<16xi32>
    %and3A_2775 = arith.constant 127 : i32
    %and3A_2776 = vector.broadcast %and3A_2775 : i32 to vector<16xi32>
    %and3A_2777 = arith.andi %get3A_2759, %and3A_2776 : vector<16xi32>
    %add3A_2778 = arith.addi %add3A_2774, %and3A_2777 : vector<16xi32>
    %swap3A_2779 = arith.constant 11 : i32
    %swap3A_2780 = arith.index_cast %swap3A_2779 : i32 to index
    %swap3A_2781 = arith.constant 80 : index
    %swap3A_2782 = tpu.vector_load %arg7[%swap3A_2780, %swap3A_2781] {strides = array<i32>} : memref<16x128xi32, #tpu.memory_space<vmem>>, vector<1x16xi32>,
    %swap3A_2783 = vector.shape_cast %swap3A_2782 : vector<1x16xi32> to vector<16xi32>
    %swap3A_2784 = vector.shape_cast %add3A_2778 : vector<16xi32> to vector<1x16xi32>
    tpu.vector_store %arg7[%swap3A_2780, %swap3A_2781], %swap3A_2784 {strides = array<i32>} : memref<16x128xi32, #tpu.memory_space<vmem>>, vector<1x16xi32>,
    %get3A_2785 = arith.constant 1504 : index
    %get3A_2786 = tpu.vector_load %arg6[%get3A_2785] {strides = array<i32>} : memref<2048xi32, #tpu.memory_space<vmem>>, vector<16xi32>,
    %get3A_2787 = vector.shape_cast %get3A_2786 : vector<16xi32> to vector<16xi32>
    %add3A_2788 = arith.constant 1504 : i32
    %add3A_2789 = arith.addi %mul3A_2, %add3A_2788 : i32
    %shift_right_arithmetic3A_2790 = arith.constant 3 : i32
    %shift_right_arithmetic3A_2791 = arith.shrsi %add3A_2789, %shift_right_arithmetic3A_2790 : i32
    %mul3A_2792 = arith.constant 16384 : i32
    %mul3A_2793 = arith.muli %shift_right_arithmetic3A_2791, %mul3A_2792 : i32
    %add3A_2794 = vector.broadcast %mul3A_2793 : i32 to vector<16xi32>
    %add3A_2795 = arith.addi %add3A_2794, %add3A : vector<16xi32>
    %shift_right_arithmetic3A_2796 = arith.constant 7 : i32
    %shift_right_arithmetic3A_2797 = vector.broadcast %shift_right_arithmetic3A_2796 : i32 to vector<16xi32>
    %shift_right_arithmetic3A_2798 = arith.shrsi %get3A_2787, %shift_right_arithmetic3A_2797 : vector<16xi32>
    %mul3A_2799 = arith.constant 1024 : i32
    %mul3A_2800 = vector.broadcast %mul3A_2799 : i32 to vector<16xi32>
    %mul3A_2801 = arith.muli %shift_right_arithmetic3A_2798, %mul3A_2800 : vector<16xi32>
    %add3A_2802 = arith.addi %add3A_2795, %mul3A_2801 : vector<16xi32>
    %and3A_2803 = arith.constant 127 : i32
    %and3A_2804 = vector.broadcast %and3A_2803 : i32 to vector<16xi32>
    %and3A_2805 = arith.andi %get3A_2787, %and3A_2804 : vector<16xi32>
    %add3A_2806 = arith.addi %add3A_2802, %and3A_2805 : vector<16xi32>
    %swap3A_2807 = arith.constant 11 : i32
    %swap3A_2808 = arith.index_cast %swap3A_2807 : i32 to index
    %swap3A_2809 = arith.constant 96 : index
    %swap3A_2810 = tpu.vector_load %arg7[%swap3A_2808, %swap3A_2809] {strides = array<i32>} : memref<16x128xi32, #tpu.memory_space<vmem>>, vector<1x16xi32>,
    %swap3A_2811 = vector.shape_cast %swap3A_2810 : vector<1x16xi32> to vector<16xi32>
    %swap3A_2812 = vector.shape_cast %add3A_2806 : vector<16xi32> to vector<1x16xi32>
    tpu.vector_store %arg7[%swap3A_2808, %swap3A_2809], %swap3A_2812 {strides = array<i32>} : memref<16x128xi32, #tpu.memory_space<vmem>>, vector<1x16xi32>,
    %get3A_2813 = arith.constant 1520 : index
    %get3A_2814 = tpu.vector_load %arg6[%get3A_2813] {strides = array<i32>} : memref<2048xi32, #tpu.memory_space<vmem>>, vector<16xi32>,
    %get3A_2815 = vector.shape_cast %get3A_2814 : vector<16xi32> to vector<16xi32>
    %add3A_2816 = arith.constant 1520 : i32
    %add3A_2817 = arith.addi %mul3A_2, %add3A_2816 : i32
    %shift_right_arithmetic3A_2818 = arith.constant 3 : i32
    %shift_right_arithmetic3A_2819 = arith.shrsi %add3A_2817, %shift_right_arithmetic3A_2818 : i32
    %mul3A_2820 = arith.constant 16384 : i32
    %mul3A_2821 = arith.muli %shift_right_arithmetic3A_2819, %mul3A_2820 : i32
    %add3A_2822 = vector.broadcast %mul3A_2821 : i32 to vector<16xi32>
    %add3A_2823 = arith.addi %add3A_2822, %add3A : vector<16xi32>
    %shift_right_arithmetic3A_2824 = arith.constant 7 : i32
    %shift_right_arithmetic3A_2825 = vector.broadcast %shift_right_arithmetic3A_2824 : i32 to vector<16xi32>
    %shift_right_arithmetic3A_2826 = arith.shrsi %get3A_2815, %shift_right_arithmetic3A_2825 : vector<16xi32>
    %mul3A_2827 = arith.constant 1024 : i32
    %mul3A_2828 = vector.broadcast %mul3A_2827 : i32 to vector<16xi32>
    %mul3A_2829 = arith.muli %shift_right_arithmetic3A_2826, %mul3A_2828 : vector<16xi32>
    %add3A_2830 = arith.addi %add3A_2823, %mul3A_2829 : vector<16xi32>
    %and3A_2831 = arith.constant 127 : i32
    %and3A_2832 = vector.broadcast %and3A_2831 : i32 to vector<16xi32>
    %and3A_2833 = arith.andi %get3A_2815, %and3A_2832 : vector<16xi32>
    %add3A_2834 = arith.addi %add3A_2830, %and3A_2833 : vector<16xi32>
    %swap3A_2835 = arith.constant 11 : i32
    %swap3A_2836 = arith.index_cast %swap3A_2835 : i32 to index
    %swap3A_2837 = arith.constant 112 : index
    %swap3A_2838 = tpu.vector_load %arg7[%swap3A_2836, %swap3A_2837] {strides = array<i32>} : memref<16x128xi32, #tpu.memory_space<vmem>>, vector<1x16xi32>,
    %swap3A_2839 = vector.shape_cast %swap3A_2838 : vector<1x16xi32> to vector<16xi32>
    %swap3A_2840 = vector.shape_cast %add3A_2834 : vector<16xi32> to vector<1x16xi32>
    tpu.vector_store %arg7[%swap3A_2836, %swap3A_2837], %swap3A_2840 {strides = array<i32>} : memref<16x128xi32, #tpu.memory_space<vmem>>, vector<1x16xi32>,
    %dma_start3A_2841 = arith.constant 11 : i32
    %dma_start3A_2842 = arith.constant 11 : i32
    %dma_start3A_2843 = arith.constant 11 : i32
    %dma_start3A_2844 = arith.constant 0 : i32
    %dma_start3A_2845 = tpu.memref_slice %arg8[%dma_start3A_2842, %dma_start3A_2844] : memref<16x128xf32, #tpu.memory_space<vmem>> -> memref<1x128xf32, #tpu.memory_space<vmem>>
    %dma_start3A_2846 = tpu.memref_squeeze %dma_start3A_2845 : memref<1x128xf32, #tpu.memory_space<vmem>> -> memref<128xf32, #tpu.memory_space<vmem>>
    %dma_start3A_2847 = arith.constant 0 : i32
    %dma_start3A_2848 = tpu.memref_slice %arg7[%dma_start3A_2841, %dma_start3A_2847] : memref<16x128xi32, #tpu.memory_space<vmem>> -> memref<1x128xi32, #tpu.memory_space<vmem>>
    %dma_start3A_2849 = tpu.memref_squeeze %dma_start3A_2848 : memref<1x128xi32, #tpu.memory_space<vmem>> -> memref<128xi32, #tpu.memory_space<vmem>>
    %dma_start3A_2850 = arith.constant 0 : i32
    %dma_start3A_2851 = tpu.memref_slice %arg2[%dma_start3A_2850] : memref<67108864xf32, #tpu.memory_space<hbm>> -> memref<67108864xf32, #tpu.memory_space<hbm>>
    %dma_start3A_2852 = tpu.memref_slice %arg12[%dma_start3A_2843] : memref<16x!tpu.dma_semaphore, #tpu.memory_space<semaphore_mem>> -> memref<1x!tpu.dma_semaphore, #tpu.memory_space<semaphore_mem>>
    %dma_start3A_2853 = tpu.memref_squeeze %dma_start3A_2852 : memref<1x!tpu.dma_semaphore, #tpu.memory_space<semaphore_mem>> -> memref<!tpu.dma_semaphore, #tpu.memory_space<semaphore_mem>>
    tpu.enqueue_indirect_dma source(%dma_start3A_2851 : memref<67108864xf32, #tpu.memory_space<hbm>>) target(%dma_start3A_2846 : memref<128xf32, #tpu.memory_space<vmem>>) offsets(%dma_start3A_2849 : memref<128xi32, #tpu.memory_space<vmem>>) semaphore(%dma_start3A_2853 : memref<!tpu.dma_semaphore, #tpu.memory_space<semaphore_mem>>)
    %get3A_2854 = arith.constant 1536 : index
    %get3A_2855 = tpu.vector_load %arg6[%get3A_2854] {strides = array<i32>} : memref<2048xi32, #tpu.memory_space<vmem>>, vector<16xi32>,
    %get3A_2856 = vector.shape_cast %get3A_2855 : vector<16xi32> to vector<16xi32>
    %add3A_2857 = arith.constant 1536 : i32
    %add3A_2858 = arith.addi %mul3A_2, %add3A_2857 : i32
    %shift_right_arithmetic3A_2859 = arith.constant 3 : i32
    %shift_right_arithmetic3A_2860 = arith.shrsi %add3A_2858, %shift_right_arithmetic3A_2859 : i32
    %mul3A_2861 = arith.constant 16384 : i32
    %mul3A_2862 = arith.muli %shift_right_arithmetic3A_2860, %mul3A_2861 : i32
    %add3A_2863 = vector.broadcast %mul3A_2862 : i32 to vector<16xi32>
    %add3A_2864 = arith.addi %add3A_2863, %add3A : vector<16xi32>
    %shift_right_arithmetic3A_2865 = arith.constant 7 : i32
    %shift_right_arithmetic3A_2866 = vector.broadcast %shift_right_arithmetic3A_2865 : i32 to vector<16xi32>
    %shift_right_arithmetic3A_2867 = arith.shrsi %get3A_2856, %shift_right_arithmetic3A_2866 : vector<16xi32>
    %mul3A_2868 = arith.constant 1024 : i32
    %mul3A_2869 = vector.broadcast %mul3A_2868 : i32 to vector<16xi32>
    %mul3A_2870 = arith.muli %shift_right_arithmetic3A_2867, %mul3A_2869 : vector<16xi32>
    %add3A_2871 = arith.addi %add3A_2864, %mul3A_2870 : vector<16xi32>
    %and3A_2872 = arith.constant 127 : i32
    %and3A_2873 = vector.broadcast %and3A_2872 : i32 to vector<16xi32>
    %and3A_2874 = arith.andi %get3A_2856, %and3A_2873 : vector<16xi32>
    %add3A_2875 = arith.addi %add3A_2871, %and3A_2874 : vector<16xi32>
    %swap3A_2876 = arith.constant 12 : i32
    %swap3A_2877 = arith.index_cast %swap3A_2876 : i32 to index
    %swap3A_2878 = arith.constant 0 : index
    %swap3A_2879 = tpu.vector_load %arg7[%swap3A_2877, %swap3A_2878] {strides = array<i32>} : memref<16x128xi32, #tpu.memory_space<vmem>>, vector<1x16xi32>,
    %swap3A_2880 = vector.shape_cast %swap3A_2879 : vector<1x16xi32> to vector<16xi32>
    %swap3A_2881 = vector.shape_cast %add3A_2875 : vector<16xi32> to vector<1x16xi32>
    tpu.vector_store %arg7[%swap3A_2877, %swap3A_2878], %swap3A_2881 {strides = array<i32>} : memref<16x128xi32, #tpu.memory_space<vmem>>, vector<1x16xi32>,
    %get3A_2882 = arith.constant 1552 : index
    %get3A_2883 = tpu.vector_load %arg6[%get3A_2882] {strides = array<i32>} : memref<2048xi32, #tpu.memory_space<vmem>>, vector<16xi32>,
    %get3A_2884 = vector.shape_cast %get3A_2883 : vector<16xi32> to vector<16xi32>
    %add3A_2885 = arith.constant 1552 : i32
    %add3A_2886 = arith.addi %mul3A_2, %add3A_2885 : i32
    %shift_right_arithmetic3A_2887 = arith.constant 3 : i32
    %shift_right_arithmetic3A_2888 = arith.shrsi %add3A_2886, %shift_right_arithmetic3A_2887 : i32
    %mul3A_2889 = arith.constant 16384 : i32
    %mul3A_2890 = arith.muli %shift_right_arithmetic3A_2888, %mul3A_2889 : i32
    %add3A_2891 = vector.broadcast %mul3A_2890 : i32 to vector<16xi32>
    %add3A_2892 = arith.addi %add3A_2891, %add3A : vector<16xi32>
    %shift_right_arithmetic3A_2893 = arith.constant 7 : i32
    %shift_right_arithmetic3A_2894 = vector.broadcast %shift_right_arithmetic3A_2893 : i32 to vector<16xi32>
    %shift_right_arithmetic3A_2895 = arith.shrsi %get3A_2884, %shift_right_arithmetic3A_2894 : vector<16xi32>
    %mul3A_2896 = arith.constant 1024 : i32
    %mul3A_2897 = vector.broadcast %mul3A_2896 : i32 to vector<16xi32>
    %mul3A_2898 = arith.muli %shift_right_arithmetic3A_2895, %mul3A_2897 : vector<16xi32>
    %add3A_2899 = arith.addi %add3A_2892, %mul3A_2898 : vector<16xi32>
    %and3A_2900 = arith.constant 127 : i32
    %and3A_2901 = vector.broadcast %and3A_2900 : i32 to vector<16xi32>
    %and3A_2902 = arith.andi %get3A_2884, %and3A_2901 : vector<16xi32>
    %add3A_2903 = arith.addi %add3A_2899, %and3A_2902 : vector<16xi32>
    %swap3A_2904 = arith.constant 12 : i32
    %swap3A_2905 = arith.index_cast %swap3A_2904 : i32 to index
    %swap3A_2906 = arith.constant 16 : index
    %swap3A_2907 = tpu.vector_load %arg7[%swap3A_2905, %swap3A_2906] {strides = array<i32>} : memref<16x128xi32, #tpu.memory_space<vmem>>, vector<1x16xi32>,
    %swap3A_2908 = vector.shape_cast %swap3A_2907 : vector<1x16xi32> to vector<16xi32>
    %swap3A_2909 = vector.shape_cast %add3A_2903 : vector<16xi32> to vector<1x16xi32>
    tpu.vector_store %arg7[%swap3A_2905, %swap3A_2906], %swap3A_2909 {strides = array<i32>} : memref<16x128xi32, #tpu.memory_space<vmem>>, vector<1x16xi32>,
    %get3A_2910 = arith.constant 1568 : index
    %get3A_2911 = tpu.vector_load %arg6[%get3A_2910] {strides = array<i32>} : memref<2048xi32, #tpu.memory_space<vmem>>, vector<16xi32>,
    %get3A_2912 = vector.shape_cast %get3A_2911 : vector<16xi32> to vector<16xi32>
    %add3A_2913 = arith.constant 1568 : i32
    %add3A_2914 = arith.addi %mul3A_2, %add3A_2913 : i32
    %shift_right_arithmetic3A_2915 = arith.constant 3 : i32
    %shift_right_arithmetic3A_2916 = arith.shrsi %add3A_2914, %shift_right_arithmetic3A_2915 : i32
    %mul3A_2917 = arith.constant 16384 : i32
    %mul3A_2918 = arith.muli %shift_right_arithmetic3A_2916, %mul3A_2917 : i32
    %add3A_2919 = vector.broadcast %mul3A_2918 : i32 to vector<16xi32>
    %add3A_2920 = arith.addi %add3A_2919, %add3A : vector<16xi32>
    %shift_right_arithmetic3A_2921 = arith.constant 7 : i32
    %shift_right_arithmetic3A_2922 = vector.broadcast %shift_right_arithmetic3A_2921 : i32 to vector<16xi32>
    %shift_right_arithmetic3A_2923 = arith.shrsi %get3A_2912, %shift_right_arithmetic3A_2922 : vector<16xi32>
    %mul3A_2924 = arith.constant 1024 : i32
    %mul3A_2925 = vector.broadcast %mul3A_2924 : i32 to vector<16xi32>
    %mul3A_2926 = arith.muli %shift_right_arithmetic3A_2923, %mul3A_2925 : vector<16xi32>
    %add3A_2927 = arith.addi %add3A_2920, %mul3A_2926 : vector<16xi32>
    %and3A_2928 = arith.constant 127 : i32
    %and3A_2929 = vector.broadcast %and3A_2928 : i32 to vector<16xi32>
    %and3A_2930 = arith.andi %get3A_2912, %and3A_2929 : vector<16xi32>
    %add3A_2931 = arith.addi %add3A_2927, %and3A_2930 : vector<16xi32>
    %swap3A_2932 = arith.constant 12 : i32
    %swap3A_2933 = arith.index_cast %swap3A_2932 : i32 to index
    %swap3A_2934 = arith.constant 32 : index
    %swap3A_2935 = tpu.vector_load %arg7[%swap3A_2933, %swap3A_2934] {strides = array<i32>} : memref<16x128xi32, #tpu.memory_space<vmem>>, vector<1x16xi32>,
    %swap3A_2936 = vector.shape_cast %swap3A_2935 : vector<1x16xi32> to vector<16xi32>
    %swap3A_2937 = vector.shape_cast %add3A_2931 : vector<16xi32> to vector<1x16xi32>
    tpu.vector_store %arg7[%swap3A_2933, %swap3A_2934], %swap3A_2937 {strides = array<i32>} : memref<16x128xi32, #tpu.memory_space<vmem>>, vector<1x16xi32>,
    %get3A_2938 = arith.constant 1584 : index
    %get3A_2939 = tpu.vector_load %arg6[%get3A_2938] {strides = array<i32>} : memref<2048xi32, #tpu.memory_space<vmem>>, vector<16xi32>,
    %get3A_2940 = vector.shape_cast %get3A_2939 : vector<16xi32> to vector<16xi32>
    %add3A_2941 = arith.constant 1584 : i32
    %add3A_2942 = arith.addi %mul3A_2, %add3A_2941 : i32
    %shift_right_arithmetic3A_2943 = arith.constant 3 : i32
    %shift_right_arithmetic3A_2944 = arith.shrsi %add3A_2942, %shift_right_arithmetic3A_2943 : i32
    %mul3A_2945 = arith.constant 16384 : i32
    %mul3A_2946 = arith.muli %shift_right_arithmetic3A_2944, %mul3A_2945 : i32
    %add3A_2947 = vector.broadcast %mul3A_2946 : i32 to vector<16xi32>
    %add3A_2948 = arith.addi %add3A_2947, %add3A : vector<16xi32>
    %shift_right_arithmetic3A_2949 = arith.constant 7 : i32
    %shift_right_arithmetic3A_2950 = vector.broadcast %shift_right_arithmetic3A_2949 : i32 to vector<16xi32>
    %shift_right_arithmetic3A_2951 = arith.shrsi %get3A_2940, %shift_right_arithmetic3A_2950 : vector<16xi32>
    %mul3A_2952 = arith.constant 1024 : i32
    %mul3A_2953 = vector.broadcast %mul3A_2952 : i32 to vector<16xi32>
    %mul3A_2954 = arith.muli %shift_right_arithmetic3A_2951, %mul3A_2953 : vector<16xi32>
    %add3A_2955 = arith.addi %add3A_2948, %mul3A_2954 : vector<16xi32>
    %and3A_2956 = arith.constant 127 : i32
    %and3A_2957 = vector.broadcast %and3A_2956 : i32 to vector<16xi32>
    %and3A_2958 = arith.andi %get3A_2940, %and3A_2957 : vector<16xi32>
    %add3A_2959 = arith.addi %add3A_2955, %and3A_2958 : vector<16xi32>
    %swap3A_2960 = arith.constant 12 : i32
    %swap3A_2961 = arith.index_cast %swap3A_2960 : i32 to index
    %swap3A_2962 = arith.constant 48 : index
    %swap3A_2963 = tpu.vector_load %arg7[%swap3A_2961, %swap3A_2962] {strides = array<i32>} : memref<16x128xi32, #tpu.memory_space<vmem>>, vector<1x16xi32>,
    %swap3A_2964 = vector.shape_cast %swap3A_2963 : vector<1x16xi32> to vector<16xi32>
    %swap3A_2965 = vector.shape_cast %add3A_2959 : vector<16xi32> to vector<1x16xi32>
    tpu.vector_store %arg7[%swap3A_2961, %swap3A_2962], %swap3A_2965 {strides = array<i32>} : memref<16x128xi32, #tpu.memory_space<vmem>>, vector<1x16xi32>,
    %get3A_2966 = arith.constant 1600 : index
    %get3A_2967 = tpu.vector_load %arg6[%get3A_2966] {strides = array<i32>} : memref<2048xi32, #tpu.memory_space<vmem>>, vector<16xi32>,
    %get3A_2968 = vector.shape_cast %get3A_2967 : vector<16xi32> to vector<16xi32>
    %add3A_2969 = arith.constant 1600 : i32
    %add3A_2970 = arith.addi %mul3A_2, %add3A_2969 : i32
    %shift_right_arithmetic3A_2971 = arith.constant 3 : i32
    %shift_right_arithmetic3A_2972 = arith.shrsi %add3A_2970, %shift_right_arithmetic3A_2971 : i32
    %mul3A_2973 = arith.constant 16384 : i32
    %mul3A_2974 = arith.muli %shift_right_arithmetic3A_2972, %mul3A_2973 : i32
    %add3A_2975 = vector.broadcast %mul3A_2974 : i32 to vector<16xi32>
    %add3A_2976 = arith.addi %add3A_2975, %add3A : vector<16xi32>
    %shift_right_arithmetic3A_2977 = arith.constant 7 : i32
    %shift_right_arithmetic3A_2978 = vector.broadcast %shift_right_arithmetic3A_2977 : i32 to vector<16xi32>
    %shift_right_arithmetic3A_2979 = arith.shrsi %get3A_2968, %shift_right_arithmetic3A_2978 : vector<16xi32>
    %mul3A_2980 = arith.constant 1024 : i32
    %mul3A_2981 = vector.broadcast %mul3A_2980 : i32 to vector<16xi32>
    %mul3A_2982 = arith.muli %shift_right_arithmetic3A_2979, %mul3A_2981 : vector<16xi32>
    %add3A_2983 = arith.addi %add3A_2976, %mul3A_2982 : vector<16xi32>
    %and3A_2984 = arith.constant 127 : i32
    %and3A_2985 = vector.broadcast %and3A_2984 : i32 to vector<16xi32>
    %and3A_2986 = arith.andi %get3A_2968, %and3A_2985 : vector<16xi32>
    %add3A_2987 = arith.addi %add3A_2983, %and3A_2986 : vector<16xi32>
    %swap3A_2988 = arith.constant 12 : i32
    %swap3A_2989 = arith.index_cast %swap3A_2988 : i32 to index
    %swap3A_2990 = arith.constant 64 : index
    %swap3A_2991 = tpu.vector_load %arg7[%swap3A_2989, %swap3A_2990] {strides = array<i32>} : memref<16x128xi32, #tpu.memory_space<vmem>>, vector<1x16xi32>,
    %swap3A_2992 = vector.shape_cast %swap3A_2991 : vector<1x16xi32> to vector<16xi32>
    %swap3A_2993 = vector.shape_cast %add3A_2987 : vector<16xi32> to vector<1x16xi32>
    tpu.vector_store %arg7[%swap3A_2989, %swap3A_2990], %swap3A_2993 {strides = array<i32>} : memref<16x128xi32, #tpu.memory_space<vmem>>, vector<1x16xi32>,
    %get3A_2994 = arith.constant 1616 : index
    %get3A_2995 = tpu.vector_load %arg6[%get3A_2994] {strides = array<i32>} : memref<2048xi32, #tpu.memory_space<vmem>>, vector<16xi32>,
    %get3A_2996 = vector.shape_cast %get3A_2995 : vector<16xi32> to vector<16xi32>
    %add3A_2997 = arith.constant 1616 : i32
    %add3A_2998 = arith.addi %mul3A_2, %add3A_2997 : i32
    %shift_right_arithmetic3A_2999 = arith.constant 3 : i32
    %shift_right_arithmetic3A_3000 = arith.shrsi %add3A_2998, %shift_right_arithmetic3A_2999 : i32
    %mul3A_3001 = arith.constant 16384 : i32
    %mul3A_3002 = arith.muli %shift_right_arithmetic3A_3000, %mul3A_3001 : i32
    %add3A_3003 = vector.broadcast %mul3A_3002 : i32 to vector<16xi32>
    %add3A_3004 = arith.addi %add3A_3003, %add3A : vector<16xi32>
    %shift_right_arithmetic3A_3005 = arith.constant 7 : i32
    %shift_right_arithmetic3A_3006 = vector.broadcast %shift_right_arithmetic3A_3005 : i32 to vector<16xi32>
    %shift_right_arithmetic3A_3007 = arith.shrsi %get3A_2996, %shift_right_arithmetic3A_3006 : vector<16xi32>
    %mul3A_3008 = arith.constant 1024 : i32
    %mul3A_3009 = vector.broadcast %mul3A_3008 : i32 to vector<16xi32>
    %mul3A_3010 = arith.muli %shift_right_arithmetic3A_3007, %mul3A_3009 : vector<16xi32>
    %add3A_3011 = arith.addi %add3A_3004, %mul3A_3010 : vector<16xi32>
    %and3A_3012 = arith.constant 127 : i32
    %and3A_3013 = vector.broadcast %and3A_3012 : i32 to vector<16xi32>
    %and3A_3014 = arith.andi %get3A_2996, %and3A_3013 : vector<16xi32>
    %add3A_3015 = arith.addi %add3A_3011, %and3A_3014 : vector<16xi32>
    %swap3A_3016 = arith.constant 12 : i32
    %swap3A_3017 = arith.index_cast %swap3A_3016 : i32 to index
    %swap3A_3018 = arith.constant 80 : index
    %swap3A_3019 = tpu.vector_load %arg7[%swap3A_3017, %swap3A_3018] {strides = array<i32>} : memref<16x128xi32, #tpu.memory_space<vmem>>, vector<1x16xi32>,
    %swap3A_3020 = vector.shape_cast %swap3A_3019 : vector<1x16xi32> to vector<16xi32>
    %swap3A_3021 = vector.shape_cast %add3A_3015 : vector<16xi32> to vector<1x16xi32>
    tpu.vector_store %arg7[%swap3A_3017, %swap3A_3018], %swap3A_3021 {strides = array<i32>} : memref<16x128xi32, #tpu.memory_space<vmem>>, vector<1x16xi32>,
    %get3A_3022 = arith.constant 1632 : index
    %get3A_3023 = tpu.vector_load %arg6[%get3A_3022] {strides = array<i32>} : memref<2048xi32, #tpu.memory_space<vmem>>, vector<16xi32>,
    %get3A_3024 = vector.shape_cast %get3A_3023 : vector<16xi32> to vector<16xi32>
    %add3A_3025 = arith.constant 1632 : i32
    %add3A_3026 = arith.addi %mul3A_2, %add3A_3025 : i32
    %shift_right_arithmetic3A_3027 = arith.constant 3 : i32
    %shift_right_arithmetic3A_3028 = arith.shrsi %add3A_3026, %shift_right_arithmetic3A_3027 : i32
    %mul3A_3029 = arith.constant 16384 : i32
    %mul3A_3030 = arith.muli %shift_right_arithmetic3A_3028, %mul3A_3029 : i32
    %add3A_3031 = vector.broadcast %mul3A_3030 : i32 to vector<16xi32>
    %add3A_3032 = arith.addi %add3A_3031, %add3A : vector<16xi32>
    %shift_right_arithmetic3A_3033 = arith.constant 7 : i32
    %shift_right_arithmetic3A_3034 = vector.broadcast %shift_right_arithmetic3A_3033 : i32 to vector<16xi32>
    %shift_right_arithmetic3A_3035 = arith.shrsi %get3A_3024, %shift_right_arithmetic3A_3034 : vector<16xi32>
    %mul3A_3036 = arith.constant 1024 : i32
    %mul3A_3037 = vector.broadcast %mul3A_3036 : i32 to vector<16xi32>
    %mul3A_3038 = arith.muli %shift_right_arithmetic3A_3035, %mul3A_3037 : vector<16xi32>
    %add3A_3039 = arith.addi %add3A_3032, %mul3A_3038 : vector<16xi32>
    %and3A_3040 = arith.constant 127 : i32
    %and3A_3041 = vector.broadcast %and3A_3040 : i32 to vector<16xi32>
    %and3A_3042 = arith.andi %get3A_3024, %and3A_3041 : vector<16xi32>
    %add3A_3043 = arith.addi %add3A_3039, %and3A_3042 : vector<16xi32>
    %swap3A_3044 = arith.constant 12 : i32
    %swap3A_3045 = arith.index_cast %swap3A_3044 : i32 to index
    %swap3A_3046 = arith.constant 96 : index
    %swap3A_3047 = tpu.vector_load %arg7[%swap3A_3045, %swap3A_3046] {strides = array<i32>} : memref<16x128xi32, #tpu.memory_space<vmem>>, vector<1x16xi32>,
    %swap3A_3048 = vector.shape_cast %swap3A_3047 : vector<1x16xi32> to vector<16xi32>
    %swap3A_3049 = vector.shape_cast %add3A_3043 : vector<16xi32> to vector<1x16xi32>
    tpu.vector_store %arg7[%swap3A_3045, %swap3A_3046], %swap3A_3049 {strides = array<i32>} : memref<16x128xi32, #tpu.memory_space<vmem>>, vector<1x16xi32>,
    %get3A_3050 = arith.constant 1648 : index
    %get3A_3051 = tpu.vector_load %arg6[%get3A_3050] {strides = array<i32>} : memref<2048xi32, #tpu.memory_space<vmem>>, vector<16xi32>,
    %get3A_3052 = vector.shape_cast %get3A_3051 : vector<16xi32> to vector<16xi32>
    %add3A_3053 = arith.constant 1648 : i32
    %add3A_3054 = arith.addi %mul3A_2, %add3A_3053 : i32
    %shift_right_arithmetic3A_3055 = arith.constant 3 : i32
    %shift_right_arithmetic3A_3056 = arith.shrsi %add3A_3054, %shift_right_arithmetic3A_3055 : i32
    %mul3A_3057 = arith.constant 16384 : i32
    %mul3A_3058 = arith.muli %shift_right_arithmetic3A_3056, %mul3A_3057 : i32
    %add3A_3059 = vector.broadcast %mul3A_3058 : i32 to vector<16xi32>
    %add3A_3060 = arith.addi %add3A_3059, %add3A : vector<16xi32>
    %shift_right_arithmetic3A_3061 = arith.constant 7 : i32
    %shift_right_arithmetic3A_3062 = vector.broadcast %shift_right_arithmetic3A_3061 : i32 to vector<16xi32>
    %shift_right_arithmetic3A_3063 = arith.shrsi %get3A_3052, %shift_right_arithmetic3A_3062 : vector<16xi32>
    %mul3A_3064 = arith.constant 1024 : i32
    %mul3A_3065 = vector.broadcast %mul3A_3064 : i32 to vector<16xi32>
    %mul3A_3066 = arith.muli %shift_right_arithmetic3A_3063, %mul3A_3065 : vector<16xi32>
    %add3A_3067 = arith.addi %add3A_3060, %mul3A_3066 : vector<16xi32>
    %and3A_3068 = arith.constant 127 : i32
    %and3A_3069 = vector.broadcast %and3A_3068 : i32 to vector<16xi32>
    %and3A_3070 = arith.andi %get3A_3052, %and3A_3069 : vector<16xi32>
    %add3A_3071 = arith.addi %add3A_3067, %and3A_3070 : vector<16xi32>
    %swap3A_3072 = arith.constant 12 : i32
    %swap3A_3073 = arith.index_cast %swap3A_3072 : i32 to index
    %swap3A_3074 = arith.constant 112 : index
    %swap3A_3075 = tpu.vector_load %arg7[%swap3A_3073, %swap3A_3074] {strides = array<i32>} : memref<16x128xi32, #tpu.memory_space<vmem>>, vector<1x16xi32>,
    %swap3A_3076 = vector.shape_cast %swap3A_3075 : vector<1x16xi32> to vector<16xi32>
    %swap3A_3077 = vector.shape_cast %add3A_3071 : vector<16xi32> to vector<1x16xi32>
    tpu.vector_store %arg7[%swap3A_3073, %swap3A_3074], %swap3A_3077 {strides = array<i32>} : memref<16x128xi32, #tpu.memory_space<vmem>>, vector<1x16xi32>,
    %dma_start3A_3078 = arith.constant 12 : i32
    %dma_start3A_3079 = arith.constant 12 : i32
    %dma_start3A_3080 = arith.constant 12 : i32
    %dma_start3A_3081 = arith.constant 0 : i32
    %dma_start3A_3082 = tpu.memref_slice %arg8[%dma_start3A_3079, %dma_start3A_3081] : memref<16x128xf32, #tpu.memory_space<vmem>> -> memref<1x128xf32, #tpu.memory_space<vmem>>
    %dma_start3A_3083 = tpu.memref_squeeze %dma_start3A_3082 : memref<1x128xf32, #tpu.memory_space<vmem>> -> memref<128xf32, #tpu.memory_space<vmem>>
    %dma_start3A_3084 = arith.constant 0 : i32
    %dma_start3A_3085 = tpu.memref_slice %arg7[%dma_start3A_3078, %dma_start3A_3084] : memref<16x128xi32, #tpu.memory_space<vmem>> -> memref<1x128xi32, #tpu.memory_space<vmem>>
    %dma_start3A_3086 = tpu.memref_squeeze %dma_start3A_3085 : memref<1x128xi32, #tpu.memory_space<vmem>> -> memref<128xi32, #tpu.memory_space<vmem>>
    %dma_start3A_3087 = arith.constant 0 : i32
    %dma_start3A_3088 = tpu.memref_slice %arg2[%dma_start3A_3087] : memref<67108864xf32, #tpu.memory_space<hbm>> -> memref<67108864xf32, #tpu.memory_space<hbm>>
    %dma_start3A_3089 = tpu.memref_slice %arg12[%dma_start3A_3080] : memref<16x!tpu.dma_semaphore, #tpu.memory_space<semaphore_mem>> -> memref<1x!tpu.dma_semaphore, #tpu.memory_space<semaphore_mem>>
    %dma_start3A_3090 = tpu.memref_squeeze %dma_start3A_3089 : memref<1x!tpu.dma_semaphore, #tpu.memory_space<semaphore_mem>> -> memref<!tpu.dma_semaphore, #tpu.memory_space<semaphore_mem>>
    tpu.enqueue_indirect_dma source(%dma_start3A_3088 : memref<67108864xf32, #tpu.memory_space<hbm>>) target(%dma_start3A_3083 : memref<128xf32, #tpu.memory_space<vmem>>) offsets(%dma_start3A_3086 : memref<128xi32, #tpu.memory_space<vmem>>) semaphore(%dma_start3A_3090 : memref<!tpu.dma_semaphore, #tpu.memory_space<semaphore_mem>>)
    %get3A_3091 = arith.constant 1664 : index
    %get3A_3092 = tpu.vector_load %arg6[%get3A_3091] {strides = array<i32>} : memref<2048xi32, #tpu.memory_space<vmem>>, vector<16xi32>,
    %get3A_3093 = vector.shape_cast %get3A_3092 : vector<16xi32> to vector<16xi32>
    %add3A_3094 = arith.constant 1664 : i32
    %add3A_3095 = arith.addi %mul3A_2, %add3A_3094 : i32
    %shift_right_arithmetic3A_3096 = arith.constant 3 : i32
    %shift_right_arithmetic3A_3097 = arith.shrsi %add3A_3095, %shift_right_arithmetic3A_3096 : i32
    %mul3A_3098 = arith.constant 16384 : i32
    %mul3A_3099 = arith.muli %shift_right_arithmetic3A_3097, %mul3A_3098 : i32
    %add3A_3100 = vector.broadcast %mul3A_3099 : i32 to vector<16xi32>
    %add3A_3101 = arith.addi %add3A_3100, %add3A : vector<16xi32>
    %shift_right_arithmetic3A_3102 = arith.constant 7 : i32
    %shift_right_arithmetic3A_3103 = vector.broadcast %shift_right_arithmetic3A_3102 : i32 to vector<16xi32>
    %shift_right_arithmetic3A_3104 = arith.shrsi %get3A_3093, %shift_right_arithmetic3A_3103 : vector<16xi32>
    %mul3A_3105 = arith.constant 1024 : i32
    %mul3A_3106 = vector.broadcast %mul3A_3105 : i32 to vector<16xi32>
    %mul3A_3107 = arith.muli %shift_right_arithmetic3A_3104, %mul3A_3106 : vector<16xi32>
    %add3A_3108 = arith.addi %add3A_3101, %mul3A_3107 : vector<16xi32>
    %and3A_3109 = arith.constant 127 : i32
    %and3A_3110 = vector.broadcast %and3A_3109 : i32 to vector<16xi32>
    %and3A_3111 = arith.andi %get3A_3093, %and3A_3110 : vector<16xi32>
    %add3A_3112 = arith.addi %add3A_3108, %and3A_3111 : vector<16xi32>
    %swap3A_3113 = arith.constant 13 : i32
    %swap3A_3114 = arith.index_cast %swap3A_3113 : i32 to index
    %swap3A_3115 = arith.constant 0 : index
    %swap3A_3116 = tpu.vector_load %arg7[%swap3A_3114, %swap3A_3115] {strides = array<i32>} : memref<16x128xi32, #tpu.memory_space<vmem>>, vector<1x16xi32>,
    %swap3A_3117 = vector.shape_cast %swap3A_3116 : vector<1x16xi32> to vector<16xi32>
    %swap3A_3118 = vector.shape_cast %add3A_3112 : vector<16xi32> to vector<1x16xi32>
    tpu.vector_store %arg7[%swap3A_3114, %swap3A_3115], %swap3A_3118 {strides = array<i32>} : memref<16x128xi32, #tpu.memory_space<vmem>>, vector<1x16xi32>,
    %get3A_3119 = arith.constant 1680 : index
    %get3A_3120 = tpu.vector_load %arg6[%get3A_3119] {strides = array<i32>} : memref<2048xi32, #tpu.memory_space<vmem>>, vector<16xi32>,
    %get3A_3121 = vector.shape_cast %get3A_3120 : vector<16xi32> to vector<16xi32>
    %add3A_3122 = arith.constant 1680 : i32
    %add3A_3123 = arith.addi %mul3A_2, %add3A_3122 : i32
    %shift_right_arithmetic3A_3124 = arith.constant 3 : i32
    %shift_right_arithmetic3A_3125 = arith.shrsi %add3A_3123, %shift_right_arithmetic3A_3124 : i32
    %mul3A_3126 = arith.constant 16384 : i32
    %mul3A_3127 = arith.muli %shift_right_arithmetic3A_3125, %mul3A_3126 : i32
    %add3A_3128 = vector.broadcast %mul3A_3127 : i32 to vector<16xi32>
    %add3A_3129 = arith.addi %add3A_3128, %add3A : vector<16xi32>
    %shift_right_arithmetic3A_3130 = arith.constant 7 : i32
    %shift_right_arithmetic3A_3131 = vector.broadcast %shift_right_arithmetic3A_3130 : i32 to vector<16xi32>
    %shift_right_arithmetic3A_3132 = arith.shrsi %get3A_3121, %shift_right_arithmetic3A_3131 : vector<16xi32>
    %mul3A_3133 = arith.constant 1024 : i32
    %mul3A_3134 = vector.broadcast %mul3A_3133 : i32 to vector<16xi32>
    %mul3A_3135 = arith.muli %shift_right_arithmetic3A_3132, %mul3A_3134 : vector<16xi32>
    %add3A_3136 = arith.addi %add3A_3129, %mul3A_3135 : vector<16xi32>
    %and3A_3137 = arith.constant 127 : i32
    %and3A_3138 = vector.broadcast %and3A_3137 : i32 to vector<16xi32>
    %and3A_3139 = arith.andi %get3A_3121, %and3A_3138 : vector<16xi32>
    %add3A_3140 = arith.addi %add3A_3136, %and3A_3139 : vector<16xi32>
    %swap3A_3141 = arith.constant 13 : i32
    %swap3A_3142 = arith.index_cast %swap3A_3141 : i32 to index
    %swap3A_3143 = arith.constant 16 : index
    %swap3A_3144 = tpu.vector_load %arg7[%swap3A_3142, %swap3A_3143] {strides = array<i32>} : memref<16x128xi32, #tpu.memory_space<vmem>>, vector<1x16xi32>,
    %swap3A_3145 = vector.shape_cast %swap3A_3144 : vector<1x16xi32> to vector<16xi32>
    %swap3A_3146 = vector.shape_cast %add3A_3140 : vector<16xi32> to vector<1x16xi32>
    tpu.vector_store %arg7[%swap3A_3142, %swap3A_3143], %swap3A_3146 {strides = array<i32>} : memref<16x128xi32, #tpu.memory_space<vmem>>, vector<1x16xi32>,
    %get3A_3147 = arith.constant 1696 : index
    %get3A_3148 = tpu.vector_load %arg6[%get3A_3147] {strides = array<i32>} : memref<2048xi32, #tpu.memory_space<vmem>>, vector<16xi32>,
    %get3A_3149 = vector.shape_cast %get3A_3148 : vector<16xi32> to vector<16xi32>
    %add3A_3150 = arith.constant 1696 : i32
    %add3A_3151 = arith.addi %mul3A_2, %add3A_3150 : i32
    %shift_right_arithmetic3A_3152 = arith.constant 3 : i32
    %shift_right_arithmetic3A_3153 = arith.shrsi %add3A_3151, %shift_right_arithmetic3A_3152 : i32
    %mul3A_3154 = arith.constant 16384 : i32
    %mul3A_3155 = arith.muli %shift_right_arithmetic3A_3153, %mul3A_3154 : i32
    %add3A_3156 = vector.broadcast %mul3A_3155 : i32 to vector<16xi32>
    %add3A_3157 = arith.addi %add3A_3156, %add3A : vector<16xi32>
    %shift_right_arithmetic3A_3158 = arith.constant 7 : i32
    %shift_right_arithmetic3A_3159 = vector.broadcast %shift_right_arithmetic3A_3158 : i32 to vector<16xi32>
    %shift_right_arithmetic3A_3160 = arith.shrsi %get3A_3149, %shift_right_arithmetic3A_3159 : vector<16xi32>
    %mul3A_3161 = arith.constant 1024 : i32
    %mul3A_3162 = vector.broadcast %mul3A_3161 : i32 to vector<16xi32>
    %mul3A_3163 = arith.muli %shift_right_arithmetic3A_3160, %mul3A_3162 : vector<16xi32>
    %add3A_3164 = arith.addi %add3A_3157, %mul3A_3163 : vector<16xi32>
    %and3A_3165 = arith.constant 127 : i32
    %and3A_3166 = vector.broadcast %and3A_3165 : i32 to vector<16xi32>
    %and3A_3167 = arith.andi %get3A_3149, %and3A_3166 : vector<16xi32>
    %add3A_3168 = arith.addi %add3A_3164, %and3A_3167 : vector<16xi32>
    %swap3A_3169 = arith.constant 13 : i32
    %swap3A_3170 = arith.index_cast %swap3A_3169 : i32 to index
    %swap3A_3171 = arith.constant 32 : index
    %swap3A_3172 = tpu.vector_load %arg7[%swap3A_3170, %swap3A_3171] {strides = array<i32>} : memref<16x128xi32, #tpu.memory_space<vmem>>, vector<1x16xi32>,
    %swap3A_3173 = vector.shape_cast %swap3A_3172 : vector<1x16xi32> to vector<16xi32>
    %swap3A_3174 = vector.shape_cast %add3A_3168 : vector<16xi32> to vector<1x16xi32>
    tpu.vector_store %arg7[%swap3A_3170, %swap3A_3171], %swap3A_3174 {strides = array<i32>} : memref<16x128xi32, #tpu.memory_space<vmem>>, vector<1x16xi32>,
    %get3A_3175 = arith.constant 1712 : index
    %get3A_3176 = tpu.vector_load %arg6[%get3A_3175] {strides = array<i32>} : memref<2048xi32, #tpu.memory_space<vmem>>, vector<16xi32>,
    %get3A_3177 = vector.shape_cast %get3A_3176 : vector<16xi32> to vector<16xi32>
    %add3A_3178 = arith.constant 1712 : i32
    %add3A_3179 = arith.addi %mul3A_2, %add3A_3178 : i32
    %shift_right_arithmetic3A_3180 = arith.constant 3 : i32
    %shift_right_arithmetic3A_3181 = arith.shrsi %add3A_3179, %shift_right_arithmetic3A_3180 : i32
    %mul3A_3182 = arith.constant 16384 : i32
    %mul3A_3183 = arith.muli %shift_right_arithmetic3A_3181, %mul3A_3182 : i32
    %add3A_3184 = vector.broadcast %mul3A_3183 : i32 to vector<16xi32>
    %add3A_3185 = arith.addi %add3A_3184, %add3A : vector<16xi32>
    %shift_right_arithmetic3A_3186 = arith.constant 7 : i32
    %shift_right_arithmetic3A_3187 = vector.broadcast %shift_right_arithmetic3A_3186 : i32 to vector<16xi32>
    %shift_right_arithmetic3A_3188 = arith.shrsi %get3A_3177, %shift_right_arithmetic3A_3187 : vector<16xi32>
    %mul3A_3189 = arith.constant 1024 : i32
    %mul3A_3190 = vector.broadcast %mul3A_3189 : i32 to vector<16xi32>
    %mul3A_3191 = arith.muli %shift_right_arithmetic3A_3188, %mul3A_3190 : vector<16xi32>
    %add3A_3192 = arith.addi %add3A_3185, %mul3A_3191 : vector<16xi32>
    %and3A_3193 = arith.constant 127 : i32
    %and3A_3194 = vector.broadcast %and3A_3193 : i32 to vector<16xi32>
    %and3A_3195 = arith.andi %get3A_3177, %and3A_3194 : vector<16xi32>
    %add3A_3196 = arith.addi %add3A_3192, %and3A_3195 : vector<16xi32>
    %swap3A_3197 = arith.constant 13 : i32
    %swap3A_3198 = arith.index_cast %swap3A_3197 : i32 to index
    %swap3A_3199 = arith.constant 48 : index
    %swap3A_3200 = tpu.vector_load %arg7[%swap3A_3198, %swap3A_3199] {strides = array<i32>} : memref<16x128xi32, #tpu.memory_space<vmem>>, vector<1x16xi32>,
    %swap3A_3201 = vector.shape_cast %swap3A_3200 : vector<1x16xi32> to vector<16xi32>
    %swap3A_3202 = vector.shape_cast %add3A_3196 : vector<16xi32> to vector<1x16xi32>
    tpu.vector_store %arg7[%swap3A_3198, %swap3A_3199], %swap3A_3202 {strides = array<i32>} : memref<16x128xi32, #tpu.memory_space<vmem>>, vector<1x16xi32>,
    %get3A_3203 = arith.constant 1728 : index
    %get3A_3204 = tpu.vector_load %arg6[%get3A_3203] {strides = array<i32>} : memref<2048xi32, #tpu.memory_space<vmem>>, vector<16xi32>,
    %get3A_3205 = vector.shape_cast %get3A_3204 : vector<16xi32> to vector<16xi32>
    %add3A_3206 = arith.constant 1728 : i32
    %add3A_3207 = arith.addi %mul3A_2, %add3A_3206 : i32
    %shift_right_arithmetic3A_3208 = arith.constant 3 : i32
    %shift_right_arithmetic3A_3209 = arith.shrsi %add3A_3207, %shift_right_arithmetic3A_3208 : i32
    %mul3A_3210 = arith.constant 16384 : i32
    %mul3A_3211 = arith.muli %shift_right_arithmetic3A_3209, %mul3A_3210 : i32
    %add3A_3212 = vector.broadcast %mul3A_3211 : i32 to vector<16xi32>
    %add3A_3213 = arith.addi %add3A_3212, %add3A : vector<16xi32>
    %shift_right_arithmetic3A_3214 = arith.constant 7 : i32
    %shift_right_arithmetic3A_3215 = vector.broadcast %shift_right_arithmetic3A_3214 : i32 to vector<16xi32>
    %shift_right_arithmetic3A_3216 = arith.shrsi %get3A_3205, %shift_right_arithmetic3A_3215 : vector<16xi32>
    %mul3A_3217 = arith.constant 1024 : i32
    %mul3A_3218 = vector.broadcast %mul3A_3217 : i32 to vector<16xi32>
    %mul3A_3219 = arith.muli %shift_right_arithmetic3A_3216, %mul3A_3218 : vector<16xi32>
    %add3A_3220 = arith.addi %add3A_3213, %mul3A_3219 : vector<16xi32>
    %and3A_3221 = arith.constant 127 : i32
    %and3A_3222 = vector.broadcast %and3A_3221 : i32 to vector<16xi32>
    %and3A_3223 = arith.andi %get3A_3205, %and3A_3222 : vector<16xi32>
    %add3A_3224 = arith.addi %add3A_3220, %and3A_3223 : vector<16xi32>
    %swap3A_3225 = arith.constant 13 : i32
    %swap3A_3226 = arith.index_cast %swap3A_3225 : i32 to index
    %swap3A_3227 = arith.constant 64 : index
    %swap3A_3228 = tpu.vector_load %arg7[%swap3A_3226, %swap3A_3227] {strides = array<i32>} : memref<16x128xi32, #tpu.memory_space<vmem>>, vector<1x16xi32>,
    %swap3A_3229 = vector.shape_cast %swap3A_3228 : vector<1x16xi32> to vector<16xi32>
    %swap3A_3230 = vector.shape_cast %add3A_3224 : vector<16xi32> to vector<1x16xi32>
    tpu.vector_store %arg7[%swap3A_3226, %swap3A_3227], %swap3A_3230 {strides = array<i32>} : memref<16x128xi32, #tpu.memory_space<vmem>>, vector<1x16xi32>,
    %get3A_3231 = arith.constant 1744 : index
    %get3A_3232 = tpu.vector_load %arg6[%get3A_3231] {strides = array<i32>} : memref<2048xi32, #tpu.memory_space<vmem>>, vector<16xi32>,
    %get3A_3233 = vector.shape_cast %get3A_3232 : vector<16xi32> to vector<16xi32>
    %add3A_3234 = arith.constant 1744 : i32
    %add3A_3235 = arith.addi %mul3A_2, %add3A_3234 : i32
    %shift_right_arithmetic3A_3236 = arith.constant 3 : i32
    %shift_right_arithmetic3A_3237 = arith.shrsi %add3A_3235, %shift_right_arithmetic3A_3236 : i32
    %mul3A_3238 = arith.constant 16384 : i32
    %mul3A_3239 = arith.muli %shift_right_arithmetic3A_3237, %mul3A_3238 : i32
    %add3A_3240 = vector.broadcast %mul3A_3239 : i32 to vector<16xi32>
    %add3A_3241 = arith.addi %add3A_3240, %add3A : vector<16xi32>
    %shift_right_arithmetic3A_3242 = arith.constant 7 : i32
    %shift_right_arithmetic3A_3243 = vector.broadcast %shift_right_arithmetic3A_3242 : i32 to vector<16xi32>
    %shift_right_arithmetic3A_3244 = arith.shrsi %get3A_3233, %shift_right_arithmetic3A_3243 : vector<16xi32>
    %mul3A_3245 = arith.constant 1024 : i32
    %mul3A_3246 = vector.broadcast %mul3A_3245 : i32 to vector<16xi32>
    %mul3A_3247 = arith.muli %shift_right_arithmetic3A_3244, %mul3A_3246 : vector<16xi32>
    %add3A_3248 = arith.addi %add3A_3241, %mul3A_3247 : vector<16xi32>
    %and3A_3249 = arith.constant 127 : i32
    %and3A_3250 = vector.broadcast %and3A_3249 : i32 to vector<16xi32>
    %and3A_3251 = arith.andi %get3A_3233, %and3A_3250 : vector<16xi32>
    %add3A_3252 = arith.addi %add3A_3248, %and3A_3251 : vector<16xi32>
    %swap3A_3253 = arith.constant 13 : i32
    %swap3A_3254 = arith.index_cast %swap3A_3253 : i32 to index
    %swap3A_3255 = arith.constant 80 : index
    %swap3A_3256 = tpu.vector_load %arg7[%swap3A_3254, %swap3A_3255] {strides = array<i32>} : memref<16x128xi32, #tpu.memory_space<vmem>>, vector<1x16xi32>,
    %swap3A_3257 = vector.shape_cast %swap3A_3256 : vector<1x16xi32> to vector<16xi32>
    %swap3A_3258 = vector.shape_cast %add3A_3252 : vector<16xi32> to vector<1x16xi32>
    tpu.vector_store %arg7[%swap3A_3254, %swap3A_3255], %swap3A_3258 {strides = array<i32>} : memref<16x128xi32, #tpu.memory_space<vmem>>, vector<1x16xi32>,
    %get3A_3259 = arith.constant 1760 : index
    %get3A_3260 = tpu.vector_load %arg6[%get3A_3259] {strides = array<i32>} : memref<2048xi32, #tpu.memory_space<vmem>>, vector<16xi32>,
    %get3A_3261 = vector.shape_cast %get3A_3260 : vector<16xi32> to vector<16xi32>
    %add3A_3262 = arith.constant 1760 : i32
    %add3A_3263 = arith.addi %mul3A_2, %add3A_3262 : i32
    %shift_right_arithmetic3A_3264 = arith.constant 3 : i32
    %shift_right_arithmetic3A_3265 = arith.shrsi %add3A_3263, %shift_right_arithmetic3A_3264 : i32
    %mul3A_3266 = arith.constant 16384 : i32
    %mul3A_3267 = arith.muli %shift_right_arithmetic3A_3265, %mul3A_3266 : i32
    %add3A_3268 = vector.broadcast %mul3A_3267 : i32 to vector<16xi32>
    %add3A_3269 = arith.addi %add3A_3268, %add3A : vector<16xi32>
    %shift_right_arithmetic3A_3270 = arith.constant 7 : i32
    %shift_right_arithmetic3A_3271 = vector.broadcast %shift_right_arithmetic3A_3270 : i32 to vector<16xi32>
    %shift_right_arithmetic3A_3272 = arith.shrsi %get3A_3261, %shift_right_arithmetic3A_3271 : vector<16xi32>
    %mul3A_3273 = arith.constant 1024 : i32
    %mul3A_3274 = vector.broadcast %mul3A_3273 : i32 to vector<16xi32>
    %mul3A_3275 = arith.muli %shift_right_arithmetic3A_3272, %mul3A_3274 : vector<16xi32>
    %add3A_3276 = arith.addi %add3A_3269, %mul3A_3275 : vector<16xi32>
    %and3A_3277 = arith.constant 127 : i32
    %and3A_3278 = vector.broadcast %and3A_3277 : i32 to vector<16xi32>
    %and3A_3279 = arith.andi %get3A_3261, %and3A_3278 : vector<16xi32>
    %add3A_3280 = arith.addi %add3A_3276, %and3A_3279 : vector<16xi32>
    %swap3A_3281 = arith.constant 13 : i32
    %swap3A_3282 = arith.index_cast %swap3A_3281 : i32 to index
    %swap3A_3283 = arith.constant 96 : index
    %swap3A_3284 = tpu.vector_load %arg7[%swap3A_3282, %swap3A_3283] {strides = array<i32>} : memref<16x128xi32, #tpu.memory_space<vmem>>, vector<1x16xi32>,
    %swap3A_3285 = vector.shape_cast %swap3A_3284 : vector<1x16xi32> to vector<16xi32>
    %swap3A_3286 = vector.shape_cast %add3A_3280 : vector<16xi32> to vector<1x16xi32>
    tpu.vector_store %arg7[%swap3A_3282, %swap3A_3283], %swap3A_3286 {strides = array<i32>} : memref<16x128xi32, #tpu.memory_space<vmem>>, vector<1x16xi32>,
    %get3A_3287 = arith.constant 1776 : index
    %get3A_3288 = tpu.vector_load %arg6[%get3A_3287] {strides = array<i32>} : memref<2048xi32, #tpu.memory_space<vmem>>, vector<16xi32>,
    %get3A_3289 = vector.shape_cast %get3A_3288 : vector<16xi32> to vector<16xi32>
    %add3A_3290 = arith.constant 1776 : i32
    %add3A_3291 = arith.addi %mul3A_2, %add3A_3290 : i32
    %shift_right_arithmetic3A_3292 = arith.constant 3 : i32
    %shift_right_arithmetic3A_3293 = arith.shrsi %add3A_3291, %shift_right_arithmetic3A_3292 : i32
    %mul3A_3294 = arith.constant 16384 : i32
    %mul3A_3295 = arith.muli %shift_right_arithmetic3A_3293, %mul3A_3294 : i32
    %add3A_3296 = vector.broadcast %mul3A_3295 : i32 to vector<16xi32>
    %add3A_3297 = arith.addi %add3A_3296, %add3A : vector<16xi32>
    %shift_right_arithmetic3A_3298 = arith.constant 7 : i32
    %shift_right_arithmetic3A_3299 = vector.broadcast %shift_right_arithmetic3A_3298 : i32 to vector<16xi32>
    %shift_right_arithmetic3A_3300 = arith.shrsi %get3A_3289, %shift_right_arithmetic3A_3299 : vector<16xi32>
    %mul3A_3301 = arith.constant 1024 : i32
    %mul3A_3302 = vector.broadcast %mul3A_3301 : i32 to vector<16xi32>
    %mul3A_3303 = arith.muli %shift_right_arithmetic3A_3300, %mul3A_3302 : vector<16xi32>
    %add3A_3304 = arith.addi %add3A_3297, %mul3A_3303 : vector<16xi32>
    %and3A_3305 = arith.constant 127 : i32
    %and3A_3306 = vector.broadcast %and3A_3305 : i32 to vector<16xi32>
    %and3A_3307 = arith.andi %get3A_3289, %and3A_3306 : vector<16xi32>
    %add3A_3308 = arith.addi %add3A_3304, %and3A_3307 : vector<16xi32>
    %swap3A_3309 = arith.constant 13 : i32
    %swap3A_3310 = arith.index_cast %swap3A_3309 : i32 to index
    %swap3A_3311 = arith.constant 112 : index
    %swap3A_3312 = tpu.vector_load %arg7[%swap3A_3310, %swap3A_3311] {strides = array<i32>} : memref<16x128xi32, #tpu.memory_space<vmem>>, vector<1x16xi32>,
    %swap3A_3313 = vector.shape_cast %swap3A_3312 : vector<1x16xi32> to vector<16xi32>
    %swap3A_3314 = vector.shape_cast %add3A_3308 : vector<16xi32> to vector<1x16xi32>
    tpu.vector_store %arg7[%swap3A_3310, %swap3A_3311], %swap3A_3314 {strides = array<i32>} : memref<16x128xi32, #tpu.memory_space<vmem>>, vector<1x16xi32>,
    %dma_start3A_3315 = arith.constant 13 : i32
    %dma_start3A_3316 = arith.constant 13 : i32
    %dma_start3A_3317 = arith.constant 13 : i32
    %dma_start3A_3318 = arith.constant 0 : i32
    %dma_start3A_3319 = tpu.memref_slice %arg8[%dma_start3A_3316, %dma_start3A_3318] : memref<16x128xf32, #tpu.memory_space<vmem>> -> memref<1x128xf32, #tpu.memory_space<vmem>>
    %dma_start3A_3320 = tpu.memref_squeeze %dma_start3A_3319 : memref<1x128xf32, #tpu.memory_space<vmem>> -> memref<128xf32, #tpu.memory_space<vmem>>
    %dma_start3A_3321 = arith.constant 0 : i32
    %dma_start3A_3322 = tpu.memref_slice %arg7[%dma_start3A_3315, %dma_start3A_3321] : memref<16x128xi32, #tpu.memory_space<vmem>> -> memref<1x128xi32, #tpu.memory_space<vmem>>
    %dma_start3A_3323 = tpu.memref_squeeze %dma_start3A_3322 : memref<1x128xi32, #tpu.memory_space<vmem>> -> memref<128xi32, #tpu.memory_space<vmem>>
    %dma_start3A_3324 = arith.constant 0 : i32
    %dma_start3A_3325 = tpu.memref_slice %arg2[%dma_start3A_3324] : memref<67108864xf32, #tpu.memory_space<hbm>> -> memref<67108864xf32, #tpu.memory_space<hbm>>
    %dma_start3A_3326 = tpu.memref_slice %arg12[%dma_start3A_3317] : memref<16x!tpu.dma_semaphore, #tpu.memory_space<semaphore_mem>> -> memref<1x!tpu.dma_semaphore, #tpu.memory_space<semaphore_mem>>
    %dma_start3A_3327 = tpu.memref_squeeze %dma_start3A_3326 : memref<1x!tpu.dma_semaphore, #tpu.memory_space<semaphore_mem>> -> memref<!tpu.dma_semaphore, #tpu.memory_space<semaphore_mem>>
    tpu.enqueue_indirect_dma source(%dma_start3A_3325 : memref<67108864xf32, #tpu.memory_space<hbm>>) target(%dma_start3A_3320 : memref<128xf32, #tpu.memory_space<vmem>>) offsets(%dma_start3A_3323 : memref<128xi32, #tpu.memory_space<vmem>>) semaphore(%dma_start3A_3327 : memref<!tpu.dma_semaphore, #tpu.memory_space<semaphore_mem>>)
    %get3A_3328 = arith.constant 1792 : index
    %get3A_3329 = tpu.vector_load %arg6[%get3A_3328] {strides = array<i32>} : memref<2048xi32, #tpu.memory_space<vmem>>, vector<16xi32>,
    %get3A_3330 = vector.shape_cast %get3A_3329 : vector<16xi32> to vector<16xi32>
    %add3A_3331 = arith.constant 1792 : i32
    %add3A_3332 = arith.addi %mul3A_2, %add3A_3331 : i32
    %shift_right_arithmetic3A_3333 = arith.constant 3 : i32
    %shift_right_arithmetic3A_3334 = arith.shrsi %add3A_3332, %shift_right_arithmetic3A_3333 : i32
    %mul3A_3335 = arith.constant 16384 : i32
    %mul3A_3336 = arith.muli %shift_right_arithmetic3A_3334, %mul3A_3335 : i32
    %add3A_3337 = vector.broadcast %mul3A_3336 : i32 to vector<16xi32>
    %add3A_3338 = arith.addi %add3A_3337, %add3A : vector<16xi32>
    %shift_right_arithmetic3A_3339 = arith.constant 7 : i32
    %shift_right_arithmetic3A_3340 = vector.broadcast %shift_right_arithmetic3A_3339 : i32 to vector<16xi32>
    %shift_right_arithmetic3A_3341 = arith.shrsi %get3A_3330, %shift_right_arithmetic3A_3340 : vector<16xi32>
    %mul3A_3342 = arith.constant 1024 : i32
    %mul3A_3343 = vector.broadcast %mul3A_3342 : i32 to vector<16xi32>
    %mul3A_3344 = arith.muli %shift_right_arithmetic3A_3341, %mul3A_3343 : vector<16xi32>
    %add3A_3345 = arith.addi %add3A_3338, %mul3A_3344 : vector<16xi32>
    %and3A_3346 = arith.constant 127 : i32
    %and3A_3347 = vector.broadcast %and3A_3346 : i32 to vector<16xi32>
    %and3A_3348 = arith.andi %get3A_3330, %and3A_3347 : vector<16xi32>
    %add3A_3349 = arith.addi %add3A_3345, %and3A_3348 : vector<16xi32>
    %swap3A_3350 = arith.constant 14 : i32
    %swap3A_3351 = arith.index_cast %swap3A_3350 : i32 to index
    %swap3A_3352 = arith.constant 0 : index
    %swap3A_3353 = tpu.vector_load %arg7[%swap3A_3351, %swap3A_3352] {strides = array<i32>} : memref<16x128xi32, #tpu.memory_space<vmem>>, vector<1x16xi32>,
    %swap3A_3354 = vector.shape_cast %swap3A_3353 : vector<1x16xi32> to vector<16xi32>
    %swap3A_3355 = vector.shape_cast %add3A_3349 : vector<16xi32> to vector<1x16xi32>
    tpu.vector_store %arg7[%swap3A_3351, %swap3A_3352], %swap3A_3355 {strides = array<i32>} : memref<16x128xi32, #tpu.memory_space<vmem>>, vector<1x16xi32>,
    %get3A_3356 = arith.constant 1808 : index
    %get3A_3357 = tpu.vector_load %arg6[%get3A_3356] {strides = array<i32>} : memref<2048xi32, #tpu.memory_space<vmem>>, vector<16xi32>,
    %get3A_3358 = vector.shape_cast %get3A_3357 : vector<16xi32> to vector<16xi32>
    %add3A_3359 = arith.constant 1808 : i32
    %add3A_3360 = arith.addi %mul3A_2, %add3A_3359 : i32
    %shift_right_arithmetic3A_3361 = arith.constant 3 : i32
    %shift_right_arithmetic3A_3362 = arith.shrsi %add3A_3360, %shift_right_arithmetic3A_3361 : i32
    %mul3A_3363 = arith.constant 16384 : i32
    %mul3A_3364 = arith.muli %shift_right_arithmetic3A_3362, %mul3A_3363 : i32
    %add3A_3365 = vector.broadcast %mul3A_3364 : i32 to vector<16xi32>
    %add3A_3366 = arith.addi %add3A_3365, %add3A : vector<16xi32>
    %shift_right_arithmetic3A_3367 = arith.constant 7 : i32
    %shift_right_arithmetic3A_3368 = vector.broadcast %shift_right_arithmetic3A_3367 : i32 to vector<16xi32>
    %shift_right_arithmetic3A_3369 = arith.shrsi %get3A_3358, %shift_right_arithmetic3A_3368 : vector<16xi32>
    %mul3A_3370 = arith.constant 1024 : i32
    %mul3A_3371 = vector.broadcast %mul3A_3370 : i32 to vector<16xi32>
    %mul3A_3372 = arith.muli %shift_right_arithmetic3A_3369, %mul3A_3371 : vector<16xi32>
    %add3A_3373 = arith.addi %add3A_3366, %mul3A_3372 : vector<16xi32>
    %and3A_3374 = arith.constant 127 : i32
    %and3A_3375 = vector.broadcast %and3A_3374 : i32 to vector<16xi32>
    %and3A_3376 = arith.andi %get3A_3358, %and3A_3375 : vector<16xi32>
    %add3A_3377 = arith.addi %add3A_3373, %and3A_3376 : vector<16xi32>
    %swap3A_3378 = arith.constant 14 : i32
    %swap3A_3379 = arith.index_cast %swap3A_3378 : i32 to index
    %swap3A_3380 = arith.constant 16 : index
    %swap3A_3381 = tpu.vector_load %arg7[%swap3A_3379, %swap3A_3380] {strides = array<i32>} : memref<16x128xi32, #tpu.memory_space<vmem>>, vector<1x16xi32>,
    %swap3A_3382 = vector.shape_cast %swap3A_3381 : vector<1x16xi32> to vector<16xi32>
    %swap3A_3383 = vector.shape_cast %add3A_3377 : vector<16xi32> to vector<1x16xi32>
    tpu.vector_store %arg7[%swap3A_3379, %swap3A_3380], %swap3A_3383 {strides = array<i32>} : memref<16x128xi32, #tpu.memory_space<vmem>>, vector<1x16xi32>,
    %get3A_3384 = arith.constant 1824 : index
    %get3A_3385 = tpu.vector_load %arg6[%get3A_3384] {strides = array<i32>} : memref<2048xi32, #tpu.memory_space<vmem>>, vector<16xi32>,
    %get3A_3386 = vector.shape_cast %get3A_3385 : vector<16xi32> to vector<16xi32>
    %add3A_3387 = arith.constant 1824 : i32
    %add3A_3388 = arith.addi %mul3A_2, %add3A_3387 : i32
    %shift_right_arithmetic3A_3389 = arith.constant 3 : i32
    %shift_right_arithmetic3A_3390 = arith.shrsi %add3A_3388, %shift_right_arithmetic3A_3389 : i32
    %mul3A_3391 = arith.constant 16384 : i32
    %mul3A_3392 = arith.muli %shift_right_arithmetic3A_3390, %mul3A_3391 : i32
    %add3A_3393 = vector.broadcast %mul3A_3392 : i32 to vector<16xi32>
    %add3A_3394 = arith.addi %add3A_3393, %add3A : vector<16xi32>
    %shift_right_arithmetic3A_3395 = arith.constant 7 : i32
    %shift_right_arithmetic3A_3396 = vector.broadcast %shift_right_arithmetic3A_3395 : i32 to vector<16xi32>
    %shift_right_arithmetic3A_3397 = arith.shrsi %get3A_3386, %shift_right_arithmetic3A_3396 : vector<16xi32>
    %mul3A_3398 = arith.constant 1024 : i32
    %mul3A_3399 = vector.broadcast %mul3A_3398 : i32 to vector<16xi32>
    %mul3A_3400 = arith.muli %shift_right_arithmetic3A_3397, %mul3A_3399 : vector<16xi32>
    %add3A_3401 = arith.addi %add3A_3394, %mul3A_3400 : vector<16xi32>
    %and3A_3402 = arith.constant 127 : i32
    %and3A_3403 = vector.broadcast %and3A_3402 : i32 to vector<16xi32>
    %and3A_3404 = arith.andi %get3A_3386, %and3A_3403 : vector<16xi32>
    %add3A_3405 = arith.addi %add3A_3401, %and3A_3404 : vector<16xi32>
    %swap3A_3406 = arith.constant 14 : i32
    %swap3A_3407 = arith.index_cast %swap3A_3406 : i32 to index
    %swap3A_3408 = arith.constant 32 : index
    %swap3A_3409 = tpu.vector_load %arg7[%swap3A_3407, %swap3A_3408] {strides = array<i32>} : memref<16x128xi32, #tpu.memory_space<vmem>>, vector<1x16xi32>,
    %swap3A_3410 = vector.shape_cast %swap3A_3409 : vector<1x16xi32> to vector<16xi32>
    %swap3A_3411 = vector.shape_cast %add3A_3405 : vector<16xi32> to vector<1x16xi32>
    tpu.vector_store %arg7[%swap3A_3407, %swap3A_3408], %swap3A_3411 {strides = array<i32>} : memref<16x128xi32, #tpu.memory_space<vmem>>, vector<1x16xi32>,
    %get3A_3412 = arith.constant 1840 : index
    %get3A_3413 = tpu.vector_load %arg6[%get3A_3412] {strides = array<i32>} : memref<2048xi32, #tpu.memory_space<vmem>>, vector<16xi32>,
    %get3A_3414 = vector.shape_cast %get3A_3413 : vector<16xi32> to vector<16xi32>
    %add3A_3415 = arith.constant 1840 : i32
    %add3A_3416 = arith.addi %mul3A_2, %add3A_3415 : i32
    %shift_right_arithmetic3A_3417 = arith.constant 3 : i32
    %shift_right_arithmetic3A_3418 = arith.shrsi %add3A_3416, %shift_right_arithmetic3A_3417 : i32
    %mul3A_3419 = arith.constant 16384 : i32
    %mul3A_3420 = arith.muli %shift_right_arithmetic3A_3418, %mul3A_3419 : i32
    %add3A_3421 = vector.broadcast %mul3A_3420 : i32 to vector<16xi32>
    %add3A_3422 = arith.addi %add3A_3421, %add3A : vector<16xi32>
    %shift_right_arithmetic3A_3423 = arith.constant 7 : i32
    %shift_right_arithmetic3A_3424 = vector.broadcast %shift_right_arithmetic3A_3423 : i32 to vector<16xi32>
    %shift_right_arithmetic3A_3425 = arith.shrsi %get3A_3414, %shift_right_arithmetic3A_3424 : vector<16xi32>
    %mul3A_3426 = arith.constant 1024 : i32
    %mul3A_3427 = vector.broadcast %mul3A_3426 : i32 to vector<16xi32>
    %mul3A_3428 = arith.muli %shift_right_arithmetic3A_3425, %mul3A_3427 : vector<16xi32>
    %add3A_3429 = arith.addi %add3A_3422, %mul3A_3428 : vector<16xi32>
    %and3A_3430 = arith.constant 127 : i32
    %and3A_3431 = vector.broadcast %and3A_3430 : i32 to vector<16xi32>
    %and3A_3432 = arith.andi %get3A_3414, %and3A_3431 : vector<16xi32>
    %add3A_3433 = arith.addi %add3A_3429, %and3A_3432 : vector<16xi32>
    %swap3A_3434 = arith.constant 14 : i32
    %swap3A_3435 = arith.index_cast %swap3A_3434 : i32 to index
    %swap3A_3436 = arith.constant 48 : index
    %swap3A_3437 = tpu.vector_load %arg7[%swap3A_3435, %swap3A_3436] {strides = array<i32>} : memref<16x128xi32, #tpu.memory_space<vmem>>, vector<1x16xi32>,
    %swap3A_3438 = vector.shape_cast %swap3A_3437 : vector<1x16xi32> to vector<16xi32>
    %swap3A_3439 = vector.shape_cast %add3A_3433 : vector<16xi32> to vector<1x16xi32>
    tpu.vector_store %arg7[%swap3A_3435, %swap3A_3436], %swap3A_3439 {strides = array<i32>} : memref<16x128xi32, #tpu.memory_space<vmem>>, vector<1x16xi32>,
    %get3A_3440 = arith.constant 1856 : index
    %get3A_3441 = tpu.vector_load %arg6[%get3A_3440] {strides = array<i32>} : memref<2048xi32, #tpu.memory_space<vmem>>, vector<16xi32>,
    %get3A_3442 = vector.shape_cast %get3A_3441 : vector<16xi32> to vector<16xi32>
    %add3A_3443 = arith.constant 1856 : i32
    %add3A_3444 = arith.addi %mul3A_2, %add3A_3443 : i32
    %shift_right_arithmetic3A_3445 = arith.constant 3 : i32
    %shift_right_arithmetic3A_3446 = arith.shrsi %add3A_3444, %shift_right_arithmetic3A_3445 : i32
    %mul3A_3447 = arith.constant 16384 : i32
    %mul3A_3448 = arith.muli %shift_right_arithmetic3A_3446, %mul3A_3447 : i32
    %add3A_3449 = vector.broadcast %mul3A_3448 : i32 to vector<16xi32>
    %add3A_3450 = arith.addi %add3A_3449, %add3A : vector<16xi32>
    %shift_right_arithmetic3A_3451 = arith.constant 7 : i32
    %shift_right_arithmetic3A_3452 = vector.broadcast %shift_right_arithmetic3A_3451 : i32 to vector<16xi32>
    %shift_right_arithmetic3A_3453 = arith.shrsi %get3A_3442, %shift_right_arithmetic3A_3452 : vector<16xi32>
    %mul3A_3454 = arith.constant 1024 : i32
    %mul3A_3455 = vector.broadcast %mul3A_3454 : i32 to vector<16xi32>
    %mul3A_3456 = arith.muli %shift_right_arithmetic3A_3453, %mul3A_3455 : vector<16xi32>
    %add3A_3457 = arith.addi %add3A_3450, %mul3A_3456 : vector<16xi32>
    %and3A_3458 = arith.constant 127 : i32
    %and3A_3459 = vector.broadcast %and3A_3458 : i32 to vector<16xi32>
    %and3A_3460 = arith.andi %get3A_3442, %and3A_3459 : vector<16xi32>
    %add3A_3461 = arith.addi %add3A_3457, %and3A_3460 : vector<16xi32>
    %swap3A_3462 = arith.constant 14 : i32
    %swap3A_3463 = arith.index_cast %swap3A_3462 : i32 to index
    %swap3A_3464 = arith.constant 64 : index
    %swap3A_3465 = tpu.vector_load %arg7[%swap3A_3463, %swap3A_3464] {strides = array<i32>} : memref<16x128xi32, #tpu.memory_space<vmem>>, vector<1x16xi32>,
    %swap3A_3466 = vector.shape_cast %swap3A_3465 : vector<1x16xi32> to vector<16xi32>
    %swap3A_3467 = vector.shape_cast %add3A_3461 : vector<16xi32> to vector<1x16xi32>
    tpu.vector_store %arg7[%swap3A_3463, %swap3A_3464], %swap3A_3467 {strides = array<i32>} : memref<16x128xi32, #tpu.memory_space<vmem>>, vector<1x16xi32>,
    %get3A_3468 = arith.constant 1872 : index
    %get3A_3469 = tpu.vector_load %arg6[%get3A_3468] {strides = array<i32>} : memref<2048xi32, #tpu.memory_space<vmem>>, vector<16xi32>,
    %get3A_3470 = vector.shape_cast %get3A_3469 : vector<16xi32> to vector<16xi32>
    %add3A_3471 = arith.constant 1872 : i32
    %add3A_3472 = arith.addi %mul3A_2, %add3A_3471 : i32
    %shift_right_arithmetic3A_3473 = arith.constant 3 : i32
    %shift_right_arithmetic3A_3474 = arith.shrsi %add3A_3472, %shift_right_arithmetic3A_3473 : i32
    %mul3A_3475 = arith.constant 16384 : i32
    %mul3A_3476 = arith.muli %shift_right_arithmetic3A_3474, %mul3A_3475 : i32
    %add3A_3477 = vector.broadcast %mul3A_3476 : i32 to vector<16xi32>
    %add3A_3478 = arith.addi %add3A_3477, %add3A : vector<16xi32>
    %shift_right_arithmetic3A_3479 = arith.constant 7 : i32
    %shift_right_arithmetic3A_3480 = vector.broadcast %shift_right_arithmetic3A_3479 : i32 to vector<16xi32>
    %shift_right_arithmetic3A_3481 = arith.shrsi %get3A_3470, %shift_right_arithmetic3A_3480 : vector<16xi32>
    %mul3A_3482 = arith.constant 1024 : i32
    %mul3A_3483 = vector.broadcast %mul3A_3482 : i32 to vector<16xi32>
    %mul3A_3484 = arith.muli %shift_right_arithmetic3A_3481, %mul3A_3483 : vector<16xi32>
    %add3A_3485 = arith.addi %add3A_3478, %mul3A_3484 : vector<16xi32>
    %and3A_3486 = arith.constant 127 : i32
    %and3A_3487 = vector.broadcast %and3A_3486 : i32 to vector<16xi32>
    %and3A_3488 = arith.andi %get3A_3470, %and3A_3487 : vector<16xi32>
    %add3A_3489 = arith.addi %add3A_3485, %and3A_3488 : vector<16xi32>
    %swap3A_3490 = arith.constant 14 : i32
    %swap3A_3491 = arith.index_cast %swap3A_3490 : i32 to index
    %swap3A_3492 = arith.constant 80 : index
    %swap3A_3493 = tpu.vector_load %arg7[%swap3A_3491, %swap3A_3492] {strides = array<i32>} : memref<16x128xi32, #tpu.memory_space<vmem>>, vector<1x16xi32>,
    %swap3A_3494 = vector.shape_cast %swap3A_3493 : vector<1x16xi32> to vector<16xi32>
    %swap3A_3495 = vector.shape_cast %add3A_3489 : vector<16xi32> to vector<1x16xi32>
    tpu.vector_store %arg7[%swap3A_3491, %swap3A_3492], %swap3A_3495 {strides = array<i32>} : memref<16x128xi32, #tpu.memory_space<vmem>>, vector<1x16xi32>,
    %get3A_3496 = arith.constant 1888 : index
    %get3A_3497 = tpu.vector_load %arg6[%get3A_3496] {strides = array<i32>} : memref<2048xi32, #tpu.memory_space<vmem>>, vector<16xi32>,
    %get3A_3498 = vector.shape_cast %get3A_3497 : vector<16xi32> to vector<16xi32>
    %add3A_3499 = arith.constant 1888 : i32
    %add3A_3500 = arith.addi %mul3A_2, %add3A_3499 : i32
    %shift_right_arithmetic3A_3501 = arith.constant 3 : i32
    %shift_right_arithmetic3A_3502 = arith.shrsi %add3A_3500, %shift_right_arithmetic3A_3501 : i32
    %mul3A_3503 = arith.constant 16384 : i32
    %mul3A_3504 = arith.muli %shift_right_arithmetic3A_3502, %mul3A_3503 : i32
    %add3A_3505 = vector.broadcast %mul3A_3504 : i32 to vector<16xi32>
    %add3A_3506 = arith.addi %add3A_3505, %add3A : vector<16xi32>
    %shift_right_arithmetic3A_3507 = arith.constant 7 : i32
    %shift_right_arithmetic3A_3508 = vector.broadcast %shift_right_arithmetic3A_3507 : i32 to vector<16xi32>
    %shift_right_arithmetic3A_3509 = arith.shrsi %get3A_3498, %shift_right_arithmetic3A_3508 : vector<16xi32>
    %mul3A_3510 = arith.constant 1024 : i32
    %mul3A_3511 = vector.broadcast %mul3A_3510 : i32 to vector<16xi32>
    %mul3A_3512 = arith.muli %shift_right_arithmetic3A_3509, %mul3A_3511 : vector<16xi32>
    %add3A_3513 = arith.addi %add3A_3506, %mul3A_3512 : vector<16xi32>
    %and3A_3514 = arith.constant 127 : i32
    %and3A_3515 = vector.broadcast %and3A_3514 : i32 to vector<16xi32>
    %and3A_3516 = arith.andi %get3A_3498, %and3A_3515 : vector<16xi32>
    %add3A_3517 = arith.addi %add3A_3513, %and3A_3516 : vector<16xi32>
    %swap3A_3518 = arith.constant 14 : i32
    %swap3A_3519 = arith.index_cast %swap3A_3518 : i32 to index
    %swap3A_3520 = arith.constant 96 : index
    %swap3A_3521 = tpu.vector_load %arg7[%swap3A_3519, %swap3A_3520] {strides = array<i32>} : memref<16x128xi32, #tpu.memory_space<vmem>>, vector<1x16xi32>,
    %swap3A_3522 = vector.shape_cast %swap3A_3521 : vector<1x16xi32> to vector<16xi32>
    %swap3A_3523 = vector.shape_cast %add3A_3517 : vector<16xi32> to vector<1x16xi32>
    tpu.vector_store %arg7[%swap3A_3519, %swap3A_3520], %swap3A_3523 {strides = array<i32>} : memref<16x128xi32, #tpu.memory_space<vmem>>, vector<1x16xi32>,
    %get3A_3524 = arith.constant 1904 : index
    %get3A_3525 = tpu.vector_load %arg6[%get3A_3524] {strides = array<i32>} : memref<2048xi32, #tpu.memory_space<vmem>>, vector<16xi32>,
    %get3A_3526 = vector.shape_cast %get3A_3525 : vector<16xi32> to vector<16xi32>
    %add3A_3527 = arith.constant 1904 : i32
    %add3A_3528 = arith.addi %mul3A_2, %add3A_3527 : i32
    %shift_right_arithmetic3A_3529 = arith.constant 3 : i32
    %shift_right_arithmetic3A_3530 = arith.shrsi %add3A_3528, %shift_right_arithmetic3A_3529 : i32
    %mul3A_3531 = arith.constant 16384 : i32
    %mul3A_3532 = arith.muli %shift_right_arithmetic3A_3530, %mul3A_3531 : i32
    %add3A_3533 = vector.broadcast %mul3A_3532 : i32 to vector<16xi32>
    %add3A_3534 = arith.addi %add3A_3533, %add3A : vector<16xi32>
    %shift_right_arithmetic3A_3535 = arith.constant 7 : i32
    %shift_right_arithmetic3A_3536 = vector.broadcast %shift_right_arithmetic3A_3535 : i32 to vector<16xi32>
    %shift_right_arithmetic3A_3537 = arith.shrsi %get3A_3526, %shift_right_arithmetic3A_3536 : vector<16xi32>
    %mul3A_3538 = arith.constant 1024 : i32
    %mul3A_3539 = vector.broadcast %mul3A_3538 : i32 to vector<16xi32>
    %mul3A_3540 = arith.muli %shift_right_arithmetic3A_3537, %mul3A_3539 : vector<16xi32>
    %add3A_3541 = arith.addi %add3A_3534, %mul3A_3540 : vector<16xi32>
    %and3A_3542 = arith.constant 127 : i32
    %and3A_3543 = vector.broadcast %and3A_3542 : i32 to vector<16xi32>
    %and3A_3544 = arith.andi %get3A_3526, %and3A_3543 : vector<16xi32>
    %add3A_3545 = arith.addi %add3A_3541, %and3A_3544 : vector<16xi32>
    %swap3A_3546 = arith.constant 14 : i32
    %swap3A_3547 = arith.index_cast %swap3A_3546 : i32 to index
    %swap3A_3548 = arith.constant 112 : index
    %swap3A_3549 = tpu.vector_load %arg7[%swap3A_3547, %swap3A_3548] {strides = array<i32>} : memref<16x128xi32, #tpu.memory_space<vmem>>, vector<1x16xi32>,
    %swap3A_3550 = vector.shape_cast %swap3A_3549 : vector<1x16xi32> to vector<16xi32>
    %swap3A_3551 = vector.shape_cast %add3A_3545 : vector<16xi32> to vector<1x16xi32>
    tpu.vector_store %arg7[%swap3A_3547, %swap3A_3548], %swap3A_3551 {strides = array<i32>} : memref<16x128xi32, #tpu.memory_space<vmem>>, vector<1x16xi32>,
    %dma_start3A_3552 = arith.constant 14 : i32
    %dma_start3A_3553 = arith.constant 14 : i32
    %dma_start3A_3554 = arith.constant 14 : i32
    %dma_start3A_3555 = arith.constant 0 : i32
    %dma_start3A_3556 = tpu.memref_slice %arg8[%dma_start3A_3553, %dma_start3A_3555] : memref<16x128xf32, #tpu.memory_space<vmem>> -> memref<1x128xf32, #tpu.memory_space<vmem>>
    %dma_start3A_3557 = tpu.memref_squeeze %dma_start3A_3556 : memref<1x128xf32, #tpu.memory_space<vmem>> -> memref<128xf32, #tpu.memory_space<vmem>>
    %dma_start3A_3558 = arith.constant 0 : i32
    %dma_start3A_3559 = tpu.memref_slice %arg7[%dma_start3A_3552, %dma_start3A_3558] : memref<16x128xi32, #tpu.memory_space<vmem>> -> memref<1x128xi32, #tpu.memory_space<vmem>>
    %dma_start3A_3560 = tpu.memref_squeeze %dma_start3A_3559 : memref<1x128xi32, #tpu.memory_space<vmem>> -> memref<128xi32, #tpu.memory_space<vmem>>
    %dma_start3A_3561 = arith.constant 0 : i32
    %dma_start3A_3562 = tpu.memref_slice %arg2[%dma_start3A_3561] : memref<67108864xf32, #tpu.memory_space<hbm>> -> memref<67108864xf32, #tpu.memory_space<hbm>>
    %dma_start3A_3563 = tpu.memref_slice %arg12[%dma_start3A_3554] : memref<16x!tpu.dma_semaphore, #tpu.memory_space<semaphore_mem>> -> memref<1x!tpu.dma_semaphore, #tpu.memory_space<semaphore_mem>>
    %dma_start3A_3564 = tpu.memref_squeeze %dma_start3A_3563 : memref<1x!tpu.dma_semaphore, #tpu.memory_space<semaphore_mem>> -> memref<!tpu.dma_semaphore, #tpu.memory_space<semaphore_mem>>
    tpu.enqueue_indirect_dma source(%dma_start3A_3562 : memref<67108864xf32, #tpu.memory_space<hbm>>) target(%dma_start3A_3557 : memref<128xf32, #tpu.memory_space<vmem>>) offsets(%dma_start3A_3560 : memref<128xi32, #tpu.memory_space<vmem>>) semaphore(%dma_start3A_3564 : memref<!tpu.dma_semaphore, #tpu.memory_space<semaphore_mem>>)
    %get3A_3565 = arith.constant 1920 : index
    %get3A_3566 = tpu.vector_load %arg6[%get3A_3565] {strides = array<i32>} : memref<2048xi32, #tpu.memory_space<vmem>>, vector<16xi32>,
    %get3A_3567 = vector.shape_cast %get3A_3566 : vector<16xi32> to vector<16xi32>
    %add3A_3568 = arith.constant 1920 : i32
    %add3A_3569 = arith.addi %mul3A_2, %add3A_3568 : i32
    %shift_right_arithmetic3A_3570 = arith.constant 3 : i32
    %shift_right_arithmetic3A_3571 = arith.shrsi %add3A_3569, %shift_right_arithmetic3A_3570 : i32
    %mul3A_3572 = arith.constant 16384 : i32
    %mul3A_3573 = arith.muli %shift_right_arithmetic3A_3571, %mul3A_3572 : i32
    %add3A_3574 = vector.broadcast %mul3A_3573 : i32 to vector<16xi32>
    %add3A_3575 = arith.addi %add3A_3574, %add3A : vector<16xi32>
    %shift_right_arithmetic3A_3576 = arith.constant 7 : i32
    %shift_right_arithmetic3A_3577 = vector.broadcast %shift_right_arithmetic3A_3576 : i32 to vector<16xi32>
    %shift_right_arithmetic3A_3578 = arith.shrsi %get3A_3567, %shift_right_arithmetic3A_3577 : vector<16xi32>
    %mul3A_3579 = arith.constant 1024 : i32
    %mul3A_3580 = vector.broadcast %mul3A_3579 : i32 to vector<16xi32>
    %mul3A_3581 = arith.muli %shift_right_arithmetic3A_3578, %mul3A_3580 : vector<16xi32>
    %add3A_3582 = arith.addi %add3A_3575, %mul3A_3581 : vector<16xi32>
    %and3A_3583 = arith.constant 127 : i32
    %and3A_3584 = vector.broadcast %and3A_3583 : i32 to vector<16xi32>
    %and3A_3585 = arith.andi %get3A_3567, %and3A_3584 : vector<16xi32>
    %add3A_3586 = arith.addi %add3A_3582, %and3A_3585 : vector<16xi32>
    %swap3A_3587 = arith.constant 15 : i32
    %swap3A_3588 = arith.index_cast %swap3A_3587 : i32 to index
    %swap3A_3589 = arith.constant 0 : index
    %swap3A_3590 = tpu.vector_load %arg7[%swap3A_3588, %swap3A_3589] {strides = array<i32>} : memref<16x128xi32, #tpu.memory_space<vmem>>, vector<1x16xi32>,
    %swap3A_3591 = vector.shape_cast %swap3A_3590 : vector<1x16xi32> to vector<16xi32>
    %swap3A_3592 = vector.shape_cast %add3A_3586 : vector<16xi32> to vector<1x16xi32>
    tpu.vector_store %arg7[%swap3A_3588, %swap3A_3589], %swap3A_3592 {strides = array<i32>} : memref<16x128xi32, #tpu.memory_space<vmem>>, vector<1x16xi32>,
    %get3A_3593 = arith.constant 1936 : index
    %get3A_3594 = tpu.vector_load %arg6[%get3A_3593] {strides = array<i32>} : memref<2048xi32, #tpu.memory_space<vmem>>, vector<16xi32>,
    %get3A_3595 = vector.shape_cast %get3A_3594 : vector<16xi32> to vector<16xi32>
    %add3A_3596 = arith.constant 1936 : i32
    %add3A_3597 = arith.addi %mul3A_2, %add3A_3596 : i32
    %shift_right_arithmetic3A_3598 = arith.constant 3 : i32
    %shift_right_arithmetic3A_3599 = arith.shrsi %add3A_3597, %shift_right_arithmetic3A_3598 : i32
    %mul3A_3600 = arith.constant 16384 : i32
    %mul3A_3601 = arith.muli %shift_right_arithmetic3A_3599, %mul3A_3600 : i32
    %add3A_3602 = vector.broadcast %mul3A_3601 : i32 to vector<16xi32>
    %add3A_3603 = arith.addi %add3A_3602, %add3A : vector<16xi32>
    %shift_right_arithmetic3A_3604 = arith.constant 7 : i32
    %shift_right_arithmetic3A_3605 = vector.broadcast %shift_right_arithmetic3A_3604 : i32 to vector<16xi32>
    %shift_right_arithmetic3A_3606 = arith.shrsi %get3A_3595, %shift_right_arithmetic3A_3605 : vector<16xi32>
    %mul3A_3607 = arith.constant 1024 : i32
    %mul3A_3608 = vector.broadcast %mul3A_3607 : i32 to vector<16xi32>
    %mul3A_3609 = arith.muli %shift_right_arithmetic3A_3606, %mul3A_3608 : vector<16xi32>
    %add3A_3610 = arith.addi %add3A_3603, %mul3A_3609 : vector<16xi32>
    %and3A_3611 = arith.constant 127 : i32
    %and3A_3612 = vector.broadcast %and3A_3611 : i32 to vector<16xi32>
    %and3A_3613 = arith.andi %get3A_3595, %and3A_3612 : vector<16xi32>
    %add3A_3614 = arith.addi %add3A_3610, %and3A_3613 : vector<16xi32>
    %swap3A_3615 = arith.constant 15 : i32
    %swap3A_3616 = arith.index_cast %swap3A_3615 : i32 to index
    %swap3A_3617 = arith.constant 16 : index
    %swap3A_3618 = tpu.vector_load %arg7[%swap3A_3616, %swap3A_3617] {strides = array<i32>} : memref<16x128xi32, #tpu.memory_space<vmem>>, vector<1x16xi32>,
    %swap3A_3619 = vector.shape_cast %swap3A_3618 : vector<1x16xi32> to vector<16xi32>
    %swap3A_3620 = vector.shape_cast %add3A_3614 : vector<16xi32> to vector<1x16xi32>
    tpu.vector_store %arg7[%swap3A_3616, %swap3A_3617], %swap3A_3620 {strides = array<i32>} : memref<16x128xi32, #tpu.memory_space<vmem>>, vector<1x16xi32>,
    %get3A_3621 = arith.constant 1952 : index
    %get3A_3622 = tpu.vector_load %arg6[%get3A_3621] {strides = array<i32>} : memref<2048xi32, #tpu.memory_space<vmem>>, vector<16xi32>,
    %get3A_3623 = vector.shape_cast %get3A_3622 : vector<16xi32> to vector<16xi32>
    %add3A_3624 = arith.constant 1952 : i32
    %add3A_3625 = arith.addi %mul3A_2, %add3A_3624 : i32
    %shift_right_arithmetic3A_3626 = arith.constant 3 : i32
    %shift_right_arithmetic3A_3627 = arith.shrsi %add3A_3625, %shift_right_arithmetic3A_3626 : i32
    %mul3A_3628 = arith.constant 16384 : i32
    %mul3A_3629 = arith.muli %shift_right_arithmetic3A_3627, %mul3A_3628 : i32
    %add3A_3630 = vector.broadcast %mul3A_3629 : i32 to vector<16xi32>
    %add3A_3631 = arith.addi %add3A_3630, %add3A : vector<16xi32>
    %shift_right_arithmetic3A_3632 = arith.constant 7 : i32
    %shift_right_arithmetic3A_3633 = vector.broadcast %shift_right_arithmetic3A_3632 : i32 to vector<16xi32>
    %shift_right_arithmetic3A_3634 = arith.shrsi %get3A_3623, %shift_right_arithmetic3A_3633 : vector<16xi32>
    %mul3A_3635 = arith.constant 1024 : i32
    %mul3A_3636 = vector.broadcast %mul3A_3635 : i32 to vector<16xi32>
    %mul3A_3637 = arith.muli %shift_right_arithmetic3A_3634, %mul3A_3636 : vector<16xi32>
    %add3A_3638 = arith.addi %add3A_3631, %mul3A_3637 : vector<16xi32>
    %and3A_3639 = arith.constant 127 : i32
    %and3A_3640 = vector.broadcast %and3A_3639 : i32 to vector<16xi32>
    %and3A_3641 = arith.andi %get3A_3623, %and3A_3640 : vector<16xi32>
    %add3A_3642 = arith.addi %add3A_3638, %and3A_3641 : vector<16xi32>
    %swap3A_3643 = arith.constant 15 : i32
    %swap3A_3644 = arith.index_cast %swap3A_3643 : i32 to index
    %swap3A_3645 = arith.constant 32 : index
    %swap3A_3646 = tpu.vector_load %arg7[%swap3A_3644, %swap3A_3645] {strides = array<i32>} : memref<16x128xi32, #tpu.memory_space<vmem>>, vector<1x16xi32>,
    %swap3A_3647 = vector.shape_cast %swap3A_3646 : vector<1x16xi32> to vector<16xi32>
    %swap3A_3648 = vector.shape_cast %add3A_3642 : vector<16xi32> to vector<1x16xi32>
    tpu.vector_store %arg7[%swap3A_3644, %swap3A_3645], %swap3A_3648 {strides = array<i32>} : memref<16x128xi32, #tpu.memory_space<vmem>>, vector<1x16xi32>,
    %get3A_3649 = arith.constant 1968 : index
    %get3A_3650 = tpu.vector_load %arg6[%get3A_3649] {strides = array<i32>} : memref<2048xi32, #tpu.memory_space<vmem>>, vector<16xi32>,
    %get3A_3651 = vector.shape_cast %get3A_3650 : vector<16xi32> to vector<16xi32>
    %add3A_3652 = arith.constant 1968 : i32
    %add3A_3653 = arith.addi %mul3A_2, %add3A_3652 : i32
    %shift_right_arithmetic3A_3654 = arith.constant 3 : i32
    %shift_right_arithmetic3A_3655 = arith.shrsi %add3A_3653, %shift_right_arithmetic3A_3654 : i32
    %mul3A_3656 = arith.constant 16384 : i32
    %mul3A_3657 = arith.muli %shift_right_arithmetic3A_3655, %mul3A_3656 : i32
    %add3A_3658 = vector.broadcast %mul3A_3657 : i32 to vector<16xi32>
    %add3A_3659 = arith.addi %add3A_3658, %add3A : vector<16xi32>
    %shift_right_arithmetic3A_3660 = arith.constant 7 : i32
    %shift_right_arithmetic3A_3661 = vector.broadcast %shift_right_arithmetic3A_3660 : i32 to vector<16xi32>
    %shift_right_arithmetic3A_3662 = arith.shrsi %get3A_3651, %shift_right_arithmetic3A_3661 : vector<16xi32>
    %mul3A_3663 = arith.constant 1024 : i32
    %mul3A_3664 = vector.broadcast %mul3A_3663 : i32 to vector<16xi32>
    %mul3A_3665 = arith.muli %shift_right_arithmetic3A_3662, %mul3A_3664 : vector<16xi32>
    %add3A_3666 = arith.addi %add3A_3659, %mul3A_3665 : vector<16xi32>
    %and3A_3667 = arith.constant 127 : i32
    %and3A_3668 = vector.broadcast %and3A_3667 : i32 to vector<16xi32>
    %and3A_3669 = arith.andi %get3A_3651, %and3A_3668 : vector<16xi32>
    %add3A_3670 = arith.addi %add3A_3666, %and3A_3669 : vector<16xi32>
    %swap3A_3671 = arith.constant 15 : i32
    %swap3A_3672 = arith.index_cast %swap3A_3671 : i32 to index
    %swap3A_3673 = arith.constant 48 : index
    %swap3A_3674 = tpu.vector_load %arg7[%swap3A_3672, %swap3A_3673] {strides = array<i32>} : memref<16x128xi32, #tpu.memory_space<vmem>>, vector<1x16xi32>,
    %swap3A_3675 = vector.shape_cast %swap3A_3674 : vector<1x16xi32> to vector<16xi32>
    %swap3A_3676 = vector.shape_cast %add3A_3670 : vector<16xi32> to vector<1x16xi32>
    tpu.vector_store %arg7[%swap3A_3672, %swap3A_3673], %swap3A_3676 {strides = array<i32>} : memref<16x128xi32, #tpu.memory_space<vmem>>, vector<1x16xi32>,
    %get3A_3677 = arith.constant 1984 : index
    %get3A_3678 = tpu.vector_load %arg6[%get3A_3677] {strides = array<i32>} : memref<2048xi32, #tpu.memory_space<vmem>>, vector<16xi32>,
    %get3A_3679 = vector.shape_cast %get3A_3678 : vector<16xi32> to vector<16xi32>
    %add3A_3680 = arith.constant 1984 : i32
    %add3A_3681 = arith.addi %mul3A_2, %add3A_3680 : i32
    %shift_right_arithmetic3A_3682 = arith.constant 3 : i32
    %shift_right_arithmetic3A_3683 = arith.shrsi %add3A_3681, %shift_right_arithmetic3A_3682 : i32
    %mul3A_3684 = arith.constant 16384 : i32
    %mul3A_3685 = arith.muli %shift_right_arithmetic3A_3683, %mul3A_3684 : i32
    %add3A_3686 = vector.broadcast %mul3A_3685 : i32 to vector<16xi32>
    %add3A_3687 = arith.addi %add3A_3686, %add3A : vector<16xi32>
    %shift_right_arithmetic3A_3688 = arith.constant 7 : i32
    %shift_right_arithmetic3A_3689 = vector.broadcast %shift_right_arithmetic3A_3688 : i32 to vector<16xi32>
    %shift_right_arithmetic3A_3690 = arith.shrsi %get3A_3679, %shift_right_arithmetic3A_3689 : vector<16xi32>
    %mul3A_3691 = arith.constant 1024 : i32
    %mul3A_3692 = vector.broadcast %mul3A_3691 : i32 to vector<16xi32>
    %mul3A_3693 = arith.muli %shift_right_arithmetic3A_3690, %mul3A_3692 : vector<16xi32>
    %add3A_3694 = arith.addi %add3A_3687, %mul3A_3693 : vector<16xi32>
    %and3A_3695 = arith.constant 127 : i32
    %and3A_3696 = vector.broadcast %and3A_3695 : i32 to vector<16xi32>
    %and3A_3697 = arith.andi %get3A_3679, %and3A_3696 : vector<16xi32>
    %add3A_3698 = arith.addi %add3A_3694, %and3A_3697 : vector<16xi32>
    %swap3A_3699 = arith.constant 15 : i32
    %swap3A_3700 = arith.index_cast %swap3A_3699 : i32 to index
    %swap3A_3701 = arith.constant 64 : index
    %swap3A_3702 = tpu.vector_load %arg7[%swap3A_3700, %swap3A_3701] {strides = array<i32>} : memref<16x128xi32, #tpu.memory_space<vmem>>, vector<1x16xi32>,
    %swap3A_3703 = vector.shape_cast %swap3A_3702 : vector<1x16xi32> to vector<16xi32>
    %swap3A_3704 = vector.shape_cast %add3A_3698 : vector<16xi32> to vector<1x16xi32>
    tpu.vector_store %arg7[%swap3A_3700, %swap3A_3701], %swap3A_3704 {strides = array<i32>} : memref<16x128xi32, #tpu.memory_space<vmem>>, vector<1x16xi32>,
    %get3A_3705 = arith.constant 2000 : index
    %get3A_3706 = tpu.vector_load %arg6[%get3A_3705] {strides = array<i32>} : memref<2048xi32, #tpu.memory_space<vmem>>, vector<16xi32>,
    %get3A_3707 = vector.shape_cast %get3A_3706 : vector<16xi32> to vector<16xi32>
    %add3A_3708 = arith.constant 2000 : i32
    %add3A_3709 = arith.addi %mul3A_2, %add3A_3708 : i32
    %shift_right_arithmetic3A_3710 = arith.constant 3 : i32
    %shift_right_arithmetic3A_3711 = arith.shrsi %add3A_3709, %shift_right_arithmetic3A_3710 : i32
    %mul3A_3712 = arith.constant 16384 : i32
    %mul3A_3713 = arith.muli %shift_right_arithmetic3A_3711, %mul3A_3712 : i32
    %add3A_3714 = vector.broadcast %mul3A_3713 : i32 to vector<16xi32>
    %add3A_3715 = arith.addi %add3A_3714, %add3A : vector<16xi32>
    %shift_right_arithmetic3A_3716 = arith.constant 7 : i32
    %shift_right_arithmetic3A_3717 = vector.broadcast %shift_right_arithmetic3A_3716 : i32 to vector<16xi32>
    %shift_right_arithmetic3A_3718 = arith.shrsi %get3A_3707, %shift_right_arithmetic3A_3717 : vector<16xi32>
    %mul3A_3719 = arith.constant 1024 : i32
    %mul3A_3720 = vector.broadcast %mul3A_3719 : i32 to vector<16xi32>
    %mul3A_3721 = arith.muli %shift_right_arithmetic3A_3718, %mul3A_3720 : vector<16xi32>
    %add3A_3722 = arith.addi %add3A_3715, %mul3A_3721 : vector<16xi32>
    %and3A_3723 = arith.constant 127 : i32
    %and3A_3724 = vector.broadcast %and3A_3723 : i32 to vector<16xi32>
    %and3A_3725 = arith.andi %get3A_3707, %and3A_3724 : vector<16xi32>
    %add3A_3726 = arith.addi %add3A_3722, %and3A_3725 : vector<16xi32>
    %swap3A_3727 = arith.constant 15 : i32
    %swap3A_3728 = arith.index_cast %swap3A_3727 : i32 to index
    %swap3A_3729 = arith.constant 80 : index
    %swap3A_3730 = tpu.vector_load %arg7[%swap3A_3728, %swap3A_3729] {strides = array<i32>} : memref<16x128xi32, #tpu.memory_space<vmem>>, vector<1x16xi32>,
    %swap3A_3731 = vector.shape_cast %swap3A_3730 : vector<1x16xi32> to vector<16xi32>
    %swap3A_3732 = vector.shape_cast %add3A_3726 : vector<16xi32> to vector<1x16xi32>
    tpu.vector_store %arg7[%swap3A_3728, %swap3A_3729], %swap3A_3732 {strides = array<i32>} : memref<16x128xi32, #tpu.memory_space<vmem>>, vector<1x16xi32>,
    %get3A_3733 = arith.constant 2016 : index
    %get3A_3734 = tpu.vector_load %arg6[%get3A_3733] {strides = array<i32>} : memref<2048xi32, #tpu.memory_space<vmem>>, vector<16xi32>,
    %get3A_3735 = vector.shape_cast %get3A_3734 : vector<16xi32> to vector<16xi32>
    %add3A_3736 = arith.constant 2016 : i32
    %add3A_3737 = arith.addi %mul3A_2, %add3A_3736 : i32
    %shift_right_arithmetic3A_3738 = arith.constant 3 : i32
    %shift_right_arithmetic3A_3739 = arith.shrsi %add3A_3737, %shift_right_arithmetic3A_3738 : i32
    %mul3A_3740 = arith.constant 16384 : i32
    %mul3A_3741 = arith.muli %shift_right_arithmetic3A_3739, %mul3A_3740 : i32
    %add3A_3742 = vector.broadcast %mul3A_3741 : i32 to vector<16xi32>
    %add3A_3743 = arith.addi %add3A_3742, %add3A : vector<16xi32>
    %shift_right_arithmetic3A_3744 = arith.constant 7 : i32
    %shift_right_arithmetic3A_3745 = vector.broadcast %shift_right_arithmetic3A_3744 : i32 to vector<16xi32>
    %shift_right_arithmetic3A_3746 = arith.shrsi %get3A_3735, %shift_right_arithmetic3A_3745 : vector<16xi32>
    %mul3A_3747 = arith.constant 1024 : i32
    %mul3A_3748 = vector.broadcast %mul3A_3747 : i32 to vector<16xi32>
    %mul3A_3749 = arith.muli %shift_right_arithmetic3A_3746, %mul3A_3748 : vector<16xi32>
    %add3A_3750 = arith.addi %add3A_3743, %mul3A_3749 : vector<16xi32>
    %and3A_3751 = arith.constant 127 : i32
    %and3A_3752 = vector.broadcast %and3A_3751 : i32 to vector<16xi32>
    %and3A_3753 = arith.andi %get3A_3735, %and3A_3752 : vector<16xi32>
    %add3A_3754 = arith.addi %add3A_3750, %and3A_3753 : vector<16xi32>
    %swap3A_3755 = arith.constant 15 : i32
    %swap3A_3756 = arith.index_cast %swap3A_3755 : i32 to index
    %swap3A_3757 = arith.constant 96 : index
    %swap3A_3758 = tpu.vector_load %arg7[%swap3A_3756, %swap3A_3757] {strides = array<i32>} : memref<16x128xi32, #tpu.memory_space<vmem>>, vector<1x16xi32>,
    %swap3A_3759 = vector.shape_cast %swap3A_3758 : vector<1x16xi32> to vector<16xi32>
    %swap3A_3760 = vector.shape_cast %add3A_3754 : vector<16xi32> to vector<1x16xi32>
    tpu.vector_store %arg7[%swap3A_3756, %swap3A_3757], %swap3A_3760 {strides = array<i32>} : memref<16x128xi32, #tpu.memory_space<vmem>>, vector<1x16xi32>,
    %get3A_3761 = arith.constant 2032 : index
    %get3A_3762 = tpu.vector_load %arg6[%get3A_3761] {strides = array<i32>} : memref<2048xi32, #tpu.memory_space<vmem>>, vector<16xi32>,
    %get3A_3763 = vector.shape_cast %get3A_3762 : vector<16xi32> to vector<16xi32>
    %add3A_3764 = arith.constant 2032 : i32
    %add3A_3765 = arith.addi %mul3A_2, %add3A_3764 : i32
    %shift_right_arithmetic3A_3766 = arith.constant 3 : i32
    %shift_right_arithmetic3A_3767 = arith.shrsi %add3A_3765, %shift_right_arithmetic3A_3766 : i32
    %mul3A_3768 = arith.constant 16384 : i32
    %mul3A_3769 = arith.muli %shift_right_arithmetic3A_3767, %mul3A_3768 : i32
    %add3A_3770 = vector.broadcast %mul3A_3769 : i32 to vector<16xi32>
    %add3A_3771 = arith.addi %add3A_3770, %add3A : vector<16xi32>
    %shift_right_arithmetic3A_3772 = arith.constant 7 : i32
    %shift_right_arithmetic3A_3773 = vector.broadcast %shift_right_arithmetic3A_3772 : i32 to vector<16xi32>
    %shift_right_arithmetic3A_3774 = arith.shrsi %get3A_3763, %shift_right_arithmetic3A_3773 : vector<16xi32>
    %mul3A_3775 = arith.constant 1024 : i32
    %mul3A_3776 = vector.broadcast %mul3A_3775 : i32 to vector<16xi32>
    %mul3A_3777 = arith.muli %shift_right_arithmetic3A_3774, %mul3A_3776 : vector<16xi32>
    %add3A_3778 = arith.addi %add3A_3771, %mul3A_3777 : vector<16xi32>
    %and3A_3779 = arith.constant 127 : i32
    %and3A_3780 = vector.broadcast %and3A_3779 : i32 to vector<16xi32>
    %and3A_3781 = arith.andi %get3A_3763, %and3A_3780 : vector<16xi32>
    %add3A_3782 = arith.addi %add3A_3778, %and3A_3781 : vector<16xi32>
    %swap3A_3783 = arith.constant 15 : i32
    %swap3A_3784 = arith.index_cast %swap3A_3783 : i32 to index
    %swap3A_3785 = arith.constant 112 : index
    %swap3A_3786 = tpu.vector_load %arg7[%swap3A_3784, %swap3A_3785] {strides = array<i32>} : memref<16x128xi32, #tpu.memory_space<vmem>>, vector<1x16xi32>,
    %swap3A_3787 = vector.shape_cast %swap3A_3786 : vector<1x16xi32> to vector<16xi32>
    %swap3A_3788 = vector.shape_cast %add3A_3782 : vector<16xi32> to vector<1x16xi32>
    tpu.vector_store %arg7[%swap3A_3784, %swap3A_3785], %swap3A_3788 {strides = array<i32>} : memref<16x128xi32, #tpu.memory_space<vmem>>, vector<1x16xi32>,
    %dma_start3A_3789 = arith.constant 15 : i32
    %dma_start3A_3790 = arith.constant 15 : i32
    %dma_start3A_3791 = arith.constant 15 : i32
    %dma_start3A_3792 = arith.constant 0 : i32
    %dma_start3A_3793 = tpu.memref_slice %arg8[%dma_start3A_3790, %dma_start3A_3792] : memref<16x128xf32, #tpu.memory_space<vmem>> -> memref<1x128xf32, #tpu.memory_space<vmem>>
    %dma_start3A_3794 = tpu.memref_squeeze %dma_start3A_3793 : memref<1x128xf32, #tpu.memory_space<vmem>> -> memref<128xf32, #tpu.memory_space<vmem>>
    %dma_start3A_3795 = arith.constant 0 : i32
    %dma_start3A_3796 = tpu.memref_slice %arg7[%dma_start3A_3789, %dma_start3A_3795] : memref<16x128xi32, #tpu.memory_space<vmem>> -> memref<1x128xi32, #tpu.memory_space<vmem>>
    %dma_start3A_3797 = tpu.memref_squeeze %dma_start3A_3796 : memref<1x128xi32, #tpu.memory_space<vmem>> -> memref<128xi32, #tpu.memory_space<vmem>>
    %dma_start3A_3798 = arith.constant 0 : i32
    %dma_start3A_3799 = tpu.memref_slice %arg2[%dma_start3A_3798] : memref<67108864xf32, #tpu.memory_space<hbm>> -> memref<67108864xf32, #tpu.memory_space<hbm>>
    %dma_start3A_3800 = tpu.memref_slice %arg12[%dma_start3A_3791] : memref<16x!tpu.dma_semaphore, #tpu.memory_space<semaphore_mem>> -> memref<1x!tpu.dma_semaphore, #tpu.memory_space<semaphore_mem>>
    %dma_start3A_3801 = tpu.memref_squeeze %dma_start3A_3800 : memref<1x!tpu.dma_semaphore, #tpu.memory_space<semaphore_mem>> -> memref<!tpu.dma_semaphore, #tpu.memory_space<semaphore_mem>>
    tpu.enqueue_indirect_dma source(%dma_start3A_3799 : memref<67108864xf32, #tpu.memory_space<hbm>>) target(%dma_start3A_3794 : memref<128xf32, #tpu.memory_space<vmem>>) offsets(%dma_start3A_3797 : memref<128xi32, #tpu.memory_space<vmem>>) semaphore(%dma_start3A_3801 : memref<!tpu.dma_semaphore, #tpu.memory_space<semaphore_mem>>)
    %broadcast_in_dim3A = arith.constant 0.000000e+00 : f32
    %broadcast_in_dim3A_3802 = vector.broadcast %broadcast_in_dim3A : f32 to vector<16xf32>
    %dma_wait3A = arith.constant 0 : i32
    %dma_wait3A_3803 = arith.constant 0 : i32
    %dma_wait3A_3804 = arith.constant 0 : i32
    %dma_wait3A_3805 = arith.constant 0 : i32
    %dma_wait3A_3806 = tpu.memref_slice %arg8[%dma_wait3A_3803, %dma_wait3A_3805] : memref<16x128xf32, #tpu.memory_space<vmem>> -> memref<1x128xf32, #tpu.memory_space<vmem>>
    %dma_wait3A_3807 = tpu.memref_squeeze %dma_wait3A_3806 : memref<1x128xf32, #tpu.memory_space<vmem>> -> memref<128xf32, #tpu.memory_space<vmem>>
    %dma_wait3A_3808 = arith.constant 0 : i32
    %dma_wait3A_3809 = tpu.memref_slice %arg7[%dma_wait3A, %dma_wait3A_3808] : memref<16x128xi32, #tpu.memory_space<vmem>> -> memref<1x128xi32, #tpu.memory_space<vmem>>
    %dma_wait3A_3810 = tpu.memref_squeeze %dma_wait3A_3809 : memref<1x128xi32, #tpu.memory_space<vmem>> -> memref<128xi32, #tpu.memory_space<vmem>>
    %dma_wait3A_3811 = arith.constant 0 : i32
    %dma_wait3A_3812 = tpu.memref_slice %arg2[%dma_wait3A_3811] : memref<67108864xf32, #tpu.memory_space<hbm>> -> memref<67108864xf32, #tpu.memory_space<hbm>>
    %dma_wait3A_3813 = tpu.memref_slice %arg12[%dma_wait3A_3804] : memref<16x!tpu.dma_semaphore, #tpu.memory_space<semaphore_mem>> -> memref<1x!tpu.dma_semaphore, #tpu.memory_space<semaphore_mem>>
    %dma_wait3A_3814 = tpu.memref_squeeze %dma_wait3A_3813 : memref<1x!tpu.dma_semaphore, #tpu.memory_space<semaphore_mem>> -> memref<!tpu.dma_semaphore, #tpu.memory_space<semaphore_mem>>
    tpu.wait_indirect_dma semaphore(%dma_wait3A_3814 : memref<!tpu.dma_semaphore, #tpu.memory_space<semaphore_mem>>) src(%dma_wait3A_3812 : memref<67108864xf32, #tpu.memory_space<hbm>>) dst(%dma_wait3A_3807 : memref<128xf32, #tpu.memory_space<vmem>>)
    %get3A_3815 = arith.constant 0 : i32
    %get3A_3816 = arith.index_cast %get3A_3815 : i32 to index
    %get3A_3817 = arith.constant 0 : index
    %get3A_3818 = tpu.vector_load %arg8[%get3A_3816, %get3A_3817] {strides = array<i32>} : memref<16x128xf32, #tpu.memory_space<vmem>>, vector<1x16xf32>,
    %get3A_3819 = vector.shape_cast %get3A_3818 : vector<1x16xf32> to vector<16xf32>
    %sub3A = arith.constant 1.000000e+00 : f32
    %sub3A_3820 = vector.broadcast %sub3A : f32 to vector<16xf32>
    %sub3A_3821 = arith.subf %sub3A_3820, %get3A_3819 : vector<16xf32>
    %mul3A_3822 = arith.mulf %sub3A_3821, %sub3A_3821 : vector<16xf32>
    %add3A_3823 = arith.addf %broadcast_in_dim3A_3802, %mul3A_3822 : vector<16xf32>
    %get3A_3824 = arith.constant 0 : i32
    %get3A_3825 = arith.index_cast %get3A_3824 : i32 to index
    %get3A_3826 = arith.constant 16 : index
    %get3A_3827 = tpu.vector_load %arg8[%get3A_3825, %get3A_3826] {strides = array<i32>} : memref<16x128xf32, #tpu.memory_space<vmem>>, vector<1x16xf32>,
    %get3A_3828 = vector.shape_cast %get3A_3827 : vector<1x16xf32> to vector<16xf32>
    %sub3A_3829 = arith.constant 1.000000e+00 : f32
    %sub3A_3830 = vector.broadcast %sub3A_3829 : f32 to vector<16xf32>
    %sub3A_3831 = arith.subf %sub3A_3830, %get3A_3828 : vector<16xf32>
    %mul3A_3832 = arith.mulf %sub3A_3831, %sub3A_3831 : vector<16xf32>
    %add3A_3833 = arith.addf %broadcast_in_dim3A_3802, %mul3A_3832 : vector<16xf32>
    %get3A_3834 = arith.constant 0 : i32
    %get3A_3835 = arith.index_cast %get3A_3834 : i32 to index
    %get3A_3836 = arith.constant 32 : index
    %get3A_3837 = tpu.vector_load %arg8[%get3A_3835, %get3A_3836] {strides = array<i32>} : memref<16x128xf32, #tpu.memory_space<vmem>>, vector<1x16xf32>,
    %get3A_3838 = vector.shape_cast %get3A_3837 : vector<1x16xf32> to vector<16xf32>
    %sub3A_3839 = arith.constant 1.000000e+00 : f32
    %sub3A_3840 = vector.broadcast %sub3A_3839 : f32 to vector<16xf32>
    %sub3A_3841 = arith.subf %sub3A_3840, %get3A_3838 : vector<16xf32>
    %mul3A_3842 = arith.mulf %sub3A_3841, %sub3A_3841 : vector<16xf32>
    %add3A_3843 = arith.addf %broadcast_in_dim3A_3802, %mul3A_3842 : vector<16xf32>
    %get3A_3844 = arith.constant 0 : i32
    %get3A_3845 = arith.index_cast %get3A_3844 : i32 to index
    %get3A_3846 = arith.constant 48 : index
    %get3A_3847 = tpu.vector_load %arg8[%get3A_3845, %get3A_3846] {strides = array<i32>} : memref<16x128xf32, #tpu.memory_space<vmem>>, vector<1x16xf32>,
    %get3A_3848 = vector.shape_cast %get3A_3847 : vector<1x16xf32> to vector<16xf32>
    %sub3A_3849 = arith.constant 1.000000e+00 : f32
    %sub3A_3850 = vector.broadcast %sub3A_3849 : f32 to vector<16xf32>
    %sub3A_3851 = arith.subf %sub3A_3850, %get3A_3848 : vector<16xf32>
    %mul3A_3852 = arith.mulf %sub3A_3851, %sub3A_3851 : vector<16xf32>
    %add3A_3853 = arith.addf %broadcast_in_dim3A_3802, %mul3A_3852 : vector<16xf32>
    %get3A_3854 = arith.constant 0 : i32
    %get3A_3855 = arith.index_cast %get3A_3854 : i32 to index
    %get3A_3856 = arith.constant 64 : index
    %get3A_3857 = tpu.vector_load %arg8[%get3A_3855, %get3A_3856] {strides = array<i32>} : memref<16x128xf32, #tpu.memory_space<vmem>>, vector<1x16xf32>,
    %get3A_3858 = vector.shape_cast %get3A_3857 : vector<1x16xf32> to vector<16xf32>
    %sub3A_3859 = arith.constant 1.000000e+00 : f32
    %sub3A_3860 = vector.broadcast %sub3A_3859 : f32 to vector<16xf32>
    %sub3A_3861 = arith.subf %sub3A_3860, %get3A_3858 : vector<16xf32>
    %mul3A_3862 = arith.mulf %sub3A_3861, %sub3A_3861 : vector<16xf32>
    %add3A_3863 = arith.addf %broadcast_in_dim3A_3802, %mul3A_3862 : vector<16xf32>
    %get3A_3864 = arith.constant 0 : i32
    %get3A_3865 = arith.index_cast %get3A_3864 : i32 to index
    %get3A_3866 = arith.constant 80 : index
    %get3A_3867 = tpu.vector_load %arg8[%get3A_3865, %get3A_3866] {strides = array<i32>} : memref<16x128xf32, #tpu.memory_space<vmem>>, vector<1x16xf32>,
    %get3A_3868 = vector.shape_cast %get3A_3867 : vector<1x16xf32> to vector<16xf32>
    %sub3A_3869 = arith.constant 1.000000e+00 : f32
    %sub3A_3870 = vector.broadcast %sub3A_3869 : f32 to vector<16xf32>
    %sub3A_3871 = arith.subf %sub3A_3870, %get3A_3868 : vector<16xf32>
    %mul3A_3872 = arith.mulf %sub3A_3871, %sub3A_3871 : vector<16xf32>
    %add3A_3873 = arith.addf %broadcast_in_dim3A_3802, %mul3A_3872 : vector<16xf32>
    %get3A_3874 = arith.constant 0 : i32
    %get3A_3875 = arith.index_cast %get3A_3874 : i32 to index
    %get3A_3876 = arith.constant 96 : index
    %get3A_3877 = tpu.vector_load %arg8[%get3A_3875, %get3A_3876] {strides = array<i32>} : memref<16x128xf32, #tpu.memory_space<vmem>>, vector<1x16xf32>,
    %get3A_3878 = vector.shape_cast %get3A_3877 : vector<1x16xf32> to vector<16xf32>
    %sub3A_3879 = arith.constant 1.000000e+00 : f32
    %sub3A_3880 = vector.broadcast %sub3A_3879 : f32 to vector<16xf32>
    %sub3A_3881 = arith.subf %sub3A_3880, %get3A_3878 : vector<16xf32>
    %mul3A_3882 = arith.mulf %sub3A_3881, %sub3A_3881 : vector<16xf32>
    %add3A_3883 = arith.addf %broadcast_in_dim3A_3802, %mul3A_3882 : vector<16xf32>
    %get3A_3884 = arith.constant 0 : i32
    %get3A_3885 = arith.index_cast %get3A_3884 : i32 to index
    %get3A_3886 = arith.constant 112 : index
    %get3A_3887 = tpu.vector_load %arg8[%get3A_3885, %get3A_3886] {strides = array<i32>} : memref<16x128xf32, #tpu.memory_space<vmem>>, vector<1x16xf32>,
    %get3A_3888 = vector.shape_cast %get3A_3887 : vector<1x16xf32> to vector<16xf32>
    %sub3A_3889 = arith.constant 1.000000e+00 : f32
    %sub3A_3890 = vector.broadcast %sub3A_3889 : f32 to vector<16xf32>
    %sub3A_3891 = arith.subf %sub3A_3890, %get3A_3888 : vector<16xf32>
    %mul3A_3892 = arith.mulf %sub3A_3891, %sub3A_3891 : vector<16xf32>
    %add3A_3893 = arith.addf %broadcast_in_dim3A_3802, %mul3A_3892 : vector<16xf32>
    %dma_wait3A_3894 = arith.constant 1 : i32
    %dma_wait3A_3895 = arith.constant 1 : i32
    %dma_wait3A_3896 = arith.constant 1 : i32
    %dma_wait3A_3897 = arith.constant 0 : i32
    %dma_wait3A_3898 = tpu.memref_slice %arg8[%dma_wait3A_3895, %dma_wait3A_3897] : memref<16x128xf32, #tpu.memory_space<vmem>> -> memref<1x128xf32, #tpu.memory_space<vmem>>
    %dma_wait3A_3899 = tpu.memref_squeeze %dma_wait3A_3898 : memref<1x128xf32, #tpu.memory_space<vmem>> -> memref<128xf32, #tpu.memory_space<vmem>>
    %dma_wait3A_3900 = arith.constant 0 : i32
    %dma_wait3A_3901 = tpu.memref_slice %arg7[%dma_wait3A_3894, %dma_wait3A_3900] : memref<16x128xi32, #tpu.memory_space<vmem>> -> memref<1x128xi32, #tpu.memory_space<vmem>>
    %dma_wait3A_3902 = tpu.memref_squeeze %dma_wait3A_3901 : memref<1x128xi32, #tpu.memory_space<vmem>> -> memref<128xi32, #tpu.memory_space<vmem>>
    %dma_wait3A_3903 = arith.constant 0 : i32
    %dma_wait3A_3904 = tpu.memref_slice %arg2[%dma_wait3A_3903] : memref<67108864xf32, #tpu.memory_space<hbm>> -> memref<67108864xf32, #tpu.memory_space<hbm>>
    %dma_wait3A_3905 = tpu.memref_slice %arg12[%dma_wait3A_3896] : memref<16x!tpu.dma_semaphore, #tpu.memory_space<semaphore_mem>> -> memref<1x!tpu.dma_semaphore, #tpu.memory_space<semaphore_mem>>
    %dma_wait3A_3906 = tpu.memref_squeeze %dma_wait3A_3905 : memref<1x!tpu.dma_semaphore, #tpu.memory_space<semaphore_mem>> -> memref<!tpu.dma_semaphore, #tpu.memory_space<semaphore_mem>>
    tpu.wait_indirect_dma semaphore(%dma_wait3A_3906 : memref<!tpu.dma_semaphore, #tpu.memory_space<semaphore_mem>>) src(%dma_wait3A_3904 : memref<67108864xf32, #tpu.memory_space<hbm>>) dst(%dma_wait3A_3899 : memref<128xf32, #tpu.memory_space<vmem>>)
    %get3A_3907 = arith.constant 1 : i32
    %get3A_3908 = arith.index_cast %get3A_3907 : i32 to index
    %get3A_3909 = arith.constant 0 : index
    %get3A_3910 = tpu.vector_load %arg8[%get3A_3908, %get3A_3909] {strides = array<i32>} : memref<16x128xf32, #tpu.memory_space<vmem>>, vector<1x16xf32>,
    %get3A_3911 = vector.shape_cast %get3A_3910 : vector<1x16xf32> to vector<16xf32>
    %sub3A_3912 = arith.constant 1.000000e+00 : f32
    %sub3A_3913 = vector.broadcast %sub3A_3912 : f32 to vector<16xf32>
    %sub3A_3914 = arith.subf %sub3A_3913, %get3A_3911 : vector<16xf32>
    %mul3A_3915 = arith.mulf %sub3A_3914, %sub3A_3914 : vector<16xf32>
    %add3A_3916 = arith.addf %add3A_3823, %mul3A_3915 : vector<16xf32>
    %get3A_3917 = arith.constant 1 : i32
    %get3A_3918 = arith.index_cast %get3A_3917 : i32 to index
    %get3A_3919 = arith.constant 16 : index
    %get3A_3920 = tpu.vector_load %arg8[%get3A_3918, %get3A_3919] {strides = array<i32>} : memref<16x128xf32, #tpu.memory_space<vmem>>, vector<1x16xf32>,
    %get3A_3921 = vector.shape_cast %get3A_3920 : vector<1x16xf32> to vector<16xf32>
    %sub3A_3922 = arith.constant 1.000000e+00 : f32
    %sub3A_3923 = vector.broadcast %sub3A_3922 : f32 to vector<16xf32>
    %sub3A_3924 = arith.subf %sub3A_3923, %get3A_3921 : vector<16xf32>
    %mul3A_3925 = arith.mulf %sub3A_3924, %sub3A_3924 : vector<16xf32>
    %add3A_3926 = arith.addf %add3A_3833, %mul3A_3925 : vector<16xf32>
    %get3A_3927 = arith.constant 1 : i32
    %get3A_3928 = arith.index_cast %get3A_3927 : i32 to index
    %get3A_3929 = arith.constant 32 : index
    %get3A_3930 = tpu.vector_load %arg8[%get3A_3928, %get3A_3929] {strides = array<i32>} : memref<16x128xf32, #tpu.memory_space<vmem>>, vector<1x16xf32>,
    %get3A_3931 = vector.shape_cast %get3A_3930 : vector<1x16xf32> to vector<16xf32>
    %sub3A_3932 = arith.constant 1.000000e+00 : f32
    %sub3A_3933 = vector.broadcast %sub3A_3932 : f32 to vector<16xf32>
    %sub3A_3934 = arith.subf %sub3A_3933, %get3A_3931 : vector<16xf32>
    %mul3A_3935 = arith.mulf %sub3A_3934, %sub3A_3934 : vector<16xf32>
    %add3A_3936 = arith.addf %add3A_3843, %mul3A_3935 : vector<16xf32>
    %get3A_3937 = arith.constant 1 : i32
    %get3A_3938 = arith.index_cast %get3A_3937 : i32 to index
    %get3A_3939 = arith.constant 48 : index
    %get3A_3940 = tpu.vector_load %arg8[%get3A_3938, %get3A_3939] {strides = array<i32>} : memref<16x128xf32, #tpu.memory_space<vmem>>, vector<1x16xf32>,
    %get3A_3941 = vector.shape_cast %get3A_3940 : vector<1x16xf32> to vector<16xf32>
    %sub3A_3942 = arith.constant 1.000000e+00 : f32
    %sub3A_3943 = vector.broadcast %sub3A_3942 : f32 to vector<16xf32>
    %sub3A_3944 = arith.subf %sub3A_3943, %get3A_3941 : vector<16xf32>
    %mul3A_3945 = arith.mulf %sub3A_3944, %sub3A_3944 : vector<16xf32>
    %add3A_3946 = arith.addf %add3A_3853, %mul3A_3945 : vector<16xf32>
    %get3A_3947 = arith.constant 1 : i32
    %get3A_3948 = arith.index_cast %get3A_3947 : i32 to index
    %get3A_3949 = arith.constant 64 : index
    %get3A_3950 = tpu.vector_load %arg8[%get3A_3948, %get3A_3949] {strides = array<i32>} : memref<16x128xf32, #tpu.memory_space<vmem>>, vector<1x16xf32>,
    %get3A_3951 = vector.shape_cast %get3A_3950 : vector<1x16xf32> to vector<16xf32>
    %sub3A_3952 = arith.constant 1.000000e+00 : f32
    %sub3A_3953 = vector.broadcast %sub3A_3952 : f32 to vector<16xf32>
    %sub3A_3954 = arith.subf %sub3A_3953, %get3A_3951 : vector<16xf32>
    %mul3A_3955 = arith.mulf %sub3A_3954, %sub3A_3954 : vector<16xf32>
    %add3A_3956 = arith.addf %add3A_3863, %mul3A_3955 : vector<16xf32>
    %get3A_3957 = arith.constant 1 : i32
    %get3A_3958 = arith.index_cast %get3A_3957 : i32 to index
    %get3A_3959 = arith.constant 80 : index
    %get3A_3960 = tpu.vector_load %arg8[%get3A_3958, %get3A_3959] {strides = array<i32>} : memref<16x128xf32, #tpu.memory_space<vmem>>, vector<1x16xf32>,
    %get3A_3961 = vector.shape_cast %get3A_3960 : vector<1x16xf32> to vector<16xf32>
    %sub3A_3962 = arith.constant 1.000000e+00 : f32
    %sub3A_3963 = vector.broadcast %sub3A_3962 : f32 to vector<16xf32>
    %sub3A_3964 = arith.subf %sub3A_3963, %get3A_3961 : vector<16xf32>
    %mul3A_3965 = arith.mulf %sub3A_3964, %sub3A_3964 : vector<16xf32>
    %add3A_3966 = arith.addf %add3A_3873, %mul3A_3965 : vector<16xf32>
    %get3A_3967 = arith.constant 1 : i32
    %get3A_3968 = arith.index_cast %get3A_3967 : i32 to index
    %get3A_3969 = arith.constant 96 : index
    %get3A_3970 = tpu.vector_load %arg8[%get3A_3968, %get3A_3969] {strides = array<i32>} : memref<16x128xf32, #tpu.memory_space<vmem>>, vector<1x16xf32>,
    %get3A_3971 = vector.shape_cast %get3A_3970 : vector<1x16xf32> to vector<16xf32>
    %sub3A_3972 = arith.constant 1.000000e+00 : f32
    %sub3A_3973 = vector.broadcast %sub3A_3972 : f32 to vector<16xf32>
    %sub3A_3974 = arith.subf %sub3A_3973, %get3A_3971 : vector<16xf32>
    %mul3A_3975 = arith.mulf %sub3A_3974, %sub3A_3974 : vector<16xf32>
    %add3A_3976 = arith.addf %add3A_3883, %mul3A_3975 : vector<16xf32>
    %get3A_3977 = arith.constant 1 : i32
    %get3A_3978 = arith.index_cast %get3A_3977 : i32 to index
    %get3A_3979 = arith.constant 112 : index
    %get3A_3980 = tpu.vector_load %arg8[%get3A_3978, %get3A_3979] {strides = array<i32>} : memref<16x128xf32, #tpu.memory_space<vmem>>, vector<1x16xf32>,
    %get3A_3981 = vector.shape_cast %get3A_3980 : vector<1x16xf32> to vector<16xf32>
    %sub3A_3982 = arith.constant 1.000000e+00 : f32
    %sub3A_3983 = vector.broadcast %sub3A_3982 : f32 to vector<16xf32>
    %sub3A_3984 = arith.subf %sub3A_3983, %get3A_3981 : vector<16xf32>
    %mul3A_3985 = arith.mulf %sub3A_3984, %sub3A_3984 : vector<16xf32>
    %add3A_3986 = arith.addf %add3A_3893, %mul3A_3985 : vector<16xf32>
    %dma_wait3A_3987 = arith.constant 2 : i32
    %dma_wait3A_3988 = arith.constant 2 : i32
    %dma_wait3A_3989 = arith.constant 2 : i32
    %dma_wait3A_3990 = arith.constant 0 : i32
    %dma_wait3A_3991 = tpu.memref_slice %arg8[%dma_wait3A_3988, %dma_wait3A_3990] : memref<16x128xf32, #tpu.memory_space<vmem>> -> memref<1x128xf32, #tpu.memory_space<vmem>>
    %dma_wait3A_3992 = tpu.memref_squeeze %dma_wait3A_3991 : memref<1x128xf32, #tpu.memory_space<vmem>> -> memref<128xf32, #tpu.memory_space<vmem>>
    %dma_wait3A_3993 = arith.constant 0 : i32
    %dma_wait3A_3994 = tpu.memref_slice %arg7[%dma_wait3A_3987, %dma_wait3A_3993] : memref<16x128xi32, #tpu.memory_space<vmem>> -> memref<1x128xi32, #tpu.memory_space<vmem>>
    %dma_wait3A_3995 = tpu.memref_squeeze %dma_wait3A_3994 : memref<1x128xi32, #tpu.memory_space<vmem>> -> memref<128xi32, #tpu.memory_space<vmem>>
    %dma_wait3A_3996 = arith.constant 0 : i32
    %dma_wait3A_3997 = tpu.memref_slice %arg2[%dma_wait3A_3996] : memref<67108864xf32, #tpu.memory_space<hbm>> -> memref<67108864xf32, #tpu.memory_space<hbm>>
    %dma_wait3A_3998 = tpu.memref_slice %arg12[%dma_wait3A_3989] : memref<16x!tpu.dma_semaphore, #tpu.memory_space<semaphore_mem>> -> memref<1x!tpu.dma_semaphore, #tpu.memory_space<semaphore_mem>>
    %dma_wait3A_3999 = tpu.memref_squeeze %dma_wait3A_3998 : memref<1x!tpu.dma_semaphore, #tpu.memory_space<semaphore_mem>> -> memref<!tpu.dma_semaphore, #tpu.memory_space<semaphore_mem>>
    tpu.wait_indirect_dma semaphore(%dma_wait3A_3999 : memref<!tpu.dma_semaphore, #tpu.memory_space<semaphore_mem>>) src(%dma_wait3A_3997 : memref<67108864xf32, #tpu.memory_space<hbm>>) dst(%dma_wait3A_3992 : memref<128xf32, #tpu.memory_space<vmem>>)
    %get3A_4000 = arith.constant 2 : i32
    %get3A_4001 = arith.index_cast %get3A_4000 : i32 to index
    %get3A_4002 = arith.constant 0 : index
    %get3A_4003 = tpu.vector_load %arg8[%get3A_4001, %get3A_4002] {strides = array<i32>} : memref<16x128xf32, #tpu.memory_space<vmem>>, vector<1x16xf32>,
    %get3A_4004 = vector.shape_cast %get3A_4003 : vector<1x16xf32> to vector<16xf32>
    %sub3A_4005 = arith.constant 1.000000e+00 : f32
    %sub3A_4006 = vector.broadcast %sub3A_4005 : f32 to vector<16xf32>
    %sub3A_4007 = arith.subf %sub3A_4006, %get3A_4004 : vector<16xf32>
    %mul3A_4008 = arith.mulf %sub3A_4007, %sub3A_4007 : vector<16xf32>
    %add3A_4009 = arith.addf %add3A_3916, %mul3A_4008 : vector<16xf32>
    %get3A_4010 = arith.constant 2 : i32
    %get3A_4011 = arith.index_cast %get3A_4010 : i32 to index
    %get3A_4012 = arith.constant 16 : index
    %get3A_4013 = tpu.vector_load %arg8[%get3A_4011, %get3A_4012] {strides = array<i32>} : memref<16x128xf32, #tpu.memory_space<vmem>>, vector<1x16xf32>,
    %get3A_4014 = vector.shape_cast %get3A_4013 : vector<1x16xf32> to vector<16xf32>
    %sub3A_4015 = arith.constant 1.000000e+00 : f32
    %sub3A_4016 = vector.broadcast %sub3A_4015 : f32 to vector<16xf32>
    %sub3A_4017 = arith.subf %sub3A_4016, %get3A_4014 : vector<16xf32>
    %mul3A_4018 = arith.mulf %sub3A_4017, %sub3A_4017 : vector<16xf32>
    %add3A_4019 = arith.addf %add3A_3926, %mul3A_4018 : vector<16xf32>
    %get3A_4020 = arith.constant 2 : i32
    %get3A_4021 = arith.index_cast %get3A_4020 : i32 to index
    %get3A_4022 = arith.constant 32 : index
    %get3A_4023 = tpu.vector_load %arg8[%get3A_4021, %get3A_4022] {strides = array<i32>} : memref<16x128xf32, #tpu.memory_space<vmem>>, vector<1x16xf32>,
    %get3A_4024 = vector.shape_cast %get3A_4023 : vector<1x16xf32> to vector<16xf32>
    %sub3A_4025 = arith.constant 1.000000e+00 : f32
    %sub3A_4026 = vector.broadcast %sub3A_4025 : f32 to vector<16xf32>
    %sub3A_4027 = arith.subf %sub3A_4026, %get3A_4024 : vector<16xf32>
    %mul3A_4028 = arith.mulf %sub3A_4027, %sub3A_4027 : vector<16xf32>
    %add3A_4029 = arith.addf %add3A_3936, %mul3A_4028 : vector<16xf32>
    %get3A_4030 = arith.constant 2 : i32
    %get3A_4031 = arith.index_cast %get3A_4030 : i32 to index
    %get3A_4032 = arith.constant 48 : index
    %get3A_4033 = tpu.vector_load %arg8[%get3A_4031, %get3A_4032] {strides = array<i32>} : memref<16x128xf32, #tpu.memory_space<vmem>>, vector<1x16xf32>,
    %get3A_4034 = vector.shape_cast %get3A_4033 : vector<1x16xf32> to vector<16xf32>
    %sub3A_4035 = arith.constant 1.000000e+00 : f32
    %sub3A_4036 = vector.broadcast %sub3A_4035 : f32 to vector<16xf32>
    %sub3A_4037 = arith.subf %sub3A_4036, %get3A_4034 : vector<16xf32>
    %mul3A_4038 = arith.mulf %sub3A_4037, %sub3A_4037 : vector<16xf32>
    %add3A_4039 = arith.addf %add3A_3946, %mul3A_4038 : vector<16xf32>
    %get3A_4040 = arith.constant 2 : i32
    %get3A_4041 = arith.index_cast %get3A_4040 : i32 to index
    %get3A_4042 = arith.constant 64 : index
    %get3A_4043 = tpu.vector_load %arg8[%get3A_4041, %get3A_4042] {strides = array<i32>} : memref<16x128xf32, #tpu.memory_space<vmem>>, vector<1x16xf32>,
    %get3A_4044 = vector.shape_cast %get3A_4043 : vector<1x16xf32> to vector<16xf32>
    %sub3A_4045 = arith.constant 1.000000e+00 : f32
    %sub3A_4046 = vector.broadcast %sub3A_4045 : f32 to vector<16xf32>
    %sub3A_4047 = arith.subf %sub3A_4046, %get3A_4044 : vector<16xf32>
    %mul3A_4048 = arith.mulf %sub3A_4047, %sub3A_4047 : vector<16xf32>
    %add3A_4049 = arith.addf %add3A_3956, %mul3A_4048 : vector<16xf32>
    %get3A_4050 = arith.constant 2 : i32
    %get3A_4051 = arith.index_cast %get3A_4050 : i32 to index
    %get3A_4052 = arith.constant 80 : index
    %get3A_4053 = tpu.vector_load %arg8[%get3A_4051, %get3A_4052] {strides = array<i32>} : memref<16x128xf32, #tpu.memory_space<vmem>>, vector<1x16xf32>,
    %get3A_4054 = vector.shape_cast %get3A_4053 : vector<1x16xf32> to vector<16xf32>
    %sub3A_4055 = arith.constant 1.000000e+00 : f32
    %sub3A_4056 = vector.broadcast %sub3A_4055 : f32 to vector<16xf32>
    %sub3A_4057 = arith.subf %sub3A_4056, %get3A_4054 : vector<16xf32>
    %mul3A_4058 = arith.mulf %sub3A_4057, %sub3A_4057 : vector<16xf32>
    %add3A_4059 = arith.addf %add3A_3966, %mul3A_4058 : vector<16xf32>
    %get3A_4060 = arith.constant 2 : i32
    %get3A_4061 = arith.index_cast %get3A_4060 : i32 to index
    %get3A_4062 = arith.constant 96 : index
    %get3A_4063 = tpu.vector_load %arg8[%get3A_4061, %get3A_4062] {strides = array<i32>} : memref<16x128xf32, #tpu.memory_space<vmem>>, vector<1x16xf32>,
    %get3A_4064 = vector.shape_cast %get3A_4063 : vector<1x16xf32> to vector<16xf32>
    %sub3A_4065 = arith.constant 1.000000e+00 : f32
    %sub3A_4066 = vector.broadcast %sub3A_4065 : f32 to vector<16xf32>
    %sub3A_4067 = arith.subf %sub3A_4066, %get3A_4064 : vector<16xf32>
    %mul3A_4068 = arith.mulf %sub3A_4067, %sub3A_4067 : vector<16xf32>
    %add3A_4069 = arith.addf %add3A_3976, %mul3A_4068 : vector<16xf32>
    %get3A_4070 = arith.constant 2 : i32
    %get3A_4071 = arith.index_cast %get3A_4070 : i32 to index
    %get3A_4072 = arith.constant 112 : index
    %get3A_4073 = tpu.vector_load %arg8[%get3A_4071, %get3A_4072] {strides = array<i32>} : memref<16x128xf32, #tpu.memory_space<vmem>>, vector<1x16xf32>,
    %get3A_4074 = vector.shape_cast %get3A_4073 : vector<1x16xf32> to vector<16xf32>
    %sub3A_4075 = arith.constant 1.000000e+00 : f32
    %sub3A_4076 = vector.broadcast %sub3A_4075 : f32 to vector<16xf32>
    %sub3A_4077 = arith.subf %sub3A_4076, %get3A_4074 : vector<16xf32>
    %mul3A_4078 = arith.mulf %sub3A_4077, %sub3A_4077 : vector<16xf32>
    %add3A_4079 = arith.addf %add3A_3986, %mul3A_4078 : vector<16xf32>
    %dma_wait3A_4080 = arith.constant 3 : i32
    %dma_wait3A_4081 = arith.constant 3 : i32
    %dma_wait3A_4082 = arith.constant 3 : i32
    %dma_wait3A_4083 = arith.constant 0 : i32
    %dma_wait3A_4084 = tpu.memref_slice %arg8[%dma_wait3A_4081, %dma_wait3A_4083] : memref<16x128xf32, #tpu.memory_space<vmem>> -> memref<1x128xf32, #tpu.memory_space<vmem>>
    %dma_wait3A_4085 = tpu.memref_squeeze %dma_wait3A_4084 : memref<1x128xf32, #tpu.memory_space<vmem>> -> memref<128xf32, #tpu.memory_space<vmem>>
    %dma_wait3A_4086 = arith.constant 0 : i32
    %dma_wait3A_4087 = tpu.memref_slice %arg7[%dma_wait3A_4080, %dma_wait3A_4086] : memref<16x128xi32, #tpu.memory_space<vmem>> -> memref<1x128xi32, #tpu.memory_space<vmem>>
    %dma_wait3A_4088 = tpu.memref_squeeze %dma_wait3A_4087 : memref<1x128xi32, #tpu.memory_space<vmem>> -> memref<128xi32, #tpu.memory_space<vmem>>
    %dma_wait3A_4089 = arith.constant 0 : i32
    %dma_wait3A_4090 = tpu.memref_slice %arg2[%dma_wait3A_4089] : memref<67108864xf32, #tpu.memory_space<hbm>> -> memref<67108864xf32, #tpu.memory_space<hbm>>
    %dma_wait3A_4091 = tpu.memref_slice %arg12[%dma_wait3A_4082] : memref<16x!tpu.dma_semaphore, #tpu.memory_space<semaphore_mem>> -> memref<1x!tpu.dma_semaphore, #tpu.memory_space<semaphore_mem>>
    %dma_wait3A_4092 = tpu.memref_squeeze %dma_wait3A_4091 : memref<1x!tpu.dma_semaphore, #tpu.memory_space<semaphore_mem>> -> memref<!tpu.dma_semaphore, #tpu.memory_space<semaphore_mem>>
    tpu.wait_indirect_dma semaphore(%dma_wait3A_4092 : memref<!tpu.dma_semaphore, #tpu.memory_space<semaphore_mem>>) src(%dma_wait3A_4090 : memref<67108864xf32, #tpu.memory_space<hbm>>) dst(%dma_wait3A_4085 : memref<128xf32, #tpu.memory_space<vmem>>)
    %get3A_4093 = arith.constant 3 : i32
    %get3A_4094 = arith.index_cast %get3A_4093 : i32 to index
    %get3A_4095 = arith.constant 0 : index
    %get3A_4096 = tpu.vector_load %arg8[%get3A_4094, %get3A_4095] {strides = array<i32>} : memref<16x128xf32, #tpu.memory_space<vmem>>, vector<1x16xf32>,
    %get3A_4097 = vector.shape_cast %get3A_4096 : vector<1x16xf32> to vector<16xf32>
    %sub3A_4098 = arith.constant 1.000000e+00 : f32
    %sub3A_4099 = vector.broadcast %sub3A_4098 : f32 to vector<16xf32>
    %sub3A_4100 = arith.subf %sub3A_4099, %get3A_4097 : vector<16xf32>
    %mul3A_4101 = arith.mulf %sub3A_4100, %sub3A_4100 : vector<16xf32>
    %add3A_4102 = arith.addf %add3A_4009, %mul3A_4101 : vector<16xf32>
    %get3A_4103 = arith.constant 3 : i32
    %get3A_4104 = arith.index_cast %get3A_4103 : i32 to index
    %get3A_4105 = arith.constant 16 : index
    %get3A_4106 = tpu.vector_load %arg8[%get3A_4104, %get3A_4105] {strides = array<i32>} : memref<16x128xf32, #tpu.memory_space<vmem>>, vector<1x16xf32>,
    %get3A_4107 = vector.shape_cast %get3A_4106 : vector<1x16xf32> to vector<16xf32>
    %sub3A_4108 = arith.constant 1.000000e+00 : f32
    %sub3A_4109 = vector.broadcast %sub3A_4108 : f32 to vector<16xf32>
    %sub3A_4110 = arith.subf %sub3A_4109, %get3A_4107 : vector<16xf32>
    %mul3A_4111 = arith.mulf %sub3A_4110, %sub3A_4110 : vector<16xf32>
    %add3A_4112 = arith.addf %add3A_4019, %mul3A_4111 : vector<16xf32>
    %get3A_4113 = arith.constant 3 : i32
    %get3A_4114 = arith.index_cast %get3A_4113 : i32 to index
    %get3A_4115 = arith.constant 32 : index
    %get3A_4116 = tpu.vector_load %arg8[%get3A_4114, %get3A_4115] {strides = array<i32>} : memref<16x128xf32, #tpu.memory_space<vmem>>, vector<1x16xf32>,
    %get3A_4117 = vector.shape_cast %get3A_4116 : vector<1x16xf32> to vector<16xf32>
    %sub3A_4118 = arith.constant 1.000000e+00 : f32
    %sub3A_4119 = vector.broadcast %sub3A_4118 : f32 to vector<16xf32>
    %sub3A_4120 = arith.subf %sub3A_4119, %get3A_4117 : vector<16xf32>
    %mul3A_4121 = arith.mulf %sub3A_4120, %sub3A_4120 : vector<16xf32>
    %add3A_4122 = arith.addf %add3A_4029, %mul3A_4121 : vector<16xf32>
    %get3A_4123 = arith.constant 3 : i32
    %get3A_4124 = arith.index_cast %get3A_4123 : i32 to index
    %get3A_4125 = arith.constant 48 : index
    %get3A_4126 = tpu.vector_load %arg8[%get3A_4124, %get3A_4125] {strides = array<i32>} : memref<16x128xf32, #tpu.memory_space<vmem>>, vector<1x16xf32>,
    %get3A_4127 = vector.shape_cast %get3A_4126 : vector<1x16xf32> to vector<16xf32>
    %sub3A_4128 = arith.constant 1.000000e+00 : f32
    %sub3A_4129 = vector.broadcast %sub3A_4128 : f32 to vector<16xf32>
    %sub3A_4130 = arith.subf %sub3A_4129, %get3A_4127 : vector<16xf32>
    %mul3A_4131 = arith.mulf %sub3A_4130, %sub3A_4130 : vector<16xf32>
    %add3A_4132 = arith.addf %add3A_4039, %mul3A_4131 : vector<16xf32>
    %get3A_4133 = arith.constant 3 : i32
    %get3A_4134 = arith.index_cast %get3A_4133 : i32 to index
    %get3A_4135 = arith.constant 64 : index
    %get3A_4136 = tpu.vector_load %arg8[%get3A_4134, %get3A_4135] {strides = array<i32>} : memref<16x128xf32, #tpu.memory_space<vmem>>, vector<1x16xf32>,
    %get3A_4137 = vector.shape_cast %get3A_4136 : vector<1x16xf32> to vector<16xf32>
    %sub3A_4138 = arith.constant 1.000000e+00 : f32
    %sub3A_4139 = vector.broadcast %sub3A_4138 : f32 to vector<16xf32>
    %sub3A_4140 = arith.subf %sub3A_4139, %get3A_4137 : vector<16xf32>
    %mul3A_4141 = arith.mulf %sub3A_4140, %sub3A_4140 : vector<16xf32>
    %add3A_4142 = arith.addf %add3A_4049, %mul3A_4141 : vector<16xf32>
    %get3A_4143 = arith.constant 3 : i32
    %get3A_4144 = arith.index_cast %get3A_4143 : i32 to index
    %get3A_4145 = arith.constant 80 : index
    %get3A_4146 = tpu.vector_load %arg8[%get3A_4144, %get3A_4145] {strides = array<i32>} : memref<16x128xf32, #tpu.memory_space<vmem>>, vector<1x16xf32>,
    %get3A_4147 = vector.shape_cast %get3A_4146 : vector<1x16xf32> to vector<16xf32>
    %sub3A_4148 = arith.constant 1.000000e+00 : f32
    %sub3A_4149 = vector.broadcast %sub3A_4148 : f32 to vector<16xf32>
    %sub3A_4150 = arith.subf %sub3A_4149, %get3A_4147 : vector<16xf32>
    %mul3A_4151 = arith.mulf %sub3A_4150, %sub3A_4150 : vector<16xf32>
    %add3A_4152 = arith.addf %add3A_4059, %mul3A_4151 : vector<16xf32>
    %get3A_4153 = arith.constant 3 : i32
    %get3A_4154 = arith.index_cast %get3A_4153 : i32 to index
    %get3A_4155 = arith.constant 96 : index
    %get3A_4156 = tpu.vector_load %arg8[%get3A_4154, %get3A_4155] {strides = array<i32>} : memref<16x128xf32, #tpu.memory_space<vmem>>, vector<1x16xf32>,
    %get3A_4157 = vector.shape_cast %get3A_4156 : vector<1x16xf32> to vector<16xf32>
    %sub3A_4158 = arith.constant 1.000000e+00 : f32
    %sub3A_4159 = vector.broadcast %sub3A_4158 : f32 to vector<16xf32>
    %sub3A_4160 = arith.subf %sub3A_4159, %get3A_4157 : vector<16xf32>
    %mul3A_4161 = arith.mulf %sub3A_4160, %sub3A_4160 : vector<16xf32>
    %add3A_4162 = arith.addf %add3A_4069, %mul3A_4161 : vector<16xf32>
    %get3A_4163 = arith.constant 3 : i32
    %get3A_4164 = arith.index_cast %get3A_4163 : i32 to index
    %get3A_4165 = arith.constant 112 : index
    %get3A_4166 = tpu.vector_load %arg8[%get3A_4164, %get3A_4165] {strides = array<i32>} : memref<16x128xf32, #tpu.memory_space<vmem>>, vector<1x16xf32>,
    %get3A_4167 = vector.shape_cast %get3A_4166 : vector<1x16xf32> to vector<16xf32>
    %sub3A_4168 = arith.constant 1.000000e+00 : f32
    %sub3A_4169 = vector.broadcast %sub3A_4168 : f32 to vector<16xf32>
    %sub3A_4170 = arith.subf %sub3A_4169, %get3A_4167 : vector<16xf32>
    %mul3A_4171 = arith.mulf %sub3A_4170, %sub3A_4170 : vector<16xf32>
    %add3A_4172 = arith.addf %add3A_4079, %mul3A_4171 : vector<16xf32>
    %dma_wait3A_4173 = arith.constant 4 : i32
    %dma_wait3A_4174 = arith.constant 4 : i32
    %dma_wait3A_4175 = arith.constant 4 : i32
    %dma_wait3A_4176 = arith.constant 0 : i32
    %dma_wait3A_4177 = tpu.memref_slice %arg8[%dma_wait3A_4174, %dma_wait3A_4176] : memref<16x128xf32, #tpu.memory_space<vmem>> -> memref<1x128xf32, #tpu.memory_space<vmem>>
    %dma_wait3A_4178 = tpu.memref_squeeze %dma_wait3A_4177 : memref<1x128xf32, #tpu.memory_space<vmem>> -> memref<128xf32, #tpu.memory_space<vmem>>
    %dma_wait3A_4179 = arith.constant 0 : i32
    %dma_wait3A_4180 = tpu.memref_slice %arg7[%dma_wait3A_4173, %dma_wait3A_4179] : memref<16x128xi32, #tpu.memory_space<vmem>> -> memref<1x128xi32, #tpu.memory_space<vmem>>
    %dma_wait3A_4181 = tpu.memref_squeeze %dma_wait3A_4180 : memref<1x128xi32, #tpu.memory_space<vmem>> -> memref<128xi32, #tpu.memory_space<vmem>>
    %dma_wait3A_4182 = arith.constant 0 : i32
    %dma_wait3A_4183 = tpu.memref_slice %arg2[%dma_wait3A_4182] : memref<67108864xf32, #tpu.memory_space<hbm>> -> memref<67108864xf32, #tpu.memory_space<hbm>>
    %dma_wait3A_4184 = tpu.memref_slice %arg12[%dma_wait3A_4175] : memref<16x!tpu.dma_semaphore, #tpu.memory_space<semaphore_mem>> -> memref<1x!tpu.dma_semaphore, #tpu.memory_space<semaphore_mem>>
    %dma_wait3A_4185 = tpu.memref_squeeze %dma_wait3A_4184 : memref<1x!tpu.dma_semaphore, #tpu.memory_space<semaphore_mem>> -> memref<!tpu.dma_semaphore, #tpu.memory_space<semaphore_mem>>
    tpu.wait_indirect_dma semaphore(%dma_wait3A_4185 : memref<!tpu.dma_semaphore, #tpu.memory_space<semaphore_mem>>) src(%dma_wait3A_4183 : memref<67108864xf32, #tpu.memory_space<hbm>>) dst(%dma_wait3A_4178 : memref<128xf32, #tpu.memory_space<vmem>>)
    %get3A_4186 = arith.constant 4 : i32
    %get3A_4187 = arith.index_cast %get3A_4186 : i32 to index
    %get3A_4188 = arith.constant 0 : index
    %get3A_4189 = tpu.vector_load %arg8[%get3A_4187, %get3A_4188] {strides = array<i32>} : memref<16x128xf32, #tpu.memory_space<vmem>>, vector<1x16xf32>,
    %get3A_4190 = vector.shape_cast %get3A_4189 : vector<1x16xf32> to vector<16xf32>
    %sub3A_4191 = arith.constant 1.000000e+00 : f32
    %sub3A_4192 = vector.broadcast %sub3A_4191 : f32 to vector<16xf32>
    %sub3A_4193 = arith.subf %sub3A_4192, %get3A_4190 : vector<16xf32>
    %mul3A_4194 = arith.mulf %sub3A_4193, %sub3A_4193 : vector<16xf32>
    %add3A_4195 = arith.addf %add3A_4102, %mul3A_4194 : vector<16xf32>
    %get3A_4196 = arith.constant 4 : i32
    %get3A_4197 = arith.index_cast %get3A_4196 : i32 to index
    %get3A_4198 = arith.constant 16 : index
    %get3A_4199 = tpu.vector_load %arg8[%get3A_4197, %get3A_4198] {strides = array<i32>} : memref<16x128xf32, #tpu.memory_space<vmem>>, vector<1x16xf32>,
    %get3A_4200 = vector.shape_cast %get3A_4199 : vector<1x16xf32> to vector<16xf32>
    %sub3A_4201 = arith.constant 1.000000e+00 : f32
    %sub3A_4202 = vector.broadcast %sub3A_4201 : f32 to vector<16xf32>
    %sub3A_4203 = arith.subf %sub3A_4202, %get3A_4200 : vector<16xf32>
    %mul3A_4204 = arith.mulf %sub3A_4203, %sub3A_4203 : vector<16xf32>
    %add3A_4205 = arith.addf %add3A_4112, %mul3A_4204 : vector<16xf32>
    %get3A_4206 = arith.constant 4 : i32
    %get3A_4207 = arith.index_cast %get3A_4206 : i32 to index
    %get3A_4208 = arith.constant 32 : index
    %get3A_4209 = tpu.vector_load %arg8[%get3A_4207, %get3A_4208] {strides = array<i32>} : memref<16x128xf32, #tpu.memory_space<vmem>>, vector<1x16xf32>,
    %get3A_4210 = vector.shape_cast %get3A_4209 : vector<1x16xf32> to vector<16xf32>
    %sub3A_4211 = arith.constant 1.000000e+00 : f32
    %sub3A_4212 = vector.broadcast %sub3A_4211 : f32 to vector<16xf32>
    %sub3A_4213 = arith.subf %sub3A_4212, %get3A_4210 : vector<16xf32>
    %mul3A_4214 = arith.mulf %sub3A_4213, %sub3A_4213 : vector<16xf32>
    %add3A_4215 = arith.addf %add3A_4122, %mul3A_4214 : vector<16xf32>
    %get3A_4216 = arith.constant 4 : i32
    %get3A_4217 = arith.index_cast %get3A_4216 : i32 to index
    %get3A_4218 = arith.constant 48 : index
    %get3A_4219 = tpu.vector_load %arg8[%get3A_4217, %get3A_4218] {strides = array<i32>} : memref<16x128xf32, #tpu.memory_space<vmem>>, vector<1x16xf32>,
    %get3A_4220 = vector.shape_cast %get3A_4219 : vector<1x16xf32> to vector<16xf32>
    %sub3A_4221 = arith.constant 1.000000e+00 : f32
    %sub3A_4222 = vector.broadcast %sub3A_4221 : f32 to vector<16xf32>
    %sub3A_4223 = arith.subf %sub3A_4222, %get3A_4220 : vector<16xf32>
    %mul3A_4224 = arith.mulf %sub3A_4223, %sub3A_4223 : vector<16xf32>
    %add3A_4225 = arith.addf %add3A_4132, %mul3A_4224 : vector<16xf32>
    %get3A_4226 = arith.constant 4 : i32
    %get3A_4227 = arith.index_cast %get3A_4226 : i32 to index
    %get3A_4228 = arith.constant 64 : index
    %get3A_4229 = tpu.vector_load %arg8[%get3A_4227, %get3A_4228] {strides = array<i32>} : memref<16x128xf32, #tpu.memory_space<vmem>>, vector<1x16xf32>,
    %get3A_4230 = vector.shape_cast %get3A_4229 : vector<1x16xf32> to vector<16xf32>
    %sub3A_4231 = arith.constant 1.000000e+00 : f32
    %sub3A_4232 = vector.broadcast %sub3A_4231 : f32 to vector<16xf32>
    %sub3A_4233 = arith.subf %sub3A_4232, %get3A_4230 : vector<16xf32>
    %mul3A_4234 = arith.mulf %sub3A_4233, %sub3A_4233 : vector<16xf32>
    %add3A_4235 = arith.addf %add3A_4142, %mul3A_4234 : vector<16xf32>
    %get3A_4236 = arith.constant 4 : i32
    %get3A_4237 = arith.index_cast %get3A_4236 : i32 to index
    %get3A_4238 = arith.constant 80 : index
    %get3A_4239 = tpu.vector_load %arg8[%get3A_4237, %get3A_4238] {strides = array<i32>} : memref<16x128xf32, #tpu.memory_space<vmem>>, vector<1x16xf32>,
    %get3A_4240 = vector.shape_cast %get3A_4239 : vector<1x16xf32> to vector<16xf32>
    %sub3A_4241 = arith.constant 1.000000e+00 : f32
    %sub3A_4242 = vector.broadcast %sub3A_4241 : f32 to vector<16xf32>
    %sub3A_4243 = arith.subf %sub3A_4242, %get3A_4240 : vector<16xf32>
    %mul3A_4244 = arith.mulf %sub3A_4243, %sub3A_4243 : vector<16xf32>
    %add3A_4245 = arith.addf %add3A_4152, %mul3A_4244 : vector<16xf32>
    %get3A_4246 = arith.constant 4 : i32
    %get3A_4247 = arith.index_cast %get3A_4246 : i32 to index
    %get3A_4248 = arith.constant 96 : index
    %get3A_4249 = tpu.vector_load %arg8[%get3A_4247, %get3A_4248] {strides = array<i32>} : memref<16x128xf32, #tpu.memory_space<vmem>>, vector<1x16xf32>,
    %get3A_4250 = vector.shape_cast %get3A_4249 : vector<1x16xf32> to vector<16xf32>
    %sub3A_4251 = arith.constant 1.000000e+00 : f32
    %sub3A_4252 = vector.broadcast %sub3A_4251 : f32 to vector<16xf32>
    %sub3A_4253 = arith.subf %sub3A_4252, %get3A_4250 : vector<16xf32>
    %mul3A_4254 = arith.mulf %sub3A_4253, %sub3A_4253 : vector<16xf32>
    %add3A_4255 = arith.addf %add3A_4162, %mul3A_4254 : vector<16xf32>
    %get3A_4256 = arith.constant 4 : i32
    %get3A_4257 = arith.index_cast %get3A_4256 : i32 to index
    %get3A_4258 = arith.constant 112 : index
    %get3A_4259 = tpu.vector_load %arg8[%get3A_4257, %get3A_4258] {strides = array<i32>} : memref<16x128xf32, #tpu.memory_space<vmem>>, vector<1x16xf32>,
    %get3A_4260 = vector.shape_cast %get3A_4259 : vector<1x16xf32> to vector<16xf32>
    %sub3A_4261 = arith.constant 1.000000e+00 : f32
    %sub3A_4262 = vector.broadcast %sub3A_4261 : f32 to vector<16xf32>
    %sub3A_4263 = arith.subf %sub3A_4262, %get3A_4260 : vector<16xf32>
    %mul3A_4264 = arith.mulf %sub3A_4263, %sub3A_4263 : vector<16xf32>
    %add3A_4265 = arith.addf %add3A_4172, %mul3A_4264 : vector<16xf32>
    %dma_wait3A_4266 = arith.constant 5 : i32
    %dma_wait3A_4267 = arith.constant 5 : i32
    %dma_wait3A_4268 = arith.constant 5 : i32
    %dma_wait3A_4269 = arith.constant 0 : i32
    %dma_wait3A_4270 = tpu.memref_slice %arg8[%dma_wait3A_4267, %dma_wait3A_4269] : memref<16x128xf32, #tpu.memory_space<vmem>> -> memref<1x128xf32, #tpu.memory_space<vmem>>
    %dma_wait3A_4271 = tpu.memref_squeeze %dma_wait3A_4270 : memref<1x128xf32, #tpu.memory_space<vmem>> -> memref<128xf32, #tpu.memory_space<vmem>>
    %dma_wait3A_4272 = arith.constant 0 : i32
    %dma_wait3A_4273 = tpu.memref_slice %arg7[%dma_wait3A_4266, %dma_wait3A_4272] : memref<16x128xi32, #tpu.memory_space<vmem>> -> memref<1x128xi32, #tpu.memory_space<vmem>>
    %dma_wait3A_4274 = tpu.memref_squeeze %dma_wait3A_4273 : memref<1x128xi32, #tpu.memory_space<vmem>> -> memref<128xi32, #tpu.memory_space<vmem>>
    %dma_wait3A_4275 = arith.constant 0 : i32
    %dma_wait3A_4276 = tpu.memref_slice %arg2[%dma_wait3A_4275] : memref<67108864xf32, #tpu.memory_space<hbm>> -> memref<67108864xf32, #tpu.memory_space<hbm>>
    %dma_wait3A_4277 = tpu.memref_slice %arg12[%dma_wait3A_4268] : memref<16x!tpu.dma_semaphore, #tpu.memory_space<semaphore_mem>> -> memref<1x!tpu.dma_semaphore, #tpu.memory_space<semaphore_mem>>
    %dma_wait3A_4278 = tpu.memref_squeeze %dma_wait3A_4277 : memref<1x!tpu.dma_semaphore, #tpu.memory_space<semaphore_mem>> -> memref<!tpu.dma_semaphore, #tpu.memory_space<semaphore_mem>>
    tpu.wait_indirect_dma semaphore(%dma_wait3A_4278 : memref<!tpu.dma_semaphore, #tpu.memory_space<semaphore_mem>>) src(%dma_wait3A_4276 : memref<67108864xf32, #tpu.memory_space<hbm>>) dst(%dma_wait3A_4271 : memref<128xf32, #tpu.memory_space<vmem>>)
    %get3A_4279 = arith.constant 5 : i32
    %get3A_4280 = arith.index_cast %get3A_4279 : i32 to index
    %get3A_4281 = arith.constant 0 : index
    %get3A_4282 = tpu.vector_load %arg8[%get3A_4280, %get3A_4281] {strides = array<i32>} : memref<16x128xf32, #tpu.memory_space<vmem>>, vector<1x16xf32>,
    %get3A_4283 = vector.shape_cast %get3A_4282 : vector<1x16xf32> to vector<16xf32>
    %sub3A_4284 = arith.constant 1.000000e+00 : f32
    %sub3A_4285 = vector.broadcast %sub3A_4284 : f32 to vector<16xf32>
    %sub3A_4286 = arith.subf %sub3A_4285, %get3A_4283 : vector<16xf32>
    %mul3A_4287 = arith.mulf %sub3A_4286, %sub3A_4286 : vector<16xf32>
    %add3A_4288 = arith.addf %add3A_4195, %mul3A_4287 : vector<16xf32>
    %get3A_4289 = arith.constant 5 : i32
    %get3A_4290 = arith.index_cast %get3A_4289 : i32 to index
    %get3A_4291 = arith.constant 16 : index
    %get3A_4292 = tpu.vector_load %arg8[%get3A_4290, %get3A_4291] {strides = array<i32>} : memref<16x128xf32, #tpu.memory_space<vmem>>, vector<1x16xf32>,
    %get3A_4293 = vector.shape_cast %get3A_4292 : vector<1x16xf32> to vector<16xf32>
    %sub3A_4294 = arith.constant 1.000000e+00 : f32
    %sub3A_4295 = vector.broadcast %sub3A_4294 : f32 to vector<16xf32>
    %sub3A_4296 = arith.subf %sub3A_4295, %get3A_4293 : vector<16xf32>
    %mul3A_4297 = arith.mulf %sub3A_4296, %sub3A_4296 : vector<16xf32>
    %add3A_4298 = arith.addf %add3A_4205, %mul3A_4297 : vector<16xf32>
    %get3A_4299 = arith.constant 5 : i32
    %get3A_4300 = arith.index_cast %get3A_4299 : i32 to index
    %get3A_4301 = arith.constant 32 : index
    %get3A_4302 = tpu.vector_load %arg8[%get3A_4300, %get3A_4301] {strides = array<i32>} : memref<16x128xf32, #tpu.memory_space<vmem>>, vector<1x16xf32>,
    %get3A_4303 = vector.shape_cast %get3A_4302 : vector<1x16xf32> to vector<16xf32>
    %sub3A_4304 = arith.constant 1.000000e+00 : f32
    %sub3A_4305 = vector.broadcast %sub3A_4304 : f32 to vector<16xf32>
    %sub3A_4306 = arith.subf %sub3A_4305, %get3A_4303 : vector<16xf32>
    %mul3A_4307 = arith.mulf %sub3A_4306, %sub3A_4306 : vector<16xf32>
    %add3A_4308 = arith.addf %add3A_4215, %mul3A_4307 : vector<16xf32>
    %get3A_4309 = arith.constant 5 : i32
    %get3A_4310 = arith.index_cast %get3A_4309 : i32 to index
    %get3A_4311 = arith.constant 48 : index
    %get3A_4312 = tpu.vector_load %arg8[%get3A_4310, %get3A_4311] {strides = array<i32>} : memref<16x128xf32, #tpu.memory_space<vmem>>, vector<1x16xf32>,
    %get3A_4313 = vector.shape_cast %get3A_4312 : vector<1x16xf32> to vector<16xf32>
    %sub3A_4314 = arith.constant 1.000000e+00 : f32
    %sub3A_4315 = vector.broadcast %sub3A_4314 : f32 to vector<16xf32>
    %sub3A_4316 = arith.subf %sub3A_4315, %get3A_4313 : vector<16xf32>
    %mul3A_4317 = arith.mulf %sub3A_4316, %sub3A_4316 : vector<16xf32>
    %add3A_4318 = arith.addf %add3A_4225, %mul3A_4317 : vector<16xf32>
    %get3A_4319 = arith.constant 5 : i32
    %get3A_4320 = arith.index_cast %get3A_4319 : i32 to index
    %get3A_4321 = arith.constant 64 : index
    %get3A_4322 = tpu.vector_load %arg8[%get3A_4320, %get3A_4321] {strides = array<i32>} : memref<16x128xf32, #tpu.memory_space<vmem>>, vector<1x16xf32>,
    %get3A_4323 = vector.shape_cast %get3A_4322 : vector<1x16xf32> to vector<16xf32>
    %sub3A_4324 = arith.constant 1.000000e+00 : f32
    %sub3A_4325 = vector.broadcast %sub3A_4324 : f32 to vector<16xf32>
    %sub3A_4326 = arith.subf %sub3A_4325, %get3A_4323 : vector<16xf32>
    %mul3A_4327 = arith.mulf %sub3A_4326, %sub3A_4326 : vector<16xf32>
    %add3A_4328 = arith.addf %add3A_4235, %mul3A_4327 : vector<16xf32>
    %get3A_4329 = arith.constant 5 : i32
    %get3A_4330 = arith.index_cast %get3A_4329 : i32 to index
    %get3A_4331 = arith.constant 80 : index
    %get3A_4332 = tpu.vector_load %arg8[%get3A_4330, %get3A_4331] {strides = array<i32>} : memref<16x128xf32, #tpu.memory_space<vmem>>, vector<1x16xf32>,
    %get3A_4333 = vector.shape_cast %get3A_4332 : vector<1x16xf32> to vector<16xf32>
    %sub3A_4334 = arith.constant 1.000000e+00 : f32
    %sub3A_4335 = vector.broadcast %sub3A_4334 : f32 to vector<16xf32>
    %sub3A_4336 = arith.subf %sub3A_4335, %get3A_4333 : vector<16xf32>
    %mul3A_4337 = arith.mulf %sub3A_4336, %sub3A_4336 : vector<16xf32>
    %add3A_4338 = arith.addf %add3A_4245, %mul3A_4337 : vector<16xf32>
    %get3A_4339 = arith.constant 5 : i32
    %get3A_4340 = arith.index_cast %get3A_4339 : i32 to index
    %get3A_4341 = arith.constant 96 : index
    %get3A_4342 = tpu.vector_load %arg8[%get3A_4340, %get3A_4341] {strides = array<i32>} : memref<16x128xf32, #tpu.memory_space<vmem>>, vector<1x16xf32>,
    %get3A_4343 = vector.shape_cast %get3A_4342 : vector<1x16xf32> to vector<16xf32>
    %sub3A_4344 = arith.constant 1.000000e+00 : f32
    %sub3A_4345 = vector.broadcast %sub3A_4344 : f32 to vector<16xf32>
    %sub3A_4346 = arith.subf %sub3A_4345, %get3A_4343 : vector<16xf32>
    %mul3A_4347 = arith.mulf %sub3A_4346, %sub3A_4346 : vector<16xf32>
    %add3A_4348 = arith.addf %add3A_4255, %mul3A_4347 : vector<16xf32>
    %get3A_4349 = arith.constant 5 : i32
    %get3A_4350 = arith.index_cast %get3A_4349 : i32 to index
    %get3A_4351 = arith.constant 112 : index
    %get3A_4352 = tpu.vector_load %arg8[%get3A_4350, %get3A_4351] {strides = array<i32>} : memref<16x128xf32, #tpu.memory_space<vmem>>, vector<1x16xf32>,
    %get3A_4353 = vector.shape_cast %get3A_4352 : vector<1x16xf32> to vector<16xf32>
    %sub3A_4354 = arith.constant 1.000000e+00 : f32
    %sub3A_4355 = vector.broadcast %sub3A_4354 : f32 to vector<16xf32>
    %sub3A_4356 = arith.subf %sub3A_4355, %get3A_4353 : vector<16xf32>
    %mul3A_4357 = arith.mulf %sub3A_4356, %sub3A_4356 : vector<16xf32>
    %add3A_4358 = arith.addf %add3A_4265, %mul3A_4357 : vector<16xf32>
    %dma_wait3A_4359 = arith.constant 6 : i32
    %dma_wait3A_4360 = arith.constant 6 : i32
    %dma_wait3A_4361 = arith.constant 6 : i32
    %dma_wait3A_4362 = arith.constant 0 : i32
    %dma_wait3A_4363 = tpu.memref_slice %arg8[%dma_wait3A_4360, %dma_wait3A_4362] : memref<16x128xf32, #tpu.memory_space<vmem>> -> memref<1x128xf32, #tpu.memory_space<vmem>>
    %dma_wait3A_4364 = tpu.memref_squeeze %dma_wait3A_4363 : memref<1x128xf32, #tpu.memory_space<vmem>> -> memref<128xf32, #tpu.memory_space<vmem>>
    %dma_wait3A_4365 = arith.constant 0 : i32
    %dma_wait3A_4366 = tpu.memref_slice %arg7[%dma_wait3A_4359, %dma_wait3A_4365] : memref<16x128xi32, #tpu.memory_space<vmem>> -> memref<1x128xi32, #tpu.memory_space<vmem>>
    %dma_wait3A_4367 = tpu.memref_squeeze %dma_wait3A_4366 : memref<1x128xi32, #tpu.memory_space<vmem>> -> memref<128xi32, #tpu.memory_space<vmem>>
    %dma_wait3A_4368 = arith.constant 0 : i32
    %dma_wait3A_4369 = tpu.memref_slice %arg2[%dma_wait3A_4368] : memref<67108864xf32, #tpu.memory_space<hbm>> -> memref<67108864xf32, #tpu.memory_space<hbm>>
    %dma_wait3A_4370 = tpu.memref_slice %arg12[%dma_wait3A_4361] : memref<16x!tpu.dma_semaphore, #tpu.memory_space<semaphore_mem>> -> memref<1x!tpu.dma_semaphore, #tpu.memory_space<semaphore_mem>>
    %dma_wait3A_4371 = tpu.memref_squeeze %dma_wait3A_4370 : memref<1x!tpu.dma_semaphore, #tpu.memory_space<semaphore_mem>> -> memref<!tpu.dma_semaphore, #tpu.memory_space<semaphore_mem>>
    tpu.wait_indirect_dma semaphore(%dma_wait3A_4371 : memref<!tpu.dma_semaphore, #tpu.memory_space<semaphore_mem>>) src(%dma_wait3A_4369 : memref<67108864xf32, #tpu.memory_space<hbm>>) dst(%dma_wait3A_4364 : memref<128xf32, #tpu.memory_space<vmem>>)
    %get3A_4372 = arith.constant 6 : i32
    %get3A_4373 = arith.index_cast %get3A_4372 : i32 to index
    %get3A_4374 = arith.constant 0 : index
    %get3A_4375 = tpu.vector_load %arg8[%get3A_4373, %get3A_4374] {strides = array<i32>} : memref<16x128xf32, #tpu.memory_space<vmem>>, vector<1x16xf32>,
    %get3A_4376 = vector.shape_cast %get3A_4375 : vector<1x16xf32> to vector<16xf32>
    %sub3A_4377 = arith.constant 1.000000e+00 : f32
    %sub3A_4378 = vector.broadcast %sub3A_4377 : f32 to vector<16xf32>
    %sub3A_4379 = arith.subf %sub3A_4378, %get3A_4376 : vector<16xf32>
    %mul3A_4380 = arith.mulf %sub3A_4379, %sub3A_4379 : vector<16xf32>
    %add3A_4381 = arith.addf %add3A_4288, %mul3A_4380 : vector<16xf32>
    %get3A_4382 = arith.constant 6 : i32
    %get3A_4383 = arith.index_cast %get3A_4382 : i32 to index
    %get3A_4384 = arith.constant 16 : index
    %get3A_4385 = tpu.vector_load %arg8[%get3A_4383, %get3A_4384] {strides = array<i32>} : memref<16x128xf32, #tpu.memory_space<vmem>>, vector<1x16xf32>,
    %get3A_4386 = vector.shape_cast %get3A_4385 : vector<1x16xf32> to vector<16xf32>
    %sub3A_4387 = arith.constant 1.000000e+00 : f32
    %sub3A_4388 = vector.broadcast %sub3A_4387 : f32 to vector<16xf32>
    %sub3A_4389 = arith.subf %sub3A_4388, %get3A_4386 : vector<16xf32>
    %mul3A_4390 = arith.mulf %sub3A_4389, %sub3A_4389 : vector<16xf32>
    %add3A_4391 = arith.addf %add3A_4298, %mul3A_4390 : vector<16xf32>
    %get3A_4392 = arith.constant 6 : i32
    %get3A_4393 = arith.index_cast %get3A_4392 : i32 to index
    %get3A_4394 = arith.constant 32 : index
    %get3A_4395 = tpu.vector_load %arg8[%get3A_4393, %get3A_4394] {strides = array<i32>} : memref<16x128xf32, #tpu.memory_space<vmem>>, vector<1x16xf32>,
    %get3A_4396 = vector.shape_cast %get3A_4395 : vector<1x16xf32> to vector<16xf32>
    %sub3A_4397 = arith.constant 1.000000e+00 : f32
    %sub3A_4398 = vector.broadcast %sub3A_4397 : f32 to vector<16xf32>
    %sub3A_4399 = arith.subf %sub3A_4398, %get3A_4396 : vector<16xf32>
    %mul3A_4400 = arith.mulf %sub3A_4399, %sub3A_4399 : vector<16xf32>
    %add3A_4401 = arith.addf %add3A_4308, %mul3A_4400 : vector<16xf32>
    %get3A_4402 = arith.constant 6 : i32
    %get3A_4403 = arith.index_cast %get3A_4402 : i32 to index
    %get3A_4404 = arith.constant 48 : index
    %get3A_4405 = tpu.vector_load %arg8[%get3A_4403, %get3A_4404] {strides = array<i32>} : memref<16x128xf32, #tpu.memory_space<vmem>>, vector<1x16xf32>,
    %get3A_4406 = vector.shape_cast %get3A_4405 : vector<1x16xf32> to vector<16xf32>
    %sub3A_4407 = arith.constant 1.000000e+00 : f32
    %sub3A_4408 = vector.broadcast %sub3A_4407 : f32 to vector<16xf32>
    %sub3A_4409 = arith.subf %sub3A_4408, %get3A_4406 : vector<16xf32>
    %mul3A_4410 = arith.mulf %sub3A_4409, %sub3A_4409 : vector<16xf32>
    %add3A_4411 = arith.addf %add3A_4318, %mul3A_4410 : vector<16xf32>
    %get3A_4412 = arith.constant 6 : i32
    %get3A_4413 = arith.index_cast %get3A_4412 : i32 to index
    %get3A_4414 = arith.constant 64 : index
    %get3A_4415 = tpu.vector_load %arg8[%get3A_4413, %get3A_4414] {strides = array<i32>} : memref<16x128xf32, #tpu.memory_space<vmem>>, vector<1x16xf32>,
    %get3A_4416 = vector.shape_cast %get3A_4415 : vector<1x16xf32> to vector<16xf32>
    %sub3A_4417 = arith.constant 1.000000e+00 : f32
    %sub3A_4418 = vector.broadcast %sub3A_4417 : f32 to vector<16xf32>
    %sub3A_4419 = arith.subf %sub3A_4418, %get3A_4416 : vector<16xf32>
    %mul3A_4420 = arith.mulf %sub3A_4419, %sub3A_4419 : vector<16xf32>
    %add3A_4421 = arith.addf %add3A_4328, %mul3A_4420 : vector<16xf32>
    %get3A_4422 = arith.constant 6 : i32
    %get3A_4423 = arith.index_cast %get3A_4422 : i32 to index
    %get3A_4424 = arith.constant 80 : index
    %get3A_4425 = tpu.vector_load %arg8[%get3A_4423, %get3A_4424] {strides = array<i32>} : memref<16x128xf32, #tpu.memory_space<vmem>>, vector<1x16xf32>,
    %get3A_4426 = vector.shape_cast %get3A_4425 : vector<1x16xf32> to vector<16xf32>
    %sub3A_4427 = arith.constant 1.000000e+00 : f32
    %sub3A_4428 = vector.broadcast %sub3A_4427 : f32 to vector<16xf32>
    %sub3A_4429 = arith.subf %sub3A_4428, %get3A_4426 : vector<16xf32>
    %mul3A_4430 = arith.mulf %sub3A_4429, %sub3A_4429 : vector<16xf32>
    %add3A_4431 = arith.addf %add3A_4338, %mul3A_4430 : vector<16xf32>
    %get3A_4432 = arith.constant 6 : i32
    %get3A_4433 = arith.index_cast %get3A_4432 : i32 to index
    %get3A_4434 = arith.constant 96 : index
    %get3A_4435 = tpu.vector_load %arg8[%get3A_4433, %get3A_4434] {strides = array<i32>} : memref<16x128xf32, #tpu.memory_space<vmem>>, vector<1x16xf32>,
    %get3A_4436 = vector.shape_cast %get3A_4435 : vector<1x16xf32> to vector<16xf32>
    %sub3A_4437 = arith.constant 1.000000e+00 : f32
    %sub3A_4438 = vector.broadcast %sub3A_4437 : f32 to vector<16xf32>
    %sub3A_4439 = arith.subf %sub3A_4438, %get3A_4436 : vector<16xf32>
    %mul3A_4440 = arith.mulf %sub3A_4439, %sub3A_4439 : vector<16xf32>
    %add3A_4441 = arith.addf %add3A_4348, %mul3A_4440 : vector<16xf32>
    %get3A_4442 = arith.constant 6 : i32
    %get3A_4443 = arith.index_cast %get3A_4442 : i32 to index
    %get3A_4444 = arith.constant 112 : index
    %get3A_4445 = tpu.vector_load %arg8[%get3A_4443, %get3A_4444] {strides = array<i32>} : memref<16x128xf32, #tpu.memory_space<vmem>>, vector<1x16xf32>,
    %get3A_4446 = vector.shape_cast %get3A_4445 : vector<1x16xf32> to vector<16xf32>
    %sub3A_4447 = arith.constant 1.000000e+00 : f32
    %sub3A_4448 = vector.broadcast %sub3A_4447 : f32 to vector<16xf32>
    %sub3A_4449 = arith.subf %sub3A_4448, %get3A_4446 : vector<16xf32>
    %mul3A_4450 = arith.mulf %sub3A_4449, %sub3A_4449 : vector<16xf32>
    %add3A_4451 = arith.addf %add3A_4358, %mul3A_4450 : vector<16xf32>
    %dma_wait3A_4452 = arith.constant 7 : i32
    %dma_wait3A_4453 = arith.constant 7 : i32
    %dma_wait3A_4454 = arith.constant 7 : i32
    %dma_wait3A_4455 = arith.constant 0 : i32
    %dma_wait3A_4456 = tpu.memref_slice %arg8[%dma_wait3A_4453, %dma_wait3A_4455] : memref<16x128xf32, #tpu.memory_space<vmem>> -> memref<1x128xf32, #tpu.memory_space<vmem>>
    %dma_wait3A_4457 = tpu.memref_squeeze %dma_wait3A_4456 : memref<1x128xf32, #tpu.memory_space<vmem>> -> memref<128xf32, #tpu.memory_space<vmem>>
    %dma_wait3A_4458 = arith.constant 0 : i32
    %dma_wait3A_4459 = tpu.memref_slice %arg7[%dma_wait3A_4452, %dma_wait3A_4458] : memref<16x128xi32, #tpu.memory_space<vmem>> -> memref<1x128xi32, #tpu.memory_space<vmem>>
    %dma_wait3A_4460 = tpu.memref_squeeze %dma_wait3A_4459 : memref<1x128xi32, #tpu.memory_space<vmem>> -> memref<128xi32, #tpu.memory_space<vmem>>
    %dma_wait3A_4461 = arith.constant 0 : i32
    %dma_wait3A_4462 = tpu.memref_slice %arg2[%dma_wait3A_4461] : memref<67108864xf32, #tpu.memory_space<hbm>> -> memref<67108864xf32, #tpu.memory_space<hbm>>
    %dma_wait3A_4463 = tpu.memref_slice %arg12[%dma_wait3A_4454] : memref<16x!tpu.dma_semaphore, #tpu.memory_space<semaphore_mem>> -> memref<1x!tpu.dma_semaphore, #tpu.memory_space<semaphore_mem>>
    %dma_wait3A_4464 = tpu.memref_squeeze %dma_wait3A_4463 : memref<1x!tpu.dma_semaphore, #tpu.memory_space<semaphore_mem>> -> memref<!tpu.dma_semaphore, #tpu.memory_space<semaphore_mem>>
    tpu.wait_indirect_dma semaphore(%dma_wait3A_4464 : memref<!tpu.dma_semaphore, #tpu.memory_space<semaphore_mem>>) src(%dma_wait3A_4462 : memref<67108864xf32, #tpu.memory_space<hbm>>) dst(%dma_wait3A_4457 : memref<128xf32, #tpu.memory_space<vmem>>)
    %get3A_4465 = arith.constant 7 : i32
    %get3A_4466 = arith.index_cast %get3A_4465 : i32 to index
    %get3A_4467 = arith.constant 0 : index
    %get3A_4468 = tpu.vector_load %arg8[%get3A_4466, %get3A_4467] {strides = array<i32>} : memref<16x128xf32, #tpu.memory_space<vmem>>, vector<1x16xf32>,
    %get3A_4469 = vector.shape_cast %get3A_4468 : vector<1x16xf32> to vector<16xf32>
    %sub3A_4470 = arith.constant 1.000000e+00 : f32
    %sub3A_4471 = vector.broadcast %sub3A_4470 : f32 to vector<16xf32>
    %sub3A_4472 = arith.subf %sub3A_4471, %get3A_4469 : vector<16xf32>
    %mul3A_4473 = arith.mulf %sub3A_4472, %sub3A_4472 : vector<16xf32>
    %add3A_4474 = arith.addf %add3A_4381, %mul3A_4473 : vector<16xf32>
    %get3A_4475 = arith.constant 7 : i32
    %get3A_4476 = arith.index_cast %get3A_4475 : i32 to index
    %get3A_4477 = arith.constant 16 : index
    %get3A_4478 = tpu.vector_load %arg8[%get3A_4476, %get3A_4477] {strides = array<i32>} : memref<16x128xf32, #tpu.memory_space<vmem>>, vector<1x16xf32>,
    %get3A_4479 = vector.shape_cast %get3A_4478 : vector<1x16xf32> to vector<16xf32>
    %sub3A_4480 = arith.constant 1.000000e+00 : f32
    %sub3A_4481 = vector.broadcast %sub3A_4480 : f32 to vector<16xf32>
    %sub3A_4482 = arith.subf %sub3A_4481, %get3A_4479 : vector<16xf32>
    %mul3A_4483 = arith.mulf %sub3A_4482, %sub3A_4482 : vector<16xf32>
    %add3A_4484 = arith.addf %add3A_4391, %mul3A_4483 : vector<16xf32>
    %get3A_4485 = arith.constant 7 : i32
    %get3A_4486 = arith.index_cast %get3A_4485 : i32 to index
    %get3A_4487 = arith.constant 32 : index
    %get3A_4488 = tpu.vector_load %arg8[%get3A_4486, %get3A_4487] {strides = array<i32>} : memref<16x128xf32, #tpu.memory_space<vmem>>, vector<1x16xf32>,
    %get3A_4489 = vector.shape_cast %get3A_4488 : vector<1x16xf32> to vector<16xf32>
    %sub3A_4490 = arith.constant 1.000000e+00 : f32
    %sub3A_4491 = vector.broadcast %sub3A_4490 : f32 to vector<16xf32>
    %sub3A_4492 = arith.subf %sub3A_4491, %get3A_4489 : vector<16xf32>
    %mul3A_4493 = arith.mulf %sub3A_4492, %sub3A_4492 : vector<16xf32>
    %add3A_4494 = arith.addf %add3A_4401, %mul3A_4493 : vector<16xf32>
    %get3A_4495 = arith.constant 7 : i32
    %get3A_4496 = arith.index_cast %get3A_4495 : i32 to index
    %get3A_4497 = arith.constant 48 : index
    %get3A_4498 = tpu.vector_load %arg8[%get3A_4496, %get3A_4497] {strides = array<i32>} : memref<16x128xf32, #tpu.memory_space<vmem>>, vector<1x16xf32>,
    %get3A_4499 = vector.shape_cast %get3A_4498 : vector<1x16xf32> to vector<16xf32>
    %sub3A_4500 = arith.constant 1.000000e+00 : f32
    %sub3A_4501 = vector.broadcast %sub3A_4500 : f32 to vector<16xf32>
    %sub3A_4502 = arith.subf %sub3A_4501, %get3A_4499 : vector<16xf32>
    %mul3A_4503 = arith.mulf %sub3A_4502, %sub3A_4502 : vector<16xf32>
    %add3A_4504 = arith.addf %add3A_4411, %mul3A_4503 : vector<16xf32>
    %get3A_4505 = arith.constant 7 : i32
    %get3A_4506 = arith.index_cast %get3A_4505 : i32 to index
    %get3A_4507 = arith.constant 64 : index
    %get3A_4508 = tpu.vector_load %arg8[%get3A_4506, %get3A_4507] {strides = array<i32>} : memref<16x128xf32, #tpu.memory_space<vmem>>, vector<1x16xf32>,
    %get3A_4509 = vector.shape_cast %get3A_4508 : vector<1x16xf32> to vector<16xf32>
    %sub3A_4510 = arith.constant 1.000000e+00 : f32
    %sub3A_4511 = vector.broadcast %sub3A_4510 : f32 to vector<16xf32>
    %sub3A_4512 = arith.subf %sub3A_4511, %get3A_4509 : vector<16xf32>
    %mul3A_4513 = arith.mulf %sub3A_4512, %sub3A_4512 : vector<16xf32>
    %add3A_4514 = arith.addf %add3A_4421, %mul3A_4513 : vector<16xf32>
    %get3A_4515 = arith.constant 7 : i32
    %get3A_4516 = arith.index_cast %get3A_4515 : i32 to index
    %get3A_4517 = arith.constant 80 : index
    %get3A_4518 = tpu.vector_load %arg8[%get3A_4516, %get3A_4517] {strides = array<i32>} : memref<16x128xf32, #tpu.memory_space<vmem>>, vector<1x16xf32>,
    %get3A_4519 = vector.shape_cast %get3A_4518 : vector<1x16xf32> to vector<16xf32>
    %sub3A_4520 = arith.constant 1.000000e+00 : f32
    %sub3A_4521 = vector.broadcast %sub3A_4520 : f32 to vector<16xf32>
    %sub3A_4522 = arith.subf %sub3A_4521, %get3A_4519 : vector<16xf32>
    %mul3A_4523 = arith.mulf %sub3A_4522, %sub3A_4522 : vector<16xf32>
    %add3A_4524 = arith.addf %add3A_4431, %mul3A_4523 : vector<16xf32>
    %get3A_4525 = arith.constant 7 : i32
    %get3A_4526 = arith.index_cast %get3A_4525 : i32 to index
    %get3A_4527 = arith.constant 96 : index
    %get3A_4528 = tpu.vector_load %arg8[%get3A_4526, %get3A_4527] {strides = array<i32>} : memref<16x128xf32, #tpu.memory_space<vmem>>, vector<1x16xf32>,
    %get3A_4529 = vector.shape_cast %get3A_4528 : vector<1x16xf32> to vector<16xf32>
    %sub3A_4530 = arith.constant 1.000000e+00 : f32
    %sub3A_4531 = vector.broadcast %sub3A_4530 : f32 to vector<16xf32>
    %sub3A_4532 = arith.subf %sub3A_4531, %get3A_4529 : vector<16xf32>
    %mul3A_4533 = arith.mulf %sub3A_4532, %sub3A_4532 : vector<16xf32>
    %add3A_4534 = arith.addf %add3A_4441, %mul3A_4533 : vector<16xf32>
    %get3A_4535 = arith.constant 7 : i32
    %get3A_4536 = arith.index_cast %get3A_4535 : i32 to index
    %get3A_4537 = arith.constant 112 : index
    %get3A_4538 = tpu.vector_load %arg8[%get3A_4536, %get3A_4537] {strides = array<i32>} : memref<16x128xf32, #tpu.memory_space<vmem>>, vector<1x16xf32>,
    %get3A_4539 = vector.shape_cast %get3A_4538 : vector<1x16xf32> to vector<16xf32>
    %sub3A_4540 = arith.constant 1.000000e+00 : f32
    %sub3A_4541 = vector.broadcast %sub3A_4540 : f32 to vector<16xf32>
    %sub3A_4542 = arith.subf %sub3A_4541, %get3A_4539 : vector<16xf32>
    %mul3A_4543 = arith.mulf %sub3A_4542, %sub3A_4542 : vector<16xf32>
    %add3A_4544 = arith.addf %add3A_4451, %mul3A_4543 : vector<16xf32>
    %dma_wait3A_4545 = arith.constant 8 : i32
    %dma_wait3A_4546 = arith.constant 8 : i32
    %dma_wait3A_4547 = arith.constant 8 : i32
    %dma_wait3A_4548 = arith.constant 0 : i32
    %dma_wait3A_4549 = tpu.memref_slice %arg8[%dma_wait3A_4546, %dma_wait3A_4548] : memref<16x128xf32, #tpu.memory_space<vmem>> -> memref<1x128xf32, #tpu.memory_space<vmem>>
    %dma_wait3A_4550 = tpu.memref_squeeze %dma_wait3A_4549 : memref<1x128xf32, #tpu.memory_space<vmem>> -> memref<128xf32, #tpu.memory_space<vmem>>
    %dma_wait3A_4551 = arith.constant 0 : i32
    %dma_wait3A_4552 = tpu.memref_slice %arg7[%dma_wait3A_4545, %dma_wait3A_4551] : memref<16x128xi32, #tpu.memory_space<vmem>> -> memref<1x128xi32, #tpu.memory_space<vmem>>
    %dma_wait3A_4553 = tpu.memref_squeeze %dma_wait3A_4552 : memref<1x128xi32, #tpu.memory_space<vmem>> -> memref<128xi32, #tpu.memory_space<vmem>>
    %dma_wait3A_4554 = arith.constant 0 : i32
    %dma_wait3A_4555 = tpu.memref_slice %arg2[%dma_wait3A_4554] : memref<67108864xf32, #tpu.memory_space<hbm>> -> memref<67108864xf32, #tpu.memory_space<hbm>>
    %dma_wait3A_4556 = tpu.memref_slice %arg12[%dma_wait3A_4547] : memref<16x!tpu.dma_semaphore, #tpu.memory_space<semaphore_mem>> -> memref<1x!tpu.dma_semaphore, #tpu.memory_space<semaphore_mem>>
    %dma_wait3A_4557 = tpu.memref_squeeze %dma_wait3A_4556 : memref<1x!tpu.dma_semaphore, #tpu.memory_space<semaphore_mem>> -> memref<!tpu.dma_semaphore, #tpu.memory_space<semaphore_mem>>
    tpu.wait_indirect_dma semaphore(%dma_wait3A_4557 : memref<!tpu.dma_semaphore, #tpu.memory_space<semaphore_mem>>) src(%dma_wait3A_4555 : memref<67108864xf32, #tpu.memory_space<hbm>>) dst(%dma_wait3A_4550 : memref<128xf32, #tpu.memory_space<vmem>>)
    %get3A_4558 = arith.constant 8 : i32
    %get3A_4559 = arith.index_cast %get3A_4558 : i32 to index
    %get3A_4560 = arith.constant 0 : index
    %get3A_4561 = tpu.vector_load %arg8[%get3A_4559, %get3A_4560] {strides = array<i32>} : memref<16x128xf32, #tpu.memory_space<vmem>>, vector<1x16xf32>,
    %get3A_4562 = vector.shape_cast %get3A_4561 : vector<1x16xf32> to vector<16xf32>
    %sub3A_4563 = arith.constant 1.000000e+00 : f32
    %sub3A_4564 = vector.broadcast %sub3A_4563 : f32 to vector<16xf32>
    %sub3A_4565 = arith.subf %sub3A_4564, %get3A_4562 : vector<16xf32>
    %mul3A_4566 = arith.mulf %sub3A_4565, %sub3A_4565 : vector<16xf32>
    %add3A_4567 = arith.addf %add3A_4474, %mul3A_4566 : vector<16xf32>
    %get3A_4568 = arith.constant 8 : i32
    %get3A_4569 = arith.index_cast %get3A_4568 : i32 to index
    %get3A_4570 = arith.constant 16 : index
    %get3A_4571 = tpu.vector_load %arg8[%get3A_4569, %get3A_4570] {strides = array<i32>} : memref<16x128xf32, #tpu.memory_space<vmem>>, vector<1x16xf32>,
    %get3A_4572 = vector.shape_cast %get3A_4571 : vector<1x16xf32> to vector<16xf32>
    %sub3A_4573 = arith.constant 1.000000e+00 : f32
    %sub3A_4574 = vector.broadcast %sub3A_4573 : f32 to vector<16xf32>
    %sub3A_4575 = arith.subf %sub3A_4574, %get3A_4572 : vector<16xf32>
    %mul3A_4576 = arith.mulf %sub3A_4575, %sub3A_4575 : vector<16xf32>
    %add3A_4577 = arith.addf %add3A_4484, %mul3A_4576 : vector<16xf32>
    %get3A_4578 = arith.constant 8 : i32
    %get3A_4579 = arith.index_cast %get3A_4578 : i32 to index
    %get3A_4580 = arith.constant 32 : index
    %get3A_4581 = tpu.vector_load %arg8[%get3A_4579, %get3A_4580] {strides = array<i32>} : memref<16x128xf32, #tpu.memory_space<vmem>>, vector<1x16xf32>,
    %get3A_4582 = vector.shape_cast %get3A_4581 : vector<1x16xf32> to vector<16xf32>
    %sub3A_4583 = arith.constant 1.000000e+00 : f32
    %sub3A_4584 = vector.broadcast %sub3A_4583 : f32 to vector<16xf32>
    %sub3A_4585 = arith.subf %sub3A_4584, %get3A_4582 : vector<16xf32>
    %mul3A_4586 = arith.mulf %sub3A_4585, %sub3A_4585 : vector<16xf32>
    %add3A_4587 = arith.addf %add3A_4494, %mul3A_4586 : vector<16xf32>
    %get3A_4588 = arith.constant 8 : i32
    %get3A_4589 = arith.index_cast %get3A_4588 : i32 to index
    %get3A_4590 = arith.constant 48 : index
    %get3A_4591 = tpu.vector_load %arg8[%get3A_4589, %get3A_4590] {strides = array<i32>} : memref<16x128xf32, #tpu.memory_space<vmem>>, vector<1x16xf32>,
    %get3A_4592 = vector.shape_cast %get3A_4591 : vector<1x16xf32> to vector<16xf32>
    %sub3A_4593 = arith.constant 1.000000e+00 : f32
    %sub3A_4594 = vector.broadcast %sub3A_4593 : f32 to vector<16xf32>
    %sub3A_4595 = arith.subf %sub3A_4594, %get3A_4592 : vector<16xf32>
    %mul3A_4596 = arith.mulf %sub3A_4595, %sub3A_4595 : vector<16xf32>
    %add3A_4597 = arith.addf %add3A_4504, %mul3A_4596 : vector<16xf32>
    %get3A_4598 = arith.constant 8 : i32
    %get3A_4599 = arith.index_cast %get3A_4598 : i32 to index
    %get3A_4600 = arith.constant 64 : index
    %get3A_4601 = tpu.vector_load %arg8[%get3A_4599, %get3A_4600] {strides = array<i32>} : memref<16x128xf32, #tpu.memory_space<vmem>>, vector<1x16xf32>,
    %get3A_4602 = vector.shape_cast %get3A_4601 : vector<1x16xf32> to vector<16xf32>
    %sub3A_4603 = arith.constant 1.000000e+00 : f32
    %sub3A_4604 = vector.broadcast %sub3A_4603 : f32 to vector<16xf32>
    %sub3A_4605 = arith.subf %sub3A_4604, %get3A_4602 : vector<16xf32>
    %mul3A_4606 = arith.mulf %sub3A_4605, %sub3A_4605 : vector<16xf32>
    %add3A_4607 = arith.addf %add3A_4514, %mul3A_4606 : vector<16xf32>
    %get3A_4608 = arith.constant 8 : i32
    %get3A_4609 = arith.index_cast %get3A_4608 : i32 to index
    %get3A_4610 = arith.constant 80 : index
    %get3A_4611 = tpu.vector_load %arg8[%get3A_4609, %get3A_4610] {strides = array<i32>} : memref<16x128xf32, #tpu.memory_space<vmem>>, vector<1x16xf32>,
    %get3A_4612 = vector.shape_cast %get3A_4611 : vector<1x16xf32> to vector<16xf32>
    %sub3A_4613 = arith.constant 1.000000e+00 : f32
    %sub3A_4614 = vector.broadcast %sub3A_4613 : f32 to vector<16xf32>
    %sub3A_4615 = arith.subf %sub3A_4614, %get3A_4612 : vector<16xf32>
    %mul3A_4616 = arith.mulf %sub3A_4615, %sub3A_4615 : vector<16xf32>
    %add3A_4617 = arith.addf %add3A_4524, %mul3A_4616 : vector<16xf32>
    %get3A_4618 = arith.constant 8 : i32
    %get3A_4619 = arith.index_cast %get3A_4618 : i32 to index
    %get3A_4620 = arith.constant 96 : index
    %get3A_4621 = tpu.vector_load %arg8[%get3A_4619, %get3A_4620] {strides = array<i32>} : memref<16x128xf32, #tpu.memory_space<vmem>>, vector<1x16xf32>,
    %get3A_4622 = vector.shape_cast %get3A_4621 : vector<1x16xf32> to vector<16xf32>
    %sub3A_4623 = arith.constant 1.000000e+00 : f32
    %sub3A_4624 = vector.broadcast %sub3A_4623 : f32 to vector<16xf32>
    %sub3A_4625 = arith.subf %sub3A_4624, %get3A_4622 : vector<16xf32>
    %mul3A_4626 = arith.mulf %sub3A_4625, %sub3A_4625 : vector<16xf32>
    %add3A_4627 = arith.addf %add3A_4534, %mul3A_4626 : vector<16xf32>
    %get3A_4628 = arith.constant 8 : i32
    %get3A_4629 = arith.index_cast %get3A_4628 : i32 to index
    %get3A_4630 = arith.constant 112 : index
    %get3A_4631 = tpu.vector_load %arg8[%get3A_4629, %get3A_4630] {strides = array<i32>} : memref<16x128xf32, #tpu.memory_space<vmem>>, vector<1x16xf32>,
    %get3A_4632 = vector.shape_cast %get3A_4631 : vector<1x16xf32> to vector<16xf32>
    %sub3A_4633 = arith.constant 1.000000e+00 : f32
    %sub3A_4634 = vector.broadcast %sub3A_4633 : f32 to vector<16xf32>
    %sub3A_4635 = arith.subf %sub3A_4634, %get3A_4632 : vector<16xf32>
    %mul3A_4636 = arith.mulf %sub3A_4635, %sub3A_4635 : vector<16xf32>
    %add3A_4637 = arith.addf %add3A_4544, %mul3A_4636 : vector<16xf32>
    %dma_wait3A_4638 = arith.constant 9 : i32
    %dma_wait3A_4639 = arith.constant 9 : i32
    %dma_wait3A_4640 = arith.constant 9 : i32
    %dma_wait3A_4641 = arith.constant 0 : i32
    %dma_wait3A_4642 = tpu.memref_slice %arg8[%dma_wait3A_4639, %dma_wait3A_4641] : memref<16x128xf32, #tpu.memory_space<vmem>> -> memref<1x128xf32, #tpu.memory_space<vmem>>
    %dma_wait3A_4643 = tpu.memref_squeeze %dma_wait3A_4642 : memref<1x128xf32, #tpu.memory_space<vmem>> -> memref<128xf32, #tpu.memory_space<vmem>>
    %dma_wait3A_4644 = arith.constant 0 : i32
    %dma_wait3A_4645 = tpu.memref_slice %arg7[%dma_wait3A_4638, %dma_wait3A_4644] : memref<16x128xi32, #tpu.memory_space<vmem>> -> memref<1x128xi32, #tpu.memory_space<vmem>>
    %dma_wait3A_4646 = tpu.memref_squeeze %dma_wait3A_4645 : memref<1x128xi32, #tpu.memory_space<vmem>> -> memref<128xi32, #tpu.memory_space<vmem>>
    %dma_wait3A_4647 = arith.constant 0 : i32
    %dma_wait3A_4648 = tpu.memref_slice %arg2[%dma_wait3A_4647] : memref<67108864xf32, #tpu.memory_space<hbm>> -> memref<67108864xf32, #tpu.memory_space<hbm>>
    %dma_wait3A_4649 = tpu.memref_slice %arg12[%dma_wait3A_4640] : memref<16x!tpu.dma_semaphore, #tpu.memory_space<semaphore_mem>> -> memref<1x!tpu.dma_semaphore, #tpu.memory_space<semaphore_mem>>
    %dma_wait3A_4650 = tpu.memref_squeeze %dma_wait3A_4649 : memref<1x!tpu.dma_semaphore, #tpu.memory_space<semaphore_mem>> -> memref<!tpu.dma_semaphore, #tpu.memory_space<semaphore_mem>>
    tpu.wait_indirect_dma semaphore(%dma_wait3A_4650 : memref<!tpu.dma_semaphore, #tpu.memory_space<semaphore_mem>>) src(%dma_wait3A_4648 : memref<67108864xf32, #tpu.memory_space<hbm>>) dst(%dma_wait3A_4643 : memref<128xf32, #tpu.memory_space<vmem>>)
    %get3A_4651 = arith.constant 9 : i32
    %get3A_4652 = arith.index_cast %get3A_4651 : i32 to index
    %get3A_4653 = arith.constant 0 : index
    %get3A_4654 = tpu.vector_load %arg8[%get3A_4652, %get3A_4653] {strides = array<i32>} : memref<16x128xf32, #tpu.memory_space<vmem>>, vector<1x16xf32>,
    %get3A_4655 = vector.shape_cast %get3A_4654 : vector<1x16xf32> to vector<16xf32>
    %sub3A_4656 = arith.constant 1.000000e+00 : f32
    %sub3A_4657 = vector.broadcast %sub3A_4656 : f32 to vector<16xf32>
    %sub3A_4658 = arith.subf %sub3A_4657, %get3A_4655 : vector<16xf32>
    %mul3A_4659 = arith.mulf %sub3A_4658, %sub3A_4658 : vector<16xf32>
    %add3A_4660 = arith.addf %add3A_4567, %mul3A_4659 : vector<16xf32>
    %get3A_4661 = arith.constant 9 : i32
    %get3A_4662 = arith.index_cast %get3A_4661 : i32 to index
    %get3A_4663 = arith.constant 16 : index
    %get3A_4664 = tpu.vector_load %arg8[%get3A_4662, %get3A_4663] {strides = array<i32>} : memref<16x128xf32, #tpu.memory_space<vmem>>, vector<1x16xf32>,
    %get3A_4665 = vector.shape_cast %get3A_4664 : vector<1x16xf32> to vector<16xf32>
    %sub3A_4666 = arith.constant 1.000000e+00 : f32
    %sub3A_4667 = vector.broadcast %sub3A_4666 : f32 to vector<16xf32>
    %sub3A_4668 = arith.subf %sub3A_4667, %get3A_4665 : vector<16xf32>
    %mul3A_4669 = arith.mulf %sub3A_4668, %sub3A_4668 : vector<16xf32>
    %add3A_4670 = arith.addf %add3A_4577, %mul3A_4669 : vector<16xf32>
    %get3A_4671 = arith.constant 9 : i32
    %get3A_4672 = arith.index_cast %get3A_4671 : i32 to index
    %get3A_4673 = arith.constant 32 : index
    %get3A_4674 = tpu.vector_load %arg8[%get3A_4672, %get3A_4673] {strides = array<i32>} : memref<16x128xf32, #tpu.memory_space<vmem>>, vector<1x16xf32>,
    %get3A_4675 = vector.shape_cast %get3A_4674 : vector<1x16xf32> to vector<16xf32>
    %sub3A_4676 = arith.constant 1.000000e+00 : f32
    %sub3A_4677 = vector.broadcast %sub3A_4676 : f32 to vector<16xf32>
    %sub3A_4678 = arith.subf %sub3A_4677, %get3A_4675 : vector<16xf32>
    %mul3A_4679 = arith.mulf %sub3A_4678, %sub3A_4678 : vector<16xf32>
    %add3A_4680 = arith.addf %add3A_4587, %mul3A_4679 : vector<16xf32>
    %get3A_4681 = arith.constant 9 : i32
    %get3A_4682 = arith.index_cast %get3A_4681 : i32 to index
    %get3A_4683 = arith.constant 48 : index
    %get3A_4684 = tpu.vector_load %arg8[%get3A_4682, %get3A_4683] {strides = array<i32>} : memref<16x128xf32, #tpu.memory_space<vmem>>, vector<1x16xf32>,
    %get3A_4685 = vector.shape_cast %get3A_4684 : vector<1x16xf32> to vector<16xf32>
    %sub3A_4686 = arith.constant 1.000000e+00 : f32
    %sub3A_4687 = vector.broadcast %sub3A_4686 : f32 to vector<16xf32>
    %sub3A_4688 = arith.subf %sub3A_4687, %get3A_4685 : vector<16xf32>
    %mul3A_4689 = arith.mulf %sub3A_4688, %sub3A_4688 : vector<16xf32>
    %add3A_4690 = arith.addf %add3A_4597, %mul3A_4689 : vector<16xf32>
    %get3A_4691 = arith.constant 9 : i32
    %get3A_4692 = arith.index_cast %get3A_4691 : i32 to index
    %get3A_4693 = arith.constant 64 : index
    %get3A_4694 = tpu.vector_load %arg8[%get3A_4692, %get3A_4693] {strides = array<i32>} : memref<16x128xf32, #tpu.memory_space<vmem>>, vector<1x16xf32>,
    %get3A_4695 = vector.shape_cast %get3A_4694 : vector<1x16xf32> to vector<16xf32>
    %sub3A_4696 = arith.constant 1.000000e+00 : f32
    %sub3A_4697 = vector.broadcast %sub3A_4696 : f32 to vector<16xf32>
    %sub3A_4698 = arith.subf %sub3A_4697, %get3A_4695 : vector<16xf32>
    %mul3A_4699 = arith.mulf %sub3A_4698, %sub3A_4698 : vector<16xf32>
    %add3A_4700 = arith.addf %add3A_4607, %mul3A_4699 : vector<16xf32>
    %get3A_4701 = arith.constant 9 : i32
    %get3A_4702 = arith.index_cast %get3A_4701 : i32 to index
    %get3A_4703 = arith.constant 80 : index
    %get3A_4704 = tpu.vector_load %arg8[%get3A_4702, %get3A_4703] {strides = array<i32>} : memref<16x128xf32, #tpu.memory_space<vmem>>, vector<1x16xf32>,
    %get3A_4705 = vector.shape_cast %get3A_4704 : vector<1x16xf32> to vector<16xf32>
    %sub3A_4706 = arith.constant 1.000000e+00 : f32
    %sub3A_4707 = vector.broadcast %sub3A_4706 : f32 to vector<16xf32>
    %sub3A_4708 = arith.subf %sub3A_4707, %get3A_4705 : vector<16xf32>
    %mul3A_4709 = arith.mulf %sub3A_4708, %sub3A_4708 : vector<16xf32>
    %add3A_4710 = arith.addf %add3A_4617, %mul3A_4709 : vector<16xf32>
    %get3A_4711 = arith.constant 9 : i32
    %get3A_4712 = arith.index_cast %get3A_4711 : i32 to index
    %get3A_4713 = arith.constant 96 : index
    %get3A_4714 = tpu.vector_load %arg8[%get3A_4712, %get3A_4713] {strides = array<i32>} : memref<16x128xf32, #tpu.memory_space<vmem>>, vector<1x16xf32>,
    %get3A_4715 = vector.shape_cast %get3A_4714 : vector<1x16xf32> to vector<16xf32>
    %sub3A_4716 = arith.constant 1.000000e+00 : f32
    %sub3A_4717 = vector.broadcast %sub3A_4716 : f32 to vector<16xf32>
    %sub3A_4718 = arith.subf %sub3A_4717, %get3A_4715 : vector<16xf32>
    %mul3A_4719 = arith.mulf %sub3A_4718, %sub3A_4718 : vector<16xf32>
    %add3A_4720 = arith.addf %add3A_4627, %mul3A_4719 : vector<16xf32>
    %get3A_4721 = arith.constant 9 : i32
    %get3A_4722 = arith.index_cast %get3A_4721 : i32 to index
    %get3A_4723 = arith.constant 112 : index
    %get3A_4724 = tpu.vector_load %arg8[%get3A_4722, %get3A_4723] {strides = array<i32>} : memref<16x128xf32, #tpu.memory_space<vmem>>, vector<1x16xf32>,
    %get3A_4725 = vector.shape_cast %get3A_4724 : vector<1x16xf32> to vector<16xf32>
    %sub3A_4726 = arith.constant 1.000000e+00 : f32
    %sub3A_4727 = vector.broadcast %sub3A_4726 : f32 to vector<16xf32>
    %sub3A_4728 = arith.subf %sub3A_4727, %get3A_4725 : vector<16xf32>
    %mul3A_4729 = arith.mulf %sub3A_4728, %sub3A_4728 : vector<16xf32>
    %add3A_4730 = arith.addf %add3A_4637, %mul3A_4729 : vector<16xf32>
    %dma_wait3A_4731 = arith.constant 10 : i32
    %dma_wait3A_4732 = arith.constant 10 : i32
    %dma_wait3A_4733 = arith.constant 10 : i32
    %dma_wait3A_4734 = arith.constant 0 : i32
    %dma_wait3A_4735 = tpu.memref_slice %arg8[%dma_wait3A_4732, %dma_wait3A_4734] : memref<16x128xf32, #tpu.memory_space<vmem>> -> memref<1x128xf32, #tpu.memory_space<vmem>>
    %dma_wait3A_4736 = tpu.memref_squeeze %dma_wait3A_4735 : memref<1x128xf32, #tpu.memory_space<vmem>> -> memref<128xf32, #tpu.memory_space<vmem>>
    %dma_wait3A_4737 = arith.constant 0 : i32
    %dma_wait3A_4738 = tpu.memref_slice %arg7[%dma_wait3A_4731, %dma_wait3A_4737] : memref<16x128xi32, #tpu.memory_space<vmem>> -> memref<1x128xi32, #tpu.memory_space<vmem>>
    %dma_wait3A_4739 = tpu.memref_squeeze %dma_wait3A_4738 : memref<1x128xi32, #tpu.memory_space<vmem>> -> memref<128xi32, #tpu.memory_space<vmem>>
    %dma_wait3A_4740 = arith.constant 0 : i32
    %dma_wait3A_4741 = tpu.memref_slice %arg2[%dma_wait3A_4740] : memref<67108864xf32, #tpu.memory_space<hbm>> -> memref<67108864xf32, #tpu.memory_space<hbm>>
    %dma_wait3A_4742 = tpu.memref_slice %arg12[%dma_wait3A_4733] : memref<16x!tpu.dma_semaphore, #tpu.memory_space<semaphore_mem>> -> memref<1x!tpu.dma_semaphore, #tpu.memory_space<semaphore_mem>>
    %dma_wait3A_4743 = tpu.memref_squeeze %dma_wait3A_4742 : memref<1x!tpu.dma_semaphore, #tpu.memory_space<semaphore_mem>> -> memref<!tpu.dma_semaphore, #tpu.memory_space<semaphore_mem>>
    tpu.wait_indirect_dma semaphore(%dma_wait3A_4743 : memref<!tpu.dma_semaphore, #tpu.memory_space<semaphore_mem>>) src(%dma_wait3A_4741 : memref<67108864xf32, #tpu.memory_space<hbm>>) dst(%dma_wait3A_4736 : memref<128xf32, #tpu.memory_space<vmem>>)
    %get3A_4744 = arith.constant 10 : i32
    %get3A_4745 = arith.index_cast %get3A_4744 : i32 to index
    %get3A_4746 = arith.constant 0 : index
    %get3A_4747 = tpu.vector_load %arg8[%get3A_4745, %get3A_4746] {strides = array<i32>} : memref<16x128xf32, #tpu.memory_space<vmem>>, vector<1x16xf32>,
    %get3A_4748 = vector.shape_cast %get3A_4747 : vector<1x16xf32> to vector<16xf32>
    %sub3A_4749 = arith.constant 1.000000e+00 : f32
    %sub3A_4750 = vector.broadcast %sub3A_4749 : f32 to vector<16xf32>
    %sub3A_4751 = arith.subf %sub3A_4750, %get3A_4748 : vector<16xf32>
    %mul3A_4752 = arith.mulf %sub3A_4751, %sub3A_4751 : vector<16xf32>
    %add3A_4753 = arith.addf %add3A_4660, %mul3A_4752 : vector<16xf32>
    %get3A_4754 = arith.constant 10 : i32
    %get3A_4755 = arith.index_cast %get3A_4754 : i32 to index
    %get3A_4756 = arith.constant 16 : index
    %get3A_4757 = tpu.vector_load %arg8[%get3A_4755, %get3A_4756] {strides = array<i32>} : memref<16x128xf32, #tpu.memory_space<vmem>>, vector<1x16xf32>,
    %get3A_4758 = vector.shape_cast %get3A_4757 : vector<1x16xf32> to vector<16xf32>
    %sub3A_4759 = arith.constant 1.000000e+00 : f32
    %sub3A_4760 = vector.broadcast %sub3A_4759 : f32 to vector<16xf32>
    %sub3A_4761 = arith.subf %sub3A_4760, %get3A_4758 : vector<16xf32>
    %mul3A_4762 = arith.mulf %sub3A_4761, %sub3A_4761 : vector<16xf32>
    %add3A_4763 = arith.addf %add3A_4670, %mul3A_4762 : vector<16xf32>
    %get3A_4764 = arith.constant 10 : i32
    %get3A_4765 = arith.index_cast %get3A_4764 : i32 to index
    %get3A_4766 = arith.constant 32 : index
    %get3A_4767 = tpu.vector_load %arg8[%get3A_4765, %get3A_4766] {strides = array<i32>} : memref<16x128xf32, #tpu.memory_space<vmem>>, vector<1x16xf32>,
    %get3A_4768 = vector.shape_cast %get3A_4767 : vector<1x16xf32> to vector<16xf32>
    %sub3A_4769 = arith.constant 1.000000e+00 : f32
    %sub3A_4770 = vector.broadcast %sub3A_4769 : f32 to vector<16xf32>
    %sub3A_4771 = arith.subf %sub3A_4770, %get3A_4768 : vector<16xf32>
    %mul3A_4772 = arith.mulf %sub3A_4771, %sub3A_4771 : vector<16xf32>
    %add3A_4773 = arith.addf %add3A_4680, %mul3A_4772 : vector<16xf32>
    %get3A_4774 = arith.constant 10 : i32
    %get3A_4775 = arith.index_cast %get3A_4774 : i32 to index
    %get3A_4776 = arith.constant 48 : index
    %get3A_4777 = tpu.vector_load %arg8[%get3A_4775, %get3A_4776] {strides = array<i32>} : memref<16x128xf32, #tpu.memory_space<vmem>>, vector<1x16xf32>,
    %get3A_4778 = vector.shape_cast %get3A_4777 : vector<1x16xf32> to vector<16xf32>
    %sub3A_4779 = arith.constant 1.000000e+00 : f32
    %sub3A_4780 = vector.broadcast %sub3A_4779 : f32 to vector<16xf32>
    %sub3A_4781 = arith.subf %sub3A_4780, %get3A_4778 : vector<16xf32>
    %mul3A_4782 = arith.mulf %sub3A_4781, %sub3A_4781 : vector<16xf32>
    %add3A_4783 = arith.addf %add3A_4690, %mul3A_4782 : vector<16xf32>
    %get3A_4784 = arith.constant 10 : i32
    %get3A_4785 = arith.index_cast %get3A_4784 : i32 to index
    %get3A_4786 = arith.constant 64 : index
    %get3A_4787 = tpu.vector_load %arg8[%get3A_4785, %get3A_4786] {strides = array<i32>} : memref<16x128xf32, #tpu.memory_space<vmem>>, vector<1x16xf32>,
    %get3A_4788 = vector.shape_cast %get3A_4787 : vector<1x16xf32> to vector<16xf32>
    %sub3A_4789 = arith.constant 1.000000e+00 : f32
    %sub3A_4790 = vector.broadcast %sub3A_4789 : f32 to vector<16xf32>
    %sub3A_4791 = arith.subf %sub3A_4790, %get3A_4788 : vector<16xf32>
    %mul3A_4792 = arith.mulf %sub3A_4791, %sub3A_4791 : vector<16xf32>
    %add3A_4793 = arith.addf %add3A_4700, %mul3A_4792 : vector<16xf32>
    %get3A_4794 = arith.constant 10 : i32
    %get3A_4795 = arith.index_cast %get3A_4794 : i32 to index
    %get3A_4796 = arith.constant 80 : index
    %get3A_4797 = tpu.vector_load %arg8[%get3A_4795, %get3A_4796] {strides = array<i32>} : memref<16x128xf32, #tpu.memory_space<vmem>>, vector<1x16xf32>,
    %get3A_4798 = vector.shape_cast %get3A_4797 : vector<1x16xf32> to vector<16xf32>
    %sub3A_4799 = arith.constant 1.000000e+00 : f32
    %sub3A_4800 = vector.broadcast %sub3A_4799 : f32 to vector<16xf32>
    %sub3A_4801 = arith.subf %sub3A_4800, %get3A_4798 : vector<16xf32>
    %mul3A_4802 = arith.mulf %sub3A_4801, %sub3A_4801 : vector<16xf32>
    %add3A_4803 = arith.addf %add3A_4710, %mul3A_4802 : vector<16xf32>
    %get3A_4804 = arith.constant 10 : i32
    %get3A_4805 = arith.index_cast %get3A_4804 : i32 to index
    %get3A_4806 = arith.constant 96 : index
    %get3A_4807 = tpu.vector_load %arg8[%get3A_4805, %get3A_4806] {strides = array<i32>} : memref<16x128xf32, #tpu.memory_space<vmem>>, vector<1x16xf32>,
    %get3A_4808 = vector.shape_cast %get3A_4807 : vector<1x16xf32> to vector<16xf32>
    %sub3A_4809 = arith.constant 1.000000e+00 : f32
    %sub3A_4810 = vector.broadcast %sub3A_4809 : f32 to vector<16xf32>
    %sub3A_4811 = arith.subf %sub3A_4810, %get3A_4808 : vector<16xf32>
    %mul3A_4812 = arith.mulf %sub3A_4811, %sub3A_4811 : vector<16xf32>
    %add3A_4813 = arith.addf %add3A_4720, %mul3A_4812 : vector<16xf32>
    %get3A_4814 = arith.constant 10 : i32
    %get3A_4815 = arith.index_cast %get3A_4814 : i32 to index
    %get3A_4816 = arith.constant 112 : index
    %get3A_4817 = tpu.vector_load %arg8[%get3A_4815, %get3A_4816] {strides = array<i32>} : memref<16x128xf32, #tpu.memory_space<vmem>>, vector<1x16xf32>,
    %get3A_4818 = vector.shape_cast %get3A_4817 : vector<1x16xf32> to vector<16xf32>
    %sub3A_4819 = arith.constant 1.000000e+00 : f32
    %sub3A_4820 = vector.broadcast %sub3A_4819 : f32 to vector<16xf32>
    %sub3A_4821 = arith.subf %sub3A_4820, %get3A_4818 : vector<16xf32>
    %mul3A_4822 = arith.mulf %sub3A_4821, %sub3A_4821 : vector<16xf32>
    %add3A_4823 = arith.addf %add3A_4730, %mul3A_4822 : vector<16xf32>
    %dma_wait3A_4824 = arith.constant 11 : i32
    %dma_wait3A_4825 = arith.constant 11 : i32
    %dma_wait3A_4826 = arith.constant 11 : i32
    %dma_wait3A_4827 = arith.constant 0 : i32
    %dma_wait3A_4828 = tpu.memref_slice %arg8[%dma_wait3A_4825, %dma_wait3A_4827] : memref<16x128xf32, #tpu.memory_space<vmem>> -> memref<1x128xf32, #tpu.memory_space<vmem>>
    %dma_wait3A_4829 = tpu.memref_squeeze %dma_wait3A_4828 : memref<1x128xf32, #tpu.memory_space<vmem>> -> memref<128xf32, #tpu.memory_space<vmem>>
    %dma_wait3A_4830 = arith.constant 0 : i32
    %dma_wait3A_4831 = tpu.memref_slice %arg7[%dma_wait3A_4824, %dma_wait3A_4830] : memref<16x128xi32, #tpu.memory_space<vmem>> -> memref<1x128xi32, #tpu.memory_space<vmem>>
    %dma_wait3A_4832 = tpu.memref_squeeze %dma_wait3A_4831 : memref<1x128xi32, #tpu.memory_space<vmem>> -> memref<128xi32, #tpu.memory_space<vmem>>
    %dma_wait3A_4833 = arith.constant 0 : i32
    %dma_wait3A_4834 = tpu.memref_slice %arg2[%dma_wait3A_4833] : memref<67108864xf32, #tpu.memory_space<hbm>> -> memref<67108864xf32, #tpu.memory_space<hbm>>
    %dma_wait3A_4835 = tpu.memref_slice %arg12[%dma_wait3A_4826] : memref<16x!tpu.dma_semaphore, #tpu.memory_space<semaphore_mem>> -> memref<1x!tpu.dma_semaphore, #tpu.memory_space<semaphore_mem>>
    %dma_wait3A_4836 = tpu.memref_squeeze %dma_wait3A_4835 : memref<1x!tpu.dma_semaphore, #tpu.memory_space<semaphore_mem>> -> memref<!tpu.dma_semaphore, #tpu.memory_space<semaphore_mem>>
    tpu.wait_indirect_dma semaphore(%dma_wait3A_4836 : memref<!tpu.dma_semaphore, #tpu.memory_space<semaphore_mem>>) src(%dma_wait3A_4834 : memref<67108864xf32, #tpu.memory_space<hbm>>) dst(%dma_wait3A_4829 : memref<128xf32, #tpu.memory_space<vmem>>)
    %get3A_4837 = arith.constant 11 : i32
    %get3A_4838 = arith.index_cast %get3A_4837 : i32 to index
    %get3A_4839 = arith.constant 0 : index
    %get3A_4840 = tpu.vector_load %arg8[%get3A_4838, %get3A_4839] {strides = array<i32>} : memref<16x128xf32, #tpu.memory_space<vmem>>, vector<1x16xf32>,
    %get3A_4841 = vector.shape_cast %get3A_4840 : vector<1x16xf32> to vector<16xf32>
    %sub3A_4842 = arith.constant 1.000000e+00 : f32
    %sub3A_4843 = vector.broadcast %sub3A_4842 : f32 to vector<16xf32>
    %sub3A_4844 = arith.subf %sub3A_4843, %get3A_4841 : vector<16xf32>
    %mul3A_4845 = arith.mulf %sub3A_4844, %sub3A_4844 : vector<16xf32>
    %add3A_4846 = arith.addf %add3A_4753, %mul3A_4845 : vector<16xf32>
    %get3A_4847 = arith.constant 11 : i32
    %get3A_4848 = arith.index_cast %get3A_4847 : i32 to index
    %get3A_4849 = arith.constant 16 : index
    %get3A_4850 = tpu.vector_load %arg8[%get3A_4848, %get3A_4849] {strides = array<i32>} : memref<16x128xf32, #tpu.memory_space<vmem>>, vector<1x16xf32>,
    %get3A_4851 = vector.shape_cast %get3A_4850 : vector<1x16xf32> to vector<16xf32>
    %sub3A_4852 = arith.constant 1.000000e+00 : f32
    %sub3A_4853 = vector.broadcast %sub3A_4852 : f32 to vector<16xf32>
    %sub3A_4854 = arith.subf %sub3A_4853, %get3A_4851 : vector<16xf32>
    %mul3A_4855 = arith.mulf %sub3A_4854, %sub3A_4854 : vector<16xf32>
    %add3A_4856 = arith.addf %add3A_4763, %mul3A_4855 : vector<16xf32>
    %get3A_4857 = arith.constant 11 : i32
    %get3A_4858 = arith.index_cast %get3A_4857 : i32 to index
    %get3A_4859 = arith.constant 32 : index
    %get3A_4860 = tpu.vector_load %arg8[%get3A_4858, %get3A_4859] {strides = array<i32>} : memref<16x128xf32, #tpu.memory_space<vmem>>, vector<1x16xf32>,
    %get3A_4861 = vector.shape_cast %get3A_4860 : vector<1x16xf32> to vector<16xf32>
    %sub3A_4862 = arith.constant 1.000000e+00 : f32
    %sub3A_4863 = vector.broadcast %sub3A_4862 : f32 to vector<16xf32>
    %sub3A_4864 = arith.subf %sub3A_4863, %get3A_4861 : vector<16xf32>
    %mul3A_4865 = arith.mulf %sub3A_4864, %sub3A_4864 : vector<16xf32>
    %add3A_4866 = arith.addf %add3A_4773, %mul3A_4865 : vector<16xf32>
    %get3A_4867 = arith.constant 11 : i32
    %get3A_4868 = arith.index_cast %get3A_4867 : i32 to index
    %get3A_4869 = arith.constant 48 : index
    %get3A_4870 = tpu.vector_load %arg8[%get3A_4868, %get3A_4869] {strides = array<i32>} : memref<16x128xf32, #tpu.memory_space<vmem>>, vector<1x16xf32>,
    %get3A_4871 = vector.shape_cast %get3A_4870 : vector<1x16xf32> to vector<16xf32>
    %sub3A_4872 = arith.constant 1.000000e+00 : f32
    %sub3A_4873 = vector.broadcast %sub3A_4872 : f32 to vector<16xf32>
    %sub3A_4874 = arith.subf %sub3A_4873, %get3A_4871 : vector<16xf32>
    %mul3A_4875 = arith.mulf %sub3A_4874, %sub3A_4874 : vector<16xf32>
    %add3A_4876 = arith.addf %add3A_4783, %mul3A_4875 : vector<16xf32>
    %get3A_4877 = arith.constant 11 : i32
    %get3A_4878 = arith.index_cast %get3A_4877 : i32 to index
    %get3A_4879 = arith.constant 64 : index
    %get3A_4880 = tpu.vector_load %arg8[%get3A_4878, %get3A_4879] {strides = array<i32>} : memref<16x128xf32, #tpu.memory_space<vmem>>, vector<1x16xf32>,
    %get3A_4881 = vector.shape_cast %get3A_4880 : vector<1x16xf32> to vector<16xf32>
    %sub3A_4882 = arith.constant 1.000000e+00 : f32
    %sub3A_4883 = vector.broadcast %sub3A_4882 : f32 to vector<16xf32>
    %sub3A_4884 = arith.subf %sub3A_4883, %get3A_4881 : vector<16xf32>
    %mul3A_4885 = arith.mulf %sub3A_4884, %sub3A_4884 : vector<16xf32>
    %add3A_4886 = arith.addf %add3A_4793, %mul3A_4885 : vector<16xf32>
    %get3A_4887 = arith.constant 11 : i32
    %get3A_4888 = arith.index_cast %get3A_4887 : i32 to index
    %get3A_4889 = arith.constant 80 : index
    %get3A_4890 = tpu.vector_load %arg8[%get3A_4888, %get3A_4889] {strides = array<i32>} : memref<16x128xf32, #tpu.memory_space<vmem>>, vector<1x16xf32>,
    %get3A_4891 = vector.shape_cast %get3A_4890 : vector<1x16xf32> to vector<16xf32>
    %sub3A_4892 = arith.constant 1.000000e+00 : f32
    %sub3A_4893 = vector.broadcast %sub3A_4892 : f32 to vector<16xf32>
    %sub3A_4894 = arith.subf %sub3A_4893, %get3A_4891 : vector<16xf32>
    %mul3A_4895 = arith.mulf %sub3A_4894, %sub3A_4894 : vector<16xf32>
    %add3A_4896 = arith.addf %add3A_4803, %mul3A_4895 : vector<16xf32>
    %get3A_4897 = arith.constant 11 : i32
    %get3A_4898 = arith.index_cast %get3A_4897 : i32 to index
    %get3A_4899 = arith.constant 96 : index
    %get3A_4900 = tpu.vector_load %arg8[%get3A_4898, %get3A_4899] {strides = array<i32>} : memref<16x128xf32, #tpu.memory_space<vmem>>, vector<1x16xf32>,
    %get3A_4901 = vector.shape_cast %get3A_4900 : vector<1x16xf32> to vector<16xf32>
    %sub3A_4902 = arith.constant 1.000000e+00 : f32
    %sub3A_4903 = vector.broadcast %sub3A_4902 : f32 to vector<16xf32>
    %sub3A_4904 = arith.subf %sub3A_4903, %get3A_4901 : vector<16xf32>
    %mul3A_4905 = arith.mulf %sub3A_4904, %sub3A_4904 : vector<16xf32>
    %add3A_4906 = arith.addf %add3A_4813, %mul3A_4905 : vector<16xf32>
    %get3A_4907 = arith.constant 11 : i32
    %get3A_4908 = arith.index_cast %get3A_4907 : i32 to index
    %get3A_4909 = arith.constant 112 : index
    %get3A_4910 = tpu.vector_load %arg8[%get3A_4908, %get3A_4909] {strides = array<i32>} : memref<16x128xf32, #tpu.memory_space<vmem>>, vector<1x16xf32>,
    %get3A_4911 = vector.shape_cast %get3A_4910 : vector<1x16xf32> to vector<16xf32>
    %sub3A_4912 = arith.constant 1.000000e+00 : f32
    %sub3A_4913 = vector.broadcast %sub3A_4912 : f32 to vector<16xf32>
    %sub3A_4914 = arith.subf %sub3A_4913, %get3A_4911 : vector<16xf32>
    %mul3A_4915 = arith.mulf %sub3A_4914, %sub3A_4914 : vector<16xf32>
    %add3A_4916 = arith.addf %add3A_4823, %mul3A_4915 : vector<16xf32>
    %dma_wait3A_4917 = arith.constant 12 : i32
    %dma_wait3A_4918 = arith.constant 12 : i32
    %dma_wait3A_4919 = arith.constant 12 : i32
    %dma_wait3A_4920 = arith.constant 0 : i32
    %dma_wait3A_4921 = tpu.memref_slice %arg8[%dma_wait3A_4918, %dma_wait3A_4920] : memref<16x128xf32, #tpu.memory_space<vmem>> -> memref<1x128xf32, #tpu.memory_space<vmem>>
    %dma_wait3A_4922 = tpu.memref_squeeze %dma_wait3A_4921 : memref<1x128xf32, #tpu.memory_space<vmem>> -> memref<128xf32, #tpu.memory_space<vmem>>
    %dma_wait3A_4923 = arith.constant 0 : i32
    %dma_wait3A_4924 = tpu.memref_slice %arg7[%dma_wait3A_4917, %dma_wait3A_4923] : memref<16x128xi32, #tpu.memory_space<vmem>> -> memref<1x128xi32, #tpu.memory_space<vmem>>
    %dma_wait3A_4925 = tpu.memref_squeeze %dma_wait3A_4924 : memref<1x128xi32, #tpu.memory_space<vmem>> -> memref<128xi32, #tpu.memory_space<vmem>>
    %dma_wait3A_4926 = arith.constant 0 : i32
    %dma_wait3A_4927 = tpu.memref_slice %arg2[%dma_wait3A_4926] : memref<67108864xf32, #tpu.memory_space<hbm>> -> memref<67108864xf32, #tpu.memory_space<hbm>>
    %dma_wait3A_4928 = tpu.memref_slice %arg12[%dma_wait3A_4919] : memref<16x!tpu.dma_semaphore, #tpu.memory_space<semaphore_mem>> -> memref<1x!tpu.dma_semaphore, #tpu.memory_space<semaphore_mem>>
    %dma_wait3A_4929 = tpu.memref_squeeze %dma_wait3A_4928 : memref<1x!tpu.dma_semaphore, #tpu.memory_space<semaphore_mem>> -> memref<!tpu.dma_semaphore, #tpu.memory_space<semaphore_mem>>
    tpu.wait_indirect_dma semaphore(%dma_wait3A_4929 : memref<!tpu.dma_semaphore, #tpu.memory_space<semaphore_mem>>) src(%dma_wait3A_4927 : memref<67108864xf32, #tpu.memory_space<hbm>>) dst(%dma_wait3A_4922 : memref<128xf32, #tpu.memory_space<vmem>>)
    %get3A_4930 = arith.constant 12 : i32
    %get3A_4931 = arith.index_cast %get3A_4930 : i32 to index
    %get3A_4932 = arith.constant 0 : index
    %get3A_4933 = tpu.vector_load %arg8[%get3A_4931, %get3A_4932] {strides = array<i32>} : memref<16x128xf32, #tpu.memory_space<vmem>>, vector<1x16xf32>,
    %get3A_4934 = vector.shape_cast %get3A_4933 : vector<1x16xf32> to vector<16xf32>
    %sub3A_4935 = arith.constant 1.000000e+00 : f32
    %sub3A_4936 = vector.broadcast %sub3A_4935 : f32 to vector<16xf32>
    %sub3A_4937 = arith.subf %sub3A_4936, %get3A_4934 : vector<16xf32>
    %mul3A_4938 = arith.mulf %sub3A_4937, %sub3A_4937 : vector<16xf32>
    %add3A_4939 = arith.addf %add3A_4846, %mul3A_4938 : vector<16xf32>
    %get3A_4940 = arith.constant 12 : i32
    %get3A_4941 = arith.index_cast %get3A_4940 : i32 to index
    %get3A_4942 = arith.constant 16 : index
    %get3A_4943 = tpu.vector_load %arg8[%get3A_4941, %get3A_4942] {strides = array<i32>} : memref<16x128xf32, #tpu.memory_space<vmem>>, vector<1x16xf32>,
    %get3A_4944 = vector.shape_cast %get3A_4943 : vector<1x16xf32> to vector<16xf32>
    %sub3A_4945 = arith.constant 1.000000e+00 : f32
    %sub3A_4946 = vector.broadcast %sub3A_4945 : f32 to vector<16xf32>
    %sub3A_4947 = arith.subf %sub3A_4946, %get3A_4944 : vector<16xf32>
    %mul3A_4948 = arith.mulf %sub3A_4947, %sub3A_4947 : vector<16xf32>
    %add3A_4949 = arith.addf %add3A_4856, %mul3A_4948 : vector<16xf32>
    %get3A_4950 = arith.constant 12 : i32
    %get3A_4951 = arith.index_cast %get3A_4950 : i32 to index
    %get3A_4952 = arith.constant 32 : index
    %get3A_4953 = tpu.vector_load %arg8[%get3A_4951, %get3A_4952] {strides = array<i32>} : memref<16x128xf32, #tpu.memory_space<vmem>>, vector<1x16xf32>,
    %get3A_4954 = vector.shape_cast %get3A_4953 : vector<1x16xf32> to vector<16xf32>
    %sub3A_4955 = arith.constant 1.000000e+00 : f32
    %sub3A_4956 = vector.broadcast %sub3A_4955 : f32 to vector<16xf32>
    %sub3A_4957 = arith.subf %sub3A_4956, %get3A_4954 : vector<16xf32>
    %mul3A_4958 = arith.mulf %sub3A_4957, %sub3A_4957 : vector<16xf32>
    %add3A_4959 = arith.addf %add3A_4866, %mul3A_4958 : vector<16xf32>
    %get3A_4960 = arith.constant 12 : i32
    %get3A_4961 = arith.index_cast %get3A_4960 : i32 to index
    %get3A_4962 = arith.constant 48 : index
    %get3A_4963 = tpu.vector_load %arg8[%get3A_4961, %get3A_4962] {strides = array<i32>} : memref<16x128xf32, #tpu.memory_space<vmem>>, vector<1x16xf32>,
    %get3A_4964 = vector.shape_cast %get3A_4963 : vector<1x16xf32> to vector<16xf32>
    %sub3A_4965 = arith.constant 1.000000e+00 : f32
    %sub3A_4966 = vector.broadcast %sub3A_4965 : f32 to vector<16xf32>
    %sub3A_4967 = arith.subf %sub3A_4966, %get3A_4964 : vector<16xf32>
    %mul3A_4968 = arith.mulf %sub3A_4967, %sub3A_4967 : vector<16xf32>
    %add3A_4969 = arith.addf %add3A_4876, %mul3A_4968 : vector<16xf32>
    %get3A_4970 = arith.constant 12 : i32
    %get3A_4971 = arith.index_cast %get3A_4970 : i32 to index
    %get3A_4972 = arith.constant 64 : index
    %get3A_4973 = tpu.vector_load %arg8[%get3A_4971, %get3A_4972] {strides = array<i32>} : memref<16x128xf32, #tpu.memory_space<vmem>>, vector<1x16xf32>,
    %get3A_4974 = vector.shape_cast %get3A_4973 : vector<1x16xf32> to vector<16xf32>
    %sub3A_4975 = arith.constant 1.000000e+00 : f32
    %sub3A_4976 = vector.broadcast %sub3A_4975 : f32 to vector<16xf32>
    %sub3A_4977 = arith.subf %sub3A_4976, %get3A_4974 : vector<16xf32>
    %mul3A_4978 = arith.mulf %sub3A_4977, %sub3A_4977 : vector<16xf32>
    %add3A_4979 = arith.addf %add3A_4886, %mul3A_4978 : vector<16xf32>
    %get3A_4980 = arith.constant 12 : i32
    %get3A_4981 = arith.index_cast %get3A_4980 : i32 to index
    %get3A_4982 = arith.constant 80 : index
    %get3A_4983 = tpu.vector_load %arg8[%get3A_4981, %get3A_4982] {strides = array<i32>} : memref<16x128xf32, #tpu.memory_space<vmem>>, vector<1x16xf32>,
    %get3A_4984 = vector.shape_cast %get3A_4983 : vector<1x16xf32> to vector<16xf32>
    %sub3A_4985 = arith.constant 1.000000e+00 : f32
    %sub3A_4986 = vector.broadcast %sub3A_4985 : f32 to vector<16xf32>
    %sub3A_4987 = arith.subf %sub3A_4986, %get3A_4984 : vector<16xf32>
    %mul3A_4988 = arith.mulf %sub3A_4987, %sub3A_4987 : vector<16xf32>
    %add3A_4989 = arith.addf %add3A_4896, %mul3A_4988 : vector<16xf32>
    %get3A_4990 = arith.constant 12 : i32
    %get3A_4991 = arith.index_cast %get3A_4990 : i32 to index
    %get3A_4992 = arith.constant 96 : index
    %get3A_4993 = tpu.vector_load %arg8[%get3A_4991, %get3A_4992] {strides = array<i32>} : memref<16x128xf32, #tpu.memory_space<vmem>>, vector<1x16xf32>,
    %get3A_4994 = vector.shape_cast %get3A_4993 : vector<1x16xf32> to vector<16xf32>
    %sub3A_4995 = arith.constant 1.000000e+00 : f32
    %sub3A_4996 = vector.broadcast %sub3A_4995 : f32 to vector<16xf32>
    %sub3A_4997 = arith.subf %sub3A_4996, %get3A_4994 : vector<16xf32>
    %mul3A_4998 = arith.mulf %sub3A_4997, %sub3A_4997 : vector<16xf32>
    %add3A_4999 = arith.addf %add3A_4906, %mul3A_4998 : vector<16xf32>
    %get3A_5000 = arith.constant 12 : i32
    %get3A_5001 = arith.index_cast %get3A_5000 : i32 to index
    %get3A_5002 = arith.constant 112 : index
    %get3A_5003 = tpu.vector_load %arg8[%get3A_5001, %get3A_5002] {strides = array<i32>} : memref<16x128xf32, #tpu.memory_space<vmem>>, vector<1x16xf32>,
    %get3A_5004 = vector.shape_cast %get3A_5003 : vector<1x16xf32> to vector<16xf32>
    %sub3A_5005 = arith.constant 1.000000e+00 : f32
    %sub3A_5006 = vector.broadcast %sub3A_5005 : f32 to vector<16xf32>
    %sub3A_5007 = arith.subf %sub3A_5006, %get3A_5004 : vector<16xf32>
    %mul3A_5008 = arith.mulf %sub3A_5007, %sub3A_5007 : vector<16xf32>
    %add3A_5009 = arith.addf %add3A_4916, %mul3A_5008 : vector<16xf32>
    %dma_wait3A_5010 = arith.constant 13 : i32
    %dma_wait3A_5011 = arith.constant 13 : i32
    %dma_wait3A_5012 = arith.constant 13 : i32
    %dma_wait3A_5013 = arith.constant 0 : i32
    %dma_wait3A_5014 = tpu.memref_slice %arg8[%dma_wait3A_5011, %dma_wait3A_5013] : memref<16x128xf32, #tpu.memory_space<vmem>> -> memref<1x128xf32, #tpu.memory_space<vmem>>
    %dma_wait3A_5015 = tpu.memref_squeeze %dma_wait3A_5014 : memref<1x128xf32, #tpu.memory_space<vmem>> -> memref<128xf32, #tpu.memory_space<vmem>>
    %dma_wait3A_5016 = arith.constant 0 : i32
    %dma_wait3A_5017 = tpu.memref_slice %arg7[%dma_wait3A_5010, %dma_wait3A_5016] : memref<16x128xi32, #tpu.memory_space<vmem>> -> memref<1x128xi32, #tpu.memory_space<vmem>>
    %dma_wait3A_5018 = tpu.memref_squeeze %dma_wait3A_5017 : memref<1x128xi32, #tpu.memory_space<vmem>> -> memref<128xi32, #tpu.memory_space<vmem>>
    %dma_wait3A_5019 = arith.constant 0 : i32
    %dma_wait3A_5020 = tpu.memref_slice %arg2[%dma_wait3A_5019] : memref<67108864xf32, #tpu.memory_space<hbm>> -> memref<67108864xf32, #tpu.memory_space<hbm>>
    %dma_wait3A_5021 = tpu.memref_slice %arg12[%dma_wait3A_5012] : memref<16x!tpu.dma_semaphore, #tpu.memory_space<semaphore_mem>> -> memref<1x!tpu.dma_semaphore, #tpu.memory_space<semaphore_mem>>
    %dma_wait3A_5022 = tpu.memref_squeeze %dma_wait3A_5021 : memref<1x!tpu.dma_semaphore, #tpu.memory_space<semaphore_mem>> -> memref<!tpu.dma_semaphore, #tpu.memory_space<semaphore_mem>>
    tpu.wait_indirect_dma semaphore(%dma_wait3A_5022 : memref<!tpu.dma_semaphore, #tpu.memory_space<semaphore_mem>>) src(%dma_wait3A_5020 : memref<67108864xf32, #tpu.memory_space<hbm>>) dst(%dma_wait3A_5015 : memref<128xf32, #tpu.memory_space<vmem>>)
    %get3A_5023 = arith.constant 13 : i32
    %get3A_5024 = arith.index_cast %get3A_5023 : i32 to index
    %get3A_5025 = arith.constant 0 : index
    %get3A_5026 = tpu.vector_load %arg8[%get3A_5024, %get3A_5025] {strides = array<i32>} : memref<16x128xf32, #tpu.memory_space<vmem>>, vector<1x16xf32>,
    %get3A_5027 = vector.shape_cast %get3A_5026 : vector<1x16xf32> to vector<16xf32>
    %sub3A_5028 = arith.constant 1.000000e+00 : f32
    %sub3A_5029 = vector.broadcast %sub3A_5028 : f32 to vector<16xf32>
    %sub3A_5030 = arith.subf %sub3A_5029, %get3A_5027 : vector<16xf32>
    %mul3A_5031 = arith.mulf %sub3A_5030, %sub3A_5030 : vector<16xf32>
    %add3A_5032 = arith.addf %add3A_4939, %mul3A_5031 : vector<16xf32>
    %get3A_5033 = arith.constant 13 : i32
    %get3A_5034 = arith.index_cast %get3A_5033 : i32 to index
    %get3A_5035 = arith.constant 16 : index
    %get3A_5036 = tpu.vector_load %arg8[%get3A_5034, %get3A_5035] {strides = array<i32>} : memref<16x128xf32, #tpu.memory_space<vmem>>, vector<1x16xf32>,
    %get3A_5037 = vector.shape_cast %get3A_5036 : vector<1x16xf32> to vector<16xf32>
    %sub3A_5038 = arith.constant 1.000000e+00 : f32
    %sub3A_5039 = vector.broadcast %sub3A_5038 : f32 to vector<16xf32>
    %sub3A_5040 = arith.subf %sub3A_5039, %get3A_5037 : vector<16xf32>
    %mul3A_5041 = arith.mulf %sub3A_5040, %sub3A_5040 : vector<16xf32>
    %add3A_5042 = arith.addf %add3A_4949, %mul3A_5041 : vector<16xf32>
    %get3A_5043 = arith.constant 13 : i32
    %get3A_5044 = arith.index_cast %get3A_5043 : i32 to index
    %get3A_5045 = arith.constant 32 : index
    %get3A_5046 = tpu.vector_load %arg8[%get3A_5044, %get3A_5045] {strides = array<i32>} : memref<16x128xf32, #tpu.memory_space<vmem>>, vector<1x16xf32>,
    %get3A_5047 = vector.shape_cast %get3A_5046 : vector<1x16xf32> to vector<16xf32>
    %sub3A_5048 = arith.constant 1.000000e+00 : f32
    %sub3A_5049 = vector.broadcast %sub3A_5048 : f32 to vector<16xf32>
    %sub3A_5050 = arith.subf %sub3A_5049, %get3A_5047 : vector<16xf32>
    %mul3A_5051 = arith.mulf %sub3A_5050, %sub3A_5050 : vector<16xf32>
    %add3A_5052 = arith.addf %add3A_4959, %mul3A_5051 : vector<16xf32>
    %get3A_5053 = arith.constant 13 : i32
    %get3A_5054 = arith.index_cast %get3A_5053 : i32 to index
    %get3A_5055 = arith.constant 48 : index
    %get3A_5056 = tpu.vector_load %arg8[%get3A_5054, %get3A_5055] {strides = array<i32>} : memref<16x128xf32, #tpu.memory_space<vmem>>, vector<1x16xf32>,
    %get3A_5057 = vector.shape_cast %get3A_5056 : vector<1x16xf32> to vector<16xf32>
    %sub3A_5058 = arith.constant 1.000000e+00 : f32
    %sub3A_5059 = vector.broadcast %sub3A_5058 : f32 to vector<16xf32>
    %sub3A_5060 = arith.subf %sub3A_5059, %get3A_5057 : vector<16xf32>
    %mul3A_5061 = arith.mulf %sub3A_5060, %sub3A_5060 : vector<16xf32>
    %add3A_5062 = arith.addf %add3A_4969, %mul3A_5061 : vector<16xf32>
    %get3A_5063 = arith.constant 13 : i32
    %get3A_5064 = arith.index_cast %get3A_5063 : i32 to index
    %get3A_5065 = arith.constant 64 : index
    %get3A_5066 = tpu.vector_load %arg8[%get3A_5064, %get3A_5065] {strides = array<i32>} : memref<16x128xf32, #tpu.memory_space<vmem>>, vector<1x16xf32>,
    %get3A_5067 = vector.shape_cast %get3A_5066 : vector<1x16xf32> to vector<16xf32>
    %sub3A_5068 = arith.constant 1.000000e+00 : f32
    %sub3A_5069 = vector.broadcast %sub3A_5068 : f32 to vector<16xf32>
    %sub3A_5070 = arith.subf %sub3A_5069, %get3A_5067 : vector<16xf32>
    %mul3A_5071 = arith.mulf %sub3A_5070, %sub3A_5070 : vector<16xf32>
    %add3A_5072 = arith.addf %add3A_4979, %mul3A_5071 : vector<16xf32>
    %get3A_5073 = arith.constant 13 : i32
    %get3A_5074 = arith.index_cast %get3A_5073 : i32 to index
    %get3A_5075 = arith.constant 80 : index
    %get3A_5076 = tpu.vector_load %arg8[%get3A_5074, %get3A_5075] {strides = array<i32>} : memref<16x128xf32, #tpu.memory_space<vmem>>, vector<1x16xf32>,
    %get3A_5077 = vector.shape_cast %get3A_5076 : vector<1x16xf32> to vector<16xf32>
    %sub3A_5078 = arith.constant 1.000000e+00 : f32
    %sub3A_5079 = vector.broadcast %sub3A_5078 : f32 to vector<16xf32>
    %sub3A_5080 = arith.subf %sub3A_5079, %get3A_5077 : vector<16xf32>
    %mul3A_5081 = arith.mulf %sub3A_5080, %sub3A_5080 : vector<16xf32>
    %add3A_5082 = arith.addf %add3A_4989, %mul3A_5081 : vector<16xf32>
    %get3A_5083 = arith.constant 13 : i32
    %get3A_5084 = arith.index_cast %get3A_5083 : i32 to index
    %get3A_5085 = arith.constant 96 : index
    %get3A_5086 = tpu.vector_load %arg8[%get3A_5084, %get3A_5085] {strides = array<i32>} : memref<16x128xf32, #tpu.memory_space<vmem>>, vector<1x16xf32>,
    %get3A_5087 = vector.shape_cast %get3A_5086 : vector<1x16xf32> to vector<16xf32>
    %sub3A_5088 = arith.constant 1.000000e+00 : f32
    %sub3A_5089 = vector.broadcast %sub3A_5088 : f32 to vector<16xf32>
    %sub3A_5090 = arith.subf %sub3A_5089, %get3A_5087 : vector<16xf32>
    %mul3A_5091 = arith.mulf %sub3A_5090, %sub3A_5090 : vector<16xf32>
    %add3A_5092 = arith.addf %add3A_4999, %mul3A_5091 : vector<16xf32>
    %get3A_5093 = arith.constant 13 : i32
    %get3A_5094 = arith.index_cast %get3A_5093 : i32 to index
    %get3A_5095 = arith.constant 112 : index
    %get3A_5096 = tpu.vector_load %arg8[%get3A_5094, %get3A_5095] {strides = array<i32>} : memref<16x128xf32, #tpu.memory_space<vmem>>, vector<1x16xf32>,
    %get3A_5097 = vector.shape_cast %get3A_5096 : vector<1x16xf32> to vector<16xf32>
    %sub3A_5098 = arith.constant 1.000000e+00 : f32
    %sub3A_5099 = vector.broadcast %sub3A_5098 : f32 to vector<16xf32>
    %sub3A_5100 = arith.subf %sub3A_5099, %get3A_5097 : vector<16xf32>
    %mul3A_5101 = arith.mulf %sub3A_5100, %sub3A_5100 : vector<16xf32>
    %add3A_5102 = arith.addf %add3A_5009, %mul3A_5101 : vector<16xf32>
    %dma_wait3A_5103 = arith.constant 14 : i32
    %dma_wait3A_5104 = arith.constant 14 : i32
    %dma_wait3A_5105 = arith.constant 14 : i32
    %dma_wait3A_5106 = arith.constant 0 : i32
    %dma_wait3A_5107 = tpu.memref_slice %arg8[%dma_wait3A_5104, %dma_wait3A_5106] : memref<16x128xf32, #tpu.memory_space<vmem>> -> memref<1x128xf32, #tpu.memory_space<vmem>>
    %dma_wait3A_5108 = tpu.memref_squeeze %dma_wait3A_5107 : memref<1x128xf32, #tpu.memory_space<vmem>> -> memref<128xf32, #tpu.memory_space<vmem>>
    %dma_wait3A_5109 = arith.constant 0 : i32
    %dma_wait3A_5110 = tpu.memref_slice %arg7[%dma_wait3A_5103, %dma_wait3A_5109] : memref<16x128xi32, #tpu.memory_space<vmem>> -> memref<1x128xi32, #tpu.memory_space<vmem>>
    %dma_wait3A_5111 = tpu.memref_squeeze %dma_wait3A_5110 : memref<1x128xi32, #tpu.memory_space<vmem>> -> memref<128xi32, #tpu.memory_space<vmem>>
    %dma_wait3A_5112 = arith.constant 0 : i32
    %dma_wait3A_5113 = tpu.memref_slice %arg2[%dma_wait3A_5112] : memref<67108864xf32, #tpu.memory_space<hbm>> -> memref<67108864xf32, #tpu.memory_space<hbm>>
    %dma_wait3A_5114 = tpu.memref_slice %arg12[%dma_wait3A_5105] : memref<16x!tpu.dma_semaphore, #tpu.memory_space<semaphore_mem>> -> memref<1x!tpu.dma_semaphore, #tpu.memory_space<semaphore_mem>>
    %dma_wait3A_5115 = tpu.memref_squeeze %dma_wait3A_5114 : memref<1x!tpu.dma_semaphore, #tpu.memory_space<semaphore_mem>> -> memref<!tpu.dma_semaphore, #tpu.memory_space<semaphore_mem>>
    tpu.wait_indirect_dma semaphore(%dma_wait3A_5115 : memref<!tpu.dma_semaphore, #tpu.memory_space<semaphore_mem>>) src(%dma_wait3A_5113 : memref<67108864xf32, #tpu.memory_space<hbm>>) dst(%dma_wait3A_5108 : memref<128xf32, #tpu.memory_space<vmem>>)
    %get3A_5116 = arith.constant 14 : i32
    %get3A_5117 = arith.index_cast %get3A_5116 : i32 to index
    %get3A_5118 = arith.constant 0 : index
    %get3A_5119 = tpu.vector_load %arg8[%get3A_5117, %get3A_5118] {strides = array<i32>} : memref<16x128xf32, #tpu.memory_space<vmem>>, vector<1x16xf32>,
    %get3A_5120 = vector.shape_cast %get3A_5119 : vector<1x16xf32> to vector<16xf32>
    %sub3A_5121 = arith.constant 1.000000e+00 : f32
    %sub3A_5122 = vector.broadcast %sub3A_5121 : f32 to vector<16xf32>
    %sub3A_5123 = arith.subf %sub3A_5122, %get3A_5120 : vector<16xf32>
    %mul3A_5124 = arith.mulf %sub3A_5123, %sub3A_5123 : vector<16xf32>
    %add3A_5125 = arith.addf %add3A_5032, %mul3A_5124 : vector<16xf32>
    %get3A_5126 = arith.constant 14 : i32
    %get3A_5127 = arith.index_cast %get3A_5126 : i32 to index
    %get3A_5128 = arith.constant 16 : index
    %get3A_5129 = tpu.vector_load %arg8[%get3A_5127, %get3A_5128] {strides = array<i32>} : memref<16x128xf32, #tpu.memory_space<vmem>>, vector<1x16xf32>,
    %get3A_5130 = vector.shape_cast %get3A_5129 : vector<1x16xf32> to vector<16xf32>
    %sub3A_5131 = arith.constant 1.000000e+00 : f32
    %sub3A_5132 = vector.broadcast %sub3A_5131 : f32 to vector<16xf32>
    %sub3A_5133 = arith.subf %sub3A_5132, %get3A_5130 : vector<16xf32>
    %mul3A_5134 = arith.mulf %sub3A_5133, %sub3A_5133 : vector<16xf32>
    %add3A_5135 = arith.addf %add3A_5042, %mul3A_5134 : vector<16xf32>
    %get3A_5136 = arith.constant 14 : i32
    %get3A_5137 = arith.index_cast %get3A_5136 : i32 to index
    %get3A_5138 = arith.constant 32 : index
    %get3A_5139 = tpu.vector_load %arg8[%get3A_5137, %get3A_5138] {strides = array<i32>} : memref<16x128xf32, #tpu.memory_space<vmem>>, vector<1x16xf32>,
    %get3A_5140 = vector.shape_cast %get3A_5139 : vector<1x16xf32> to vector<16xf32>
    %sub3A_5141 = arith.constant 1.000000e+00 : f32
    %sub3A_5142 = vector.broadcast %sub3A_5141 : f32 to vector<16xf32>
    %sub3A_5143 = arith.subf %sub3A_5142, %get3A_5140 : vector<16xf32>
    %mul3A_5144 = arith.mulf %sub3A_5143, %sub3A_5143 : vector<16xf32>
    %add3A_5145 = arith.addf %add3A_5052, %mul3A_5144 : vector<16xf32>
    %get3A_5146 = arith.constant 14 : i32
    %get3A_5147 = arith.index_cast %get3A_5146 : i32 to index
    %get3A_5148 = arith.constant 48 : index
    %get3A_5149 = tpu.vector_load %arg8[%get3A_5147, %get3A_5148] {strides = array<i32>} : memref<16x128xf32, #tpu.memory_space<vmem>>, vector<1x16xf32>,
    %get3A_5150 = vector.shape_cast %get3A_5149 : vector<1x16xf32> to vector<16xf32>
    %sub3A_5151 = arith.constant 1.000000e+00 : f32
    %sub3A_5152 = vector.broadcast %sub3A_5151 : f32 to vector<16xf32>
    %sub3A_5153 = arith.subf %sub3A_5152, %get3A_5150 : vector<16xf32>
    %mul3A_5154 = arith.mulf %sub3A_5153, %sub3A_5153 : vector<16xf32>
    %add3A_5155 = arith.addf %add3A_5062, %mul3A_5154 : vector<16xf32>
    %get3A_5156 = arith.constant 14 : i32
    %get3A_5157 = arith.index_cast %get3A_5156 : i32 to index
    %get3A_5158 = arith.constant 64 : index
    %get3A_5159 = tpu.vector_load %arg8[%get3A_5157, %get3A_5158] {strides = array<i32>} : memref<16x128xf32, #tpu.memory_space<vmem>>, vector<1x16xf32>,
    %get3A_5160 = vector.shape_cast %get3A_5159 : vector<1x16xf32> to vector<16xf32>
    %sub3A_5161 = arith.constant 1.000000e+00 : f32
    %sub3A_5162 = vector.broadcast %sub3A_5161 : f32 to vector<16xf32>
    %sub3A_5163 = arith.subf %sub3A_5162, %get3A_5160 : vector<16xf32>
    %mul3A_5164 = arith.mulf %sub3A_5163, %sub3A_5163 : vector<16xf32>
    %add3A_5165 = arith.addf %add3A_5072, %mul3A_5164 : vector<16xf32>
    %get3A_5166 = arith.constant 14 : i32
    %get3A_5167 = arith.index_cast %get3A_5166 : i32 to index
    %get3A_5168 = arith.constant 80 : index
    %get3A_5169 = tpu.vector_load %arg8[%get3A_5167, %get3A_5168] {strides = array<i32>} : memref<16x128xf32, #tpu.memory_space<vmem>>, vector<1x16xf32>,
    %get3A_5170 = vector.shape_cast %get3A_5169 : vector<1x16xf32> to vector<16xf32>
    %sub3A_5171 = arith.constant 1.000000e+00 : f32
    %sub3A_5172 = vector.broadcast %sub3A_5171 : f32 to vector<16xf32>
    %sub3A_5173 = arith.subf %sub3A_5172, %get3A_5170 : vector<16xf32>
    %mul3A_5174 = arith.mulf %sub3A_5173, %sub3A_5173 : vector<16xf32>
    %add3A_5175 = arith.addf %add3A_5082, %mul3A_5174 : vector<16xf32>
    %get3A_5176 = arith.constant 14 : i32
    %get3A_5177 = arith.index_cast %get3A_5176 : i32 to index
    %get3A_5178 = arith.constant 96 : index
    %get3A_5179 = tpu.vector_load %arg8[%get3A_5177, %get3A_5178] {strides = array<i32>} : memref<16x128xf32, #tpu.memory_space<vmem>>, vector<1x16xf32>,
    %get3A_5180 = vector.shape_cast %get3A_5179 : vector<1x16xf32> to vector<16xf32>
    %sub3A_5181 = arith.constant 1.000000e+00 : f32
    %sub3A_5182 = vector.broadcast %sub3A_5181 : f32 to vector<16xf32>
    %sub3A_5183 = arith.subf %sub3A_5182, %get3A_5180 : vector<16xf32>
    %mul3A_5184 = arith.mulf %sub3A_5183, %sub3A_5183 : vector<16xf32>
    %add3A_5185 = arith.addf %add3A_5092, %mul3A_5184 : vector<16xf32>
    %get3A_5186 = arith.constant 14 : i32
    %get3A_5187 = arith.index_cast %get3A_5186 : i32 to index
    %get3A_5188 = arith.constant 112 : index
    %get3A_5189 = tpu.vector_load %arg8[%get3A_5187, %get3A_5188] {strides = array<i32>} : memref<16x128xf32, #tpu.memory_space<vmem>>, vector<1x16xf32>,
    %get3A_5190 = vector.shape_cast %get3A_5189 : vector<1x16xf32> to vector<16xf32>
    %sub3A_5191 = arith.constant 1.000000e+00 : f32
    %sub3A_5192 = vector.broadcast %sub3A_5191 : f32 to vector<16xf32>
    %sub3A_5193 = arith.subf %sub3A_5192, %get3A_5190 : vector<16xf32>
    %mul3A_5194 = arith.mulf %sub3A_5193, %sub3A_5193 : vector<16xf32>
    %add3A_5195 = arith.addf %add3A_5102, %mul3A_5194 : vector<16xf32>
    %dma_wait3A_5196 = arith.constant 15 : i32
    %dma_wait3A_5197 = arith.constant 15 : i32
    %dma_wait3A_5198 = arith.constant 15 : i32
    %dma_wait3A_5199 = arith.constant 0 : i32
    %dma_wait3A_5200 = tpu.memref_slice %arg8[%dma_wait3A_5197, %dma_wait3A_5199] : memref<16x128xf32, #tpu.memory_space<vmem>> -> memref<1x128xf32, #tpu.memory_space<vmem>>
    %dma_wait3A_5201 = tpu.memref_squeeze %dma_wait3A_5200 : memref<1x128xf32, #tpu.memory_space<vmem>> -> memref<128xf32, #tpu.memory_space<vmem>>
    %dma_wait3A_5202 = arith.constant 0 : i32
    %dma_wait3A_5203 = tpu.memref_slice %arg7[%dma_wait3A_5196, %dma_wait3A_5202] : memref<16x128xi32, #tpu.memory_space<vmem>> -> memref<1x128xi32, #tpu.memory_space<vmem>>
    %dma_wait3A_5204 = tpu.memref_squeeze %dma_wait3A_5203 : memref<1x128xi32, #tpu.memory_space<vmem>> -> memref<128xi32, #tpu.memory_space<vmem>>
    %dma_wait3A_5205 = arith.constant 0 : i32
    %dma_wait3A_5206 = tpu.memref_slice %arg2[%dma_wait3A_5205] : memref<67108864xf32, #tpu.memory_space<hbm>> -> memref<67108864xf32, #tpu.memory_space<hbm>>
    %dma_wait3A_5207 = tpu.memref_slice %arg12[%dma_wait3A_5198] : memref<16x!tpu.dma_semaphore, #tpu.memory_space<semaphore_mem>> -> memref<1x!tpu.dma_semaphore, #tpu.memory_space<semaphore_mem>>
    %dma_wait3A_5208 = tpu.memref_squeeze %dma_wait3A_5207 : memref<1x!tpu.dma_semaphore, #tpu.memory_space<semaphore_mem>> -> memref<!tpu.dma_semaphore, #tpu.memory_space<semaphore_mem>>
    tpu.wait_indirect_dma semaphore(%dma_wait3A_5208 : memref<!tpu.dma_semaphore, #tpu.memory_space<semaphore_mem>>) src(%dma_wait3A_5206 : memref<67108864xf32, #tpu.memory_space<hbm>>) dst(%dma_wait3A_5201 : memref<128xf32, #tpu.memory_space<vmem>>)
    %get3A_5209 = arith.constant 15 : i32
    %get3A_5210 = arith.index_cast %get3A_5209 : i32 to index
    %get3A_5211 = arith.constant 0 : index
    %get3A_5212 = tpu.vector_load %arg8[%get3A_5210, %get3A_5211] {strides = array<i32>} : memref<16x128xf32, #tpu.memory_space<vmem>>, vector<1x16xf32>,
    %get3A_5213 = vector.shape_cast %get3A_5212 : vector<1x16xf32> to vector<16xf32>
    %sub3A_5214 = arith.constant 1.000000e+00 : f32
    %sub3A_5215 = vector.broadcast %sub3A_5214 : f32 to vector<16xf32>
    %sub3A_5216 = arith.subf %sub3A_5215, %get3A_5213 : vector<16xf32>
    %mul3A_5217 = arith.mulf %sub3A_5216, %sub3A_5216 : vector<16xf32>
    %add3A_5218 = arith.addf %add3A_5125, %mul3A_5217 : vector<16xf32>
    %get3A_5219 = arith.constant 15 : i32
    %get3A_5220 = arith.index_cast %get3A_5219 : i32 to index
    %get3A_5221 = arith.constant 16 : index
    %get3A_5222 = tpu.vector_load %arg8[%get3A_5220, %get3A_5221] {strides = array<i32>} : memref<16x128xf32, #tpu.memory_space<vmem>>, vector<1x16xf32>,
    %get3A_5223 = vector.shape_cast %get3A_5222 : vector<1x16xf32> to vector<16xf32>
    %sub3A_5224 = arith.constant 1.000000e+00 : f32
    %sub3A_5225 = vector.broadcast %sub3A_5224 : f32 to vector<16xf32>
    %sub3A_5226 = arith.subf %sub3A_5225, %get3A_5223 : vector<16xf32>
    %mul3A_5227 = arith.mulf %sub3A_5226, %sub3A_5226 : vector<16xf32>
    %add3A_5228 = arith.addf %add3A_5135, %mul3A_5227 : vector<16xf32>
    %get3A_5229 = arith.constant 15 : i32
    %get3A_5230 = arith.index_cast %get3A_5229 : i32 to index
    %get3A_5231 = arith.constant 32 : index
    %get3A_5232 = tpu.vector_load %arg8[%get3A_5230, %get3A_5231] {strides = array<i32>} : memref<16x128xf32, #tpu.memory_space<vmem>>, vector<1x16xf32>,
    %get3A_5233 = vector.shape_cast %get3A_5232 : vector<1x16xf32> to vector<16xf32>
    %sub3A_5234 = arith.constant 1.000000e+00 : f32
    %sub3A_5235 = vector.broadcast %sub3A_5234 : f32 to vector<16xf32>
    %sub3A_5236 = arith.subf %sub3A_5235, %get3A_5233 : vector<16xf32>
    %mul3A_5237 = arith.mulf %sub3A_5236, %sub3A_5236 : vector<16xf32>
    %add3A_5238 = arith.addf %add3A_5145, %mul3A_5237 : vector<16xf32>
    %get3A_5239 = arith.constant 15 : i32
    %get3A_5240 = arith.index_cast %get3A_5239 : i32 to index
    %get3A_5241 = arith.constant 48 : index
    %get3A_5242 = tpu.vector_load %arg8[%get3A_5240, %get3A_5241] {strides = array<i32>} : memref<16x128xf32, #tpu.memory_space<vmem>>, vector<1x16xf32>,
    %get3A_5243 = vector.shape_cast %get3A_5242 : vector<1x16xf32> to vector<16xf32>
    %sub3A_5244 = arith.constant 1.000000e+00 : f32
    %sub3A_5245 = vector.broadcast %sub3A_5244 : f32 to vector<16xf32>
    %sub3A_5246 = arith.subf %sub3A_5245, %get3A_5243 : vector<16xf32>
    %mul3A_5247 = arith.mulf %sub3A_5246, %sub3A_5246 : vector<16xf32>
    %add3A_5248 = arith.addf %add3A_5155, %mul3A_5247 : vector<16xf32>
    %get3A_5249 = arith.constant 15 : i32
    %get3A_5250 = arith.index_cast %get3A_5249 : i32 to index
    %get3A_5251 = arith.constant 64 : index
    %get3A_5252 = tpu.vector_load %arg8[%get3A_5250, %get3A_5251] {strides = array<i32>} : memref<16x128xf32, #tpu.memory_space<vmem>>, vector<1x16xf32>,
    %get3A_5253 = vector.shape_cast %get3A_5252 : vector<1x16xf32> to vector<16xf32>
    %sub3A_5254 = arith.constant 1.000000e+00 : f32
    %sub3A_5255 = vector.broadcast %sub3A_5254 : f32 to vector<16xf32>
    %sub3A_5256 = arith.subf %sub3A_5255, %get3A_5253 : vector<16xf32>
    %mul3A_5257 = arith.mulf %sub3A_5256, %sub3A_5256 : vector<16xf32>
    %add3A_5258 = arith.addf %add3A_5165, %mul3A_5257 : vector<16xf32>
    %get3A_5259 = arith.constant 15 : i32
    %get3A_5260 = arith.index_cast %get3A_5259 : i32 to index
    %get3A_5261 = arith.constant 80 : index
    %get3A_5262 = tpu.vector_load %arg8[%get3A_5260, %get3A_5261] {strides = array<i32>} : memref<16x128xf32, #tpu.memory_space<vmem>>, vector<1x16xf32>,
    %get3A_5263 = vector.shape_cast %get3A_5262 : vector<1x16xf32> to vector<16xf32>
    %sub3A_5264 = arith.constant 1.000000e+00 : f32
    %sub3A_5265 = vector.broadcast %sub3A_5264 : f32 to vector<16xf32>
    %sub3A_5266 = arith.subf %sub3A_5265, %get3A_5263 : vector<16xf32>
    %mul3A_5267 = arith.mulf %sub3A_5266, %sub3A_5266 : vector<16xf32>
    %add3A_5268 = arith.addf %add3A_5175, %mul3A_5267 : vector<16xf32>
    %get3A_5269 = arith.constant 15 : i32
    %get3A_5270 = arith.index_cast %get3A_5269 : i32 to index
    %get3A_5271 = arith.constant 96 : index
    %get3A_5272 = tpu.vector_load %arg8[%get3A_5270, %get3A_5271] {strides = array<i32>} : memref<16x128xf32, #tpu.memory_space<vmem>>, vector<1x16xf32>,
    %get3A_5273 = vector.shape_cast %get3A_5272 : vector<1x16xf32> to vector<16xf32>
    %sub3A_5274 = arith.constant 1.000000e+00 : f32
    %sub3A_5275 = vector.broadcast %sub3A_5274 : f32 to vector<16xf32>
    %sub3A_5276 = arith.subf %sub3A_5275, %get3A_5273 : vector<16xf32>
    %mul3A_5277 = arith.mulf %sub3A_5276, %sub3A_5276 : vector<16xf32>
    %add3A_5278 = arith.addf %add3A_5185, %mul3A_5277 : vector<16xf32>
    %get3A_5279 = arith.constant 15 : i32
    %get3A_5280 = arith.index_cast %get3A_5279 : i32 to index
    %get3A_5281 = arith.constant 112 : index
    %get3A_5282 = tpu.vector_load %arg8[%get3A_5280, %get3A_5281] {strides = array<i32>} : memref<16x128xf32, #tpu.memory_space<vmem>>, vector<1x16xf32>,
    %get3A_5283 = vector.shape_cast %get3A_5282 : vector<1x16xf32> to vector<16xf32>
    %sub3A_5284 = arith.constant 1.000000e+00 : f32
    %sub3A_5285 = vector.broadcast %sub3A_5284 : f32 to vector<16xf32>
    %sub3A_5286 = arith.subf %sub3A_5285, %get3A_5283 : vector<16xf32>
    %mul3A_5287 = arith.mulf %sub3A_5286, %sub3A_5286 : vector<16xf32>
    %add3A_5288 = arith.addf %add3A_5195, %mul3A_5287 : vector<16xf32>
    %add3A_5289 = arith.addf %add3A_5218, %add3A_5228 : vector<16xf32>
    %add3A_5290 = arith.addf %add3A_5238, %add3A_5248 : vector<16xf32>
    %add3A_5291 = arith.addf %add3A_5258, %add3A_5268 : vector<16xf32>
    %add3A_5292 = arith.addf %add3A_5278, %add3A_5288 : vector<16xf32>
    %add3A_5293 = arith.addf %add3A_5289, %add3A_5290 : vector<16xf32>
    %add3A_5294 = arith.addf %add3A_5291, %add3A_5292 : vector<16xf32>
    %add3A_5295 = arith.addf %add3A_5293, %add3A_5294 : vector<16xf32>
    %swap3A_5296 = arith.constant 0 : index
    %swap3A_5297 = tpu.vector_load %arg9[%swap3A_5296] {strides = array<i32>} : memref<16xf32, #tpu.memory_space<vmem>>, vector<16xf32>,
    %swap3A_5298 = vector.shape_cast %swap3A_5297 : vector<16xf32> to vector<16xf32>
    %swap3A_5299 = vector.shape_cast %add3A_5295 : vector<16xf32> to vector<16xf32>
    tpu.vector_store %arg9[%swap3A_5296], %swap3A_5299 {strides = array<i32>} : memref<16xf32, #tpu.memory_space<vmem>>, vector<16xf32>,
    %mul3A_5300 = arith.constant 16 : i32
    %mul3A_5301 = arith.muli %arg1, %mul3A_5300 : i32
    "tpu.region"() ({
      %run_scoped3A = tpu.sem_alloc : memref<!tpu.dma_semaphore, #tpu.memory_space<semaphore_mem>>
      %dma_start3A_5310 = tpu.memref_slice %arg5[%mul3A_5301] : memref<256xf32, #tpu.memory_space<hbm>> -> memref<16xf32, #tpu.memory_space<hbm>>
      %dma_start3A_5311 = tpu.memref_slice %arg5[%mul3A_5301] : memref<256xf32, #tpu.memory_space<hbm>> -> memref<16xf32, #tpu.memory_space<hbm>>
      tpu.enqueue_dma source(%arg9 : memref<16xf32, #tpu.memory_space<vmem>>) target(%dma_start3A_5311 : memref<16xf32, #tpu.memory_space<hbm>>) target_semaphore(%run_scoped3A : memref<!tpu.dma_semaphore, #tpu.memory_space<semaphore_mem>>)
      %dma_wait3A_5312 = tpu.memref_slice %arg5[%mul3A_5301] : memref<256xf32, #tpu.memory_space<hbm>> -> memref<16xf32, #tpu.memory_space<hbm>>
      %dma_wait3A_5313 = tpu.memref_slice %arg5[%mul3A_5301] : memref<256xf32, #tpu.memory_space<hbm>> -> memref<16xf32, #tpu.memory_space<hbm>>
      tpu.wait_dma2 semaphore(%run_scoped3A : memref<!tpu.dma_semaphore, #tpu.memory_space<semaphore_mem>>) src(%arg9 : memref<16xf32, #tpu.memory_space<vmem>>) dst(%dma_wait3A_5313 : memref<16xf32, #tpu.memory_space<hbm>>)
      tpu.yield
    }) : () -> ()
    %sc_fetch_and_add3A = arith.constant 1 : i32
    %sc_fetch_and_add3A_5302 = arith.constant 0 : i32
    %sc_fetch_and_add3A_5303 = arith.constant 0 : i32
    %sc_fetch_and_add3A_5304 = tpu.fetch_and_add_sync %arg11[%sc_fetch_and_add3A_5302], %sc_fetch_and_add3A, %sc_fetch_and_add3A_5303 : memref<1xi32, #tpu.memory_space<smem>>, i32 -> i32
    %eq3A_5305 = arith.constant 15 : i32
    %eq3A_5306 = arith.cmpi eq, %sc_fetch_and_add3A_5304, %eq3A_5305 : i32
    %convert_element_type3A_5307 = arith.extui %eq3A_5306 : i1 to i32
    %cond3A_5308 = arith.constant 0 : i32
    %cond3A_5309 = arith.cmpi ne, %convert_element_type3A_5307, %cond3A_5308 : i32
    scf.if %cond3A_5309 {
      %sc_fetch_and_add3A_5310 = arith.constant -16 : i32
      %sc_fetch_and_add3A_5311 = arith.constant 0 : i32
      %sc_fetch_and_add3A_5312 = arith.constant 0 : i32
      %sc_fetch_and_add3A_5313 = tpu.fetch_and_add_sync %arg11[%sc_fetch_and_add3A_5311], %sc_fetch_and_add3A_5310, %sc_fetch_and_add3A_5312 : memref<1xi32, #tpu.memory_space<smem>>, i32 -> i32
      "tpu.region"() ({
        %run_scoped3A = tpu.sem_alloc : memref<!tpu.dma_semaphore, #tpu.memory_space<semaphore_mem>>
        tpu.enqueue_dma source(%arg5 : memref<256xf32, #tpu.memory_space<hbm>>) target(%arg10 : memref<256xf32, #tpu.memory_space<vmem>>) target_semaphore(%run_scoped3A : memref<!tpu.dma_semaphore, #tpu.memory_space<semaphore_mem>>)
        tpu.wait_dma2 semaphore(%run_scoped3A : memref<!tpu.dma_semaphore, #tpu.memory_space<semaphore_mem>>) src(%arg5 : memref<256xf32, #tpu.memory_space<hbm>>) dst(%arg10 : memref<256xf32, #tpu.memory_space<vmem>>)
        tpu.yield
      }) : () -> ()
      %get3A_5314 = arith.constant 0 : index
      %get3A_5315 = tpu.vector_load %arg10[%get3A_5314] {strides = array<i32>} : memref<256xf32, #tpu.memory_space<vmem>>, vector<16xf32>,
      %get3A_5316 = vector.shape_cast %get3A_5315 : vector<16xf32> to vector<16xf32>
      %get3A_5317 = arith.constant 16 : index
      %get3A_5318 = tpu.vector_load %arg10[%get3A_5317] {strides = array<i32>} : memref<256xf32, #tpu.memory_space<vmem>>, vector<16xf32>,
      %get3A_5319 = vector.shape_cast %get3A_5318 : vector<16xf32> to vector<16xf32>
      %add3A_5320 = arith.addf %get3A_5316, %get3A_5319 : vector<16xf32>
      %get3A_5321 = arith.constant 32 : index
      %get3A_5322 = tpu.vector_load %arg10[%get3A_5321] {strides = array<i32>} : memref<256xf32, #tpu.memory_space<vmem>>, vector<16xf32>,
      %get3A_5323 = vector.shape_cast %get3A_5322 : vector<16xf32> to vector<16xf32>
      %add3A_5324 = arith.addf %add3A_5320, %get3A_5323 : vector<16xf32>
      %get3A_5325 = arith.constant 48 : index
      %get3A_5326 = tpu.vector_load %arg10[%get3A_5325] {strides = array<i32>} : memref<256xf32, #tpu.memory_space<vmem>>, vector<16xf32>,
      %get3A_5327 = vector.shape_cast %get3A_5326 : vector<16xf32> to vector<16xf32>
      %add3A_5328 = arith.addf %add3A_5324, %get3A_5327 : vector<16xf32>
      %get3A_5329 = arith.constant 64 : index
      %get3A_5330 = tpu.vector_load %arg10[%get3A_5329] {strides = array<i32>} : memref<256xf32, #tpu.memory_space<vmem>>, vector<16xf32>,
      %get3A_5331 = vector.shape_cast %get3A_5330 : vector<16xf32> to vector<16xf32>
      %add3A_5332 = arith.addf %add3A_5328, %get3A_5331 : vector<16xf32>
      %get3A_5333 = arith.constant 80 : index
      %get3A_5334 = tpu.vector_load %arg10[%get3A_5333] {strides = array<i32>} : memref<256xf32, #tpu.memory_space<vmem>>, vector<16xf32>,
      %get3A_5335 = vector.shape_cast %get3A_5334 : vector<16xf32> to vector<16xf32>
      %add3A_5336 = arith.addf %add3A_5332, %get3A_5335 : vector<16xf32>
      %get3A_5337 = arith.constant 96 : index
      %get3A_5338 = tpu.vector_load %arg10[%get3A_5337] {strides = array<i32>} : memref<256xf32, #tpu.memory_space<vmem>>, vector<16xf32>,
      %get3A_5339 = vector.shape_cast %get3A_5338 : vector<16xf32> to vector<16xf32>
      %add3A_5340 = arith.addf %add3A_5336, %get3A_5339 : vector<16xf32>
      %get3A_5341 = arith.constant 112 : index
      %get3A_5342 = tpu.vector_load %arg10[%get3A_5341] {strides = array<i32>} : memref<256xf32, #tpu.memory_space<vmem>>, vector<16xf32>,
      %get3A_5343 = vector.shape_cast %get3A_5342 : vector<16xf32> to vector<16xf32>
      %add3A_5344 = arith.addf %add3A_5340, %get3A_5343 : vector<16xf32>
      %get3A_5345 = arith.constant 128 : index
      %get3A_5346 = tpu.vector_load %arg10[%get3A_5345] {strides = array<i32>} : memref<256xf32, #tpu.memory_space<vmem>>, vector<16xf32>,
      %get3A_5347 = vector.shape_cast %get3A_5346 : vector<16xf32> to vector<16xf32>
      %add3A_5348 = arith.addf %add3A_5344, %get3A_5347 : vector<16xf32>
      %get3A_5349 = arith.constant 144 : index
      %get3A_5350 = tpu.vector_load %arg10[%get3A_5349] {strides = array<i32>} : memref<256xf32, #tpu.memory_space<vmem>>, vector<16xf32>,
      %get3A_5351 = vector.shape_cast %get3A_5350 : vector<16xf32> to vector<16xf32>
      %add3A_5352 = arith.addf %add3A_5348, %get3A_5351 : vector<16xf32>
      %get3A_5353 = arith.constant 160 : index
      %get3A_5354 = tpu.vector_load %arg10[%get3A_5353] {strides = array<i32>} : memref<256xf32, #tpu.memory_space<vmem>>, vector<16xf32>,
      %get3A_5355 = vector.shape_cast %get3A_5354 : vector<16xf32> to vector<16xf32>
      %add3A_5356 = arith.addf %add3A_5352, %get3A_5355 : vector<16xf32>
      %get3A_5357 = arith.constant 176 : index
      %get3A_5358 = tpu.vector_load %arg10[%get3A_5357] {strides = array<i32>} : memref<256xf32, #tpu.memory_space<vmem>>, vector<16xf32>,
      %get3A_5359 = vector.shape_cast %get3A_5358 : vector<16xf32> to vector<16xf32>
      %add3A_5360 = arith.addf %add3A_5356, %get3A_5359 : vector<16xf32>
      %get3A_5361 = arith.constant 192 : index
      %get3A_5362 = tpu.vector_load %arg10[%get3A_5361] {strides = array<i32>} : memref<256xf32, #tpu.memory_space<vmem>>, vector<16xf32>,
      %get3A_5363 = vector.shape_cast %get3A_5362 : vector<16xf32> to vector<16xf32>
      %add3A_5364 = arith.addf %add3A_5360, %get3A_5363 : vector<16xf32>
      %get3A_5365 = arith.constant 208 : index
      %get3A_5366 = tpu.vector_load %arg10[%get3A_5365] {strides = array<i32>} : memref<256xf32, #tpu.memory_space<vmem>>, vector<16xf32>,
      %get3A_5367 = vector.shape_cast %get3A_5366 : vector<16xf32> to vector<16xf32>
      %add3A_5368 = arith.addf %add3A_5364, %get3A_5367 : vector<16xf32>
      %get3A_5369 = arith.constant 224 : index
      %get3A_5370 = tpu.vector_load %arg10[%get3A_5369] {strides = array<i32>} : memref<256xf32, #tpu.memory_space<vmem>>, vector<16xf32>,
      %get3A_5371 = vector.shape_cast %get3A_5370 : vector<16xf32> to vector<16xf32>
      %add3A_5372 = arith.addf %add3A_5368, %get3A_5371 : vector<16xf32>
      %get3A_5373 = arith.constant 240 : index
      %get3A_5374 = tpu.vector_load %arg10[%get3A_5373] {strides = array<i32>} : memref<256xf32, #tpu.memory_space<vmem>>, vector<16xf32>,
      %get3A_5375 = vector.shape_cast %get3A_5374 : vector<16xf32> to vector<16xf32>
      %add3A_5376 = arith.addf %add3A_5372, %get3A_5375 : vector<16xf32>
      %mul3A_5377 = arith.constant 3.05175781E-5 : f32
      %mul3A_5378 = vector.broadcast %mul3A_5377 : f32 to vector<16xf32>
      %mul3A_5379 = arith.mulf %add3A_5376, %mul3A_5378 : vector<16xf32>
      %slice3A = vector.extract_strided_slice %mul3A_5379 {offsets = [0], sizes = [1], strides = [1]} : vector<16xf32> to vector<1xf32>
      %squeeze3A = vector.extract %slice3A[0] : f32 from vector<1xf32>
      %slice3A_5380 = vector.extract_strided_slice %mul3A_5379 {offsets = [1], sizes = [1], strides = [1]} : vector<16xf32> to vector<1xf32>
      %squeeze3A_5381 = vector.extract %slice3A_5380[0] : f32 from vector<1xf32>
      %add3A_5382 = arith.addf %squeeze3A, %squeeze3A_5381 : f32
      %slice3A_5383 = vector.extract_strided_slice %mul3A_5379 {offsets = [2], sizes = [1], strides = [1]} : vector<16xf32> to vector<1xf32>
      %squeeze3A_5384 = vector.extract %slice3A_5383[0] : f32 from vector<1xf32>
      %add3A_5385 = arith.addf %add3A_5382, %squeeze3A_5384 : f32
      %slice3A_5386 = vector.extract_strided_slice %mul3A_5379 {offsets = [3], sizes = [1], strides = [1]} : vector<16xf32> to vector<1xf32>
      %squeeze3A_5387 = vector.extract %slice3A_5386[0] : f32 from vector<1xf32>
      %add3A_5388 = arith.addf %add3A_5385, %squeeze3A_5387 : f32
      %slice3A_5389 = vector.extract_strided_slice %mul3A_5379 {offsets = [4], sizes = [1], strides = [1]} : vector<16xf32> to vector<1xf32>
      %squeeze3A_5390 = vector.extract %slice3A_5389[0] : f32 from vector<1xf32>
      %add3A_5391 = arith.addf %add3A_5388, %squeeze3A_5390 : f32
      %slice3A_5392 = vector.extract_strided_slice %mul3A_5379 {offsets = [5], sizes = [1], strides = [1]} : vector<16xf32> to vector<1xf32>
      %squeeze3A_5393 = vector.extract %slice3A_5392[0] : f32 from vector<1xf32>
      %add3A_5394 = arith.addf %add3A_5391, %squeeze3A_5393 : f32
      %slice3A_5395 = vector.extract_strided_slice %mul3A_5379 {offsets = [6], sizes = [1], strides = [1]} : vector<16xf32> to vector<1xf32>
      %squeeze3A_5396 = vector.extract %slice3A_5395[0] : f32 from vector<1xf32>
      %add3A_5397 = arith.addf %add3A_5394, %squeeze3A_5396 : f32
      %slice3A_5398 = vector.extract_strided_slice %mul3A_5379 {offsets = [7], sizes = [1], strides = [1]} : vector<16xf32> to vector<1xf32>
      %squeeze3A_5399 = vector.extract %slice3A_5398[0] : f32 from vector<1xf32>
      %add3A_5400 = arith.addf %add3A_5397, %squeeze3A_5399 : f32
      %slice3A_5401 = vector.extract_strided_slice %mul3A_5379 {offsets = [8], sizes = [1], strides = [1]} : vector<16xf32> to vector<1xf32>
      %squeeze3A_5402 = vector.extract %slice3A_5401[0] : f32 from vector<1xf32>
      %add3A_5403 = arith.addf %add3A_5400, %squeeze3A_5402 : f32
      %slice3A_5404 = vector.extract_strided_slice %mul3A_5379 {offsets = [9], sizes = [1], strides = [1]} : vector<16xf32> to vector<1xf32>
      %squeeze3A_5405 = vector.extract %slice3A_5404[0] : f32 from vector<1xf32>
      %add3A_5406 = arith.addf %add3A_5403, %squeeze3A_5405 : f32
      %slice3A_5407 = vector.extract_strided_slice %mul3A_5379 {offsets = [10], sizes = [1], strides = [1]} : vector<16xf32> to vector<1xf32>
      %squeeze3A_5408 = vector.extract %slice3A_5407[0] : f32 from vector<1xf32>
      %add3A_5409 = arith.addf %add3A_5406, %squeeze3A_5408 : f32
      %slice3A_5410 = vector.extract_strided_slice %mul3A_5379 {offsets = [11], sizes = [1], strides = [1]} : vector<16xf32> to vector<1xf32>
      %squeeze3A_5411 = vector.extract %slice3A_5410[0] : f32 from vector<1xf32>
      %add3A_5412 = arith.addf %add3A_5409, %squeeze3A_5411 : f32
      %slice3A_5413 = vector.extract_strided_slice %mul3A_5379 {offsets = [12], sizes = [1], strides = [1]} : vector<16xf32> to vector<1xf32>
      %squeeze3A_5414 = vector.extract %slice3A_5413[0] : f32 from vector<1xf32>
      %add3A_5415 = arith.addf %add3A_5412, %squeeze3A_5414 : f32
      %slice3A_5416 = vector.extract_strided_slice %mul3A_5379 {offsets = [13], sizes = [1], strides = [1]} : vector<16xf32> to vector<1xf32>
      %squeeze3A_5417 = vector.extract %slice3A_5416[0] : f32 from vector<1xf32>
      %add3A_5418 = arith.addf %add3A_5415, %squeeze3A_5417 : f32
      %slice3A_5419 = vector.extract_strided_slice %mul3A_5379 {offsets = [14], sizes = [1], strides = [1]} : vector<16xf32> to vector<1xf32>
      %squeeze3A_5420 = vector.extract %slice3A_5419[0] : f32 from vector<1xf32>
      %add3A_5421 = arith.addf %add3A_5418, %squeeze3A_5420 : f32
      %slice3A_5422 = vector.extract_strided_slice %mul3A_5379 {offsets = [15], sizes = [1], strides = [1]} : vector<16xf32> to vector<1xf32>
      %squeeze3A_5423 = vector.extract %slice3A_5422[0] : f32 from vector<1xf32>
      %add3A_5424 = arith.addf %add3A_5421, %squeeze3A_5423 : f32
      %broadcast_in_dim3A_5425 = vector.broadcast %add3A_5424 : f32 to vector<16xf32>
      %swap3A_5426 = arith.constant 0 : index
      %swap3A_5427 = tpu.vector_load %arg9[%swap3A_5426] {strides = array<i32>} : memref<16xf32, #tpu.memory_space<vmem>>, vector<16xf32>,
      %swap3A_5428 = vector.shape_cast %swap3A_5427 : vector<16xf32> to vector<16xf32>
      %swap3A_5429 = vector.shape_cast %broadcast_in_dim3A_5425 : vector<16xf32> to vector<16xf32>
      tpu.vector_store %arg9[%swap3A_5426], %swap3A_5429 {strides = array<i32>} : memref<16xf32, #tpu.memory_space<vmem>>, vector<16xf32>,
      "tpu.region"() ({
        %run_scoped3A = tpu.sem_alloc : memref<!tpu.dma_semaphore, #tpu.memory_space<semaphore_mem>>
        %dma_start3A_5430 = arith.constant 0 : i32
        %dma_start3A_5431 = tpu.memref_slice %arg9[%dma_start3A_5430] : memref<16xf32, #tpu.memory_space<vmem>> -> memref<1xf32, #tpu.memory_space<vmem>>
        %dma_start3A_5432 = arith.constant 0 : i32
        %dma_start3A_5433 = tpu.memref_slice %arg9[%dma_start3A_5432] : memref<16xf32, #tpu.memory_space<vmem>> -> memref<1xf32, #tpu.memory_space<vmem>>
        tpu.enqueue_dma source(%dma_start3A_5433 : memref<1xf32, #tpu.memory_space<vmem>>) target(%arg4 : memref<1xf32, #tpu.memory_space<hbm>>) target_semaphore(%run_scoped3A : memref<!tpu.dma_semaphore, #tpu.memory_space<semaphore_mem>>)
        %dma_wait3A_5434 = arith.constant 0 : i32
        %dma_wait3A_5435 = tpu.memref_slice %arg9[%dma_wait3A_5434] : memref<16xf32, #tpu.memory_space<vmem>> -> memref<1xf32, #tpu.memory_space<vmem>>
        %dma_wait3A_5436 = arith.constant 0 : i32
        %dma_wait3A_5437 = tpu.memref_slice %arg9[%dma_wait3A_5436] : memref<16xf32, #tpu.memory_space<vmem>> -> memref<1xf32, #tpu.memory_space<vmem>>
        tpu.wait_dma2 semaphore(%run_scoped3A : memref<!tpu.dma_semaphore, #tpu.memory_space<semaphore_mem>>) src(%dma_wait3A_5437 : memref<1xf32, #tpu.memory_space<vmem>>) dst(%arg4 : memref<1xf32, #tpu.memory_space<hbm>>)
        tpu.yield
      }) : () -> ()
    } else {
    }
    return
  }
}

</mosaic_0001>

<sc_bundles>
// kernel: kernel.3.cloned.1.call-start
scs
__scs_entry_jumppad:
0x0: {  	(pc) =	sbr.rel $0x88, $3  }
0x1: {  	(tag) =	ssettag $0x0;
	lr =	simm.s32 $0x1  }
0x2: {  	[smem:$0x3F9F] =	sst lr;
	_ =	strace $0xD0000000  }
0x3: {  	_ = 	snop  }
0x4: {  	_ = 	snop  }
0x5: {  	_ = 	snop  }
0x6: {  	_ = 	snop  }
0x7: {  	_ = 	snop  }
__scs_overlays_trampoline_lowered:
0x8: {  	[smem:$0x3FAE] =	sst s0  }
0x9: {  	[smem:$0x3FAF] =	sst s1  }
0xa: {  	[smem:$0x3FB0] =	sst s2  }
0xb: {  	[smem:$0x3FB1] =	sst s3  }
0xc: {  	[smem:$0x3FB2] =	sst s4  }
0xd: {  	[smem:$0x3FB3] =	sst s5  }
0xe: {  	[smem:$0x3FB4] =	sst s6  }
0xf: {  	[smem:$0x3FB5] =	sst s7  }
0x10: {  	[smem:$0x3FB6] =	sst s8  }
0x11: {  	[smem:$0x3FB7] =	sst s9;
	s0 =	simm.s32 @!p0 $0x0  }
0x12: {  	s1 =	sld [smem:$0x3F9D];
	s0 =	simm.s32 @p0 $0x1  }
0x13: {  	[smem:$0x3FB8] =	sst s0;
	s0 =	simm.s32 @!p1 $0x0  }
0x14: {  	s2 =	sld [smem:$0x3F9C];
	s0 =	simm.s32 @p1 $0x1  }
0x15: {  	[smem:$0x3FB9] =	sst s0;
	s0 =	simm.s32 @!p2 $0x0  }
0x16: {  	s3 =	sld [smem:$0x3FDB];
	s0 =	simm.s32 @p2 $0x1  }
0x17: {  	s4 =	simm.s32 $0x1BF5;
	[smem:$0x3FBB] =	sst s0  }
0x18: {  	s0 =	sld [smem:$0x3F9E];
	_ =	swait.ge [sflag:s4], $0x0  }
0x19: {  	s7 =	sld [smem:$0x3F9F]  }
0x1a: {  	s8 =	sadd.s32 $0xFFFFE003, lr  }
0x1b: {  	s9 =	sadd.s32 $0xFFFFFEF7, lr;
	s5 =	simm.s32 $0xFFFFFFFF;
	p2 =	slt.u32 s8, $0xFFFFF086  }
0x1c: {  	p1 =	slt.u32 s9, $0xF7A;
	s5 =	simm.s32 @!p2 $0x0  }
0x1d: {  	s5 =	simm.s32 @p1 $0x1;
	p0 =	seq.s32 s7, s2  }
0x1e: {  	s7 =	smul.u32 @!p0 $0xF7A, s2;
	p2 =	seq.s32 @!p0 s5, $0x0  }
0x1f: {  	s9 =	smul.u32 $0xF7A, s1;
	s8 =	simm.s32 @!p0 $0x1BF5;
	p2 =	por !p2, p0  }
0x20: {  	[sflag:s8] =	ssyncset.s32 @!p0 $0xFFFFF086;
	s6 =	sadd.s32 @!p0 s3, s7;
	s7 =	simm.s32 @!p0 $0x108  }
0x21: {  	s3 =	sadd.s32 s3, s9;
	s6 =	sadd.s32 @!p0 $0x88, s6;
	s7 =	simm.s32 @p2 $0x1082  }
0x22: {  	[simem:s7], [sflag:s8] =	dma.local @!p0 [hbm:s6], $0xF7A  }
0x23: {  	s9 =	sor.u32 $0xD0000000, s2;
	s6 =	simm.s32 $0x108;
	_ =	swait.ge @!p0 [sflag:s8], $0x0  }
0x24: {  	s3 =	sadd.s32 $0x88, s3;
	s6 =	simm.s32 @!p1 $0x1082;
	[sflag:s4] =	ssyncset.s32 $0xFFFFF086  }
0x25: {  	[simem:s6], [sflag:s4] =	dma.local [hbm:s3], $0xF7A  }
0x26: {  	[smem:$0x3F9F] =	sst s1;
	(tag) =	ssettag s2;
	_ =	strace s9  }
0x27: {  	s1 =	sld [smem:$0x3FAF]  }
0x28: {  	s2 =	sld [smem:$0x3FB0]  }
0x29: {  	s4 =	sld [smem:$0x3FB2]  }
0x2a: {  	p0 =	seq.s32 s5, $0x0;
	s5 =	sld [smem:$0x3FB3]  }
0x2b: {  	s6 =	sld [smem:$0x3FB4]  }
0x2c: {  	s7 =	sld [smem:$0x3FB5]  }
0x2d: {  	s3 =	simm.s32 $0x108;
	s8 =	sld [smem:$0x3FB6]  }
0x2e: {  	s3 =	simm.s32 @!p0 $0x1082;
	s9 =	sld [smem:$0x3FB7]  }
0x2f: {  	lr =	sadd.s32 s0, s3;
	s0 =	sld [smem:$0x3FAE]  }
0x30: {  	s3 =	sld [smem:$0x3FB1]  }
0x31: {  	[smem:$0x3FBA] =	sst s10  }
0x32: {  	s10 =	sld [smem:$0x3FB8];
	_ =	sdelay $0x3  }
0x33: {  	p0 =	seq.s32 s10, $0x1;
	s10 =	sld [smem:$0x3FBA];
	_ =	sdelay $0x3  }
0x34: {  	[smem:$0x3FBA] =	sst s10  }
0x35: {  	s10 =	sld [smem:$0x3FB9];
	_ =	sdelay $0x3  }
0x36: {  	p1 =	seq.s32 s10, $0x1;
	s10 =	sld [smem:$0x3FBA];
	_ =	sdelay $0x3  }
0x37: {  	[smem:$0x3FBA] =	sst s10  }
0x38: {  	s10 =	sld [smem:$0x3FBB]  }
0x39: {  	_ = 	snop;
	(pc) =	sbr.ind lr, $3  }
0x3a: {  	_ = 	snop  }
0x3b: {  	_ = 	snop  }
0x3c: {  	p2 =	seq.s32 s10, $0x1;
	s10 =	sld [smem:$0x3FBA]  }
0x3d: {  	_ =	shalt  }
0x3e: {  	_ =	shalt  }
0x3f: {  	_ =	shalt  }
0x40: {  	_ =	shalt  }
0x41: {  	_ =	shalt  }
0x42: {  	_ =	shalt  }
0x43: {  	_ =	shalt  }
0x44: {  	_ =	shalt  }
0x45: {  	_ =	shalt  }
0x46: {  	_ =	shalt  }
0x47: {  	_ =	shalt  }
0x48: {  	_ =	shalt  }
0x49: {  	_ =	shalt  }
0x4a: {  	_ =	shalt  }
0x4b: {  	_ =	shalt  }
0x4c: {  	_ =	shalt  }
0x4d: {  	_ =	shalt  }
0x4e: {  	_ =	shalt  }
0x4f: {  	_ =	shalt  }
0x50: {  	_ =	shalt  }
0x51: {  	_ =	shalt  }
0x52: {  	_ =	shalt  }
0x53: {  	_ =	shalt  }
0x54: {  	_ =	shalt  }
0x55: {  	_ =	shalt  }
0x56: {  	_ =	shalt  }
0x57: {  	_ =	shalt  }
0x58: {  	_ =	shalt  }
0x59: {  	_ =	shalt  }
0x5a: {  	_ =	shalt  }
0x5b: {  	_ =	shalt  }
0x5c: {  	_ =	shalt  }
0x5d: {  	_ =	shalt  }
0x5e: {  	_ =	shalt  }
0x5f: {  	_ =	shalt  }
0x60: {  	_ =	shalt  }
0x61: {  	_ =	shalt  }
0x62: {  	_ =	shalt  }
0x63: {  	_ =	shalt  }
0x64: {  	_ =	shalt  }
0x65: {  	_ =	shalt  }
0x66: {  	_ =	shalt  }
0x67: {  	_ =	shalt  }
0x68: {  	_ =	shalt  }
0x69: {  	_ =	shalt  }
0x6a: {  	_ =	shalt  }
0x6b: {  	_ =	shalt  }
0x6c: {  	_ =	shalt  }
0x6d: {  	_ =	shalt  }
0x6e: {  	_ =	shalt  }
0x6f: {  	_ =	shalt  }
0x70: {  	_ =	shalt  }
0x71: {  	_ =	shalt  }
0x72: {  	_ =	shalt  }
0x73: {  	_ =	shalt  }
0x74: {  	_ =	shalt  }
0x75: {  	_ =	shalt  }
0x76: {  	_ =	shalt  }
0x77: {  	_ =	shalt  }
0x78: {  	_ =	shalt  }
0x79: {  	_ =	shalt  }
0x7a: {  	_ =	shalt  }
0x7b: {  	_ =	shalt  }
0x7c: {  	_ =	shalt  }
0x7d: {  	_ =	shalt  }
0x7e: {  	_ =	shalt  }
0x7f: {  	_ =	shalt  }
0x80: {  	_ =	shalt  }
0x81: {  	_ =	shalt  }
0x82: {  	_ =	shalt  }
0x83: {  	_ =	shalt  }
0x84: {  	_ =	shalt  }
0x85: {  	_ =	shalt  }
0x86: {  	_ =	shalt  }
0x87: {  	_ =	shalt  }
.Lfunc_end0:
.L_simem_size_0:
called_computation_lowered:
.L_overlay_start_0:
0x88: {  	s0 =	sld [smem:$0x3FD9]  }
0x89: {  	s1 =	sld [smem:$0x3FFE];
	_ =	sdelay $0x3  }
0x8a: {  	s0 =	sadd.s32 s1, s0  }
0x8b: {  	[smem:$0x3FC6] =	sst s0  }
0x8c: {  	_ = 	snop  }
0x8d: {  	s0 =	sld [smem:$0x3FC9]  }
0x8e: {  	s16 =	sld [smem:$0x3FC8]  }
0x8f: {  	s2 =	sld [smem:$0x3FD0];
	(tm) =	ssettm $0x1  }
0x90: {  	s3 =	sld [smem:$0x3FFB];
	_ =	sdelay $0x3  }
0x91: {  	_ =	strace s3  }
0x92: {  	s3 =	sld [smem:$0x3FFC];
	_ =	sdelay $0x3  }
0x93: {  	_ =	strace s3  }
0x94: {  	s3 =	sld [smem:$0x3FFD];
	_ =	sdelay $0x3  }
0x95: {  	_ =	strace s3  }
0x96: {  	_ =	strace $0x8FFFFFFF  }
0x97: {  	s17 =	sld [smem:$0x3FDB];
	_ =	sdelay $0x1  }
0x98: {  	s4 =	simm.s32 $_scs_section_size  }
0x99: {  	s5 =	simm.s32 $_size__tile_overlayer_lowered;
	s6 =	simm.s32 $_tile_overlayer_lowered  }
0x9a: {  	s20 =	simm.s32 $0x1BFF;
	s19 =	sshll.u32 s6, $0x1;
	s3 =	sadd.s32 s4, s17  }
0x9b: {  	s7 =	simm.s32 $0x0;
	s18 =	sshll.u32 s5, $0x1;
	s5 =	sadd.s32 s19, s3  }
0x9c: {  	[timem:s7], [sflag:s20] =	dma.local [hbm:s5], s18  }
0x9d: {  	_ =	swait.ge [sflag:s20], s18  }
0x9e: {  	s4 =	ssub.s32 $0x0, s18;
	[sflag:s20] =	ssyncset.done $0x0  }
0x9f: {  	[sflag:s20] =	ssyncadd.s32 s4;
	_ =	sdelay $0x1  }
0xa0: {  	s21 =	simm.s32 $0x1B8B  }
0xa1: {  	_ =	swait.ge [sflag:s21], $0x1  }
0xa2: {  	[sflag:s21] =	ssyncset.done $0x0  }
0xa3: {  	s23 =	simm.s32 $0x1B8E;
	s22 =	sld [smem:$0x3FFE];
	[sflag:s21] =	ssyncadd.s32 $0xFFFFFFFF  }
0xa4: {  	s24 =	simm.s32 $execute0_lowered;
	[smem:$0x3FD2] =	sst s23  }
0xa5: {  	s5 =	sshll.u32 s24, $0x1;
	_ =	strace $0x80000046;
	[dreg:$0x1] =	wrdreg $0xFFFFFFFF  }
0xa6: {  	s25 =	simm.s32 $_size_execute0_lowered;
	s3 =	sadd.s32 s3, s5;
	[dreg:$0x0] =	wrdreg $0x0  }
0xa7: {  	s5 =	sshll.u32 s25, $0x1;
	[dreg:$0x2] =	wrdreg s3  }
0xa8: {  	[dreg:$0x3] =	wrdreg s5  }
0xa9: {  	[dreg:$0x4] =	wrdreg $0xC0  }
0xaa: {  	_ =	task [dreg:s7], $0x5FFFF  }
0xab: {  	[dreg:$0x1] =	wrdreg $0xFFFFFFFF  }
0xac: {  	[dreg:$0x0] =	wrdreg $0x60  }
0xad: {  	[dreg:$0x2] =	wrdreg s0  }
0xae: {  	[dreg:$0x3] =	wrdreg s16  }
0xaf: {  	[dreg:$0x4] =	wrdreg s2  }
0xb0: {  	[dreg:$0x5] =	wrdreg s22  }
0xb1: {  	[dreg:$0x6] =	wrdreg $0x9  }
0xb2: {  	_ =	task.clear_ibuf [dreg:s7], $0x7FFFF;
	_ =	strace $0x90000046  }
0xb3: {  	s26 =	simm.s32 $0x9;
	_ =	strace $0x80000048  }
0xb4: {  	_ =	swait.ge [sflag:s26], $0x1  }
0xb5: {  	[sflag:s26] =	ssyncadd.s32 $0xFFFFFFFF  }
0xb6: {  	_ =	strace $0x90000048  }
0xb7: {  	_ =	sfence  }
0xb8: {  	s28 =	sld [smem:$0x0];
	_ =	sdelay $0x1  }
0xb9: {  	s29 =	srdreg.scid  }
0xba: {  	s30 =	sshll.u32 s29, $0xD;
	s31 =	sshrl.u32 s29, $0x2  }
0xbb: {  	s1 =	sand.u32 $0x1, s29;
	s2 =	sand.u32 $0x4000, s30;
	s0 =	sadd.s32 s31, s28  }
0xbc: {  	s1 =	sor.u32 s2, s1;
	s0 =	sshll.u32 s0, $0x11  }
0xbd: {  	s0 =	sor.u32 s0, s1  }
0xbe: {  	s0 =	sadd.s32 $0x8F2B, s0  }
0xbf: {  	[sflag:s0] =	ssyncadd.remote.s32 $0x1  }
0xc0: {  	_ =	sfence.sel $0xFFFF  }
0xc1: {  	[dreg:$0x0] =	wrdreg $0xFFFFFFFF;
	(pc) =	sbr.abs _section_cstart, $3  }
0xc2: {  	[dreg:$0x1] =	wrdreg $0xFFFFFFFF  }
0xc3: {  	_ =	task.clear_ibuf [dreg:s7], $0x2FFFF;
	_ =	strace $0x9FFFFFFF  }
0xc4: {  	(tm) =	ssettm $0x7FFFFFFF  }
0xc5: {  	_ =	shalt  }
tec
execute0_lowered:
.L_overlay_start_1:
0x0: {  	(tag) =	ssettag $0x1  }
0x1: {  	s6 =	rddreg [dreg:$0x0]  }
0x2: {  	s3 =	rddreg [dreg:$0x1]  }
0x3: {  	s1 =	rddreg [dreg:$0x2]  }
0x4: {  	s4 =	rddreg [dreg:$0x3]  }
0x5: {  	s0 =	rddreg [dreg:$0x4];
	s2 =	simm.s32 $0x0;
	s5 =	stileid.u32  }
0x6: {  	[smem:$0x7FF] =	sst s2;
	p0 =	sne.s32 s5, $0x0;
	s7 =	sshll.u32 s5, $0x8  }
0x7: {  	_ =	strace $0x80000047;
	s3 =	sadd.s32 s3, s7;
	s7 =	simm.s32 @!p0 $0x0  }
0x8: {  	v0 =	vimm.s32 $0x4380;
	vm0 =	vcmask $0x300;
	[tilespmem:s2], [sflag:$0x13] =	stream.linear.gather [hbm4b:s3+s2], $0x800, $0x38;
	[tilespmem:$0x1980] =	vst v63  }
0x9: {  	vm14 =	vcmask $0x704;
	v0 =	vsel vm0, $0x0, v0;
	[smem:$0x0] =	sst @!p0 s7;
	s3 =	simm.s32 $0x13  }
0xa: {  	vm15 =	vcmask $0xB08;
	v0 =	vsel vm14, $0x80, v0;
	_ =	swait.ge [sflag:s3], $0x800  }
0xb: {  	vm4 =	vcmask $0xF0C;
	v0 =	vsel vm15, $0x100, v0;
	[sflag:s3] =	ssyncset.done $0x0  }
0xc: {  	vm5 =	vcmask $0x1310;
	v0 =	vsel vm4, $0x180, v0;
	[sflag:s3] =	ssyncadd.s32 $0xFFFFF800  }
0xd: {  	vm6 =	vcmask $0x1714;
	v0 =	vsel vm5, $0x200, v0;
	v1 =	vld [tilespmem:$0x0]  }
0xe: {  	vm7 =	vcmask $0x1B18;
	v0 =	vsel vm6, $0x280, v0;
	v2 =	vld [tilespmem:$0x10]  }
0xf: {  	vm8 =	vcmask $0x1F1C;
	v0 =	vsel vm7, $0x300, v0;
	v8 =	vld [tilespmem:$0x20]  }
0x10: {  	vm9 =	vcmask $0x2320;
	v12 =	vld [tilespmem:$0x30];
	v0 =	vsel vm8, $0x380, v0  }
0x11: {  	vm10 =	vcmask $0x2724;
	v14 =	vld [tilespmem:$0x40];
	v0 =	vsel vm9, $0x4000, v0  }
0x12: {  	vm11 =	vcmask $0x2B28;
	v16 =	vld [tilespmem:$0x50];
	v0 =	vsel vm10, $0x4080, v0  }
0x13: {  	vm12 =	vcmask $0x2F2C;
	vm13 =	vcmask $0x3330;
	v18 =	vld [tilespmem:$0x60];
	v0 =	vsel vm11, $0x4100, v0  }
0x14: {  	vm14 =	vcmask $0x3734;
	vm15 =	vcmask $0x3B38;
	v23 =	vld [tilespmem:$0x70];
	v0 =	vsel vm12, $0x4180, v0  }
0x15: {  	v11 =	vshll.u32 v1, $0x3;
	v1 =	vand.u32 $0x7F, v1;
	v62 =	vshll.u32 v2, $0x3  }
0x16: {  	v2 =	vand.u32 $0x7F, v2;
	v63 =	vshll.u32 v8, $0x3;
	v15 =	vand.u32 $0x7F, v8  }
0x17: {  	v17 =	vshll.u32 v12, $0x3;
	v20 =	vand.u32 $0x7F, v12;
	v21 =	vshll.u32 v14, $0x3  }
0x18: {  	v22 =	vand.u32 $0x7F, v14;
	v28 =	vshll.u32 v16, $0x3;
	v29 =	vand.u32 $0x7F, v16  }
0x19: {  	v32 =	vshll.u32 v18, $0x3;
	v35 =	vand.u32 $0x7F, v18;
	v37 =	vshll.u32 v23, $0x3  }
0x1a: {  	v38 =	vand.u32 $0x7F, v23;
	v0 =	vsel vm13, $0x4200, v0;
	v11 =	vand.u32 $0xFFFFFC00, v11  }
0x1b: {  	s7 =	sshll.u32 s5, $0x16;
	v19 =	vand.u32 $0xFFFFFC00, v17;
	v25 =	vand.u32 $0xFFFFFC00, v21;
	v0 =	vsel vm14, $0x4280, v0  }
0x1c: {  	s8 =	sor.u32 $0x8000, s7;
	s19 =	sor.u32 $0x10000, s7;
	v30 =	vand.u32 $0xFFFFFC00, v28;
	v34 =	vand.u32 $0xFFFFFC00, v32;
	v0 =	vsel vm15, $0x4300, v0  }
0x1d: {  	s9 =	sor.u32 $0x18000, s7;
	s10 =	sor.u32 $0x20000, s7;
	v3 =	vor.u32 s7, v0;
	v4 =	vor.u32 s8, v0;
	v5 =	vor.u32 s19, v0  }
0x1e: {  	v6 =	vor.u32 s9, v0;
	v7 =	vor.u32 s10, v0;
	v1 =	vor.u32 v1, v3  }
0x1f: {  	v3 =	vand.u32 $0xFFFFFC00, v62;
	v2 =	vor.u32 v2, v4;
	v1 =	vadd.s32 v11, v1  }
0x20: {  	s20 =	sor.u32 $0x28000, s7;
	v4 =	vor.u32 v15, v5;
	v5 =	vor.u32 v20, v6;
	v2 =	vadd.s32 v3, v2;
	[tilespmem:$0x800] =	vst v1  }
0x21: {  	s21 =	sor.u32 $0x30000, s7;
	v9 =	vor.u32 s20, v0;
	v26 =	vor.u32 v22, v7;
	v24 =	vadd.s32 v19, v5;
	[tilespmem:$0x810] =	vst v2  }
0x22: {  	s22 =	sor.u32 $0x38000, s7;
	v10 =	vor.u32 s21, v0;
	v31 =	vor.u32 v29, v9;
	v27 =	vadd.s32 v25, v26;
	[tilespmem:$0x830] =	vst v24  }
0x23: {  	v13 =	vor.u32 s22, v0;
	v36 =	vor.u32 v35, v10;
	v33 =	vadd.s32 v30, v31;
	[tilespmem:$0x840] =	vst v27  }
0x24: {  	v40 =	vand.u32 $0xFFFFFC00, v37;
	v41 =	vor.u32 v38, v13;
	v39 =	vadd.s32 v34, v36;
	[tilespmem:$0x850] =	vst v33  }
0x25: {  	v3 =	vand.u32 $0xFFFFFC00, v63;
	v42 =	vadd.s32 v40, v41;
	[tilespmem:$0x860] =	vst v39  }
0x26: {  	v3 =	vadd.s32 v3, v4;
	[tilespmem:$0x870] =	vst v42  }
0x27: {  	s23 =	simm.s32 $0x800;
	s24 =	simm.s32 $0x1000;
	s8 =	simm.s32 $0x80;
	[tilespmem:$0x820] =	vst v3  }
0x28: {  	[tilespmem:s24], [sflag:$0x1] =	stream.indirect.gather [hbm4b:s6+s8], $0x1, s23, s8, $0xb8;
	[tilespmem:$0x1980] =	vst v63  }
0x29: {  	v43 =	vld [tilespmem:$0x80]  }
0x2a: {  	v44 =	vld [tilespmem:$0x90]  }
0x2b: {  	v50 =	vld [tilespmem:$0xA0]  }
0x2c: {  	v54 =	vld [tilespmem:$0xB0]  }
0x2d: {  	s25 =	sor.u32 $0x40000, s7;
	s26 =	sor.u32 $0x48000, s7;
	v57 =	vld [tilespmem:$0xC0]  }
0x2e: {  	s28 =	sor.u32 $0x50000, s7;
	s29 =	sor.u32 $0x58000, s7;
	s11 =	sor.u32 $0x60000, s7;
	v45 =	vor.u32 s25, v0;
	v46 =	vor.u32 s26, v0;
	v60 =	vld [tilespmem:$0xD0]  }
0x2f: {  	s30 =	sor.u32 $0x68000, s7;
	s31 =	sor.u32 $0x70000, s7;
	v47 =	vor.u32 s28, v0;
	v48 =	vor.u32 s29, v0;
	v49 =	vor.u32 s11, v0;
	s11 =	sor.u32 $0x78000, s7;
	v62 =	vld [tilespmem:$0xE0]  }
0x30: {  	v51 =	vor.u32 s30, v0;
	v52 =	vor.u32 s31, v0;
	v55 =	vor.u32 s11, v0;
	v19 =	vld [tilespmem:$0xF0]  }
0x31: {  	v53 =	vshll.u32 v43, $0x3;
	v1 =	vand.u32 $0x7F, v43;
	v56 =	vshll.u32 v44, $0x3  }
0x32: {  	v2 =	vand.u32 $0x7F, v44;
	v58 =	vshll.u32 v50, $0x3;
	v59 =	vand.u32 $0x7F, v50  }
0x33: {  	v61 =	vshll.u32 v54, $0x3;
	v16 =	vand.u32 $0x7F, v54;
	v17 =	vshll.u32 v57, $0x3  }
0x34: {  	v18 =	vand.u32 $0x7F, v57;
	v24 =	vshll.u32 v60, $0x3;
	v25 =	vand.u32 $0x7F, v60  }
0x35: {  	v28 =	vshll.u32 v62, $0x3;
	v31 =	vand.u32 $0x7F, v62;
	v33 =	vshll.u32 v19, $0x3  }
0x36: {  	v34 =	vand.u32 $0x7F, v19;
	v11 =	vand.u32 $0xFFFFFC00, v53;
	v1 =	vor.u32 v1, v45  }
0x37: {  	v3 =	vand.u32 $0xFFFFFC00, v56;
	v2 =	vor.u32 v2, v46;
	v1 =	vadd.s32 v11, v1  }
0x38: {  	v63 =	vand.u32 $0xFFFFFC00, v61;
	v5 =	vor.u32 v16, v48;
	v2 =	vadd.s32 v3, v2;
	[tilespmem:$0x880] =	vst v1  }
0x39: {  	v21 =	vand.u32 $0xFFFFFC00, v17;
	v22 =	vor.u32 v18, v49;
	v20 =	vadd.s32 v63, v5;
	[tilespmem:$0x890] =	vst v2  }
0x3a: {  	v26 =	vand.u32 $0xFFFFFC00, v24;
	v27 =	vor.u32 v25, v51;
	v23 =	vadd.s32 v21, v22;
	[tilespmem:$0x8B0] =	vst v20  }
0x3b: {  	v30 =	vand.u32 $0xFFFFFC00, v28;
	v32 =	vor.u32 v31, v52;
	v29 =	vadd.s32 v26, v27;
	[tilespmem:$0x8C0] =	vst v23  }
0x3c: {  	v36 =	vand.u32 $0xFFFFFC00, v33;
	v37 =	vor.u32 v34, v55;
	v35 =	vadd.s32 v30, v32;
	[tilespmem:$0x8D0] =	vst v29  }
0x3d: {  	v4 =	vor.u32 v59, v47;
	v3 =	vand.u32 $0xFFFFFC00, v58;
	v38 =	vadd.s32 v36, v37;
	[tilespmem:$0x8E0] =	vst v35  }
0x3e: {  	v3 =	vadd.s32 v3, v4;
	[tilespmem:$0x8F0] =	vst v38  }
0x3f: {  	s12 =	simm.s32 $0x880;
	s13 =	simm.s32 $0x1080;
	[tilespmem:$0x8A0] =	vst v3  }
0x40: {  	[tilespmem:s13], [sflag:$0x2] =	stream.indirect.gather [hbm4b:s6+s8], $0x1, s12, s8, $0xb8;
	[tilespmem:$0x1980] =	vst v63  }
0x41: {  	v39 =	vld [tilespmem:$0x100]  }
0x42: {  	v40 =	vld [tilespmem:$0x110]  }
0x43: {  	v46 =	vld [tilespmem:$0x120]  }
0x44: {  	v50 =	vld [tilespmem:$0x130]  }
0x45: {  	s14 =	sor.u32 $0x80000, s7;
	s15 =	sor.u32 $0x88000, s7;
	v53 =	vld [tilespmem:$0x140]  }
0x46: {  	s16 =	sor.u32 $0x90000, s7;
	s17 =	sor.u32 $0x98000, s7;
	s18 =	sor.u32 $0xA0000, s7;
	v41 =	vor.u32 s14, v0;
	v42 =	vor.u32 s15, v0;
	v56 =	vld [tilespmem:$0x150]  }
0x47: {  	s19 =	sor.u32 $0xA8000, s7;
	s20 =	sor.u32 $0xB0000, s7;
	s21 =	sor.u32 $0xB8000, s7;
	v43 =	vor.u32 s16, v0;
	v44 =	vor.u32 s17, v0;
	v45 =	vor.u32 s18, v0;
	v58 =	vld [tilespmem:$0x160]  }
0x48: {  	v47 =	vor.u32 s19, v0;
	v48 =	vor.u32 s20, v0;
	v51 =	vor.u32 s21, v0;
	v63 =	vld [tilespmem:$0x170]  }
0x49: {  	v49 =	vshll.u32 v39, $0x3;
	v1 =	vand.u32 $0x7F, v39;
	v52 =	vshll.u32 v40, $0x3  }
0x4a: {  	v2 =	vand.u32 $0x7F, v40;
	v54 =	vshll.u32 v46, $0x3;
	v55 =	vand.u32 $0x7F, v46  }
0x4b: {  	v57 =	vshll.u32 v50, $0x3;
	v60 =	vand.u32 $0x7F, v50;
	v61 =	vshll.u32 v53, $0x3  }
0x4c: {  	v62 =	vand.u32 $0x7F, v53;
	v19 =	vshll.u32 v56, $0x3;
	v20 =	vand.u32 $0x7F, v56  }
0x4d: {  	v23 =	vshll.u32 v58, $0x3;
	v26 =	vand.u32 $0x7F, v58;
	v28 =	vshll.u32 v63, $0x3  }
0x4e: {  	v29 =	vand.u32 $0x7F, v63;
	v11 =	vand.u32 $0xFFFFFC00, v49;
	v1 =	vor.u32 v1, v41  }
0x4f: {  	v3 =	vand.u32 $0xFFFFFC00, v52;
	v2 =	vor.u32 v2, v42;
	v1 =	vadd.s32 v11, v1  }
0x50: {  	v59 =	vand.u32 $0xFFFFFC00, v57;
	v5 =	vor.u32 v60, v44;
	v2 =	vadd.s32 v3, v2;
	[tilespmem:$0x900] =	vst v1  }
0x51: {  	v16 =	vand.u32 $0xFFFFFC00, v61;
	v17 =	vor.u32 v62, v45;
	v15 =	vadd.s32 v59, v5;
	[tilespmem:$0x910] =	vst v2  }
0x52: {  	v21 =	vand.u32 $0xFFFFFC00, v19;
	v22 =	vor.u32 v20, v47;
	v18 =	vadd.s32 v16, v17;
	[tilespmem:$0x930] =	vst v15  }
0x53: {  	v25 =	vand.u32 $0xFFFFFC00, v23;
	v27 =	vor.u32 v26, v48;
	v24 =	vadd.s32 v21, v22;
	[tilespmem:$0x940] =	vst v18  }
0x54: {  	v31 =	vand.u32 $0xFFFFFC00, v28;
	v32 =	vor.u32 v29, v51;
	v30 =	vadd.s32 v25, v27;
	[tilespmem:$0x950] =	vst v24  }
0x55: {  	v4 =	vor.u32 v55, v43;
	v3 =	vand.u32 $0xFFFFFC00, v54;
	v33 =	vadd.s32 v31, v32;
	[tilespmem:$0x960] =	vst v30  }
0x56: {  	v3 =	vadd.s32 v3, v4;
	[tilespmem:$0x970] =	vst v33  }
0x57: {  	s22 =	simm.s32 $0x900;
	s23 =	simm.s32 $0x1100;
	[tilespmem:$0x920] =	vst v3  }
0x58: {  	[tilespmem:s23], [sflag:$0x3] =	stream.indirect.gather [hbm4b:s6+s8], $0x1, s22, s8, $0xb8;
	[tilespmem:$0x1980] =	vst v63  }
0x59: {  	v34 =	vld [tilespmem:$0x180]  }
0x5a: {  	v35 =	vld [tilespmem:$0x190]  }
0x5b: {  	v41 =	vld [tilespmem:$0x1A0]  }
0x5c: {  	v45 =	vld [tilespmem:$0x1B0]  }
0x5d: {  	s25 =	sor.u32 $0xC8000, s7;
	s24 =	sor.u32 $0xC0000, s7;
	v48 =	vld [tilespmem:$0x1C0]  }
0x5e: {  	s26 =	sor.u32 $0xD0000, s7;
	s28 =	sor.u32 $0xD8000, s7;
	s29 =	sor.u32 $0xE0000, s7;
	v36 =	vor.u32 s24, v0;
	v37 =	vor.u32 s25, v0;
	v51 =	vld [tilespmem:$0x1D0]  }
0x5f: {  	s30 =	sor.u32 $0xE8000, s7;
	s31 =	sor.u32 $0xF0000, s7;
	s11 =	sor.u32 $0xF8000, s7;
	v38 =	vor.u32 s26, v0;
	v39 =	vor.u32 s28, v0;
	v40 =	vor.u32 s29, v0;
	v53 =	vld [tilespmem:$0x1E0]  }
0x60: {  	v46 =	vor.u32 s11, v0;
	v42 =	vor.u32 s30, v0;
	v43 =	vor.u32 s31, v0;
	v58 =	vld [tilespmem:$0x1F0]  }
0x61: {  	v44 =	vshll.u32 v34, $0x3;
	v1 =	vand.u32 $0x7F, v34;
	v47 =	vshll.u32 v35, $0x3  }
0x62: {  	v2 =	vand.u32 $0x7F, v35;
	v49 =	vshll.u32 v41, $0x3;
	v50 =	vand.u32 $0x7F, v41  }
0x63: {  	v52 =	vshll.u32 v45, $0x3;
	v55 =	vand.u32 $0x7F, v45;
	v56 =	vshll.u32 v48, $0x3  }
0x64: {  	v57 =	vand.u32 $0x7F, v48;
	v63 =	vshll.u32 v51, $0x3;
	v8 =	vand.u32 $0x7F, v51  }
0x65: {  	v16 =	vshll.u32 v53, $0x3;
	v19 =	vand.u32 $0x7F, v53;
	v21 =	vshll.u32 v58, $0x3  }
0x66: {  	v22 =	vand.u32 $0x7F, v58;
	v11 =	vand.u32 $0xFFFFFC00, v44;
	v1 =	vor.u32 v1, v36  }
0x67: {  	v3 =	vand.u32 $0xFFFFFC00, v47;
	v2 =	vor.u32 v2, v37;
	v1 =	vadd.s32 v11, v1  }
0x68: {  	v54 =	vand.u32 $0xFFFFFC00, v52;
	v5 =	vor.u32 v55, v39;
	v2 =	vadd.s32 v3, v2;
	[tilespmem:$0x980] =	vst v1  }
0x69: {  	v60 =	vand.u32 $0xFFFFFC00, v56;
	v61 =	vor.u32 v57, v40;
	v59 =	vadd.s32 v54, v5;
	[tilespmem:$0x990] =	vst v2  }
0x6a: {  	v12 =	vand.u32 $0xFFFFFC00, v63;
	v15 =	vor.u32 v8, v42;
	v62 =	vadd.s32 v60, v61;
	[tilespmem:$0x9B0] =	vst v59  }
0x6b: {  	v18 =	vand.u32 $0xFFFFFC00, v16;
	v20 =	vor.u32 v19, v43;
	v17 =	vadd.s32 v12, v15;
	[tilespmem:$0x9C0] =	vst v62  }
0x6c: {  	v24 =	vand.u32 $0xFFFFFC00, v21;
	v25 =	vor.u32 v22, v46;
	v23 =	vadd.s32 v18, v20;
	[tilespmem:$0x9D0] =	vst v17  }
0x6d: {  	v4 =	vor.u32 v50, v38;
	v3 =	vand.u32 $0xFFFFFC00, v49;
	v26 =	vadd.s32 v24, v25;
	[tilespmem:$0x9E0] =	vst v23  }
0x6e: {  	v3 =	vadd.s32 v3, v4;
	[tilespmem:$0x9F0] =	vst v26  }
0x6f: {  	s12 =	simm.s32 $0x980;
	s13 =	simm.s32 $0x1180;
	[tilespmem:$0x9A0] =	vst v3  }
0x70: {  	[tilespmem:s13], [sflag:$0x4] =	stream.indirect.gather [hbm4b:s6+s8], $0x1, s12, s8, $0xb8;
	[tilespmem:$0x1980] =	vst v63  }
0x71: {  	v27 =	vld [tilespmem:$0x200]  }
0x72: {  	v28 =	vld [tilespmem:$0x210]  }
0x73: {  	v34 =	vld [tilespmem:$0x220]  }
0x74: {  	v38 =	vld [tilespmem:$0x230]  }
0x75: {  	s14 =	sor.u32 $0x100000, s7;
	s16 =	sor.u32 $0x110000, s7;
	v41 =	vld [tilespmem:$0x240]  }
0x76: {  	s15 =	sor.u32 $0x108000, s7;
	s17 =	sor.u32 $0x118000, s7;
	s18 =	sor.u32 $0x120000, s7;
	v29 =	vor.u32 s14, v0;
	v31 =	vor.u32 s16, v0;
	v44 =	vld [tilespmem:$0x250]  }
0x77: {  	s19 =	sor.u32 $0x128000, s7;
	s20 =	sor.u32 $0x130000, s7;
	s21 =	sor.u32 $0x138000, s7;
	v32 =	vor.u32 s17, v0;
	v30 =	vor.u32 s15, v0;
	v33 =	vor.u32 s18, v0;
	v46 =	vld [tilespmem:$0x260]  }
0x78: {  	v35 =	vor.u32 s19, v0;
	v36 =	vor.u32 s20, v0;
	v39 =	vor.u32 s21, v0;
	v51 =	vld [tilespmem:$0x270]  }
0x79: {  	v37 =	vshll.u32 v27, $0x3;
	v1 =	vand.u32 $0x7F, v27;
	v40 =	vshll.u32 v28, $0x3  }
0x7a: {  	v2 =	vand.u32 $0x7F, v28;
	v42 =	vshll.u32 v34, $0x3;
	v43 =	vand.u32 $0x7F, v34  }
0x7b: {  	v45 =	vshll.u32 v38, $0x3;
	v48 =	vand.u32 $0x7F, v38;
	v49 =	vshll.u32 v41, $0x3  }
0x7c: {  	v50 =	vand.u32 $0x7F, v41;
	v56 =	vshll.u32 v44, $0x3;
	v57 =	vand.u32 $0x7F, v44  }
0x7d: {  	v60 =	vshll.u32 v46, $0x3;
	v63 =	vand.u32 $0x7F, v46;
	v9 =	vshll.u32 v51, $0x3  }
0x7e: {  	v10 =	vand.u32 $0x7F, v51;
	v11 =	vand.u32 $0xFFFFFC00, v37;
	v1 =	vor.u32 v1, v29  }
0x7f: {  	v3 =	vand.u32 $0xFFFFFC00, v40;
	v2 =	vor.u32 v2, v30;
	v1 =	vadd.s32 v11, v1  }
0x80: {  	v47 =	vand.u32 $0xFFFFFC00, v45;
	v5 =	vor.u32 v48, v32;
	v2 =	vadd.s32 v3, v2;
	[tilespmem:$0xA00] =	vst v1  }
0x81: {  	v53 =	vand.u32 $0xFFFFFC00, v49;
	v54 =	vor.u32 v50, v33;
	v52 =	vadd.s32 v47, v5;
	[tilespmem:$0xA10] =	vst v2  }
0x82: {  	v58 =	vand.u32 $0xFFFFFC00, v56;
	v59 =	vor.u32 v57, v35;
	v55 =	vadd.s32 v53, v54;
	[tilespmem:$0xA30] =	vst v52  }
0x83: {  	v62 =	vand.u32 $0xFFFFFC00, v60;
	v8 =	vor.u32 v63, v36;
	v61 =	vadd.s32 v58, v59;
	[tilespmem:$0xA40] =	vst v55  }
0x84: {  	v12 =	vand.u32 $0xFFFFFC00, v9;
	v14 =	vor.u32 v10, v39;
	v11 =	vadd.s32 v62, v8;
	[tilespmem:$0xA50] =	vst v61  }
0x85: {  	v4 =	vor.u32 v43, v31;
	v3 =	vand.u32 $0xFFFFFC00, v42;
	v15 =	vadd.s32 v12, v14;
	[tilespmem:$0xA60] =	vst v11  }
0x86: {  	v3 =	vadd.s32 v3, v4;
	[tilespmem:$0xA70] =	vst v15  }
0x87: {  	s22 =	simm.s32 $0xA00;
	s23 =	simm.s32 $0x1200;
	[tilespmem:$0xA20] =	vst v3  }
0x88: {  	[tilespmem:s23], [sflag:$0x5] =	stream.indirect.gather [hbm4b:s6+s8], $0x1, s22, s8, $0xb8;
	[tilespmem:$0x1980] =	vst v63  }
0x89: {  	v16 =	vld [tilespmem:$0x280]  }
0x8a: {  	v17 =	vld [tilespmem:$0x290]  }
0x8b: {  	v23 =	vld [tilespmem:$0x2A0]  }
0x8c: {  	v27 =	vld [tilespmem:$0x2B0]  }
0x8d: {  	s25 =	sor.u32 $0x148000, s7;
	s28 =	sor.u32 $0x158000, s7;
	v30 =	vld [tilespmem:$0x2C0]  }
0x8e: {  	s24 =	sor.u32 $0x140000, s7;
	s26 =	sor.u32 $0x150000, s7;
	s29 =	sor.u32 $0x160000, s7;
	v19 =	vor.u32 s25, v0;
	v21 =	vor.u32 s28, v0;
	v33 =	vld [tilespmem:$0x2D0]  }
0x8f: {  	s11 =	sor.u32 $0x178000, s7;
	s30 =	sor.u32 $0x168000, s7;
	s31 =	sor.u32 $0x170000, s7;
	v22 =	vor.u32 s29, v0;
	v18 =	vor.u32 s24, v0;
	v20 =	vor.u32 s26, v0;
	v35 =	vld [tilespmem:$0x2E0]  }
0x90: {  	v24 =	vor.u32 s30, v0;
	v25 =	vor.u32 s31, v0;
	v28 =	vor.u32 s11, v0;
	v40 =	vld [tilespmem:$0x2F0]  }
0x91: {  	v26 =	vshll.u32 v16, $0x3;
	v1 =	vand.u32 $0x7F, v16;
	v29 =	vshll.u32 v17, $0x3  }
0x92: {  	v2 =	vand.u32 $0x7F, v17;
	v31 =	vshll.u32 v23, $0x3;
	v32 =	vand.u32 $0x7F, v23  }
0x93: {  	v34 =	vshll.u32 v27, $0x3;
	v37 =	vand.u32 $0x7F, v27;
	v38 =	vshll.u32 v30, $0x3  }
0x94: {  	v39 =	vand.u32 $0x7F, v30;
	v45 =	vshll.u32 v33, $0x3;
	v46 =	vand.u32 $0x7F, v33  }
0x95: {  	v49 =	vshll.u32 v35, $0x3;
	v52 =	vand.u32 $0x7F, v35;
	v54 =	vshll.u32 v40, $0x3  }
0x96: {  	v55 =	vand.u32 $0x7F, v40;
	v11 =	vand.u32 $0xFFFFFC00, v26;
	v1 =	vor.u32 v1, v18  }
0x97: {  	v3 =	vand.u32 $0xFFFFFC00, v29;
	v2 =	vor.u32 v2, v19;
	v1 =	vadd.s32 v11, v1  }
0x98: {  	v36 =	vand.u32 $0xFFFFFC00, v34;
	v5 =	vor.u32 v37, v21;
	v2 =	vadd.s32 v3, v2;
	[tilespmem:$0xA80] =	vst v1  }
0x99: {  	v42 =	vand.u32 $0xFFFFFC00, v38;
	v43 =	vor.u32 v39, v22;
	v41 =	vadd.s32 v36, v5;
	[tilespmem:$0xA90] =	vst v2  }
0x9a: {  	v47 =	vand.u32 $0xFFFFFC00, v45;
	v48 =	vor.u32 v46, v24;
	v44 =	vadd.s32 v42, v43;
	[tilespmem:$0xAB0] =	vst v41  }
0x9b: {  	v51 =	vand.u32 $0xFFFFFC00, v49;
	v53 =	vor.u32 v52, v25;
	v50 =	vadd.s32 v47, v48;
	[tilespmem:$0xAC0] =	vst v44  }
0x9c: {  	v57 =	vand.u32 $0xFFFFFC00, v54;
	v58 =	vor.u32 v55, v28;
	v56 =	vadd.s32 v51, v53;
	[tilespmem:$0xAD0] =	vst v50  }
0x9d: {  	v4 =	vor.u32 v32, v20;
	v3 =	vand.u32 $0xFFFFFC00, v31;
	v59 =	vadd.s32 v57, v58;
	[tilespmem:$0xAE0] =	vst v56  }
0x9e: {  	v3 =	vadd.s32 v3, v4;
	[tilespmem:$0xAF0] =	vst v59  }
0x9f: {  	s12 =	simm.s32 $0xA80;
	s13 =	simm.s32 $0x1280;
	[tilespmem:$0xAA0] =	vst v3  }
0xa0: {  	[tilespmem:s13], [sflag:$0x6] =	stream.indirect.gather [hbm4b:s6+s8], $0x1, s12, s8, $0xb8;
	[tilespmem:$0x1980] =	vst v63  }
0xa1: {  	v60 =	vld [tilespmem:$0x300]  }
0xa2: {  	v61 =	vld [tilespmem:$0x310]  }
0xa3: {  	v19 =	vld [tilespmem:$0x320]  }
0xa4: {  	v23 =	vld [tilespmem:$0x330]  }
0xa5: {  	s14 =	sor.u32 $0x180000, s7;
	s15 =	sor.u32 $0x188000, s7;
	v26 =	vld [tilespmem:$0x340]  }
0xa6: {  	s16 =	sor.u32 $0x190000, s7;
	s17 =	sor.u32 $0x198000, s7;
	s18 =	sor.u32 $0x1A0000, s7;
	v63 =	vor.u32 s15, v0;
	v62 =	vor.u32 s14, v0;
	v29 =	vld [tilespmem:$0x350]  }
0xa7: {  	s19 =	sor.u32 $0x1A8000, s7;
	s20 =	sor.u32 $0x1B0000, s7;
	s21 =	sor.u32 $0x1B8000, s7;
	v16 =	vor.u32 s16, v0;
	v17 =	vor.u32 s17, v0;
	v18 =	vor.u32 s18, v0;
	v31 =	vld [tilespmem:$0x360]  }
0xa8: {  	v20 =	vor.u32 s19, v0;
	v21 =	vor.u32 s20, v0;
	v24 =	vor.u32 s21, v0;
	v36 =	vld [tilespmem:$0x370]  }
0xa9: {  	v22 =	vshll.u32 v60, $0x3;
	v1 =	vand.u32 $0x7F, v60;
	v25 =	vshll.u32 v61, $0x3  }
0xaa: {  	v2 =	vand.u32 $0x7F, v61;
	v27 =	vshll.u32 v19, $0x3;
	v28 =	vand.u32 $0x7F, v19  }
0xab: {  	v30 =	vshll.u32 v23, $0x3;
	v33 =	vand.u32 $0x7F, v23;
	v34 =	vshll.u32 v26, $0x3  }
0xac: {  	v35 =	vand.u32 $0x7F, v26;
	v41 =	vshll.u32 v29, $0x3;
	v42 =	vand.u32 $0x7F, v29  }
0xad: {  	v45 =	vshll.u32 v31, $0x3;
	v48 =	vand.u32 $0x7F, v31;
	v50 =	vshll.u32 v36, $0x3  }
0xae: {  	v51 =	vand.u32 $0x7F, v36;
	v11 =	vand.u32 $0xFFFFFC00, v22;
	v1 =	vor.u32 v1, v62  }
0xaf: {  	v3 =	vand.u32 $0xFFFFFC00, v25;
	v2 =	vor.u32 v2, v63;
	v1 =	vadd.s32 v11, v1  }
0xb0: {  	v32 =	vand.u32 $0xFFFFFC00, v30;
	v5 =	vor.u32 v33, v17;
	v2 =	vadd.s32 v3, v2;
	[tilespmem:$0xB00] =	vst v1  }
0xb1: {  	v38 =	vand.u32 $0xFFFFFC00, v34;
	v39 =	vor.u32 v35, v18;
	v37 =	vadd.s32 v32, v5;
	[tilespmem:$0xB10] =	vst v2  }
0xb2: {  	v43 =	vand.u32 $0xFFFFFC00, v41;
	v44 =	vor.u32 v42, v20;
	v40 =	vadd.s32 v38, v39;
	[tilespmem:$0xB30] =	vst v37  }
0xb3: {  	v47 =	vand.u32 $0xFFFFFC00, v45;
	v49 =	vor.u32 v48, v21;
	v46 =	vadd.s32 v43, v44;
	[tilespmem:$0xB40] =	vst v40  }
0xb4: {  	v53 =	vand.u32 $0xFFFFFC00, v50;
	v54 =	vor.u32 v51, v24;
	v52 =	vadd.s32 v47, v49;
	[tilespmem:$0xB50] =	vst v46  }
0xb5: {  	v4 =	vor.u32 v28, v16;
	v3 =	vand.u32 $0xFFFFFC00, v27;
	v55 =	vadd.s32 v53, v54;
	[tilespmem:$0xB60] =	vst v52  }
0xb6: {  	v3 =	vadd.s32 v3, v4;
	[tilespmem:$0xB70] =	vst v55  }
0xb7: {  	s22 =	simm.s32 $0xB00;
	s23 =	simm.s32 $0x1300;
	[tilespmem:$0xB20] =	vst v3  }
0xb8: {  	[tilespmem:s23], [sflag:$0x7] =	stream.indirect.gather [hbm4b:s6+s8], $0x1, s22, s8, $0xb8;
	[tilespmem:$0x1980] =	vst v63  }
0xb9: {  	v56 =	vld [tilespmem:$0x380]  }
0xba: {  	v57 =	vld [tilespmem:$0x390]  }
0xbb: {  	v63 =	vld [tilespmem:$0x3A0]  }
0xbc: {  	v19 =	vld [tilespmem:$0x3B0]  }
0xbd: {  	s25 =	sor.u32 $0x1C8000, s7;
	s24 =	sor.u32 $0x1C0000, s7;
	v22 =	vld [tilespmem:$0x3C0]  }
0xbe: {  	s28 =	sor.u32 $0x1D8000, s7;
	s29 =	sor.u32 $0x1E0000, s7;
	s26 =	sor.u32 $0x1D0000, s7;
	v58 =	vor.u32 s24, v0;
	v59 =	vor.u32 s25, v0;
	v25 =	vld [tilespmem:$0x3D0]  }
0xbf: {  	s30 =	sor.u32 $0x1E8000, s7;
	s31 =	sor.u32 $0x1F0000, s7;
	s11 =	sor.u32 $0x1F8000, s7;
	v60 =	vor.u32 s26, v0;
	v61 =	vor.u32 s28, v0;
	v62 =	vor.u32 s29, v0;
	v27 =	vld [tilespmem:$0x3E0]  }
0xc0: {  	v16 =	vor.u32 s30, v0;
	v17 =	vor.u32 s31, v0;
	v20 =	vor.u32 s11, v0;
	v32 =	vld [tilespmem:$0x3F0]  }
0xc1: {  	v18 =	vshll.u32 v56, $0x3;
	v1 =	vand.u32 $0x7F, v56;
	v21 =	vshll.u32 v57, $0x3  }
0xc2: {  	v2 =	vand.u32 $0x7F, v57;
	v23 =	vshll.u32 v63, $0x3;
	v24 =	vand.u32 $0x7F, v63  }
0xc3: {  	v26 =	vshll.u32 v19, $0x3;
	v29 =	vand.u32 $0x7F, v19;
	v30 =	vshll.u32 v22, $0x3  }
0xc4: {  	v31 =	vand.u32 $0x7F, v22;
	v37 =	vshll.u32 v25, $0x3;
	v38 =	vand.u32 $0x7F, v25  }
0xc5: {  	v41 =	vshll.u32 v27, $0x3;
	v44 =	vand.u32 $0x7F, v27;
	v46 =	vshll.u32 v32, $0x3  }
0xc6: {  	v47 =	vand.u32 $0x7F, v32;
	v11 =	vand.u32 $0xFFFFFC00, v18;
	v1 =	vor.u32 v1, v58  }
0xc7: {  	v3 =	vand.u32 $0xFFFFFC00, v21;
	v2 =	vor.u32 v2, v59;
	v1 =	vadd.s32 v11, v1  }
0xc8: {  	v28 =	vand.u32 $0xFFFFFC00, v26;
	v5 =	vor.u32 v29, v61;
	v2 =	vadd.s32 v3, v2;
	[tilespmem:$0xB80] =	vst v1  }
0xc9: {  	v34 =	vand.u32 $0xFFFFFC00, v30;
	v35 =	vor.u32 v31, v62;
	v33 =	vadd.s32 v28, v5;
	[tilespmem:$0xB90] =	vst v2  }
0xca: {  	v39 =	vand.u32 $0xFFFFFC00, v37;
	v40 =	vor.u32 v38, v16;
	v36 =	vadd.s32 v34, v35;
	[tilespmem:$0xBB0] =	vst v33  }
0xcb: {  	v43 =	vand.u32 $0xFFFFFC00, v41;
	v45 =	vor.u32 v44, v17;
	v42 =	vadd.s32 v39, v40;
	[tilespmem:$0xBC0] =	vst v36  }
0xcc: {  	v49 =	vand.u32 $0xFFFFFC00, v46;
	v50 =	vor.u32 v47, v20;
	v48 =	vadd.s32 v43, v45;
	[tilespmem:$0xBD0] =	vst v42  }
0xcd: {  	v4 =	vor.u32 v24, v60;
	v3 =	vand.u32 $0xFFFFFC00, v23;
	v51 =	vadd.s32 v49, v50;
	[tilespmem:$0xBE0] =	vst v48  }
0xce: {  	v3 =	vadd.s32 v3, v4;
	[tilespmem:$0xBF0] =	vst v51  }
0xcf: {  	s12 =	simm.s32 $0xB80;
	s13 =	simm.s32 $0x1380;
	[tilespmem:$0xBA0] =	vst v3  }
0xd0: {  	[tilespmem:s13], [sflag:$0x8] =	stream.indirect.gather [hbm4b:s6+s8], $0x1, s12, s8, $0xb8;
	[tilespmem:$0x1980] =	vst v63  }
0xd1: {  	v52 =	vld [tilespmem:$0x400]  }
0xd2: {  	v53 =	vld [tilespmem:$0x410]  }
0xd3: {  	v59 =	vld [tilespmem:$0x420]  }
0xd4: {  	v63 =	vld [tilespmem:$0x430]  }
0xd5: {  	s15 =	sor.u32 $0x208000, s7;
	s14 =	sor.u32 $0x200000, s7;
	v18 =	vld [tilespmem:$0x440]  }
0xd6: {  	s16 =	sor.u32 $0x210000, s7;
	s17 =	sor.u32 $0x218000, s7;
	s18 =	sor.u32 $0x220000, s7;
	v54 =	vor.u32 s14, v0;
	v55 =	vor.u32 s15, v0;
	v21 =	vld [tilespmem:$0x450]  }
0xd7: {  	s19 =	sor.u32 $0x228000, s7;
	s20 =	sor.u32 $0x230000, s7;
	s21 =	sor.u32 $0x238000, s7;
	v56 =	vor.u32 s16, v0;
	v57 =	vor.u32 s17, v0;
	v58 =	vor.u32 s18, v0;
	v23 =	vld [tilespmem:$0x460]  }
0xd8: {  	v60 =	vor.u32 s19, v0;
	v61 =	vor.u32 s20, v0;
	v16 =	vor.u32 s21, v0;
	v28 =	vld [tilespmem:$0x470]  }
0xd9: {  	v62 =	vshll.u32 v52, $0x3;
	v1 =	vand.u32 $0x7F, v52;
	v17 =	vshll.u32 v53, $0x3  }
0xda: {  	v2 =	vand.u32 $0x7F, v53;
	v19 =	vshll.u32 v59, $0x3;
	v20 =	vand.u32 $0x7F, v59  }
0xdb: {  	v22 =	vshll.u32 v63, $0x3;
	v25 =	vand.u32 $0x7F, v63;
	v26 =	vshll.u32 v18, $0x3  }
0xdc: {  	v27 =	vand.u32 $0x7F, v18;
	v33 =	vshll.u32 v21, $0x3;
	v34 =	vand.u32 $0x7F, v21  }
0xdd: {  	v37 =	vshll.u32 v23, $0x3;
	v40 =	vand.u32 $0x7F, v23;
	v42 =	vshll.u32 v28, $0x3  }
0xde: {  	v43 =	vand.u32 $0x7F, v28;
	v11 =	vand.u32 $0xFFFFFC00, v62;
	v1 =	vor.u32 v1, v54  }
0xdf: {  	v3 =	vand.u32 $0xFFFFFC00, v17;
	v2 =	vor.u32 v2, v55;
	v1 =	vadd.s32 v11, v1  }
0xe0: {  	v24 =	vand.u32 $0xFFFFFC00, v22;
	v5 =	vor.u32 v25, v57;
	v2 =	vadd.s32 v3, v2;
	[tilespmem:$0xC00] =	vst v1  }
0xe1: {  	v30 =	vand.u32 $0xFFFFFC00, v26;
	v31 =	vor.u32 v27, v58;
	v29 =	vadd.s32 v24, v5;
	[tilespmem:$0xC10] =	vst v2  }
0xe2: {  	v35 =	vand.u32 $0xFFFFFC00, v33;
	v36 =	vor.u32 v34, v60;
	v32 =	vadd.s32 v30, v31;
	[tilespmem:$0xC30] =	vst v29  }
0xe3: {  	v39 =	vand.u32 $0xFFFFFC00, v37;
	v41 =	vor.u32 v40, v61;
	v38 =	vadd.s32 v35, v36;
	[tilespmem:$0xC40] =	vst v32  }
0xe4: {  	v45 =	vand.u32 $0xFFFFFC00, v42;
	v46 =	vor.u32 v43, v16;
	v44 =	vadd.s32 v39, v41;
	[tilespmem:$0xC50] =	vst v38  }
0xe5: {  	v4 =	vor.u32 v20, v56;
	v3 =	vand.u32 $0xFFFFFC00, v19;
	v47 =	vadd.s32 v45, v46;
	[tilespmem:$0xC60] =	vst v44  }
0xe6: {  	v3 =	vadd.s32 v3, v4;
	[tilespmem:$0xC70] =	vst v47  }
0xe7: {  	s22 =	simm.s32 $0xC00;
	s23 =	simm.s32 $0x1400;
	[tilespmem:$0xC20] =	vst v3  }
0xe8: {  	[tilespmem:s23], [sflag:$0x9] =	stream.indirect.gather [hbm4b:s6+s8], $0x1, s22, s8, $0xb8;
	[tilespmem:$0x1980] =	vst v63  }
0xe9: {  	v48 =	vld [tilespmem:$0x480]  }
0xea: {  	v49 =	vld [tilespmem:$0x490]  }
0xeb: {  	v55 =	vld [tilespmem:$0x4A0]  }
0xec: {  	v59 =	vld [tilespmem:$0x4B0]  }
0xed: {  	s24 =	sor.u32 $0x240000, s7;
	s25 =	sor.u32 $0x248000, s7;
	v62 =	vld [tilespmem:$0x4C0]  }
0xee: {  	s26 =	sor.u32 $0x250000, s7;
	s28 =	sor.u32 $0x258000, s7;
	s29 =	sor.u32 $0x260000, s7;
	v50 =	vor.u32 s24, v0;
	v51 =	vor.u32 s25, v0;
	v16 =	vld [tilespmem:$0x4D0]  }
0xef: {  	s30 =	sor.u32 $0x268000, s7;
	s31 =	sor.u32 $0x270000, s7;
	s11 =	sor.u32 $0x278000, s7;
	v52 =	vor.u32 s26, v0;
	v53 =	vor.u32 s28, v0;
	v54 =	vor.u32 s29, v0;
	v18 =	vld [tilespmem:$0x4E0]  }
0xf0: {  	v56 =	vor.u32 s30, v0;
	v57 =	vor.u32 s31, v0;
	v60 =	vor.u32 s11, v0;
	v23 =	vld [tilespmem:$0x4F0]  }
0xf1: {  	v58 =	vshll.u32 v48, $0x3;
	v1 =	vand.u32 $0x7F, v48;
	v61 =	vshll.u32 v49, $0x3  }
0xf2: {  	v2 =	vand.u32 $0x7F, v49;
	v63 =	vshll.u32 v55, $0x3;
	v15 =	vand.u32 $0x7F, v55  }
0xf3: {  	v17 =	vshll.u32 v59, $0x3;
	v20 =	vand.u32 $0x7F, v59;
	v21 =	vshll.u32 v62, $0x3  }
0xf4: {  	v22 =	vand.u32 $0x7F, v62;
	v28 =	vshll.u32 v16, $0x3;
	v29 =	vand.u32 $0x7F, v16  }
0xf5: {  	v32 =	vshll.u32 v18, $0x3;
	v35 =	vand.u32 $0x7F, v18;
	v37 =	vshll.u32 v23, $0x3  }
0xf6: {  	v38 =	vand.u32 $0x7F, v23;
	v11 =	vand.u32 $0xFFFFFC00, v58;
	v1 =	vor.u32 v1, v50  }
0xf7: {  	v3 =	vand.u32 $0xFFFFFC00, v61;
	v2 =	vor.u32 v2, v51;
	v1 =	vadd.s32 v11, v1  }
0xf8: {  	v19 =	vand.u32 $0xFFFFFC00, v17;
	v5 =	vor.u32 v20, v53;
	v2 =	vadd.s32 v3, v2;
	[tilespmem:$0xC80] =	vst v1  }
0xf9: {  	v25 =	vand.u32 $0xFFFFFC00, v21;
	v26 =	vor.u32 v22, v54;
	v24 =	vadd.s32 v19, v5;
	[tilespmem:$0xC90] =	vst v2  }
0xfa: {  	v30 =	vand.u32 $0xFFFFFC00, v28;
	v31 =	vor.u32 v29, v56;
	v27 =	vadd.s32 v25, v26;
	[tilespmem:$0xCB0] =	vst v24  }
0xfb: {  	v34 =	vand.u32 $0xFFFFFC00, v32;
	v36 =	vor.u32 v35, v57;
	v33 =	vadd.s32 v30, v31;
	[tilespmem:$0xCC0] =	vst v27  }
0xfc: {  	v40 =	vand.u32 $0xFFFFFC00, v37;
	v41 =	vor.u32 v38, v60;
	v39 =	vadd.s32 v34, v36;
	[tilespmem:$0xCD0] =	vst v33  }
0xfd: {  	v4 =	vor.u32 v15, v52;
	v3 =	vand.u32 $0xFFFFFC00, v63;
	v42 =	vadd.s32 v40, v41;
	[tilespmem:$0xCE0] =	vst v39  }
0xfe: {  	v3 =	vadd.s32 v3, v4;
	[tilespmem:$0xCF0] =	vst v42  }
0xff: {  	s12 =	simm.s32 $0xC80;
	s13 =	simm.s32 $0x1480;
	[tilespmem:$0xCA0] =	vst v3  }
0x100: {  	[tilespmem:s13], [sflag:$0xA] =	stream.indirect.gather [hbm4b:s6+s8], $0x1, s12, s8, $0xb8;
	[tilespmem:$0x1980] =	vst v63  }
0x101: {  	v43 =	vld [tilespmem:$0x500]  }
0x102: {  	v44 =	vld [tilespmem:$0x510]  }
0x103: {  	v50 =	vld [tilespmem:$0x520]  }
0x104: {  	v54 =	vld [tilespmem:$0x530]  }
0x105: {  	s14 =	sor.u32 $0x280000, s7;
	s15 =	sor.u32 $0x288000, s7;
	v57 =	vld [tilespmem:$0x540]  }
0x106: {  	s16 =	sor.u32 $0x290000, s7;
	s17 =	sor.u32 $0x298000, s7;
	s18 =	sor.u32 $0x2A0000, s7;
	v45 =	vor.u32 s14, v0;
	v46 =	vor.u32 s15, v0;
	v60 =	vld [tilespmem:$0x550]  }
0x107: {  	s19 =	sor.u32 $0x2A8000, s7;
	s20 =	sor.u32 $0x2B0000, s7;
	s21 =	sor.u32 $0x2B8000, s7;
	v47 =	vor.u32 s16, v0;
	v48 =	vor.u32 s17, v0;
	v49 =	vor.u32 s18, v0;
	v62 =	vld [tilespmem:$0x560]  }
0x108: {  	v55 =	vor.u32 s21, v0;
	v51 =	vor.u32 s19, v0;
	v52 =	vor.u32 s20, v0;
	v19 =	vld [tilespmem:$0x570]  }
0x109: {  	v53 =	vshll.u32 v43, $0x3;
	v1 =	vand.u32 $0x7F, v43;
	v56 =	vshll.u32 v44, $0x3  }
0x10a: {  	v2 =	vand.u32 $0x7F, v44;
	v58 =	vshll.u32 v50, $0x3;
	v59 =	vand.u32 $0x7F, v50  }
0x10b: {  	v61 =	vshll.u32 v54, $0x3;
	v16 =	vand.u32 $0x7F, v54;
	v17 =	vshll.u32 v57, $0x3  }
0x10c: {  	v18 =	vand.u32 $0x7F, v57;
	v24 =	vshll.u32 v60, $0x3;
	v25 =	vand.u32 $0x7F, v60  }
0x10d: {  	v28 =	vshll.u32 v62, $0x3;
	v31 =	vand.u32 $0x7F, v62;
	v33 =	vshll.u32 v19, $0x3  }
0x10e: {  	v34 =	vand.u32 $0x7F, v19;
	v11 =	vand.u32 $0xFFFFFC00, v53;
	v1 =	vor.u32 v1, v45  }
0x10f: {  	v3 =	vand.u32 $0xFFFFFC00, v56;
	v2 =	vor.u32 v2, v46;
	v1 =	vadd.s32 v11, v1  }
0x110: {  	v63 =	vand.u32 $0xFFFFFC00, v61;
	v5 =	vor.u32 v16, v48;
	v2 =	vadd.s32 v3, v2;
	[tilespmem:$0xD00] =	vst v1  }
0x111: {  	v21 =	vand.u32 $0xFFFFFC00, v17;
	v22 =	vor.u32 v18, v49;
	v20 =	vadd.s32 v63, v5;
	[tilespmem:$0xD10] =	vst v2  }
0x112: {  	v26 =	vand.u32 $0xFFFFFC00, v24;
	v27 =	vor.u32 v25, v51;
	v23 =	vadd.s32 v21, v22;
	[tilespmem:$0xD30] =	vst v20  }
0x113: {  	v30 =	vand.u32 $0xFFFFFC00, v28;
	v32 =	vor.u32 v31, v52;
	v29 =	vadd.s32 v26, v27;
	[tilespmem:$0xD40] =	vst v23  }
0x114: {  	v36 =	vand.u32 $0xFFFFFC00, v33;
	v37 =	vor.u32 v34, v55;
	v35 =	vadd.s32 v30, v32;
	[tilespmem:$0xD50] =	vst v29  }
0x115: {  	v4 =	vor.u32 v59, v47;
	v3 =	vand.u32 $0xFFFFFC00, v58;
	v38 =	vadd.s32 v36, v37;
	[tilespmem:$0xD60] =	vst v35  }
0x116: {  	v3 =	vadd.s32 v3, v4;
	[tilespmem:$0xD70] =	vst v38  }
0x117: {  	s22 =	simm.s32 $0xD00;
	s23 =	simm.s32 $0x1500;
	[tilespmem:$0xD20] =	vst v3  }
0x118: {  	[tilespmem:s23], [sflag:$0xB] =	stream.indirect.gather [hbm4b:s6+s8], $0x1, s22, s8, $0xb8;
	[tilespmem:$0x1980] =	vst v63  }
0x119: {  	v39 =	vld [tilespmem:$0x580]  }
0x11a: {  	v40 =	vld [tilespmem:$0x590]  }
0x11b: {  	v46 =	vld [tilespmem:$0x5A0]  }
0x11c: {  	v50 =	vld [tilespmem:$0x5B0]  }
0x11d: {  	s24 =	sor.u32 $0x2C0000, s7;
	s25 =	sor.u32 $0x2C8000, s7;
	v53 =	vld [tilespmem:$0x5C0]  }
0x11e: {  	s26 =	sor.u32 $0x2D0000, s7;
	s28 =	sor.u32 $0x2D8000, s7;
	s29 =	sor.u32 $0x2E0000, s7;
	v41 =	vor.u32 s24, v0;
	v42 =	vor.u32 s25, v0;
	v56 =	vld [tilespmem:$0x5D0]  }
0x11f: {  	s30 =	sor.u32 $0x2E8000, s7;
	s31 =	sor.u32 $0x2F0000, s7;
	s11 =	sor.u32 $0x2F8000, s7;
	v43 =	vor.u32 s26, v0;
	v44 =	vor.u32 s28, v0;
	v45 =	vor.u32 s29, v0;
	v58 =	vld [tilespmem:$0x5E0]  }
0x120: {  	v47 =	vor.u32 s30, v0;
	v48 =	vor.u32 s31, v0;
	v51 =	vor.u32 s11, v0;
	v63 =	vld [tilespmem:$0x5F0]  }
0x121: {  	v49 =	vshll.u32 v39, $0x3;
	v1 =	vand.u32 $0x7F, v39;
	v52 =	vshll.u32 v40, $0x3  }
0x122: {  	v2 =	vand.u32 $0x7F, v40;
	v54 =	vshll.u32 v46, $0x3;
	v55 =	vand.u32 $0x7F, v46  }
0x123: {  	v57 =	vshll.u32 v50, $0x3;
	v60 =	vand.u32 $0x7F, v50;
	v61 =	vshll.u32 v53, $0x3  }
0x124: {  	v62 =	vand.u32 $0x7F, v53;
	v19 =	vshll.u32 v56, $0x3;
	v20 =	vand.u32 $0x7F, v56  }
0x125: {  	v23 =	vshll.u32 v58, $0x3;
	v26 =	vand.u32 $0x7F, v58;
	v28 =	vshll.u32 v63, $0x3  }
0x126: {  	v29 =	vand.u32 $0x7F, v63;
	v11 =	vand.u32 $0xFFFFFC00, v49;
	v1 =	vor.u32 v1, v41  }
0x127: {  	v3 =	vand.u32 $0xFFFFFC00, v52;
	v2 =	vor.u32 v2, v42;
	v1 =	vadd.s32 v11, v1  }
0x128: {  	v59 =	vand.u32 $0xFFFFFC00, v57;
	v5 =	vor.u32 v60, v44;
	v2 =	vadd.s32 v3, v2;
	[tilespmem:$0xD80] =	vst v1  }
0x129: {  	v16 =	vand.u32 $0xFFFFFC00, v61;
	v17 =	vor.u32 v62, v45;
	v15 =	vadd.s32 v59, v5;
	[tilespmem:$0xD90] =	vst v2  }
0x12a: {  	v21 =	vand.u32 $0xFFFFFC00, v19;
	v22 =	vor.u32 v20, v47;
	v18 =	vadd.s32 v16, v17;
	[tilespmem:$0xDB0] =	vst v15  }
0x12b: {  	v25 =	vand.u32 $0xFFFFFC00, v23;
	v27 =	vor.u32 v26, v48;
	v24 =	vadd.s32 v21, v22;
	[tilespmem:$0xDC0] =	vst v18  }
0x12c: {  	v31 =	vand.u32 $0xFFFFFC00, v28;
	v32 =	vor.u32 v29, v51;
	v30 =	vadd.s32 v25, v27;
	[tilespmem:$0xDD0] =	vst v24  }
0x12d: {  	v4 =	vor.u32 v55, v43;
	v3 =	vand.u32 $0xFFFFFC00, v54;
	v33 =	vadd.s32 v31, v32;
	[tilespmem:$0xDE0] =	vst v30  }
0x12e: {  	v3 =	vadd.s32 v3, v4;
	[tilespmem:$0xDF0] =	vst v33  }
0x12f: {  	s12 =	simm.s32 $0xD80;
	s13 =	simm.s32 $0x1580;
	[tilespmem:$0xDA0] =	vst v3  }
0x130: {  	[tilespmem:s13], [sflag:$0xC] =	stream.indirect.gather [hbm4b:s6+s8], $0x1, s12, s8, $0xb8;
	[tilespmem:$0x1980] =	vst v63  }
0x131: {  	v34 =	vld [tilespmem:$0x600]  }
0x132: {  	v35 =	vld [tilespmem:$0x610]  }
0x133: {  	v41 =	vld [tilespmem:$0x620]  }
0x134: {  	v45 =	vld [tilespmem:$0x630]  }
0x135: {  	s14 =	sor.u32 $0x300000, s7;
	s15 =	sor.u32 $0x308000, s7;
	v48 =	vld [tilespmem:$0x640]  }
0x136: {  	s16 =	sor.u32 $0x310000, s7;
	s17 =	sor.u32 $0x318000, s7;
	s18 =	sor.u32 $0x320000, s7;
	v36 =	vor.u32 s14, v0;
	v37 =	vor.u32 s15, v0;
	v51 =	vld [tilespmem:$0x650]  }
0x137: {  	s21 =	sor.u32 $0x338000, s7;
	s19 =	sor.u32 $0x328000, s7;
	s20 =	sor.u32 $0x330000, s7;
	v38 =	vor.u32 s16, v0;
	v39 =	vor.u32 s17, v0;
	v40 =	vor.u32 s18, v0;
	v53 =	vld [tilespmem:$0x660]  }
0x138: {  	v46 =	vor.u32 s21, v0;
	v42 =	vor.u32 s19, v0;
	v43 =	vor.u32 s20, v0;
	v58 =	vld [tilespmem:$0x670]  }
0x139: {  	v44 =	vshll.u32 v34, $0x3;
	v1 =	vand.u32 $0x7F, v34;
	v47 =	vshll.u32 v35, $0x3  }
0x13a: {  	v2 =	vand.u32 $0x7F, v35;
	v49 =	vshll.u32 v41, $0x3;
	v50 =	vand.u32 $0x7F, v41  }
0x13b: {  	v52 =	vshll.u32 v45, $0x3;
	v55 =	vand.u32 $0x7F, v45;
	v56 =	vshll.u32 v48, $0x3  }
0x13c: {  	v57 =	vand.u32 $0x7F, v48;
	v63 =	vshll.u32 v51, $0x3;
	v12 =	vand.u32 $0x7F, v51  }
0x13d: {  	v17 =	vshll.u32 v53, $0x3;
	v20 =	vand.u32 $0x7F, v53;
	v22 =	vshll.u32 v58, $0x3  }
0x13e: {  	v23 =	vand.u32 $0x7F, v58;
	v11 =	vand.u32 $0xFFFFFC00, v44;
	v1 =	vor.u32 v1, v36  }
0x13f: {  	v3 =	vand.u32 $0xFFFFFC00, v47;
	v2 =	vor.u32 v2, v37;
	v1 =	vadd.s32 v11, v1  }
0x140: {  	v54 =	vand.u32 $0xFFFFFC00, v52;
	v5 =	vor.u32 v55, v39;
	v2 =	vadd.s32 v3, v2;
	[tilespmem:$0xE00] =	vst v1  }
0x141: {  	v60 =	vand.u32 $0xFFFFFC00, v56;
	v61 =	vor.u32 v57, v40;
	v59 =	vadd.s32 v54, v5;
	[tilespmem:$0xE10] =	vst v2  }
0x142: {  	v15 =	vand.u32 $0xFFFFFC00, v63;
	v16 =	vor.u32 v12, v42;
	v62 =	vadd.s32 v60, v61;
	[tilespmem:$0xE30] =	vst v59  }
0x143: {  	v19 =	vand.u32 $0xFFFFFC00, v17;
	v21 =	vor.u32 v20, v43;
	v18 =	vadd.s32 v15, v16;
	[tilespmem:$0xE40] =	vst v62  }
0x144: {  	v25 =	vand.u32 $0xFFFFFC00, v22;
	v26 =	vor.u32 v23, v46;
	v24 =	vadd.s32 v19, v21;
	[tilespmem:$0xE50] =	vst v18  }
0x145: {  	v4 =	vor.u32 v50, v38;
	v3 =	vand.u32 $0xFFFFFC00, v49;
	v27 =	vadd.s32 v25, v26;
	[tilespmem:$0xE60] =	vst v24  }
0x146: {  	v3 =	vadd.s32 v3, v4;
	[tilespmem:$0xE70] =	vst v27  }
0x147: {  	s22 =	simm.s32 $0xE00;
	s23 =	simm.s32 $0x1600;
	[tilespmem:$0xE20] =	vst v3  }
0x148: {  	[tilespmem:s23], [sflag:$0xD] =	stream.indirect.gather [hbm4b:s6+s8], $0x1, s22, s8, $0xb8;
	[tilespmem:$0x1980] =	vst v63  }
0x149: {  	v28 =	vld [tilespmem:$0x680]  }
0x14a: {  	v29 =	vld [tilespmem:$0x690]  }
0x14b: {  	v35 =	vld [tilespmem:$0x6A0]  }
0x14c: {  	v39 =	vld [tilespmem:$0x6B0]  }
0x14d: {  	s25 =	sor.u32 $0x348000, s7;
	s26 =	sor.u32 $0x350000, s7;
	v42 =	vld [tilespmem:$0x6C0]  }
0x14e: {  	s24 =	sor.u32 $0x340000, s7;
	s28 =	sor.u32 $0x358000, s7;
	s29 =	sor.u32 $0x360000, s7;
	v31 =	vor.u32 s25, v0;
	v32 =	vor.u32 s26, v0;
	v45 =	vld [tilespmem:$0x6D0]  }
0x14f: {  	s30 =	sor.u32 $0x368000, s7;
	s31 =	sor.u32 $0x370000, s7;
	s11 =	sor.u32 $0x378000, s7;
	v30 =	vor.u32 s24, v0;
	v33 =	vor.u32 s28, v0;
	v34 =	vor.u32 s29, v0;
	v47 =	vld [tilespmem:$0x6E0]  }
0x150: {  	v36 =	vor.u32 s30, v0;
	v37 =	vor.u32 s31, v0;
	v40 =	vor.u32 s11, v0;
	v52 =	vld [tilespmem:$0x6F0]  }
0x151: {  	v38 =	vshll.u32 v28, $0x3;
	v1 =	vand.u32 $0x7F, v28;
	v41 =	vshll.u32 v29, $0x3  }
0x152: {  	v2 =	vand.u32 $0x7F, v29;
	v43 =	vshll.u32 v35, $0x3;
	v44 =	vand.u32 $0x7F, v35  }
0x153: {  	v46 =	vshll.u32 v39, $0x3;
	v49 =	vand.u32 $0x7F, v39;
	v50 =	vshll.u32 v42, $0x3  }
0x154: {  	v51 =	vand.u32 $0x7F, v42;
	v57 =	vshll.u32 v45, $0x3;
	v58 =	vand.u32 $0x7F, v45  }
0x155: {  	v61 =	vshll.u32 v47, $0x3;
	v8 =	vand.u32 $0x7F, v47;
	v10 =	vshll.u32 v52, $0x3  }
0x156: {  	v11 =	vand.u32 $0xFFFFFC00, v38;
	v1 =	vor.u32 v1, v30;
	v3 =	vand.u32 $0xFFFFFC00, v41  }
0x157: {  	v2 =	vor.u32 v2, v31;
	v4 =	vor.u32 v44, v32;
	v1 =	vadd.s32 v11, v1  }
0x158: {  	v48 =	vand.u32 $0xFFFFFC00, v46;
	v5 =	vor.u32 v49, v33;
	v2 =	vadd.s32 v3, v2;
	[tilespmem:$0xE80] =	vst v1  }
0x159: {  	v54 =	vand.u32 $0xFFFFFC00, v50;
	v55 =	vor.u32 v51, v34;
	v53 =	vadd.s32 v48, v5;
	[tilespmem:$0xE90] =	vst v2  }
0x15a: {  	v59 =	vand.u32 $0xFFFFFC00, v57;
	v60 =	vor.u32 v58, v36;
	v56 =	vadd.s32 v54, v55;
	[tilespmem:$0xEB0] =	vst v53  }
0x15b: {  	v63 =	vand.u32 $0xFFFFFC00, v61;
	v9 =	vor.u32 v8, v37;
	v62 =	vadd.s32 v59, v60;
	[tilespmem:$0xEC0] =	vst v56  }
0x15c: {  	v3 =	vand.u32 $0xFFFFFC00, v43;
	v11 =	vand.u32 $0x7F, v52;
	v12 =	vadd.s32 v63, v9;
	[tilespmem:$0xED0] =	vst v62  }
0x15d: {  	v14 =	vand.u32 $0xFFFFFC00, v10;
	v3 =	vadd.s32 v3, v4;
	v15 =	vor.u32 v11, v40;
	[tilespmem:$0xEE0] =	vst v12  }
0x15e: {  	[tilespmem:$0xEA0] =	vst v3;
	v16 =	vadd.s32 v14, v15  }
0x15f: {  	s12 =	simm.s32 $0xE80;
	s13 =	simm.s32 $0x1680;
	[tilespmem:$0xEF0] =	vst v16  }
0x160: {  	[tilespmem:s13], [sflag:$0xE] =	stream.indirect.gather [hbm4b:s6+s8], $0x1, s12, s8, $0xb8;
	[tilespmem:$0x1980] =	vst v63  }
0x161: {  	v17 =	vld [tilespmem:$0x700]  }
0x162: {  	v18 =	vld [tilespmem:$0x710]  }
0x163: {  	v24 =	vld [tilespmem:$0x720]  }
0x164: {  	v28 =	vld [tilespmem:$0x730]  }
0x165: {  	s15 =	sor.u32 $0x388000, s7;
	s17 =	sor.u32 $0x398000, s7;
	v31 =	vld [tilespmem:$0x740]  }
0x166: {  	s14 =	sor.u32 $0x380000, s7;
	s16 =	sor.u32 $0x390000, s7;
	s18 =	sor.u32 $0x3A0000, s7;
	v20 =	vor.u32 s15, v0;
	v22 =	vor.u32 s17, v0;
	v34 =	vld [tilespmem:$0x750]  }
0x167: {  	s21 =	sor.u32 $0x3B8000, s7;
	s19 =	sor.u32 $0x3A8000, s7;
	s20 =	sor.u32 $0x3B0000, s7;
	v23 =	vor.u32 s18, v0;
	v19 =	vor.u32 s14, v0;
	v21 =	vor.u32 s16, v0;
	v36 =	vld [tilespmem:$0x760]  }
0x168: {  	v25 =	vor.u32 s19, v0;
	v26 =	vor.u32 s20, v0;
	v29 =	vor.u32 s21, v0;
	v41 =	vld [tilespmem:$0x770]  }
0x169: {  	v27 =	vshll.u32 v17, $0x3;
	v1 =	vand.u32 $0x7F, v17;
	v30 =	vshll.u32 v18, $0x3  }
0x16a: {  	v2 =	vand.u32 $0x7F, v18;
	v32 =	vshll.u32 v24, $0x3;
	v33 =	vand.u32 $0x7F, v24  }
0x16b: {  	v35 =	vshll.u32 v28, $0x3;
	v38 =	vand.u32 $0x7F, v28;
	v39 =	vshll.u32 v31, $0x3  }
0x16c: {  	v40 =	vand.u32 $0x7F, v31;
	v46 =	vshll.u32 v34, $0x3;
	v47 =	vand.u32 $0x7F, v34  }
0x16d: {  	v50 =	vshll.u32 v36, $0x3;
	v53 =	vand.u32 $0x7F, v36;
	v55 =	vshll.u32 v41, $0x3  }
0x16e: {  	v56 =	vand.u32 $0x7F, v41;
	v11 =	vand.u32 $0xFFFFFC00, v27;
	v1 =	vor.u32 v1, v19  }
0x16f: {  	v3 =	vand.u32 $0xFFFFFC00, v30;
	v2 =	vor.u32 v2, v20;
	v1 =	vadd.s32 v11, v1  }
0x170: {  	v37 =	vand.u32 $0xFFFFFC00, v35;
	v5 =	vor.u32 v38, v22;
	v2 =	vadd.s32 v3, v2;
	[tilespmem:$0xF00] =	vst v1  }
0x171: {  	v43 =	vand.u32 $0xFFFFFC00, v39;
	v44 =	vor.u32 v40, v23;
	v42 =	vadd.s32 v37, v5;
	[tilespmem:$0xF10] =	vst v2  }
0x172: {  	v48 =	vand.u32 $0xFFFFFC00, v46;
	v49 =	vor.u32 v47, v25;
	v45 =	vadd.s32 v43, v44;
	[tilespmem:$0xF30] =	vst v42  }
0x173: {  	v52 =	vand.u32 $0xFFFFFC00, v50;
	v54 =	vor.u32 v53, v26;
	v51 =	vadd.s32 v48, v49;
	[tilespmem:$0xF40] =	vst v45  }
0x174: {  	v58 =	vand.u32 $0xFFFFFC00, v55;
	v59 =	vor.u32 v56, v29;
	v57 =	vadd.s32 v52, v54;
	[tilespmem:$0xF50] =	vst v51  }
0x175: {  	v4 =	vor.u32 v33, v21;
	v3 =	vand.u32 $0xFFFFFC00, v32;
	v60 =	vadd.s32 v58, v59;
	[tilespmem:$0xF60] =	vst v57  }
0x176: {  	v3 =	vadd.s32 v3, v4;
	[tilespmem:$0xF70] =	vst v60  }
0x177: {  	s22 =	simm.s32 $0xF00;
	s23 =	simm.s32 $0x1700;
	[tilespmem:$0xF20] =	vst v3  }
0x178: {  	[tilespmem:s23], [sflag:$0xF] =	stream.indirect.gather [hbm4b:s6+s8], $0x1, s22, s8, $0xb8;
	[tilespmem:$0x1980] =	vst v63  }
0x179: {  	v61 =	vld [tilespmem:$0x780]  }
0x17a: {  	v62 =	vld [tilespmem:$0x790]  }
0x17b: {  	v20 =	vld [tilespmem:$0x7A0]  }
0x17c: {  	v24 =	vld [tilespmem:$0x7B0]  }
0x17d: {  	s25 =	sor.u32 $0x3C8000, s7;
	s24 =	sor.u32 $0x3C0000, s7;
	v26 =	vld [tilespmem:$0x7C0]  }
0x17e: {  	s26 =	sor.u32 $0x3D0000, s7;
	s28 =	sor.u32 $0x3D8000, s7;
	s29 =	sor.u32 $0x3E0000, s7;
	v63 =	vor.u32 s24, v0;
	v16 =	vor.u32 s25, v0;
	v29 =	vld [tilespmem:$0x7D0]  }
0x17f: {  	s30 =	sor.u32 $0x3E8000, s7;
	s31 =	sor.u32 $0x3F0000, s7;
	s7 =	sor.u32 $0x3F8000, s7;
	v17 =	vor.u32 s26, v0;
	v18 =	vor.u32 s28, v0;
	v19 =	vor.u32 s29, v0;
	v31 =	vld [tilespmem:$0x7E0]  }
0x180: {  	v21 =	vor.u32 s30, v0;
	v22 =	vor.u32 s31, v0;
	v0 =	vor.u32 s7, v0;
	v36 =	vld [tilespmem:$0x7F0]  }
0x181: {  	v23 =	vshll.u32 v61, $0x3;
	v1 =	vand.u32 $0x7F, v61;
	v25 =	vshll.u32 v62, $0x3  }
0x182: {  	v2 =	vand.u32 $0x7F, v62;
	v27 =	vshll.u32 v20, $0x3;
	v28 =	vand.u32 $0x7F, v20  }
0x183: {  	v30 =	vshll.u32 v24, $0x3;
	v33 =	vand.u32 $0x7F, v24;
	v34 =	vshll.u32 v26, $0x3  }
0x184: {  	v35 =	vand.u32 $0x7F, v26;
	v41 =	vshll.u32 v29, $0x3;
	v42 =	vand.u32 $0x7F, v29  }
0x185: {  	v45 =	vshll.u32 v31, $0x3;
	v48 =	vand.u32 $0x7F, v31;
	v50 =	vshll.u32 v36, $0x3  }
0x186: {  	v51 =	vand.u32 $0x7F, v36;
	v11 =	vand.u32 $0xFFFFFC00, v23;
	v1 =	vor.u32 v1, v63  }
0x187: {  	v3 =	vand.u32 $0xFFFFFC00, v25;
	v2 =	vor.u32 v2, v16;
	v1 =	vadd.s32 v11, v1  }
0x188: {  	v32 =	vand.u32 $0xFFFFFC00, v30;
	v5 =	vor.u32 v33, v18;
	v2 =	vadd.s32 v3, v2;
	[tilespmem:$0xF80] =	vst v1  }
0x189: {  	v38 =	vand.u32 $0xFFFFFC00, v34;
	v39 =	vor.u32 v35, v19;
	v37 =	vadd.s32 v32, v5;
	[tilespmem:$0xF90] =	vst v2  }
0x18a: {  	v43 =	vand.u32 $0xFFFFFC00, v41;
	v44 =	vor.u32 v42, v21;
	v40 =	vadd.s32 v38, v39;
	[tilespmem:$0xFB0] =	vst v37  }
0x18b: {  	v47 =	vand.u32 $0xFFFFFC00, v45;
	v49 =	vor.u32 v48, v22;
	v46 =	vadd.s32 v43, v44;
	[tilespmem:$0xFC0] =	vst v40  }
0x18c: {  	v53 =	vand.u32 $0xFFFFFC00, v50;
	v0 =	vor.u32 v51, v0;
	v52 =	vadd.s32 v47, v49;
	[tilespmem:$0xFD0] =	vst v46  }
0x18d: {  	v4 =	vor.u32 v28, v17;
	v3 =	vand.u32 $0xFFFFFC00, v27;
	v0 =	vadd.s32 v53, v0;
	[tilespmem:$0xFE0] =	vst v52  }
0x18e: {  	v3 =	vadd.s32 v3, v4;
	[tilespmem:$0xFF0] =	vst v0  }
0x18f: {  	s10 =	simm.s32 $0xF80;
	s11 =	simm.s32 $0x1780;
	s12 =	simm.s32 $0x1;
	[tilespmem:$0xFA0] =	vst v3  }
0x190: {  	[tilespmem:s11], [sflag:$0x10] =	stream.indirect.gather [hbm4b:s6+s8], $0x1, s10, s8, $0xb8;
	[tilespmem:$0x1980] =	vst v63  }
0x191: {  	_ =	swait.ge [sflag:s12], $0x80  }
0x192: {  	[sflag:s12] =	ssyncset.done $0x0  }
0x193: {  	[sflag:s12] =	ssyncadd.s32 $0xFFFFFF80  }
0x194: {  	v54 =	vld [tilespmem:$0x1000]  }
0x195: {  	v55 =	vld [tilespmem:$0x1010]  }
0x196: {  	v56 =	vld [tilespmem:$0x1020]  }
0x197: {  	v57 =	vld [tilespmem:$0x1030]  }
0x198: {  	v58 =	vld [tilespmem:$0x1040]  }
0x199: {  	v59 =	vld [tilespmem:$0x1050]  }
0x19a: {  	s13 =	simm.s32 $0x2;
	v60 =	vld [tilespmem:$0x1060]  }
0x19b: {  	v61 =	vld [tilespmem:$0x1070];
	_ =	swait.ge [sflag:s13], $0x80  }
0x19c: {  	[sflag:s13] =	ssyncset.done $0x0  }
0x19d: {  	[sflag:s13] =	ssyncadd.s32 $0xFFFFFF80  }
0x19e: {  	v62 =	vld [tilespmem:$0x1080]  }
0x19f: {  	v63 =	vld [tilespmem:$0x1090]  }
0x1a0: {  	v33 =	vld [tilespmem:$0x10A0]  }
0x1a1: {  	v34 =	vld [tilespmem:$0x10B0]  }
0x1a2: {  	v35 =	vld [tilespmem:$0x10C0]  }
0x1a3: {  	v36 =	vld [tilespmem:$0x10D0]  }
0x1a4: {  	s14 =	simm.s32 $0x3;
	v37 =	vld [tilespmem:$0x10E0]  }
0x1a5: {  	v15 =	vld [tilespmem:$0x10F0];
	_ =	swait.ge [sflag:s14], $0x80  }
0x1a6: {  	[sflag:s14] =	ssyncset.done $0x0  }
0x1a7: {  	[sflag:s14] =	ssyncadd.s32 $0xFFFFFF80  }
0x1a8: {  	v16 =	vld [tilespmem:$0x1100]  }
0x1a9: {  	v17 =	vld [tilespmem:$0x1110]  }
0x1aa: {  	v18 =	vld [tilespmem:$0x1120]  }
0x1ab: {  	v19 =	vld [tilespmem:$0x1130]  }
0x1ac: {  	v20 =	vld [tilespmem:$0x1140]  }
0x1ad: {  	v21 =	vld [tilespmem:$0x1150]  }
0x1ae: {  	s15 =	simm.s32 $0x4;
	v22 =	vld [tilespmem:$0x1160]  }
0x1af: {  	v23 =	vld [tilespmem:$0x1170];
	_ =	swait.ge [sflag:s15], $0x80  }
0x1b0: {  	[sflag:s15] =	ssyncset.done $0x0  }
0x1b1: {  	[sflag:s15] =	ssyncadd.s32 $0xFFFFFF80  }
0x1b2: {  	v24 =	vld [tilespmem:$0x1180]  }
0x1b3: {  	v25 =	vld [tilespmem:$0x1190]  }
0x1b4: {  	v26 =	vld [tilespmem:$0x11A0]  }
0x1b5: {  	v27 =	vld [tilespmem:$0x11B0]  }
0x1b6: {  	v28 =	vld [tilespmem:$0x11C0]  }
0x1b7: {  	v29 =	vld [tilespmem:$0x11D0]  }
0x1b8: {  	s16 =	simm.s32 $0x5;
	v30 =	vld [tilespmem:$0x11E0]  }
0x1b9: {  	v31 =	vld [tilespmem:$0x11F0];
	_ =	swait.ge [sflag:s16], $0x80  }
0x1ba: {  	v1 =	vsub.f32 $1.000000000e+00, v55;
	v9 =	vsub.f32 $1.000000000e+00, v63;
	[sflag:s16] =	ssyncset.done $0x0  }
0x1bb: {  	v3 =	vsub.f32 $1.000000000e+00, v57;
	v11 =	vsub.f32 $1.000000000e+00, v34;
	[sflag:s16] =	ssyncadd.s32 $0xFFFFFF80  }
0x1bc: {  	v0 =	vsub.f32 $1.000000000e+00, v54;
	v1 =	vmul.f32 v1, v1;
	v9 =	vmul.f32 v9, v9;
	v32 =	vld [tilespmem:$0x1200]  }
0x1bd: {  	v3 =	vmul.f32 v3, v3;
	v10 =	vsub.f32 $1.000000000e+00, v33;
	v11 =	vmul.f32 v11, v11;
	v33 =	vld [tilespmem:$0x1210]  }
0x1be: {  	v12 =	vsub.f32 $1.000000000e+00, v35;
	v1 =	vadd.f32 v9, v1;
	v9 =	vld [tilespmem:$0x1220]  }
0x1bf: {  	v13 =	vsub.f32 $1.000000000e+00, v36;
	v3 =	vadd.f32 v11, v3;
	v11 =	vld [tilespmem:$0x1230]  }
0x1c0: {  	v2 =	vsub.f32 $1.000000000e+00, v56;
	v8 =	vsub.f32 $1.000000000e+00, v62;
	v38 =	vmul.f32 v12, v12;
	v12 =	vld [tilespmem:$0x1240]  }
0x1c1: {  	v6 =	vsub.f32 $1.000000000e+00, v60;
	v0 =	vmul.f32 v0, v0;
	v39 =	vmul.f32 v13, v13;
	v13 =	vld [tilespmem:$0x1250]  }
0x1c2: {  	s17 =	simm.s32 $0x6;
	v40 =	vsub.f32 $1.000000000e+00, v37;
	v8 =	vmul.f32 v8, v8;
	v42 =	vsub.f32 $1.000000000e+00, v16;
	v16 =	vld [tilespmem:$0x1260]  }
0x1c3: {  	v4 =	vsub.f32 $1.000000000e+00, v58;
	v45 =	vsub.f32 $1.000000000e+00, v19;
	v19 =	vld [tilespmem:$0x1270];
	_ =	swait.ge [sflag:s17], $0x80  }
0x1c4: {  	v6 =	vmul.f32 v6, v6;
	v0 =	vadd.f32 v8, v0;
	v8 =	vmul.f32 v40, v40;
	[sflag:s17] =	ssyncset.done $0x0  }
0x1c5: {  	v5 =	vsub.f32 $1.000000000e+00, v59;
	v7 =	vsub.f32 $1.000000000e+00, v61;
	[sflag:s17] =	ssyncadd.s32 $0xFFFFFF80  }
0x1c6: {  	v2 =	vmul.f32 v2, v2;
	v10 =	vmul.f32 v10, v10;
	v6 =	vadd.f32 v8, v6;
	v8 =	vld [tilespmem:$0x1280]  }
0x1c7: {  	v5 =	vmul.f32 v5, v5;
	v41 =	vsub.f32 $1.000000000e+00, v15;
	v51 =	vsub.f32 $1.000000000e+00, v21;
	v15 =	vld [tilespmem:$0x1290]  }
0x1c8: {  	v7 =	vmul.f32 v7, v7;
	v53 =	vsub.f32 $1.000000000e+00, v23;
	v2 =	vadd.f32 v10, v2;
	v54 =	vld [tilespmem:$0x12A0]  }
0x1c9: {  	v5 =	vadd.f32 v39, v5;
	v10 =	vmul.f32 v41, v41;
	v14 =	vmul.f32 v51, v51;
	v56 =	vld [tilespmem:$0x12B0]  }
0x1ca: {  	v44 =	vsub.f32 $1.000000000e+00, v18;
	v55 =	vsub.f32 $1.000000000e+00, v24;
	v24 =	vld [tilespmem:$0x12C0]  }
0x1cb: {  	v18 =	vmul.f32 v53, v53;
	v7 =	vadd.f32 v10, v7;
	v5 =	vadd.f32 v14, v5;
	v14 =	vld [tilespmem:$0x12D0]  }
0x1cc: {  	s18 =	simm.s32 $0x7;
	v21 =	vld [tilespmem:$0x12F0]  }
0x1cd: {  	v4 =	vmul.f32 v4, v4;
	v7 =	vadd.f32 v18, v7;
	v18 =	vld [tilespmem:$0x12E0];
	_ =	swait.ge [sflag:s18], $0x80  }
0x1ce: {  	v43 =	vsub.f32 $1.000000000e+00, v17;
	v50 =	vsub.f32 $1.000000000e+00, v20;
	[sflag:s18] =	ssyncset.done $0x0  }
0x1cf: {  	v52 =	vsub.f32 $1.000000000e+00, v22;
	v4 =	vadd.f32 v38, v4;
	v46 =	vmul.f32 v42, v42;
	[sflag:s18] =	ssyncadd.s32 $0xFFFFFF80  }
0x1d0: {  	v47 =	vmul.f32 v43, v43;
	v57 =	vsub.f32 $1.000000000e+00, v25;
	v60 =	vsub.f32 $1.000000000e+00, v26;
	v38 =	vld [tilespmem:$0x1300]  }
0x1d1: {  	v48 =	vmul.f32 v44, v44;
	v61 =	vsub.f32 $1.000000000e+00, v27;
	v62 =	vsub.f32 $1.000000000e+00, v28;
	v41 =	vld [tilespmem:$0x1310]  }
0x1d2: {  	v49 =	vmul.f32 v45, v45;
	v63 =	vsub.f32 $1.000000000e+00, v29;
	v34 =	vsub.f32 $1.000000000e+00, v30;
	v42 =	vld [tilespmem:$0x1320]  }
0x1d3: {  	v10 =	vmul.f32 v50, v50;
	v35 =	vsub.f32 $1.000000000e+00, v31;
	v0 =	vadd.f32 v46, v0;
	v43 =	vld [tilespmem:$0x1330]  }
0x1d4: {  	v17 =	vmul.f32 v52, v52;
	v1 =	vadd.f32 v47, v1;
	v2 =	vadd.f32 v48, v2;
	v46 =	vld [tilespmem:$0x1340]  }
0x1d5: {  	v3 =	vadd.f32 v49, v3;
	v4 =	vadd.f32 v10, v4;
	v58 =	vmul.f32 v55, v55;
	v47 =	vld [tilespmem:$0x1350]  }
0x1d6: {  	s19 =	simm.s32 $0x8;
	v6 =	vadd.f32 v17, v6;
	v36 =	vmul.f32 v62, v62;
	v12 =	vsub.f32 $1.000000000e+00, v12;
	v48 =	vld [tilespmem:$0x1360]  }
0x1d7: {  	v59 =	vmul.f32 v57, v57;
	v44 =	vsub.f32 $1.000000000e+00, v32;
	v45 =	vsub.f32 $1.000000000e+00, v33;
	v49 =	vld [tilespmem:$0x1370];
	_ =	swait.ge [sflag:s19], $0x80  }
0x1d8: {  	v9 =	vsub.f32 $1.000000000e+00, v9;
	v4 =	vadd.f32 v36, v4;
	v12 =	vmul.f32 v12, v12;
	[sflag:s19] =	ssyncset.done $0x0  }
0x1d9: {  	v10 =	vmul.f32 v60, v60;
	v11 =	vsub.f32 $1.000000000e+00, v11;
	v13 =	vsub.f32 $1.000000000e+00, v13;
	[sflag:s19] =	ssyncadd.s32 $0xFFFFFF80  }
0x1da: {  	v17 =	vmul.f32 v61, v61;
	v51 =	vsub.f32 $1.000000000e+00, v16;
	v4 =	vadd.f32 v12, v4;
	v12 =	vld [tilespmem:$0x1380]  }
0x1db: {  	v37 =	vmul.f32 v63, v63;
	v52 =	vsub.f32 $1.000000000e+00, v19;
	v53 =	vsub.f32 $1.000000000e+00, v15;
	v15 =	vld [tilespmem:$0x1390]  }
0x1dc: {  	v39 =	vmul.f32 v34, v34;
	v0 =	vadd.f32 v58, v0;
	v55 =	vsub.f32 $1.000000000e+00, v56;
	v56 =	vld [tilespmem:$0x13A0]  }
0x1dd: {  	v40 =	vmul.f32 v35, v35;
	v1 =	vadd.f32 v59, v1;
	v2 =	vadd.f32 v10, v2;
	v58 =	vld [tilespmem:$0x13B0]  }
0x1de: {  	v3 =	vadd.f32 v17, v3;
	v5 =	vadd.f32 v37, v5;
	v61 =	vld [tilespmem:$0x13C0]  }
0x1df: {  	v6 =	vadd.f32 v39, v6;
	v7 =	vadd.f32 v40, v7;
	v62 =	vld [tilespmem:$0x13D0]  }
0x1e0: {  	s20 =	simm.s32 $0x9;
	v23 =	vmul.f32 v44, v44;
	v26 =	vmul.f32 v45, v45;
	v8 =	vsub.f32 $1.000000000e+00, v8;
	v63 =	vld [tilespmem:$0x13E0]  }
0x1e1: {  	v9 =	vmul.f32 v9, v9;
	v54 =	vsub.f32 $1.000000000e+00, v54;
	v32 =	vsub.f32 $1.000000000e+00, v24;
	v33 =	vld [tilespmem:$0x13F0];
	_ =	swait.ge [sflag:s20], $0x80  }
0x1e2: {  	v11 =	vmul.f32 v11, v11;
	v14 =	vsub.f32 $1.000000000e+00, v14;
	v21 =	vsub.f32 $1.000000000e+00, v21;
	[sflag:s20] =	ssyncset.done $0x0  }
0x1e3: {  	v50 =	vmul.f32 v13, v13;
	v0 =	vadd.f32 v23, v0;
	v1 =	vadd.f32 v26, v1;
	[sflag:s20] =	ssyncadd.s32 $0xFFFFFF80  }
0x1e4: {  	v2 =	vadd.f32 v9, v2;
	v3 =	vadd.f32 v11, v3;
	v11 =	vmul.f32 v51, v51;
	v37 =	vld [tilespmem:$0x1400]  }
0x1e5: {  	v5 =	vadd.f32 v50, v5;
	v9 =	vmul.f32 v52, v52;
	v18 =	vsub.f32 $1.000000000e+00, v18;
	v39 =	vld [tilespmem:$0x1410]  }
0x1e6: {  	v8 =	vmul.f32 v8, v8;
	v57 =	vmul.f32 v53, v53;
	v6 =	vadd.f32 v11, v6;
	v40 =	vld [tilespmem:$0x1420]  }
0x1e7: {  	v59 =	vmul.f32 v54, v54;
	v7 =	vadd.f32 v9, v7;
	v35 =	vsub.f32 $1.000000000e+00, v41;
	v41 =	vld [tilespmem:$0x1430]  }
0x1e8: {  	v60 =	vmul.f32 v55, v55;
	v0 =	vadd.f32 v8, v0;
	v1 =	vadd.f32 v57, v1;
	v44 =	vld [tilespmem:$0x1440]  }
0x1e9: {  	v14 =	vmul.f32 v14, v14;
	v17 =	vsub.f32 $1.000000000e+00, v43;
	v43 =	vsub.f32 $1.000000000e+00, v47;
	v47 =	vld [tilespmem:$0x1450]  }
0x1ea: {  	s21 =	simm.s32 $0xA;
	v2 =	vadd.f32 v59, v2;
	v3 =	vadd.f32 v60, v3;
	v50 =	vld [tilespmem:$0x1460]  }
0x1eb: {  	v11 =	vmul.f32 v32, v32;
	v34 =	vsub.f32 $1.000000000e+00, v38;
	v5 =	vadd.f32 v14, v5;
	v53 =	vld [tilespmem:$0x1470];
	_ =	swait.ge [sflag:s21], $0x80  }
0x1ec: {  	v18 =	vmul.f32 v18, v18;
	v10 =	vsub.f32 $1.000000000e+00, v42;
	v42 =	vsub.f32 $1.000000000e+00, v46;
	[sflag:s21] =	ssyncset.done $0x0  }
0x1ed: {  	v21 =	vmul.f32 v21, v21;
	v45 =	vsub.f32 $1.000000000e+00, v48;
	v46 =	vsub.f32 $1.000000000e+00, v49;
	[sflag:s21] =	ssyncadd.s32 $0xFFFFFF80  }
0x1ee: {  	v4 =	vadd.f32 v11, v4;
	v6 =	vadd.f32 v18, v6;
	v57 =	vld [tilespmem:$0x1480]  }
0x1ef: {  	v7 =	vadd.f32 v21, v7;
	v36 =	vmul.f32 v34, v34;
	v13 =	vsub.f32 $1.000000000e+00, v58;
	v58 =	vld [tilespmem:$0x1490]  }
0x1f0: {  	v38 =	vmul.f32 v35, v35;
	v10 =	vmul.f32 v10, v10;
	v54 =	vsub.f32 $1.000000000e+00, v12;
	v59 =	vld [tilespmem:$0x14A0]  }
0x1f1: {  	v17 =	vmul.f32 v17, v17;
	v55 =	vsub.f32 $1.000000000e+00, v15;
	v19 =	vsub.f32 $1.000000000e+00, v61;
	v61 =	vld [tilespmem:$0x14B0]  }
0x1f2: {  	v48 =	vmul.f32 v42, v42;
	v56 =	vsub.f32 $1.000000000e+00, v56;
	v8 =	vsub.f32 $1.000000000e+00, v62;
	v62 =	vld [tilespmem:$0x14C0]  }
0x1f3: {  	v49 =	vmul.f32 v43, v43;
	v9 =	vsub.f32 $1.000000000e+00, v63;
	v28 =	vsub.f32 $1.000000000e+00, v33;
	v63 =	vld [tilespmem:$0x14D0]  }
0x1f4: {  	s22 =	simm.s32 $0xB;
	v51 =	vmul.f32 v45, v45;
	v0 =	vadd.f32 v36, v0;
	v1 =	vadd.f32 v38, v1;
	v29 =	vld [tilespmem:$0x14E0]  }
0x1f5: {  	v52 =	vmul.f32 v46, v46;
	v2 =	vadd.f32 v10, v2;
	v3 =	vadd.f32 v17, v3;
	v31 =	vld [tilespmem:$0x14F0];
	_ =	swait.ge [sflag:s22], $0x80  }
0x1f6: {  	v4 =	vadd.f32 v48, v4;
	v5 =	vadd.f32 v49, v5;
	[sflag:s22] =	ssyncset.done $0x0  }
0x1f7: {  	v6 =	vadd.f32 v51, v6;
	v7 =	vadd.f32 v52, v7;
	[sflag:s22] =	ssyncadd.s32 $0xFFFFFF80  }
0x1f8: {  	v10 =	vmul.f32 v54, v54;
	v12 =	vmul.f32 v55, v55;
	v14 =	vsub.f32 $1.000000000e+00, v37;
	v36 =	vld [tilespmem:$0x1500]  }
0x1f9: {  	v15 =	vmul.f32 v56, v56;
	v30 =	vsub.f32 $1.000000000e+00, v39;
	v11 =	vsub.f32 $1.000000000e+00, v40;
	v37 =	vld [tilespmem:$0x1510]  }
0x1fa: {  	v13 =	vmul.f32 v13, v13;
	v18 =	vsub.f32 $1.000000000e+00, v41;
	v38 =	vsub.f32 $1.000000000e+00, v44;
	v40 =	vld [tilespmem:$0x1520]  }
0x1fb: {  	v60 =	vmul.f32 v19, v19;
	v39 =	vsub.f32 $1.000000000e+00, v47;
	v41 =	vsub.f32 $1.000000000e+00, v50;
	v43 =	vld [tilespmem:$0x1530]  }
0x1fc: {  	v8 =	vmul.f32 v8, v8;
	v42 =	vsub.f32 $1.000000000e+00, v53;
	v0 =	vadd.f32 v10, v0;
	v44 =	vld [tilespmem:$0x1540]  }
0x1fd: {  	v9 =	vmul.f32 v9, v9;
	v1 =	vadd.f32 v12, v1;
	v2 =	vadd.f32 v15, v2;
	v45 =	vld [tilespmem:$0x1550]  }
0x1fe: {  	s23 =	simm.s32 $0xC;
	v3 =	vadd.f32 v13, v3;
	v5 =	vadd.f32 v8, v5;
	v8 =	vmul.f32 v28, v28;
	v47 =	vld [tilespmem:$0x1560]  }
0x1ff: {  	v4 =	vadd.f32 v60, v4;
	v6 =	vadd.f32 v9, v6;
	v49 =	vld [tilespmem:$0x1570];
	_ =	swait.ge [sflag:s23], $0x80;
	v32 =	vmul.f32 v14, v14  }
0x200: {  	v33 =	vmul.f32 v30, v30;
	[sflag:s23] =	ssyncset.done $0x0;
	v7 =	vadd.f32 v8, v7;
	v17 =	vsub.f32 $1.000000000e+00, v57  }
0x201: {  	v34 =	vmul.f32 v11, v11;
	v20 =	vsub.f32 $1.000000000e+00, v58;
	v50 =	vsub.f32 $1.000000000e+00, v59;
	[sflag:s23] =	ssyncadd.s32 $0xFFFFFF80  }
0x202: {  	v35 =	vmul.f32 v18, v18;
	v12 =	vsub.f32 $1.000000000e+00, v61;
	v13 =	vsub.f32 $1.000000000e+00, v62;
	v52 =	vld [tilespmem:$0x1580]  }
0x203: {  	v11 =	vmul.f32 v38, v38;
	v10 =	vsub.f32 $1.000000000e+00, v63;
	v15 =	vsub.f32 $1.000000000e+00, v29;
	v54 =	vld [tilespmem:$0x1590]  }
0x204: {  	v14 =	vmul.f32 v39, v39;
	v51 =	vsub.f32 $1.000000000e+00, v31;
	v0 =	vadd.f32 v32, v0;
	v57 =	vld [tilespmem:$0x15A0]  }
0x205: {  	v18 =	vmul.f32 v41, v41;
	v1 =	vadd.f32 v33, v1;
	v2 =	vadd.f32 v34, v2;
	v58 =	vld [tilespmem:$0x15B0]  }
0x206: {  	v21 =	vmul.f32 v42, v42;
	v3 =	vadd.f32 v35, v3;
	v4 =	vadd.f32 v11, v4;
	v59 =	vld [tilespmem:$0x15C0]  }
0x207: {  	v5 =	vadd.f32 v14, v5;
	v6 =	vadd.f32 v18, v6;
	v60 =	vld [tilespmem:$0x15D0]  }
0x208: {  	s24 =	simm.s32 $0xD;
	v63 =	vld [tilespmem:$0x15E0];
	v46 =	vmul.f32 v17, v17;
	v7 =	vadd.f32 v21, v7;
	v48 =	vmul.f32 v20, v20  }
0x209: {  	v26 =	vld [tilespmem:$0x15F0];
	_ =	swait.ge [sflag:s24], $0x80;
	v11 =	vmul.f32 v50, v50;
	v9 =	vsub.f32 $1.000000000e+00, v36;
	v8 =	vsub.f32 $1.000000000e+00, v37  }
0x20a: {  	v12 =	vmul.f32 v12, v12;
	[sflag:s24] =	ssyncset.done $0x0;
	v61 =	vsub.f32 $1.000000000e+00, v40;
	v62 =	vsub.f32 $1.000000000e+00, v43  }
0x20b: {  	v53 =	vmul.f32 v13, v13;
	v24 =	vsub.f32 $1.000000000e+00, v44;
	v27 =	vsub.f32 $1.000000000e+00, v45;
	[sflag:s24] =	ssyncadd.s32 $0xFFFFFF80  }
0x20c: {  	v10 =	vmul.f32 v10, v10;
	v30 =	vsub.f32 $1.000000000e+00, v47;
	v32 =	vsub.f32 $1.000000000e+00, v49;
	v31 =	vld [tilespmem:$0x1600]  }
0x20d: {  	v55 =	vmul.f32 v15, v15;
	v0 =	vadd.f32 v46, v0;
	v1 =	vadd.f32 v48, v1;
	v33 =	vld [tilespmem:$0x1610]  }
0x20e: {  	v56 =	vmul.f32 v51, v51;
	v2 =	vadd.f32 v11, v2;
	v3 =	vadd.f32 v12, v3;
	v35 =	vld [tilespmem:$0x1620]  }
0x20f: {  	v4 =	vadd.f32 v53, v4;
	v5 =	vadd.f32 v10, v5;
	v36 =	vld [tilespmem:$0x1630]  }
0x210: {  	v6 =	vadd.f32 v55, v6;
	v7 =	vadd.f32 v56, v7;
	v38 =	vld [tilespmem:$0x1640]  }
0x211: {  	v40 =	vld [tilespmem:$0x1650];
	v9 =	vmul.f32 v9, v9;
	v8 =	vmul.f32 v8, v8;
	v34 =	vsub.f32 $1.000000000e+00, v52  }
0x212: {  	s25 =	simm.s32 $0xE;
	v41 =	vld [tilespmem:$0x1660];
	v15 =	vmul.f32 v61, v61;
	v13 =	vsub.f32 $1.000000000e+00, v54;
	v17 =	vsub.f32 $1.000000000e+00, v57  }
0x213: {  	v42 =	vld [tilespmem:$0x1670];
	_ =	swait.ge [sflag:s25], $0x80;
	v16 =	vmul.f32 v62, v62;
	v10 =	vsub.f32 $1.000000000e+00, v58;
	v43 =	vsub.f32 $1.000000000e+00, v59  }
0x214: {  	v28 =	vmul.f32 v24, v24;
	[sflag:s25] =	ssyncset.done $0x0;
	v44 =	vsub.f32 $1.000000000e+00, v60;
	v45 =	vsub.f32 $1.000000000e+00, v63  }
0x215: {  	v29 =	vmul.f32 v27, v27;
	v46 =	vsub.f32 $1.000000000e+00, v26;
	[sflag:s25] =	ssyncadd.s32 $0xFFFFFF80;
	v0 =	vadd.f32 v9, v0  }
0x216: {  	v1 =	vadd.f32 v8, v1;
	v2 =	vadd.f32 v15, v2;
	v8 =	vmul.f32 v30, v30;
	v47 =	vld [tilespmem:$0x1680]  }
0x217: {  	v3 =	vadd.f32 v16, v3;
	v4 =	vadd.f32 v28, v4;
	v9 =	vmul.f32 v32, v32;
	v49 =	vld [tilespmem:$0x1690]  }
0x218: {  	v5 =	vadd.f32 v29, v5;
	v51 =	vld [tilespmem:$0x16A0];
	v6 =	vadd.f32 v8, v6  }
0x219: {  	v53 =	vld [tilespmem:$0x16B0];
	v37 =	vmul.f32 v34, v34;
	v7 =	vadd.f32 v9, v7;
	v14 =	vsub.f32 $1.000000000e+00, v31  }
0x21a: {  	v55 =	vld [tilespmem:$0x16C0];
	v13 =	vmul.f32 v13, v13;
	v15 =	vsub.f32 $1.000000000e+00, v33;
	v52 =	vsub.f32 $1.000000000e+00, v35  }
0x21b: {  	v56 =	vld [tilespmem:$0x16D0];
	v39 =	vmul.f32 v17, v17;
	v54 =	vsub.f32 $1.000000000e+00, v36;
	v16 =	vsub.f32 $1.000000000e+00, v38  }
0x21c: {  	s26 =	simm.s32 $0xF;
	v57 =	vld [tilespmem:$0x16E0];
	v10 =	vmul.f32 v10, v10;
	v17 =	vsub.f32 $1.000000000e+00, v40;
	v8 =	vsub.f32 $1.000000000e+00, v41  }
0x21d: {  	v60 =	vld [tilespmem:$0x16F0];
	_ =	swait.ge [sflag:s26], $0x80;
	v11 =	vmul.f32 v44, v44;
	v9 =	vsub.f32 $1.000000000e+00, v42;
	v0 =	vadd.f32 v37, v0  }
0x21e: {  	v12 =	vmul.f32 v45, v45;
	[sflag:s26] =	ssyncset.done $0x0;
	v1 =	vadd.f32 v13, v1;
	v2 =	vadd.f32 v39, v2  }
0x21f: {  	[sflag:s26] =	ssyncadd.s32 $0xFFFFFF80;
	v3 =	vadd.f32 v10, v3;
	v10 =	vmul.f32 v43, v43;
	v13 =	vmul.f32 v46, v46  }
0x220: {  	v5 =	vadd.f32 v11, v5;
	v63 =	vld [tilespmem:$0x1700];
	v48 =	vmul.f32 v14, v14;
	v6 =	vadd.f32 v12, v6  }
0x221: {  	v22 =	vld [tilespmem:$0x1710];
	v50 =	vmul.f32 v15, v15;
	v4 =	vadd.f32 v10, v4;
	v7 =	vadd.f32 v13, v7  }
0x222: {  	v24 =	vld [tilespmem:$0x1720];
	v12 =	vmul.f32 v54, v54;
	v61 =	vsub.f32 $1.000000000e+00, v47;
	v62 =	vsub.f32 $1.000000000e+00, v49  }
0x223: {  	v26 =	vld [tilespmem:$0x1730];
	v58 =	vmul.f32 v16, v16;
	v20 =	vsub.f32 $1.000000000e+00, v51;
	v21 =	vsub.f32 $1.000000000e+00, v53  }
0x224: {  	v28 =	vld [tilespmem:$0x1740];
	v59 =	vmul.f32 v17, v17;
	v23 =	vsub.f32 $1.000000000e+00, v55;
	v25 =	vsub.f32 $1.000000000e+00, v56  }
0x225: {  	v30 =	vld [tilespmem:$0x1750];
	v8 =	vmul.f32 v8, v8;
	v31 =	vsub.f32 $1.000000000e+00, v57;
	v33 =	vsub.f32 $1.000000000e+00, v60  }
0x226: {  	s28 =	simm.s32 $0x10;
	v32 =	vld [tilespmem:$0x1760];
	v10 =	vmul.f32 v52, v52;
	v0 =	vadd.f32 v48, v0;
	v1 =	vadd.f32 v50, v1  }
0x227: {  	v34 =	vld [tilespmem:$0x1770];
	_ =	swait.ge [sflag:s28], $0x80;
	v9 =	vmul.f32 v9, v9;
	v3 =	vadd.f32 v12, v3;
	v5 =	vadd.f32 v59, v5  }
0x228: {  	[sflag:s28] =	ssyncset.done $0x0;
	v6 =	vadd.f32 v8, v6;
	v2 =	vadd.f32 v10, v2  }
0x229: {  	[sflag:s28] =	ssyncadd.s32 $0xFFFFFF80;
	v4 =	vadd.f32 v58, v4;
	v7 =	vadd.f32 v9, v7  }
0x22a: {  	v40 =	vld [tilespmem:$0x1780];
	v8 =	vmul.f32 v61, v61;
	v9 =	vmul.f32 v62, v62;
	v10 =	vsub.f32 $1.000000000e+00, v63  }
0x22b: {  	v41 =	vld [tilespmem:$0x1790];
	v11 =	vmul.f32 v20, v20;
	v13 =	vsub.f32 $1.000000000e+00, v22;
	v15 =	vsub.f32 $1.000000000e+00, v24  }
0x22c: {  	v42 =	vld [tilespmem:$0x17A0];
	v12 =	vmul.f32 v21, v21;
	v35 =	vsub.f32 $1.000000000e+00, v26;
	v43 =	vsub.f32 $1.000000000e+00, v30  }
0x22d: {  	v44 =	vld [tilespmem:$0x17B0];
	v27 =	vmul.f32 v23, v23;
	v45 =	vsub.f32 $1.000000000e+00, v32;
	v46 =	vsub.f32 $1.000000000e+00, v34  }
0x22e: {  	v47 =	vld [tilespmem:$0x17C0];
	v29 =	vmul.f32 v25, v25;
	v0 =	vadd.f32 v8, v0;
	v1 =	vadd.f32 v9, v1  }
0x22f: {  	v48 =	vld [tilespmem:$0x17D0];
	v2 =	vadd.f32 v11, v2;
	v3 =	vadd.f32 v12, v3;
	v8 =	vmul.f32 v31, v31  }
0x230: {  	v49 =	vld [tilespmem:$0x17E0];
	v4 =	vadd.f32 v27, v4;
	v5 =	vadd.f32 v29, v5;
	v11 =	vmul.f32 v33, v33  }
0x231: {  	v9 =	vsub.f32 $1.000000000e+00, v28;
	v36 =	vmul.f32 v10, v10;
	v6 =	vadd.f32 v8, v6  }
0x232: {  	v38 =	vmul.f32 v15, v15;
	v7 =	vadd.f32 v11, v7;
	v15 =	vsub.f32 $1.000000000e+00, v40  }
0x233: {  	v37 =	vmul.f32 v13, v13;
	v8 =	vsub.f32 $1.000000000e+00, v41;
	v52 =	vsub.f32 $1.000000000e+00, v42  }
0x234: {  	v39 =	vmul.f32 v35, v35;
	v53 =	vsub.f32 $1.000000000e+00, v44;
	v54 =	vsub.f32 $1.000000000e+00, v47  }
0x235: {  	v9 =	vmul.f32 v9, v9;
	v55 =	vsub.f32 $1.000000000e+00, v48;
	v56 =	vsub.f32 $1.000000000e+00, v49  }
0x236: {  	v51 =	vld [tilespmem:$0x17F0];
	v11 =	vmul.f32 v43, v43;
	v0 =	vadd.f32 v36, v0;
	v1 =	vadd.f32 v37, v1  }
0x237: {  	v13 =	vmul.f32 v45, v45;
	v2 =	vadd.f32 v38, v2;
	v3 =	vadd.f32 v39, v3  }
0x238: {  	v14 =	vmul.f32 v46, v46;
	v4 =	vadd.f32 v9, v4;
	v5 =	vadd.f32 v11, v5  }
0x239: {  	v50 =	vmul.f32 v15, v15;
	v6 =	vadd.f32 v13, v6;
	v8 =	vmul.f32 v8, v8  }
0x23a: {  	v7 =	vadd.f32 v14, v7;
	v9 =	vmul.f32 v52, v52;
	v57 =	vmul.f32 v54, v54  }
0x23b: {  	v11 =	vsub.f32 $1.000000000e+00, v51;
	v58 =	vmul.f32 v55, v55;
	v59 =	vmul.f32 v56, v56  }
0x23c: {  	v0 =	vadd.f32 v50, v0;
	v1 =	vadd.f32 v8, v1;
	v8 =	vmul.f32 v53, v53  }
0x23d: {  	v2 =	vadd.f32 v9, v2;
	v11 =	vmul.f32 v11, v11;
	v4 =	vadd.f32 v57, v4  }
0x23e: {  	v5 =	vadd.f32 v58, v5;
	v6 =	vadd.f32 v59, v6  }
0x23f: {  	v3 =	vadd.f32 v8, v3;
	v7 =	vadd.f32 v11, v7  }
0x240: {  	v0 =	vadd.f32 v1, v0;
	v61 =	vadd.f32 v5, v4  }
0x241: {  	v60 =	vadd.f32 v3, v2;
	v62 =	vadd.f32 v7, v6;
	_ =	sdelay $0x1  }
0x242: {  	v0 =	vadd.f32 v60, v0;
	v63 =	vadd.f32 v62, v61;
	_ =	sdelay $0x1  }
0x243: {  	v0 =	vadd.f32 v63, v0  }
0x244: {  	s29 =	sshll.u32 s5, $0x1;
	s6 =	sadd.s32 $0x800, s4  }
0x245: {  	s4 =	simm.s32 $0x1800;
	s5 =	sadd.s32 s6, s29;
	[tilespmem:$0x1800] =	vst v0  }
0x246: {  	[hbm4b:s5+s2] =	stream.linear.scatter [tilespmem:s4], [sflag:$0x13], $0x10, $0x38;
	[tilespmem:$0x1980] =	vst v63  }
0x247: {  	_ =	swait.ge [sflag:s3], $0x10  }
0x248: {  	[sflag:s3] =	ssyncset.done $0x0  }
0x249: {  	s30 =	simm.s32 $0x11;
	[sflag:s3] =	ssyncadd.s32 $0xFFFFFFF0  }
0x24a: {  	[sflag:s30] =	ssyncset.done $0x0  }
0x24b: {  	[smem:s2], [sflag:$0x11] =	smem.add.s32 $0x1  }
0x24c: {  	_ =	swait.done [sflag:s30]  }
0x24d: {  	s31 =	ssyncread [sflag:$0x11];
	_ =	sdelay $0x2  }
0x24e: {  	p1 =	sne.s32 s31, $0xF  }
.Ltmp0:
0x24f: {  	_ = 	snop;
	(pc) =	sbr.rel @p1 .LBB2_2-.Ltmp0, $3  }
0x250: {  	_ =	sdelay $0x1  }
0x251: {  	[sflag:s30] =	ssyncset.s32 $0x0  }
0x252: {  	[sflag:s30] =	ssyncset.done $0x0  }
0x253: {  	s5 =	simm.s32 $0x12  }
0x254: {  	[sflag:s5] =	ssyncset.done $0x0  }
0x255: {  	[smem:s2], [sflag:$0x12] =	smem.add.s32 $0xFFFFFFF0  }
0x256: {  	_ =	swait.done [sflag:s5]  }
0x257: {  	[sflag:s5] =	ssyncset.s32 $0x0  }
0x258: {  	s14 =	simm.s32 $0x1880;
	[sflag:s5] =	ssyncset.done $0x0  }
0x259: {  	[tilespmem:s14], [sflag:$0x13] =	stream.linear.gather [hbm4b:s6+s2], $0x100, $0x38;
	[tilespmem:$0x1980] =	vst v63  }
0x25a: {  	_ =	swait.ge [sflag:s3], $0x100  }
0x25b: {  	[sflag:s3] =	ssyncset.done $0x0  }
0x25c: {  	[sflag:s3] =	ssyncadd.s32 $0xFFFFFF00  }
0x25d: {  	v0 =	vld [tilespmem:$0x1880]  }
0x25e: {  	v1 =	vld [tilespmem:$0x1890];
	_ =	sdelay $0x1  }
0x25f: {  	v2 =	vld [tilespmem:$0x18A0];
	_ =	sdelay $0x1  }
0x260: {  	v3 =	vld [tilespmem:$0x18B0]  }
0x261: {  	v0 =	vadd.f32 v1, v0  }
0x262: {  	v51 =	vld [tilespmem:$0x18C0]  }
0x263: {  	v0 =	vadd.f32 v2, v0  }
0x264: {  	v52 =	vld [tilespmem:$0x18D0]  }
0x265: {  	v0 =	vadd.f32 v3, v0  }
0x266: {  	v53 =	vld [tilespmem:$0x18E0]  }
0x267: {  	v0 =	vadd.f32 v51, v0  }
0x268: {  	v54 =	vld [tilespmem:$0x18F0]  }
0x269: {  	v0 =	vadd.f32 v52, v0  }
0x26a: {  	v55 =	vld [tilespmem:$0x1900]  }
0x26b: {  	v0 =	vadd.f32 v53, v0  }
0x26c: {  	v56 =	vld [tilespmem:$0x1910]  }
0x26d: {  	v0 =	vadd.f32 v54, v0  }
0x26e: {  	v57 =	vld [tilespmem:$0x1920]  }
0x26f: {  	v0 =	vadd.f32 v55, v0  }
0x270: {  	v58 =	vld [tilespmem:$0x1930]  }
0x271: {  	v0 =	vadd.f32 v56, v0  }
0x272: {  	v59 =	vld [tilespmem:$0x1940]  }
0x273: {  	v0 =	vadd.f32 v57, v0  }
0x274: {  	v60 =	vld [tilespmem:$0x1950]  }
0x275: {  	v0 =	vadd.f32 v58, v0  }
0x276: {  	v61 =	vld [tilespmem:$0x1960]  }
0x277: {  	v0 =	vadd.f32 v59, v0  }
0x278: {  	v62 =	vld [tilespmem:$0x1970]  }
0x279: {  	v0 =	vadd.f32 v60, v0;
	_ =	sdelay $0x1  }
0x27a: {  	v0 =	vadd.f32 v61, v0;
	_ =	sdelay $0x1  }
0x27b: {  	v0 =	vadd.f32 v62, v0;
	_ =	sdelay $0x1  }
0x27c: {  	v0 =	vmul.f32 $3.051757810e-05, v0;
	_ =	sdelay $0x1  }
0x27d: {  	(v2sf) =	vpush v0, $0x0  }
0x27e: {  	(v2sf) =	vpush v0, $0x1;
	_ =	sdelay $0x1  }
0x27f: {  	(v2sf) =	vpush v0, $0x2;
	_ =	sdelay $0x1  }
0x280: {  	(v2sf) =	vpush v0, $0x3;
	_ =	sdelay $0x1  }
0x281: {  	(v2sf) =	vpush v0, $0x4;
	_ =	sdelay $0x1  }
0x282: {  	(v2sf) =	vpush v0, $0x5;
	_ =	sdelay $0x1  }
0x283: {  	(v2sf) =	vpush v0, $0x6;
	_ =	sdelay $0x1  }
0x284: {  	(v2sf) =	vpush v0, $0x7;
	_ =	sdelay $0x1  }
0x285: {  	s15 =	spop (v2sf);
	(v2sf) =	vpush v0, $0x8  }
0x286: {  	s16 =	spop (v2sf)  }
0x287: {  	(v2sf) =	vpush v0, $0x9;
	s5 =	sadd.f32 s16, s15  }
0x288: {  	s17 =	spop (v2sf)  }
0x289: {  	(v2sf) =	vpush v0, $0xA;
	s5 =	sadd.f32 s5, s17  }
0x28a: {  	s18 =	spop (v2sf)  }
0x28b: {  	(v2sf) =	vpush v0, $0xB;
	s5 =	sadd.f32 s5, s18  }
0x28c: {  	s19 =	spop (v2sf)  }
0x28d: {  	(v2sf) =	vpush v0, $0xC;
	s5 =	sadd.f32 s5, s19  }
0x28e: {  	s20 =	spop (v2sf)  }
0x28f: {  	(v2sf) =	vpush v0, $0xD;
	s5 =	sadd.f32 s5, s20  }
0x290: {  	s21 =	spop (v2sf)  }
0x291: {  	(v2sf) =	vpush v0, $0xE;
	s5 =	sadd.f32 s5, s21  }
0x292: {  	s22 =	spop (v2sf)  }
0x293: {  	(v2sf) =	vpush v0, $0xF;
	s5 =	sadd.f32 s5, s22  }
0x294: {  	s23 =	spop (v2sf)  }
0x295: {  	s5 =	sadd.f32 s5, s23  }
0x296: {  	s24 =	spop (v2sf)  }
0x297: {  	s5 =	sadd.f32 s5, s24  }
0x298: {  	s25 =	spop (v2sf)  }
0x299: {  	s5 =	sadd.f32 s5, s25  }
0x29a: {  	s26 =	spop (v2sf)  }
0x29b: {  	s5 =	sadd.f32 s5, s26  }
0x29c: {  	s28 =	spop (v2sf)  }
0x29d: {  	s5 =	sadd.f32 s5, s28  }
0x29e: {  	s29 =	spop (v2sf)  }
0x29f: {  	s5 =	sadd.f32 s5, s29  }
0x2a0: {  	s30 =	spop (v2sf)  }
0x2a1: {  	s5 =	sadd.f32 s5, s30  }
0x2a2: {  	s31 =	spop (v2sf)  }
0x2a3: {  	s5 =	sadd.f32 s5, s31;
	_ =	sdelay $0x1  }
0x2a4: {  	v63 =	vmov s5  }
0x2a5: {  	[tilespmem:$0x1800] =	vst v63  }
0x2a6: {  	[hbm4b:s1+s2] =	stream.linear.scatter [tilespmem:s4], [sflag:$0x13], $0x1, $0x38;
	[tilespmem:$0x1980] =	vst v63  }
0x2a7: {  	_ =	swait.ge [sflag:s3], $0x1  }
0x2a8: {  	[sflag:s3] =	ssyncset.done $0x0  }
0x2a9: {  	[sflag:s3] =	ssyncadd.s32 $0xFFFFFFFF  }
.LBB2_2:
0x2aa: {  	_ =	sfence.sel $0x180000  }
0x2ab: {  	[bflag:$0x0] =	sbarrier.arrive $0xFFFF  }
0x2ac: {  	_ =	strace $0x90000047  }
0x2ad: {  	s0 =	sadd.s32 @!p0 $0x100000, s0;
	[bflag:$0x2] =	sbarrier.arrive $0xFFFF  }
0x2ae: {  	[sflag:s0] =	ssyncadd.tile.s32 @!p0 $0x1;
	_ =	shalt  }
.Lfunc_end2:
_tile_overlayer_lowered:
.L_overlay_start_2:
0x2af: {  	(tag) =	ssettag $0x2  }
0x2b0: {  	s0 =	rddreg [dreg:$0x0];
	s2 =	stileid.u32  }
0x2b1: {  	s1 =	rddreg [dreg:$0x1];
	p0 =	sne.s32 s2, $0x0  }
0x2b2: {  	s3 =	rddreg [dreg:$0x2];
	[bflag:$0x3] =	sbarrier.arrive $0xFFFF;
	s2 =	simm.s32 @!p0 $0x1C11  }
0x2b3: {  	[timem:s3], [sflag:s2] =	dma.local @!p0 [hbm:s0], s1  }
0x2b4: {  	s0 =	simm.s32 @!p0 $0x11  }
0x2b5: {  	_ =	swait.ge @!p0 [sflag:s0], s1  }
0x2b6: {  	s1 =	ssub.s32 @!p0 $0x0, s1;
	[sflag:s0] =	ssyncset.done @!p0 $0x0  }
0x2b7: {  	[sflag:s0] =	ssyncadd.s32 @!p0 s1  }
0x2b8: {  	[bflag:$0x3] =	sbarrier.arrive $0xFFFF  }
0x2b9: {  	_ =	shalt  }

</sc_bundles>
